<compile_context>
chip_gen: v7x
topology: tpu7x:2x2x1
jax: 0.10.2.dev20260603
libtpu: 0.0.44.dev20260713+nightly
codegen_flags: <defaults>
</compile_context>

<pallas_src>
import functools

import jax
import jax.numpy as jnp
from jax import lax
from jax.experimental import pallas as pl
from jax.experimental.pallas import tpu as pltpu
from jax.experimental.pallas import tpu_sc as plsc

N_NODES = 10000
N_EDGES = 320000
D = 128
EPS = 1e-5

NC = 2
NS = 16
NW = NC * NS
K = 128
CHUNKS = 80
PAIRS = CHUNKS // 2
E_W = K * CHUNKS
E_PAD = E_W * NW
N_PAD = 10240
STRIPE = N_PAD // NS
PIECES = STRIPE // K


def _fill_rows(ref, vec16):
    def body(i, _):
        for j in range(D // 16):
            ref[i, pl.ds(j * 16, 16)] = vec16
        return 0
    lax.fori_loop(0, K, body, 0)


@functools.lru_cache(maxsize=None)
def _make_sc_agg():
    mesh = plsc.VectorSubcoreMesh(core_axis_name="c", subcore_axis_name="s",
                                  num_cores=NC, num_subcores=NS)

    def body(x_hbm, src_hbm, dst_hbm, part, idx_src0, idx_src1, idx_src2,
             idx_src3, idx_dst0, idx_dst1, idx_dst2, idx_dst3, rows, acc_sh,
             semg0, semg1, semi0, semi1, semi2, semi3):
        cid = lax.axis_index("c")
        sid = lax.axis_index("s")
        wid = cid * NS + sid
        base = sid * STRIPE
        semg = (semg0, semg1)
        semi = (semi0, semi1, semi2, semi3)
        srcs = (idx_src0, idx_src1, idx_src2, idx_src3)
        dsts = (idx_dst0, idx_dst1, idx_dst2, idx_dst3)

        _fill_rows(rows.at[0], jnp.zeros((16,), jnp.float32))
        for p in range(PIECES):
            pltpu.sync_copy(rows.at[0], acc_sh.at[pl.ds(base + p * K, K)])
        plsc.subcore_barrier()

        def load_idx_sync(c, s):
            row = wid * CHUNKS + c
            pltpu.sync_copy(src_hbm.at[row], srcs[s])
            pltpu.sync_copy(dst_hbm.at[row], dsts[s])

        def load_idx_async(c, s):
            row = wid * CHUNKS + c
            pltpu.async_copy(src_hbm.at[row], srcs[s], semi[s])
            pltpu.async_copy(dst_hbm.at[row], dsts[s], semi[s])

        def wait_idx(c, s):
            row = wid * CHUNKS + c
            pltpu.make_async_copy(src_hbm.at[row], srcs[s], semi[s]).wait()
            pltpu.make_async_copy(dst_hbm.at[row], dsts[s], semi[s]).wait()

        def start_gather(g, s):
            pltpu.async_copy(x_hbm.at[srcs[s]], rows.at[g], semg[g])

        def finish_gather(g, s):
            pltpu.make_async_copy(x_hbm.at[srcs[s]], rows.at[g],
                                  semg[g]).wait()

        def scatter(g, s):
            pltpu.sync_copy(rows.at[g], acc_sh.at[dsts[s]], add=True)

        load_idx_sync(0, 0)
        load_idx_sync(1, 1)
        start_gather(0, 0)
        if PAIRS > 1:
            load_idx_async(2, 2)
            load_idx_async(3, 3)

        def pair_body(i, a0, a1, b0, b1):
            c0 = 2 * i
            start_gather(1, a1)
            finish_gather(0, a0)
            scatter(0, a0)

            @pl.when(i < PAIRS - 1)
            def _():
                wait_idx(c0 + 2, b0)
                start_gather(0, b0)

            @pl.when(i < PAIRS - 2)
            def _():
                load_idx_async(c0 + 4, a0)
            finish_gather(1, a1)
            scatter(1, a1)

            @pl.when(i < PAIRS - 2)
            def _():
                load_idx_async(c0 + 5, a1)

            @pl.when(i < PAIRS - 1)
            def _():
                wait_idx(c0 + 3, b1)

        def two_pairs(j, _):
            pair_body(2 * j, 0, 1, 2, 3)
            pair_body(2 * j + 1, 2, 3, 0, 1)
            return 0
        lax.fori_loop(0, PAIRS // 2, two_pairs, 0)

        plsc.subcore_barrier()
        for p in range(PIECES):
            pltpu.sync_copy(acc_sh.at[pl.ds(base + p * K, K)], rows.at[0])
            pltpu.sync_copy(rows.at[0], part.at[cid, pl.ds(base + p * K, K)])

    return pl.kernel(
        body,
        out_type=jax.ShapeDtypeStruct((NC, N_PAD, D), jnp.float32),
        mesh=mesh,
        scratch_types=(
            pltpu.VMEM((K,), jnp.int32),
            pltpu.VMEM((K,), jnp.int32),
            pltpu.VMEM((K,), jnp.int32),
            pltpu.VMEM((K,), jnp.int32),
            pltpu.VMEM((K,), jnp.int32),
            pltpu.VMEM((K,), jnp.int32),
            pltpu.VMEM((K,), jnp.int32),
            pltpu.VMEM((K,), jnp.int32),
            pltpu.VMEM((2, K, D), jnp.float32),
            pltpu.VMEM_SHARED((N_PAD, D), jnp.float32),
            pltpu.SemaphoreType.DMA,
            pltpu.SemaphoreType.DMA,
            pltpu.SemaphoreType.DMA,
            pltpu.SemaphoreType.DMA,
            pltpu.SemaphoreType.DMA,
            pltpu.SemaphoreType.DMA,
        ),
    )


@functools.lru_cache(maxsize=None)
def _make_sc_cnt():
    mesh = plsc.VectorSubcoreMesh(core_axis_name="c", subcore_axis_name="s",
                                  num_cores=NC, num_subcores=NS)

    def body(dst_hbm, cnt_out, idx_dst0, idx_dst1, ones, stage, cnt_sh,
             semi0, semi1):
        cid = lax.axis_index("c")
        sid = lax.axis_index("s")
        wid = cid * NS + sid
        base = sid * STRIPE
        dsts = (idx_dst0, idx_dst1)
        semi = (semi0, semi1)

        _fill_rows(stage, jnp.zeros((16,), jnp.float32))
        _fill_rows(ones, jnp.ones((16,), jnp.float32))
        for p in range(PIECES):
            pltpu.sync_copy(stage, cnt_sh.at[pl.ds(base + p * K, K)])
        plsc.subcore_barrier()

        pltpu.sync_copy(dst_hbm.at[wid * CHUNKS], idx_dst0)
        if PAIRS > 0:
            pltpu.async_copy(dst_hbm.at[wid * CHUNKS + 1], idx_dst1, semi1)

        def half(i, c, s):
            row = wid * CHUNKS + c

            if s == 0:
                @pl.when(i > 0)
                def _():
                    pltpu.make_async_copy(dst_hbm.at[row], dsts[s],
                                          semi[s]).wait()
            else:
                pltpu.make_async_copy(dst_hbm.at[row], dsts[s],
                                      semi[s]).wait()
            pltpu.sync_copy(ones, cnt_sh.at[dsts[s]], add=True)

            @pl.when(c + 2 < CHUNKS)
            def _():
                pltpu.async_copy(dst_hbm.at[row + 2], dsts[s], semi[s])

        def pair(i, _):
            half(i, 2 * i, 0)
            half(i, 2 * i + 1, 1)
            return 0
        lax.fori_loop(0, PAIRS, pair, 0)

        plsc.subcore_barrier()
        for p in range(PIECES):
            pltpu.sync_copy(cnt_sh.at[pl.ds(base + p * K, K)], stage)
            pltpu.sync_copy(stage, cnt_out.at[cid, pl.ds(base + p * K, K)])

    return pl.kernel(
        body,
        out_type=jax.ShapeDtypeStruct((NC, N_PAD, D), jnp.float32),
        mesh=mesh,
        scratch_types=(
            pltpu.VMEM((K,), jnp.int32),
            pltpu.VMEM((K,), jnp.int32),
            pltpu.VMEM((K, D), jnp.float32),
            pltpu.VMEM((K, D), jnp.float32),
            pltpu.VMEM_SHARED((N_PAD, D), jnp.float32),
            pltpu.SemaphoreType.DMA,
            pltpu.SemaphoreType.DMA,
        ),
    )


def _tc_layer1(part, cnt, x, W_l1, b_l1, W_r1, gamma, beta):
    def body(part_ref, cnt_ref, x_ref, wl_ref, bl_ref, wr_ref, g_ref, b_ref,
             out_ref):
        agg = part_ref[0, :N_NODES, :] + part_ref[1, :N_NODES, :]
        c = cnt_ref[0, :N_NODES, 0:1] + cnt_ref[1, :N_NODES, 0:1]
        mean = agg * (1.0 / jnp.maximum(c, 1.0))
        dn = (((1,), (1,)), ((), ()))
        h = lax.dot_general(mean, wl_ref[...], dn,
                            preferred_element_type=jnp.float32)
        h = h + bl_ref[...][None, :]
        h = h + lax.dot_general(x_ref[...], wr_ref[...], dn,
                                preferred_element_type=jnp.float32)
        mu = jnp.mean(h, axis=0, keepdims=True)
        var = jnp.mean((h - mu) ** 2, axis=0, keepdims=True)
        hn = g_ref[...][None, :] * (h - mu) / jnp.sqrt(var + EPS)
        hn = hn + b_ref[...][None, :]
        out_ref[...] = jnp.maximum(hn, 0.0)

    return pl.pallas_call(
        body,
        out_shape=jax.ShapeDtypeStruct((N_NODES, D), jnp.float32),
    )(part, cnt, x, W_l1, b_l1, W_r1, gamma, beta)


def _tc_layer2(part, cnt, h, W_l2, b_l2, W_r2):
    def body(part_ref, cnt_ref, h_ref, wl_ref, bl_ref, wr_ref, out_ref):
        agg = part_ref[0, :N_NODES, :] + part_ref[1, :N_NODES, :]
        c = cnt_ref[0, :N_NODES, 0:1] + cnt_ref[1, :N_NODES, 0:1]
        mean = agg * (1.0 / jnp.maximum(c, 1.0))
        dn = (((1,), (1,)), ((), ()))
        out = lax.dot_general(mean, wl_ref[...], dn,
                              preferred_element_type=jnp.float32)
        out = out + bl_ref[...][None, :]
        out = out + lax.dot_general(h_ref[...], wr_ref[...], dn,
                                    preferred_element_type=jnp.float32)
        out_ref[...] = out

    return pl.pallas_call(
        body,
        out_shape=jax.ShapeDtypeStruct((N_NODES, D), jnp.float32),
    )(part, cnt, h, W_l2, b_l2, W_r2)


def kernel(x, edge_index, W_l1, b_l1, W_r1, gamma, beta, W_l2, b_l2, W_r2):
    src = edge_index[0].astype(jnp.int32)
    dst = edge_index[1].astype(jnp.int32)
    pad = E_PAD - N_EDGES
    fill = jnp.arange(pad, dtype=jnp.int32)
    src = jnp.concatenate([src, fill % N_NODES])
    dst = jnp.concatenate([dst, N_NODES + fill % (N_PAD - N_NODES)])
    src2 = src.reshape(NW * CHUNKS, K)
    dst2 = dst.reshape(NW * CHUNKS, K)

    cnt = _make_sc_cnt()(dst2)
    part1 = _make_sc_agg()(x, src2, dst2)
    h = _tc_layer1(part1, cnt, x, W_l1, b_l1, W_r1, gamma, beta)
    part2 = _make_sc_agg()(h, src2, dst2)
    out = _tc_layer2(part2, cnt, h, W_l2, b_l2, W_r2)
    return out

# --- scband reference (transcript-rebuilt; emitter-appended) ---
"""Pipeline reference for scband-temporal-gnn-5102421147849 (READ-ONLY COPY).

The authoritative reference and input builder live on the scoring server;
editing this copy changes nothing except your own understanding.
"""

import jax, jax.numpy as jnp
import numpy as np

N_NODES = 10000
N_EDGES = 320000
D_IN = 128
D_OUT = 128
EPS = 1e-5


def _sage_conv_mean(x, edge_index, W_l, b_l, W_r):
    # PyG SAGEConv with aggr='mean': out = lin_l(mean_{j in N(i)} x_j) + lin_r(x_i)
    src = edge_index[0]
    dst = edge_index[1]
    msg = x[src]
    agg = jax.ops.segment_sum(msg, dst, num_segments=x.shape[0])
    cnt = jax.ops.segment_sum(jnp.ones((msg.shape[0],), dtype=x.dtype), dst, num_segments=x.shape[0])
    mean = agg / jnp.clip(cnt, 1.0, None)[:, None]
    return mean @ W_l.T + b_l + x @ W_r.T


def _batch_norm(x, gamma, beta):
    # BatchNorm1d in training mode: normalize with batch statistics (biased var)
    mu = jnp.mean(x, axis=0)
    var = jnp.mean((x - mu) ** 2, axis=0)
    return gamma * (x - mu) / jnp.sqrt(var + EPS) + beta


def setup_inputs(seed: int = 0) -> dict:
    key = jax.random.key(seed)
    ks = jax.random.split(key, 10)
    x = jax.random.normal(ks[0], (N_NODES, D_IN), dtype=jnp.float32)
    edge_index = jax.random.randint(ks[1], (2, N_EDGES), 0, N_NODES, dtype=jnp.int64)
    s1 = 1.0 / np.sqrt(D_IN)
    s2 = 1.0 / np.sqrt(D_OUT)
    W_l1 = jax.random.uniform(ks[2], (D_OUT, D_IN), jnp.float32, -s1, s1)
    b_l1 = jax.random.uniform(ks[3], (D_OUT,), jnp.float32, -s1, s1)
    W_r1 = jax.random.uniform(ks[4], (D_OUT, D_IN), jnp.float32, -s1, s1)
    gamma = jnp.ones((D_OUT,), dtype=jnp.float32)
    beta = jnp.zeros((D_OUT,), dtype=jnp.float32)
    W_l2 = jax.random.uniform(ks[5], (D_OUT, D_OUT), jnp.float32, -s2, s2)
    b_l2 = jax.random.uniform(ks[6], (D_OUT,), jnp.float32, -s2, s2)
    W_r2 = jax.random.uniform(ks[7], (D_OUT, D_OUT), jnp.float32, -s2, s2)
    return {"x": x, "edge_index": edge_index, "W_l1": W_l1, "b_l1": b_l1, "W_r1": W_r1,
            "gamma": gamma, "beta": beta, "W_l2": W_l2, "b_l2": b_l2, "W_r2": W_r2}


def reference(x, edge_index, W_l1, b_l1, W_r1, gamma, beta, W_l2, b_l2, W_r2):
    h = _sage_conv_mean(x, edge_index, W_l1, b_l1, W_r1)
    h = _batch_norm(h, gamma, beta)
    h = jax.nn.relu(h)
    out = _sage_conv_mean(h, edge_index, W_l2, b_l2, W_r2)
    return out

if __name__ == "__main__":
    import jax
    _d = setup_inputs()
    print(jax.jit(kernel)(*tuple(_d.values())))

</pallas_src>

<mosaic_0001>
#map = affine_map<(d0, d1) -> (0, 0)>
#map1 = affine_map<(d0, d1) -> (0, 0, 0)>
module attributes {stable_mosaic.version = 14 : i64} {
  func.func @body(%arg0: i32, %arg1: i32, %arg2: memref<10000x128xf32, #tpu.memory_space<hbm>>, %arg3: memref<2560x128xi32, #tpu.memory_space<hbm>>, %arg4: memref<2560x128xi32, #tpu.memory_space<hbm>>, %arg5: memref<2x10240x128xf32, #tpu.memory_space<hbm>>, %arg6: memref<128xi32, #tpu.memory_space<vmem>>, %arg7: memref<128xi32, #tpu.memory_space<vmem>>, %arg8: memref<128xi32, #tpu.memory_space<vmem>>, %arg9: memref<128xi32, #tpu.memory_space<vmem>>, %arg10: memref<128xi32, #tpu.memory_space<vmem>>, %arg11: memref<128xi32, #tpu.memory_space<vmem>>, %arg12: memref<128xi32, #tpu.memory_space<vmem>>, %arg13: memref<128xi32, #tpu.memory_space<vmem>>, %arg14: memref<2x128x128xf32, #tpu.memory_space<vmem>>, %arg15: memref<10240x128xf32, #tpu.memory_space<vmem_shared>>, %arg16: memref<!tpu.dma_semaphore, #tpu.memory_space<semaphore_mem>>, %arg17: memref<!tpu.dma_semaphore, #tpu.memory_space<semaphore_mem>>, %arg18: memref<!tpu.dma_semaphore, #tpu.memory_space<semaphore_mem>>, %arg19: memref<!tpu.dma_semaphore, #tpu.memory_space<semaphore_mem>>, %arg20: memref<!tpu.dma_semaphore, #tpu.memory_space<semaphore_mem>>, %arg21: memref<!tpu.dma_semaphore, #tpu.memory_space<semaphore_mem>>) attributes {dimension_semantics = [#tpu.dimension_semantics<core_parallel>, #tpu.dimension_semantics<subcore_parallel>], iteration_bounds = array<i64: 2, 16>, scalar_prefetch = 0 : i64, scratch_operands = 16 : i64, tpu.core_type = #tpu.core_type<sc_vector_subcore>, window_params = [{transform_indices = #map}, {transform_indices = #map}, {transform_indices = #map}, {transform_indices = #map1}]} {
    %mul3A = arith.constant 16 : i32
    %mul3A_0 = arith.muli %arg0, %mul3A : i32
    %add3A = arith.addi %mul3A_0, %arg1 : i32
    %mul3A_1 = arith.constant 640 : i32
    %mul3A_2 = arith.muli %arg1, %mul3A_1 : i32
    %broadcast_in_dim3A = arith.constant 0.000000e+00 : f32
    %broadcast_in_dim3A_3 = vector.broadcast %broadcast_in_dim3A : f32 to vector<16xf32>
    %scan3A = arith.constant 0 : i32
    %scan3A_4 = arith.constant 0 : i32
    %scan3A_5 = arith.constant 0 : i32
    %scan3A_6 = arith.constant 128 : i32
    %scan3A_7 = arith.addi %scan3A_5, %scan3A_6 : i32
    %scan3A_8 = arith.constant 1 : i32
    %scan3A_9 = scf.for %scan3A_110 = %scan3A_5 to %scan3A_7 step %scan3A_8 iter_args(%scan3A_111 = %scan3A_4) -> (i32)  : i32 {
      %swap3A = arith.constant 0 : i32
      %swap3A_112 = arith.constant 0 : i32
      %swap3A_113 = tpu.memref_slice %arg14[%scan3A, %swap3A, %swap3A_112] : memref<2x128x128xf32, #tpu.memory_space<vmem>> -> memref<1x128x128xf32, #tpu.memory_space<vmem>>
      %swap3A_114 = tpu.memref_squeeze %swap3A_113 : memref<1x128x128xf32, #tpu.memory_space<vmem>> -> memref<128x128xf32, #tpu.memory_space<vmem>>
      %swap3A_115 = arith.index_cast %scan3A_110 : i32 to index
      %swap3A_116 = arith.constant 0 : index
      %swap3A_117 = tpu.vector_load %swap3A_114[%swap3A_115, %swap3A_116] {strides = array<i32>} : memref<128x128xf32, #tpu.memory_space<vmem>>, vector<1x16xf32>,
      %swap3A_118 = vector.shape_cast %swap3A_117 : vector<1x16xf32> to vector<16xf32>
      %swap3A_119 = vector.shape_cast %broadcast_in_dim3A_3 : vector<16xf32> to vector<1x16xf32>
      tpu.vector_store %swap3A_114[%swap3A_115, %swap3A_116], %swap3A_119 {strides = array<i32>} : memref<128x128xf32, #tpu.memory_space<vmem>>, vector<1x16xf32>,
      %swap3A_120 = arith.constant 0 : i32
      %swap3A_121 = arith.constant 0 : i32
      %swap3A_122 = tpu.memref_slice %arg14[%scan3A, %swap3A_120, %swap3A_121] : memref<2x128x128xf32, #tpu.memory_space<vmem>> -> memref<1x128x128xf32, #tpu.memory_space<vmem>>
      %swap3A_123 = tpu.memref_squeeze %swap3A_122 : memref<1x128x128xf32, #tpu.memory_space<vmem>> -> memref<128x128xf32, #tpu.memory_space<vmem>>
      %swap3A_124 = arith.index_cast %scan3A_110 : i32 to index
      %swap3A_125 = arith.constant 16 : index
      %swap3A_126 = tpu.vector_load %swap3A_123[%swap3A_124, %swap3A_125] {strides = array<i32>} : memref<128x128xf32, #tpu.memory_space<vmem>>, vector<1x16xf32>,
      %swap3A_127 = vector.shape_cast %swap3A_126 : vector<1x16xf32> to vector<16xf32>
      %swap3A_128 = vector.shape_cast %broadcast_in_dim3A_3 : vector<16xf32> to vector<1x16xf32>
      tpu.vector_store %swap3A_123[%swap3A_124, %swap3A_125], %swap3A_128 {strides = array<i32>} : memref<128x128xf32, #tpu.memory_space<vmem>>, vector<1x16xf32>,
      %swap3A_129 = arith.constant 0 : i32
      %swap3A_130 = arith.constant 0 : i32
      %swap3A_131 = tpu.memref_slice %arg14[%scan3A, %swap3A_129, %swap3A_130] : memref<2x128x128xf32, #tpu.memory_space<vmem>> -> memref<1x128x128xf32, #tpu.memory_space<vmem>>
      %swap3A_132 = tpu.memref_squeeze %swap3A_131 : memref<1x128x128xf32, #tpu.memory_space<vmem>> -> memref<128x128xf32, #tpu.memory_space<vmem>>
      %swap3A_133 = arith.index_cast %scan3A_110 : i32 to index
      %swap3A_134 = arith.constant 32 : index
      %swap3A_135 = tpu.vector_load %swap3A_132[%swap3A_133, %swap3A_134] {strides = array<i32>} : memref<128x128xf32, #tpu.memory_space<vmem>>, vector<1x16xf32>,
      %swap3A_136 = vector.shape_cast %swap3A_135 : vector<1x16xf32> to vector<16xf32>
      %swap3A_137 = vector.shape_cast %broadcast_in_dim3A_3 : vector<16xf32> to vector<1x16xf32>
      tpu.vector_store %swap3A_132[%swap3A_133, %swap3A_134], %swap3A_137 {strides = array<i32>} : memref<128x128xf32, #tpu.memory_space<vmem>>, vector<1x16xf32>,
      %swap3A_138 = arith.constant 0 : i32
      %swap3A_139 = arith.constant 0 : i32
      %swap3A_140 = tpu.memref_slice %arg14[%scan3A, %swap3A_138, %swap3A_139] : memref<2x128x128xf32, #tpu.memory_space<vmem>> -> memref<1x128x128xf32, #tpu.memory_space<vmem>>
      %swap3A_141 = tpu.memref_squeeze %swap3A_140 : memref<1x128x128xf32, #tpu.memory_space<vmem>> -> memref<128x128xf32, #tpu.memory_space<vmem>>
      %swap3A_142 = arith.index_cast %scan3A_110 : i32 to index
      %swap3A_143 = arith.constant 48 : index
      %swap3A_144 = tpu.vector_load %swap3A_141[%swap3A_142, %swap3A_143] {strides = array<i32>} : memref<128x128xf32, #tpu.memory_space<vmem>>, vector<1x16xf32>,
      %swap3A_145 = vector.shape_cast %swap3A_144 : vector<1x16xf32> to vector<16xf32>
      %swap3A_146 = vector.shape_cast %broadcast_in_dim3A_3 : vector<16xf32> to vector<1x16xf32>
      tpu.vector_store %swap3A_141[%swap3A_142, %swap3A_143], %swap3A_146 {strides = array<i32>} : memref<128x128xf32, #tpu.memory_space<vmem>>, vector<1x16xf32>,
      %swap3A_147 = arith.constant 0 : i32
      %swap3A_148 = arith.constant 0 : i32
      %swap3A_149 = tpu.memref_slice %arg14[%scan3A, %swap3A_147, %swap3A_148] : memref<2x128x128xf32, #tpu.memory_space<vmem>> -> memref<1x128x128xf32, #tpu.memory_space<vmem>>
      %swap3A_150 = tpu.memref_squeeze %swap3A_149 : memref<1x128x128xf32, #tpu.memory_space<vmem>> -> memref<128x128xf32, #tpu.memory_space<vmem>>
      %swap3A_151 = arith.index_cast %scan3A_110 : i32 to index
      %swap3A_152 = arith.constant 64 : index
      %swap3A_153 = tpu.vector_load %swap3A_150[%swap3A_151, %swap3A_152] {strides = array<i32>} : memref<128x128xf32, #tpu.memory_space<vmem>>, vector<1x16xf32>,
      %swap3A_154 = vector.shape_cast %swap3A_153 : vector<1x16xf32> to vector<16xf32>
      %swap3A_155 = vector.shape_cast %broadcast_in_dim3A_3 : vector<16xf32> to vector<1x16xf32>
      tpu.vector_store %swap3A_150[%swap3A_151, %swap3A_152], %swap3A_155 {strides = array<i32>} : memref<128x128xf32, #tpu.memory_space<vmem>>, vector<1x16xf32>,
      %swap3A_156 = arith.constant 0 : i32
      %swap3A_157 = arith.constant 0 : i32
      %swap3A_158 = tpu.memref_slice %arg14[%scan3A, %swap3A_156, %swap3A_157] : memref<2x128x128xf32, #tpu.memory_space<vmem>> -> memref<1x128x128xf32, #tpu.memory_space<vmem>>
      %swap3A_159 = tpu.memref_squeeze %swap3A_158 : memref<1x128x128xf32, #tpu.memory_space<vmem>> -> memref<128x128xf32, #tpu.memory_space<vmem>>
      %swap3A_160 = arith.index_cast %scan3A_110 : i32 to index
      %swap3A_161 = arith.constant 80 : index
      %swap3A_162 = tpu.vector_load %swap3A_159[%swap3A_160, %swap3A_161] {strides = array<i32>} : memref<128x128xf32, #tpu.memory_space<vmem>>, vector<1x16xf32>,
      %swap3A_163 = vector.shape_cast %swap3A_162 : vector<1x16xf32> to vector<16xf32>
      %swap3A_164 = vector.shape_cast %broadcast_in_dim3A_3 : vector<16xf32> to vector<1x16xf32>
      tpu.vector_store %swap3A_159[%swap3A_160, %swap3A_161], %swap3A_164 {strides = array<i32>} : memref<128x128xf32, #tpu.memory_space<vmem>>, vector<1x16xf32>,
      %swap3A_165 = arith.constant 0 : i32
      %swap3A_166 = arith.constant 0 : i32
      %swap3A_167 = tpu.memref_slice %arg14[%scan3A, %swap3A_165, %swap3A_166] : memref<2x128x128xf32, #tpu.memory_space<vmem>> -> memref<1x128x128xf32, #tpu.memory_space<vmem>>
      %swap3A_168 = tpu.memref_squeeze %swap3A_167 : memref<1x128x128xf32, #tpu.memory_space<vmem>> -> memref<128x128xf32, #tpu.memory_space<vmem>>
      %swap3A_169 = arith.index_cast %scan3A_110 : i32 to index
      %swap3A_170 = arith.constant 96 : index
      %swap3A_171 = tpu.vector_load %swap3A_168[%swap3A_169, %swap3A_170] {strides = array<i32>} : memref<128x128xf32, #tpu.memory_space<vmem>>, vector<1x16xf32>,
      %swap3A_172 = vector.shape_cast %swap3A_171 : vector<1x16xf32> to vector<16xf32>
      %swap3A_173 = vector.shape_cast %broadcast_in_dim3A_3 : vector<16xf32> to vector<1x16xf32>
      tpu.vector_store %swap3A_168[%swap3A_169, %swap3A_170], %swap3A_173 {strides = array<i32>} : memref<128x128xf32, #tpu.memory_space<vmem>>, vector<1x16xf32>,
      %swap3A_174 = arith.constant 0 : i32
      %swap3A_175 = arith.constant 0 : i32
      %swap3A_176 = tpu.memref_slice %arg14[%scan3A, %swap3A_174, %swap3A_175] : memref<2x128x128xf32, #tpu.memory_space<vmem>> -> memref<1x128x128xf32, #tpu.memory_space<vmem>>
      %swap3A_177 = tpu.memref_squeeze %swap3A_176 : memref<1x128x128xf32, #tpu.memory_space<vmem>> -> memref<128x128xf32, #tpu.memory_space<vmem>>
      %swap3A_178 = arith.index_cast %scan3A_110 : i32 to index
      %swap3A_179 = arith.constant 112 : index
      %swap3A_180 = tpu.vector_load %swap3A_177[%swap3A_178, %swap3A_179] {strides = array<i32>} : memref<128x128xf32, #tpu.memory_space<vmem>>, vector<1x16xf32>,
      %swap3A_181 = vector.shape_cast %swap3A_180 : vector<1x16xf32> to vector<16xf32>
      %swap3A_182 = vector.shape_cast %broadcast_in_dim3A_3 : vector<16xf32> to vector<1x16xf32>
      tpu.vector_store %swap3A_177[%swap3A_178, %swap3A_179], %swap3A_182 {strides = array<i32>} : memref<128x128xf32, #tpu.memory_space<vmem>>, vector<1x16xf32>,
      %scan3A_183 = arith.constant 0 : i32
      scf.yield %scan3A_183 : i32
    }
    %scan3A_10 = arith.constant 128 : i32
    %add3A_11 = arith.constant 0 : i32
    %add3A_12 = arith.addi %mul3A_2, %add3A_11 : i32
    %run_scoped3A = arith.constant 0 : i32
    "tpu.region"() ({
      %run_scoped3A_110 = tpu.sem_alloc : memref<!tpu.dma_semaphore, #tpu.memory_space<semaphore_mem>>
      %dma_start3A_111 = arith.constant 0 : i32
      %dma_start3A_112 = arith.constant 0 : i32
      %dma_start3A_113 = tpu.memref_slice %arg14[%run_scoped3A, %dma_start3A_111, %dma_start3A_112] : memref<2x128x128xf32, #tpu.memory_space<vmem>> -> memref<1x128x128xf32, #tpu.memory_space<vmem>>
      %dma_start3A_114 = tpu.memref_squeeze %dma_start3A_113 : memref<1x128x128xf32, #tpu.memory_space<vmem>> -> memref<128x128xf32, #tpu.memory_space<vmem>>
      %dma_start3A_115 = arith.constant 0 : i32
      %dma_start3A_116 = tpu.memref_slice %arg15[%add3A_12, %dma_start3A_115] : memref<10240x128xf32, #tpu.memory_space<vmem_shared>> -> memref<128x128xf32, #tpu.memory_space<vmem_shared>>
      %dma_start3A_117 = arith.constant 0 : i32
      %dma_start3A_118 = tpu.memref_slice %arg15[%add3A_12, %dma_start3A_117] : memref<10240x128xf32, #tpu.memory_space<vmem_shared>> -> memref<128x128xf32, #tpu.memory_space<vmem_shared>>
      %dma_start3A_119 = arith.constant 0 : i32
      %dma_start3A_120 = arith.constant 0 : i32
      %dma_start3A_121 = tpu.memref_slice %arg14[%run_scoped3A, %dma_start3A_119, %dma_start3A_120] : memref<2x128x128xf32, #tpu.memory_space<vmem>> -> memref<1x128x128xf32, #tpu.memory_space<vmem>>
      %dma_start3A_122 = tpu.memref_squeeze %dma_start3A_121 : memref<1x128x128xf32, #tpu.memory_space<vmem>> -> memref<128x128xf32, #tpu.memory_space<vmem>>
      tpu.enqueue_dma source(%dma_start3A_122 : memref<128x128xf32, #tpu.memory_space<vmem>>) target(%dma_start3A_118 : memref<128x128xf32, #tpu.memory_space<vmem_shared>>) target_semaphore(%run_scoped3A_110 : memref<!tpu.dma_semaphore, #tpu.memory_space<semaphore_mem>>)
      %dma_wait3A = arith.constant 0 : i32
      %dma_wait3A_123 = arith.constant 0 : i32
      %dma_wait3A_124 = tpu.memref_slice %arg14[%run_scoped3A, %dma_wait3A, %dma_wait3A_123] : memref<2x128x128xf32, #tpu.memory_space<vmem>> -> memref<1x128x128xf32, #tpu.memory_space<vmem>>
      %dma_wait3A_125 = tpu.memref_squeeze %dma_wait3A_124 : memref<1x128x128xf32, #tpu.memory_space<vmem>> -> memref<128x128xf32, #tpu.memory_space<vmem>>
      %dma_wait3A_126 = arith.constant 0 : i32
      %dma_wait3A_127 = tpu.memref_slice %arg15[%add3A_12, %dma_wait3A_126] : memref<10240x128xf32, #tpu.memory_space<vmem_shared>> -> memref<128x128xf32, #tpu.memory_space<vmem_shared>>
      %dma_wait3A_128 = arith.constant 0 : i32
      %dma_wait3A_129 = tpu.memref_slice %arg15[%add3A_12, %dma_wait3A_128] : memref<10240x128xf32, #tpu.memory_space<vmem_shared>> -> memref<128x128xf32, #tpu.memory_space<vmem_shared>>
      %dma_wait3A_130 = arith.constant 0 : i32
      %dma_wait3A_131 = arith.constant 0 : i32
      %dma_wait3A_132 = tpu.memref_slice %arg14[%run_scoped3A, %dma_wait3A_130, %dma_wait3A_131] : memref<2x128x128xf32, #tpu.memory_space<vmem>> -> memref<1x128x128xf32, #tpu.memory_space<vmem>>
      %dma_wait3A_133 = tpu.memref_squeeze %dma_wait3A_132 : memref<1x128x128xf32, #tpu.memory_space<vmem>> -> memref<128x128xf32, #tpu.memory_space<vmem>>
      tpu.wait_dma2 semaphore(%run_scoped3A_110 : memref<!tpu.dma_semaphore, #tpu.memory_space<semaphore_mem>>) src(%dma_wait3A_133 : memref<128x128xf32, #tpu.memory_space<vmem>>) dst(%dma_wait3A_129 : memref<128x128xf32, #tpu.memory_space<vmem_shared>>)
      tpu.yield
    }) : () -> ()
    %add3A_13 = arith.constant 128 : i32
    %add3A_14 = arith.addi %mul3A_2, %add3A_13 : i32
    %run_scoped3A_15 = arith.constant 0 : i32
    "tpu.region"() ({
      %run_scoped3A_110 = tpu.sem_alloc : memref<!tpu.dma_semaphore, #tpu.memory_space<semaphore_mem>>
      %dma_start3A_111 = arith.constant 0 : i32
      %dma_start3A_112 = arith.constant 0 : i32
      %dma_start3A_113 = tpu.memref_slice %arg14[%run_scoped3A_15, %dma_start3A_111, %dma_start3A_112] : memref<2x128x128xf32, #tpu.memory_space<vmem>> -> memref<1x128x128xf32, #tpu.memory_space<vmem>>
      %dma_start3A_114 = tpu.memref_squeeze %dma_start3A_113 : memref<1x128x128xf32, #tpu.memory_space<vmem>> -> memref<128x128xf32, #tpu.memory_space<vmem>>
      %dma_start3A_115 = arith.constant 0 : i32
      %dma_start3A_116 = tpu.memref_slice %arg15[%add3A_14, %dma_start3A_115] : memref<10240x128xf32, #tpu.memory_space<vmem_shared>> -> memref<128x128xf32, #tpu.memory_space<vmem_shared>>
      %dma_start3A_117 = arith.constant 0 : i32
      %dma_start3A_118 = tpu.memref_slice %arg15[%add3A_14, %dma_start3A_117] : memref<10240x128xf32, #tpu.memory_space<vmem_shared>> -> memref<128x128xf32, #tpu.memory_space<vmem_shared>>
      %dma_start3A_119 = arith.constant 0 : i32
      %dma_start3A_120 = arith.constant 0 : i32
      %dma_start3A_121 = tpu.memref_slice %arg14[%run_scoped3A_15, %dma_start3A_119, %dma_start3A_120] : memref<2x128x128xf32, #tpu.memory_space<vmem>> -> memref<1x128x128xf32, #tpu.memory_space<vmem>>
      %dma_start3A_122 = tpu.memref_squeeze %dma_start3A_121 : memref<1x128x128xf32, #tpu.memory_space<vmem>> -> memref<128x128xf32, #tpu.memory_space<vmem>>
      tpu.enqueue_dma source(%dma_start3A_122 : memref<128x128xf32, #tpu.memory_space<vmem>>) target(%dma_start3A_118 : memref<128x128xf32, #tpu.memory_space<vmem_shared>>) target_semaphore(%run_scoped3A_110 : memref<!tpu.dma_semaphore, #tpu.memory_space<semaphore_mem>>)
      %dma_wait3A = arith.constant 0 : i32
      %dma_wait3A_123 = arith.constant 0 : i32
      %dma_wait3A_124 = tpu.memref_slice %arg14[%run_scoped3A_15, %dma_wait3A, %dma_wait3A_123] : memref<2x128x128xf32, #tpu.memory_space<vmem>> -> memref<1x128x128xf32, #tpu.memory_space<vmem>>
      %dma_wait3A_125 = tpu.memref_squeeze %dma_wait3A_124 : memref<1x128x128xf32, #tpu.memory_space<vmem>> -> memref<128x128xf32, #tpu.memory_space<vmem>>
      %dma_wait3A_126 = arith.constant 0 : i32
      %dma_wait3A_127 = tpu.memref_slice %arg15[%add3A_14, %dma_wait3A_126] : memref<10240x128xf32, #tpu.memory_space<vmem_shared>> -> memref<128x128xf32, #tpu.memory_space<vmem_shared>>
      %dma_wait3A_128 = arith.constant 0 : i32
      %dma_wait3A_129 = tpu.memref_slice %arg15[%add3A_14, %dma_wait3A_128] : memref<10240x128xf32, #tpu.memory_space<vmem_shared>> -> memref<128x128xf32, #tpu.memory_space<vmem_shared>>
      %dma_wait3A_130 = arith.constant 0 : i32
      %dma_wait3A_131 = arith.constant 0 : i32
      %dma_wait3A_132 = tpu.memref_slice %arg14[%run_scoped3A_15, %dma_wait3A_130, %dma_wait3A_131] : memref<2x128x128xf32, #tpu.memory_space<vmem>> -> memref<1x128x128xf32, #tpu.memory_space<vmem>>
      %dma_wait3A_133 = tpu.memref_squeeze %dma_wait3A_132 : memref<1x128x128xf32, #tpu.memory_space<vmem>> -> memref<128x128xf32, #tpu.memory_space<vmem>>
      tpu.wait_dma2 semaphore(%run_scoped3A_110 : memref<!tpu.dma_semaphore, #tpu.memory_space<semaphore_mem>>) src(%dma_wait3A_133 : memref<128x128xf32, #tpu.memory_space<vmem>>) dst(%dma_wait3A_129 : memref<128x128xf32, #tpu.memory_space<vmem_shared>>)
      tpu.yield
    }) : () -> ()
    %add3A_16 = arith.constant 256 : i32
    %add3A_17 = arith.addi %mul3A_2, %add3A_16 : i32
    %run_scoped3A_18 = arith.constant 0 : i32
    "tpu.region"() ({
      %run_scoped3A_110 = tpu.sem_alloc : memref<!tpu.dma_semaphore, #tpu.memory_space<semaphore_mem>>
      %dma_start3A_111 = arith.constant 0 : i32
      %dma_start3A_112 = arith.constant 0 : i32
      %dma_start3A_113 = tpu.memref_slice %arg14[%run_scoped3A_18, %dma_start3A_111, %dma_start3A_112] : memref<2x128x128xf32, #tpu.memory_space<vmem>> -> memref<1x128x128xf32, #tpu.memory_space<vmem>>
      %dma_start3A_114 = tpu.memref_squeeze %dma_start3A_113 : memref<1x128x128xf32, #tpu.memory_space<vmem>> -> memref<128x128xf32, #tpu.memory_space<vmem>>
      %dma_start3A_115 = arith.constant 0 : i32
      %dma_start3A_116 = tpu.memref_slice %arg15[%add3A_17, %dma_start3A_115] : memref<10240x128xf32, #tpu.memory_space<vmem_shared>> -> memref<128x128xf32, #tpu.memory_space<vmem_shared>>
      %dma_start3A_117 = arith.constant 0 : i32
      %dma_start3A_118 = tpu.memref_slice %arg15[%add3A_17, %dma_start3A_117] : memref<10240x128xf32, #tpu.memory_space<vmem_shared>> -> memref<128x128xf32, #tpu.memory_space<vmem_shared>>
      %dma_start3A_119 = arith.constant 0 : i32
      %dma_start3A_120 = arith.constant 0 : i32
      %dma_start3A_121 = tpu.memref_slice %arg14[%run_scoped3A_18, %dma_start3A_119, %dma_start3A_120] : memref<2x128x128xf32, #tpu.memory_space<vmem>> -> memref<1x128x128xf32, #tpu.memory_space<vmem>>
      %dma_start3A_122 = tpu.memref_squeeze %dma_start3A_121 : memref<1x128x128xf32, #tpu.memory_space<vmem>> -> memref<128x128xf32, #tpu.memory_space<vmem>>
      tpu.enqueue_dma source(%dma_start3A_122 : memref<128x128xf32, #tpu.memory_space<vmem>>) target(%dma_start3A_118 : memref<128x128xf32, #tpu.memory_space<vmem_shared>>) target_semaphore(%run_scoped3A_110 : memref<!tpu.dma_semaphore, #tpu.memory_space<semaphore_mem>>)
      %dma_wait3A = arith.constant 0 : i32
      %dma_wait3A_123 = arith.constant 0 : i32
      %dma_wait3A_124 = tpu.memref_slice %arg14[%run_scoped3A_18, %dma_wait3A, %dma_wait3A_123] : memref<2x128x128xf32, #tpu.memory_space<vmem>> -> memref<1x128x128xf32, #tpu.memory_space<vmem>>
      %dma_wait3A_125 = tpu.memref_squeeze %dma_wait3A_124 : memref<1x128x128xf32, #tpu.memory_space<vmem>> -> memref<128x128xf32, #tpu.memory_space<vmem>>
      %dma_wait3A_126 = arith.constant 0 : i32
      %dma_wait3A_127 = tpu.memref_slice %arg15[%add3A_17, %dma_wait3A_126] : memref<10240x128xf32, #tpu.memory_space<vmem_shared>> -> memref<128x128xf32, #tpu.memory_space<vmem_shared>>
      %dma_wait3A_128 = arith.constant 0 : i32
      %dma_wait3A_129 = tpu.memref_slice %arg15[%add3A_17, %dma_wait3A_128] : memref<10240x128xf32, #tpu.memory_space<vmem_shared>> -> memref<128x128xf32, #tpu.memory_space<vmem_shared>>
      %dma_wait3A_130 = arith.constant 0 : i32
      %dma_wait3A_131 = arith.constant 0 : i32
      %dma_wait3A_132 = tpu.memref_slice %arg14[%run_scoped3A_18, %dma_wait3A_130, %dma_wait3A_131] : memref<2x128x128xf32, #tpu.memory_space<vmem>> -> memref<1x128x128xf32, #tpu.memory_space<vmem>>
      %dma_wait3A_133 = tpu.memref_squeeze %dma_wait3A_132 : memref<1x128x128xf32, #tpu.memory_space<vmem>> -> memref<128x128xf32, #tpu.memory_space<vmem>>
      tpu.wait_dma2 semaphore(%run_scoped3A_110 : memref<!tpu.dma_semaphore, #tpu.memory_space<semaphore_mem>>) src(%dma_wait3A_133 : memref<128x128xf32, #tpu.memory_space<vmem>>) dst(%dma_wait3A_129 : memref<128x128xf32, #tpu.memory_space<vmem_shared>>)
      tpu.yield
    }) : () -> ()
    %add3A_19 = arith.constant 384 : i32
    %add3A_20 = arith.addi %mul3A_2, %add3A_19 : i32
    %run_scoped3A_21 = arith.constant 0 : i32
    "tpu.region"() ({
      %run_scoped3A_110 = tpu.sem_alloc : memref<!tpu.dma_semaphore, #tpu.memory_space<semaphore_mem>>
      %dma_start3A_111 = arith.constant 0 : i32
      %dma_start3A_112 = arith.constant 0 : i32
      %dma_start3A_113 = tpu.memref_slice %arg14[%run_scoped3A_21, %dma_start3A_111, %dma_start3A_112] : memref<2x128x128xf32, #tpu.memory_space<vmem>> -> memref<1x128x128xf32, #tpu.memory_space<vmem>>
      %dma_start3A_114 = tpu.memref_squeeze %dma_start3A_113 : memref<1x128x128xf32, #tpu.memory_space<vmem>> -> memref<128x128xf32, #tpu.memory_space<vmem>>
      %dma_start3A_115 = arith.constant 0 : i32
      %dma_start3A_116 = tpu.memref_slice %arg15[%add3A_20, %dma_start3A_115] : memref<10240x128xf32, #tpu.memory_space<vmem_shared>> -> memref<128x128xf32, #tpu.memory_space<vmem_shared>>
      %dma_start3A_117 = arith.constant 0 : i32
      %dma_start3A_118 = tpu.memref_slice %arg15[%add3A_20, %dma_start3A_117] : memref<10240x128xf32, #tpu.memory_space<vmem_shared>> -> memref<128x128xf32, #tpu.memory_space<vmem_shared>>
      %dma_start3A_119 = arith.constant 0 : i32
      %dma_start3A_120 = arith.constant 0 : i32
      %dma_start3A_121 = tpu.memref_slice %arg14[%run_scoped3A_21, %dma_start3A_119, %dma_start3A_120] : memref<2x128x128xf32, #tpu.memory_space<vmem>> -> memref<1x128x128xf32, #tpu.memory_space<vmem>>
      %dma_start3A_122 = tpu.memref_squeeze %dma_start3A_121 : memref<1x128x128xf32, #tpu.memory_space<vmem>> -> memref<128x128xf32, #tpu.memory_space<vmem>>
      tpu.enqueue_dma source(%dma_start3A_122 : memref<128x128xf32, #tpu.memory_space<vmem>>) target(%dma_start3A_118 : memref<128x128xf32, #tpu.memory_space<vmem_shared>>) target_semaphore(%run_scoped3A_110 : memref<!tpu.dma_semaphore, #tpu.memory_space<semaphore_mem>>)
      %dma_wait3A = arith.constant 0 : i32
      %dma_wait3A_123 = arith.constant 0 : i32
      %dma_wait3A_124 = tpu.memref_slice %arg14[%run_scoped3A_21, %dma_wait3A, %dma_wait3A_123] : memref<2x128x128xf32, #tpu.memory_space<vmem>> -> memref<1x128x128xf32, #tpu.memory_space<vmem>>
      %dma_wait3A_125 = tpu.memref_squeeze %dma_wait3A_124 : memref<1x128x128xf32, #tpu.memory_space<vmem>> -> memref<128x128xf32, #tpu.memory_space<vmem>>
      %dma_wait3A_126 = arith.constant 0 : i32
      %dma_wait3A_127 = tpu.memref_slice %arg15[%add3A_20, %dma_wait3A_126] : memref<10240x128xf32, #tpu.memory_space<vmem_shared>> -> memref<128x128xf32, #tpu.memory_space<vmem_shared>>
      %dma_wait3A_128 = arith.constant 0 : i32
      %dma_wait3A_129 = tpu.memref_slice %arg15[%add3A_20, %dma_wait3A_128] : memref<10240x128xf32, #tpu.memory_space<vmem_shared>> -> memref<128x128xf32, #tpu.memory_space<vmem_shared>>
      %dma_wait3A_130 = arith.constant 0 : i32
      %dma_wait3A_131 = arith.constant 0 : i32
      %dma_wait3A_132 = tpu.memref_slice %arg14[%run_scoped3A_21, %dma_wait3A_130, %dma_wait3A_131] : memref<2x128x128xf32, #tpu.memory_space<vmem>> -> memref<1x128x128xf32, #tpu.memory_space<vmem>>
      %dma_wait3A_133 = tpu.memref_squeeze %dma_wait3A_132 : memref<1x128x128xf32, #tpu.memory_space<vmem>> -> memref<128x128xf32, #tpu.memory_space<vmem>>
      tpu.wait_dma2 semaphore(%run_scoped3A_110 : memref<!tpu.dma_semaphore, #tpu.memory_space<semaphore_mem>>) src(%dma_wait3A_133 : memref<128x128xf32, #tpu.memory_space<vmem>>) dst(%dma_wait3A_129 : memref<128x128xf32, #tpu.memory_space<vmem_shared>>)
      tpu.yield
    }) : () -> ()
    %add3A_22 = arith.constant 512 : i32
    %add3A_23 = arith.addi %mul3A_2, %add3A_22 : i32
    %run_scoped3A_24 = arith.constant 0 : i32
    "tpu.region"() ({
      %run_scoped3A_110 = tpu.sem_alloc : memref<!tpu.dma_semaphore, #tpu.memory_space<semaphore_mem>>
      %dma_start3A_111 = arith.constant 0 : i32
      %dma_start3A_112 = arith.constant 0 : i32
      %dma_start3A_113 = tpu.memref_slice %arg14[%run_scoped3A_24, %dma_start3A_111, %dma_start3A_112] : memref<2x128x128xf32, #tpu.memory_space<vmem>> -> memref<1x128x128xf32, #tpu.memory_space<vmem>>
      %dma_start3A_114 = tpu.memref_squeeze %dma_start3A_113 : memref<1x128x128xf32, #tpu.memory_space<vmem>> -> memref<128x128xf32, #tpu.memory_space<vmem>>
      %dma_start3A_115 = arith.constant 0 : i32
      %dma_start3A_116 = tpu.memref_slice %arg15[%add3A_23, %dma_start3A_115] : memref<10240x128xf32, #tpu.memory_space<vmem_shared>> -> memref<128x128xf32, #tpu.memory_space<vmem_shared>>
      %dma_start3A_117 = arith.constant 0 : i32
      %dma_start3A_118 = tpu.memref_slice %arg15[%add3A_23, %dma_start3A_117] : memref<10240x128xf32, #tpu.memory_space<vmem_shared>> -> memref<128x128xf32, #tpu.memory_space<vmem_shared>>
      %dma_start3A_119 = arith.constant 0 : i32
      %dma_start3A_120 = arith.constant 0 : i32
      %dma_start3A_121 = tpu.memref_slice %arg14[%run_scoped3A_24, %dma_start3A_119, %dma_start3A_120] : memref<2x128x128xf32, #tpu.memory_space<vmem>> -> memref<1x128x128xf32, #tpu.memory_space<vmem>>
      %dma_start3A_122 = tpu.memref_squeeze %dma_start3A_121 : memref<1x128x128xf32, #tpu.memory_space<vmem>> -> memref<128x128xf32, #tpu.memory_space<vmem>>
      tpu.enqueue_dma source(%dma_start3A_122 : memref<128x128xf32, #tpu.memory_space<vmem>>) target(%dma_start3A_118 : memref<128x128xf32, #tpu.memory_space<vmem_shared>>) target_semaphore(%run_scoped3A_110 : memref<!tpu.dma_semaphore, #tpu.memory_space<semaphore_mem>>)
      %dma_wait3A = arith.constant 0 : i32
      %dma_wait3A_123 = arith.constant 0 : i32
      %dma_wait3A_124 = tpu.memref_slice %arg14[%run_scoped3A_24, %dma_wait3A, %dma_wait3A_123] : memref<2x128x128xf32, #tpu.memory_space<vmem>> -> memref<1x128x128xf32, #tpu.memory_space<vmem>>
      %dma_wait3A_125 = tpu.memref_squeeze %dma_wait3A_124 : memref<1x128x128xf32, #tpu.memory_space<vmem>> -> memref<128x128xf32, #tpu.memory_space<vmem>>
      %dma_wait3A_126 = arith.constant 0 : i32
      %dma_wait3A_127 = tpu.memref_slice %arg15[%add3A_23, %dma_wait3A_126] : memref<10240x128xf32, #tpu.memory_space<vmem_shared>> -> memref<128x128xf32, #tpu.memory_space<vmem_shared>>
      %dma_wait3A_128 = arith.constant 0 : i32
      %dma_wait3A_129 = tpu.memref_slice %arg15[%add3A_23, %dma_wait3A_128] : memref<10240x128xf32, #tpu.memory_space<vmem_shared>> -> memref<128x128xf32, #tpu.memory_space<vmem_shared>>
      %dma_wait3A_130 = arith.constant 0 : i32
      %dma_wait3A_131 = arith.constant 0 : i32
      %dma_wait3A_132 = tpu.memref_slice %arg14[%run_scoped3A_24, %dma_wait3A_130, %dma_wait3A_131] : memref<2x128x128xf32, #tpu.memory_space<vmem>> -> memref<1x128x128xf32, #tpu.memory_space<vmem>>
      %dma_wait3A_133 = tpu.memref_squeeze %dma_wait3A_132 : memref<1x128x128xf32, #tpu.memory_space<vmem>> -> memref<128x128xf32, #tpu.memory_space<vmem>>
      tpu.wait_dma2 semaphore(%run_scoped3A_110 : memref<!tpu.dma_semaphore, #tpu.memory_space<semaphore_mem>>) src(%dma_wait3A_133 : memref<128x128xf32, #tpu.memory_space<vmem>>) dst(%dma_wait3A_129 : memref<128x128xf32, #tpu.memory_space<vmem_shared>>)
      tpu.yield
    }) : () -> ()
    %barrier3A = arith.constant 0 : index
    tpu.barrier barrier_id(%barrier3A)
    %mul3A_25 = arith.constant 80 : i32
    %mul3A_26 = arith.muli %add3A, %mul3A_25 : i32
    %add3A_27 = arith.constant 0 : i32
    %add3A_28 = arith.addi %mul3A_26, %add3A_27 : i32
    "tpu.region"() ({
      %run_scoped3A_110 = tpu.sem_alloc : memref<!tpu.dma_semaphore, #tpu.memory_space<semaphore_mem>>
      %dma_start3A_111 = arith.constant 0 : i32
      %dma_start3A_112 = tpu.memref_slice %arg3[%add3A_28, %dma_start3A_111] : memref<2560x128xi32, #tpu.memory_space<hbm>> -> memref<1x128xi32, #tpu.memory_space<hbm>>
      %dma_start3A_113 = tpu.memref_squeeze %dma_start3A_112 : memref<1x128xi32, #tpu.memory_space<hbm>> -> memref<128xi32, #tpu.memory_space<hbm>>
      %dma_start3A_114 = arith.constant 0 : i32
      %dma_start3A_115 = tpu.memref_slice %arg3[%add3A_28, %dma_start3A_114] : memref<2560x128xi32, #tpu.memory_space<hbm>> -> memref<1x128xi32, #tpu.memory_space<hbm>>
      %dma_start3A_116 = tpu.memref_squeeze %dma_start3A_115 : memref<1x128xi32, #tpu.memory_space<hbm>> -> memref<128xi32, #tpu.memory_space<hbm>>
      tpu.enqueue_dma source(%dma_start3A_116 : memref<128xi32, #tpu.memory_space<hbm>>) target(%arg6 : memref<128xi32, #tpu.memory_space<vmem>>) target_semaphore(%run_scoped3A_110 : memref<!tpu.dma_semaphore, #tpu.memory_space<semaphore_mem>>)
      %dma_wait3A = arith.constant 0 : i32
      %dma_wait3A_117 = tpu.memref_slice %arg3[%add3A_28, %dma_wait3A] : memref<2560x128xi32, #tpu.memory_space<hbm>> -> memref<1x128xi32, #tpu.memory_space<hbm>>
      %dma_wait3A_118 = tpu.memref_squeeze %dma_wait3A_117 : memref<1x128xi32, #tpu.memory_space<hbm>> -> memref<128xi32, #tpu.memory_space<hbm>>
      %dma_wait3A_119 = arith.constant 0 : i32
      %dma_wait3A_120 = tpu.memref_slice %arg3[%add3A_28, %dma_wait3A_119] : memref<2560x128xi32, #tpu.memory_space<hbm>> -> memref<1x128xi32, #tpu.memory_space<hbm>>
      %dma_wait3A_121 = tpu.memref_squeeze %dma_wait3A_120 : memref<1x128xi32, #tpu.memory_space<hbm>> -> memref<128xi32, #tpu.memory_space<hbm>>
      tpu.wait_dma2 semaphore(%run_scoped3A_110 : memref<!tpu.dma_semaphore, #tpu.memory_space<semaphore_mem>>) src(%dma_wait3A_121 : memref<128xi32, #tpu.memory_space<hbm>>) dst(%arg6 : memref<128xi32, #tpu.memory_space<vmem>>)
      tpu.yield
    }) : () -> ()
    "tpu.region"() ({
      %run_scoped3A_110 = tpu.sem_alloc : memref<!tpu.dma_semaphore, #tpu.memory_space<semaphore_mem>>
      %dma_start3A_111 = arith.constant 0 : i32
      %dma_start3A_112 = tpu.memref_slice %arg4[%add3A_28, %dma_start3A_111] : memref<2560x128xi32, #tpu.memory_space<hbm>> -> memref<1x128xi32, #tpu.memory_space<hbm>>
      %dma_start3A_113 = tpu.memref_squeeze %dma_start3A_112 : memref<1x128xi32, #tpu.memory_space<hbm>> -> memref<128xi32, #tpu.memory_space<hbm>>
      %dma_start3A_114 = arith.constant 0 : i32
      %dma_start3A_115 = tpu.memref_slice %arg4[%add3A_28, %dma_start3A_114] : memref<2560x128xi32, #tpu.memory_space<hbm>> -> memref<1x128xi32, #tpu.memory_space<hbm>>
      %dma_start3A_116 = tpu.memref_squeeze %dma_start3A_115 : memref<1x128xi32, #tpu.memory_space<hbm>> -> memref<128xi32, #tpu.memory_space<hbm>>
      tpu.enqueue_dma source(%dma_start3A_116 : memref<128xi32, #tpu.memory_space<hbm>>) target(%arg10 : memref<128xi32, #tpu.memory_space<vmem>>) target_semaphore(%run_scoped3A_110 : memref<!tpu.dma_semaphore, #tpu.memory_space<semaphore_mem>>)
      %dma_wait3A = arith.constant 0 : i32
      %dma_wait3A_117 = tpu.memref_slice %arg4[%add3A_28, %dma_wait3A] : memref<2560x128xi32, #tpu.memory_space<hbm>> -> memref<1x128xi32, #tpu.memory_space<hbm>>
      %dma_wait3A_118 = tpu.memref_squeeze %dma_wait3A_117 : memref<1x128xi32, #tpu.memory_space<hbm>> -> memref<128xi32, #tpu.memory_space<hbm>>
      %dma_wait3A_119 = arith.constant 0 : i32
      %dma_wait3A_120 = tpu.memref_slice %arg4[%add3A_28, %dma_wait3A_119] : memref<2560x128xi32, #tpu.memory_space<hbm>> -> memref<1x128xi32, #tpu.memory_space<hbm>>
      %dma_wait3A_121 = tpu.memref_squeeze %dma_wait3A_120 : memref<1x128xi32, #tpu.memory_space<hbm>> -> memref<128xi32, #tpu.memory_space<hbm>>
      tpu.wait_dma2 semaphore(%run_scoped3A_110 : memref<!tpu.dma_semaphore, #tpu.memory_space<semaphore_mem>>) src(%dma_wait3A_121 : memref<128xi32, #tpu.memory_space<hbm>>) dst(%arg10 : memref<128xi32, #tpu.memory_space<vmem>>)
      tpu.yield
    }) : () -> ()
    %mul3A_29 = arith.constant 80 : i32
    %mul3A_30 = arith.muli %add3A, %mul3A_29 : i32
    %add3A_31 = arith.constant 1 : i32
    %add3A_32 = arith.addi %mul3A_30, %add3A_31 : i32
    "tpu.region"() ({
      %run_scoped3A_110 = tpu.sem_alloc : memref<!tpu.dma_semaphore, #tpu.memory_space<semaphore_mem>>
      %dma_start3A_111 = arith.constant 0 : i32
      %dma_start3A_112 = tpu.memref_slice %arg3[%add3A_32, %dma_start3A_111] : memref<2560x128xi32, #tpu.memory_space<hbm>> -> memref<1x128xi32, #tpu.memory_space<hbm>>
      %dma_start3A_113 = tpu.memref_squeeze %dma_start3A_112 : memref<1x128xi32, #tpu.memory_space<hbm>> -> memref<128xi32, #tpu.memory_space<hbm>>
      %dma_start3A_114 = arith.constant 0 : i32
      %dma_start3A_115 = tpu.memref_slice %arg3[%add3A_32, %dma_start3A_114] : memref<2560x128xi32, #tpu.memory_space<hbm>> -> memref<1x128xi32, #tpu.memory_space<hbm>>
      %dma_start3A_116 = tpu.memref_squeeze %dma_start3A_115 : memref<1x128xi32, #tpu.memory_space<hbm>> -> memref<128xi32, #tpu.memory_space<hbm>>
      tpu.enqueue_dma source(%dma_start3A_116 : memref<128xi32, #tpu.memory_space<hbm>>) target(%arg7 : memref<128xi32, #tpu.memory_space<vmem>>) target_semaphore(%run_scoped3A_110 : memref<!tpu.dma_semaphore, #tpu.memory_space<semaphore_mem>>)
      %dma_wait3A = arith.constant 0 : i32
      %dma_wait3A_117 = tpu.memref_slice %arg3[%add3A_32, %dma_wait3A] : memref<2560x128xi32, #tpu.memory_space<hbm>> -> memref<1x128xi32, #tpu.memory_space<hbm>>
      %dma_wait3A_118 = tpu.memref_squeeze %dma_wait3A_117 : memref<1x128xi32, #tpu.memory_space<hbm>> -> memref<128xi32, #tpu.memory_space<hbm>>
      %dma_wait3A_119 = arith.constant 0 : i32
      %dma_wait3A_120 = tpu.memref_slice %arg3[%add3A_32, %dma_wait3A_119] : memref<2560x128xi32, #tpu.memory_space<hbm>> -> memref<1x128xi32, #tpu.memory_space<hbm>>
      %dma_wait3A_121 = tpu.memref_squeeze %dma_wait3A_120 : memref<1x128xi32, #tpu.memory_space<hbm>> -> memref<128xi32, #tpu.memory_space<hbm>>
      tpu.wait_dma2 semaphore(%run_scoped3A_110 : memref<!tpu.dma_semaphore, #tpu.memory_space<semaphore_mem>>) src(%dma_wait3A_121 : memref<128xi32, #tpu.memory_space<hbm>>) dst(%arg7 : memref<128xi32, #tpu.memory_space<vmem>>)
      tpu.yield
    }) : () -> ()
    "tpu.region"() ({
      %run_scoped3A_110 = tpu.sem_alloc : memref<!tpu.dma_semaphore, #tpu.memory_space<semaphore_mem>>
      %dma_start3A_111 = arith.constant 0 : i32
      %dma_start3A_112 = tpu.memref_slice %arg4[%add3A_32, %dma_start3A_111] : memref<2560x128xi32, #tpu.memory_space<hbm>> -> memref<1x128xi32, #tpu.memory_space<hbm>>
      %dma_start3A_113 = tpu.memref_squeeze %dma_start3A_112 : memref<1x128xi32, #tpu.memory_space<hbm>> -> memref<128xi32, #tpu.memory_space<hbm>>
      %dma_start3A_114 = arith.constant 0 : i32
      %dma_start3A_115 = tpu.memref_slice %arg4[%add3A_32, %dma_start3A_114] : memref<2560x128xi32, #tpu.memory_space<hbm>> -> memref<1x128xi32, #tpu.memory_space<hbm>>
      %dma_start3A_116 = tpu.memref_squeeze %dma_start3A_115 : memref<1x128xi32, #tpu.memory_space<hbm>> -> memref<128xi32, #tpu.memory_space<hbm>>
      tpu.enqueue_dma source(%dma_start3A_116 : memref<128xi32, #tpu.memory_space<hbm>>) target(%arg11 : memref<128xi32, #tpu.memory_space<vmem>>) target_semaphore(%run_scoped3A_110 : memref<!tpu.dma_semaphore, #tpu.memory_space<semaphore_mem>>)
      %dma_wait3A = arith.constant 0 : i32
      %dma_wait3A_117 = tpu.memref_slice %arg4[%add3A_32, %dma_wait3A] : memref<2560x128xi32, #tpu.memory_space<hbm>> -> memref<1x128xi32, #tpu.memory_space<hbm>>
      %dma_wait3A_118 = tpu.memref_squeeze %dma_wait3A_117 : memref<1x128xi32, #tpu.memory_space<hbm>> -> memref<128xi32, #tpu.memory_space<hbm>>
      %dma_wait3A_119 = arith.constant 0 : i32
      %dma_wait3A_120 = tpu.memref_slice %arg4[%add3A_32, %dma_wait3A_119] : memref<2560x128xi32, #tpu.memory_space<hbm>> -> memref<1x128xi32, #tpu.memory_space<hbm>>
      %dma_wait3A_121 = tpu.memref_squeeze %dma_wait3A_120 : memref<1x128xi32, #tpu.memory_space<hbm>> -> memref<128xi32, #tpu.memory_space<hbm>>
      tpu.wait_dma2 semaphore(%run_scoped3A_110 : memref<!tpu.dma_semaphore, #tpu.memory_space<semaphore_mem>>) src(%dma_wait3A_121 : memref<128xi32, #tpu.memory_space<hbm>>) dst(%arg11 : memref<128xi32, #tpu.memory_space<vmem>>)
      tpu.yield
    }) : () -> ()
    %dma_start3A = arith.constant 0 : i32
    %dma_start3A_33 = arith.constant 0 : i32
    %dma_start3A_34 = arith.constant 0 : i32
    %dma_start3A_35 = tpu.memref_slice %arg14[%dma_start3A, %dma_start3A_33, %dma_start3A_34] : memref<2x128x128xf32, #tpu.memory_space<vmem>> -> memref<1x128x128xf32, #tpu.memory_space<vmem>>
    %dma_start3A_36 = tpu.memref_squeeze %dma_start3A_35 : memref<1x128x128xf32, #tpu.memory_space<vmem>> -> memref<128x128xf32, #tpu.memory_space<vmem>>
    %dma_start3A_37 = arith.constant 0 : i32
    %dma_start3A_38 = arith.constant 0 : i32
    %dma_start3A_39 = tpu.memref_slice %arg2[%dma_start3A_37, %dma_start3A_38] : memref<10000x128xf32, #tpu.memory_space<hbm>> -> memref<10000x128xf32, #tpu.memory_space<hbm>>
    tpu.enqueue_indirect_dma source(%dma_start3A_39 : memref<10000x128xf32, #tpu.memory_space<hbm>>) target(%dma_start3A_36 : memref<128x128xf32, #tpu.memory_space<vmem>>) offsets(%arg6 : memref<128xi32, #tpu.memory_space<vmem>>) semaphore(%arg16 : memref<!tpu.dma_semaphore, #tpu.memory_space<semaphore_mem>>)
    %mul3A_40 = arith.constant 80 : i32
    %mul3A_41 = arith.muli %add3A, %mul3A_40 : i32
    %add3A_42 = arith.constant 2 : i32
    %add3A_43 = arith.addi %mul3A_41, %add3A_42 : i32
    %dma_start3A_44 = arith.constant 0 : i32
    %dma_start3A_45 = tpu.memref_slice %arg3[%add3A_43, %dma_start3A_44] : memref<2560x128xi32, #tpu.memory_space<hbm>> -> memref<1x128xi32, #tpu.memory_space<hbm>>
    %dma_start3A_46 = tpu.memref_squeeze %dma_start3A_45 : memref<1x128xi32, #tpu.memory_space<hbm>> -> memref<128xi32, #tpu.memory_space<hbm>>
    %dma_start3A_47 = arith.constant 0 : i32
    %dma_start3A_48 = tpu.memref_slice %arg3[%add3A_43, %dma_start3A_47] : memref<2560x128xi32, #tpu.memory_space<hbm>> -> memref<1x128xi32, #tpu.memory_space<hbm>>
    %dma_start3A_49 = tpu.memref_squeeze %dma_start3A_48 : memref<1x128xi32, #tpu.memory_space<hbm>> -> memref<128xi32, #tpu.memory_space<hbm>>
    tpu.enqueue_dma source(%dma_start3A_49 : memref<128xi32, #tpu.memory_space<hbm>>) target(%arg8 : memref<128xi32, #tpu.memory_space<vmem>>) target_semaphore(%arg20 : memref<!tpu.dma_semaphore, #tpu.memory_space<semaphore_mem>>)
    %dma_start3A_50 = arith.constant 0 : i32
    %dma_start3A_51 = tpu.memref_slice %arg4[%add3A_43, %dma_start3A_50] : memref<2560x128xi32, #tpu.memory_space<hbm>> -> memref<1x128xi32, #tpu.memory_space<hbm>>
    %dma_start3A_52 = tpu.memref_squeeze %dma_start3A_51 : memref<1x128xi32, #tpu.memory_space<hbm>> -> memref<128xi32, #tpu.memory_space<hbm>>
    %dma_start3A_53 = arith.constant 0 : i32
    %dma_start3A_54 = tpu.memref_slice %arg4[%add3A_43, %dma_start3A_53] : memref<2560x128xi32, #tpu.memory_space<hbm>> -> memref<1x128xi32, #tpu.memory_space<hbm>>
    %dma_start3A_55 = tpu.memref_squeeze %dma_start3A_54 : memref<1x128xi32, #tpu.memory_space<hbm>> -> memref<128xi32, #tpu.memory_space<hbm>>
    tpu.enqueue_dma source(%dma_start3A_55 : memref<128xi32, #tpu.memory_space<hbm>>) target(%arg12 : memref<128xi32, #tpu.memory_space<vmem>>) target_semaphore(%arg20 : memref<!tpu.dma_semaphore, #tpu.memory_space<semaphore_mem>>)
    %mul3A_56 = arith.constant 80 : i32
    %mul3A_57 = arith.muli %add3A, %mul3A_56 : i32
    %add3A_58 = arith.constant 3 : i32
    %add3A_59 = arith.addi %mul3A_57, %add3A_58 : i32
    %dma_start3A_60 = arith.constant 0 : i32
    %dma_start3A_61 = tpu.memref_slice %arg3[%add3A_59, %dma_start3A_60] : memref<2560x128xi32, #tpu.memory_space<hbm>> -> memref<1x128xi32, #tpu.memory_space<hbm>>
    %dma_start3A_62 = tpu.memref_squeeze %dma_start3A_61 : memref<1x128xi32, #tpu.memory_space<hbm>> -> memref<128xi32, #tpu.memory_space<hbm>>
    %dma_start3A_63 = arith.constant 0 : i32
    %dma_start3A_64 = tpu.memref_slice %arg3[%add3A_59, %dma_start3A_63] : memref<2560x128xi32, #tpu.memory_space<hbm>> -> memref<1x128xi32, #tpu.memory_space<hbm>>
    %dma_start3A_65 = tpu.memref_squeeze %dma_start3A_64 : memref<1x128xi32, #tpu.memory_space<hbm>> -> memref<128xi32, #tpu.memory_space<hbm>>
    tpu.enqueue_dma source(%dma_start3A_65 : memref<128xi32, #tpu.memory_space<hbm>>) target(%arg9 : memref<128xi32, #tpu.memory_space<vmem>>) target_semaphore(%arg21 : memref<!tpu.dma_semaphore, #tpu.memory_space<semaphore_mem>>)
    %dma_start3A_66 = arith.constant 0 : i32
    %dma_start3A_67 = tpu.memref_slice %arg4[%add3A_59, %dma_start3A_66] : memref<2560x128xi32, #tpu.memory_space<hbm>> -> memref<1x128xi32, #tpu.memory_space<hbm>>
    %dma_start3A_68 = tpu.memref_squeeze %dma_start3A_67 : memref<1x128xi32, #tpu.memory_space<hbm>> -> memref<128xi32, #tpu.memory_space<hbm>>
    %dma_start3A_69 = arith.constant 0 : i32
    %dma_start3A_70 = tpu.memref_slice %arg4[%add3A_59, %dma_start3A_69] : memref<2560x128xi32, #tpu.memory_space<hbm>> -> memref<1x128xi32, #tpu.memory_space<hbm>>
    %dma_start3A_71 = tpu.memref_squeeze %dma_start3A_70 : memref<1x128xi32, #tpu.memory_space<hbm>> -> memref<128xi32, #tpu.memory_space<hbm>>
    tpu.enqueue_dma source(%dma_start3A_71 : memref<128xi32, #tpu.memory_space<hbm>>) target(%arg13 : memref<128xi32, #tpu.memory_space<vmem>>) target_semaphore(%arg21 : memref<!tpu.dma_semaphore, #tpu.memory_space<semaphore_mem>>)
    %scan3A_72 = arith.constant 0 : i32
    %scan3A_73 = arith.constant 0 : i32
    %scan3A_74 = arith.constant 20 : i32
    %scan3A_75 = arith.addi %scan3A_73, %scan3A_74 : i32
    %scan3A_76 = arith.constant 1 : i32
    %scan3A_77 = scf.for %scan3A_110 = %scan3A_73 to %scan3A_75 step %scan3A_76 iter_args(%scan3A_111 = %scan3A_72) -> (i32)  : i32 {
      %mul3A_112 = arith.constant 2 : i32
      %mul3A_113 = arith.muli %mul3A_112, %scan3A_110 : i32
      %mul3A_114 = arith.constant 2 : i32
      %mul3A_115 = arith.muli %mul3A_114, %mul3A_113 : i32
      %dma_start3A_116 = arith.constant 1 : i32
      %dma_start3A_117 = arith.constant 0 : i32
      %dma_start3A_118 = arith.constant 0 : i32
      %dma_start3A_119 = tpu.memref_slice %arg14[%dma_start3A_116, %dma_start3A_117, %dma_start3A_118] : memref<2x128x128xf32, #tpu.memory_space<vmem>> -> memref<1x128x128xf32, #tpu.memory_space<vmem>>
      %dma_start3A_120 = tpu.memref_squeeze %dma_start3A_119 : memref<1x128x128xf32, #tpu.memory_space<vmem>> -> memref<128x128xf32, #tpu.memory_space<vmem>>
      %dma_start3A_121 = arith.constant 0 : i32
      %dma_start3A_122 = arith.constant 0 : i32
      %dma_start3A_123 = tpu.memref_slice %arg2[%dma_start3A_121, %dma_start3A_122] : memref<10000x128xf32, #tpu.memory_space<hbm>> -> memref<10000x128xf32, #tpu.memory_space<hbm>>
      tpu.enqueue_indirect_dma source(%dma_start3A_123 : memref<10000x128xf32, #tpu.memory_space<hbm>>) target(%dma_start3A_120 : memref<128x128xf32, #tpu.memory_space<vmem>>) offsets(%arg7 : memref<128xi32, #tpu.memory_space<vmem>>) semaphore(%arg17 : memref<!tpu.dma_semaphore, #tpu.memory_space<semaphore_mem>>)
      %dma_wait3A = arith.constant 0 : i32
      %dma_wait3A_124 = arith.constant 0 : i32
      %dma_wait3A_125 = arith.constant 0 : i32
      %dma_wait3A_126 = tpu.memref_slice %arg14[%dma_wait3A, %dma_wait3A_124, %dma_wait3A_125] : memref<2x128x128xf32, #tpu.memory_space<vmem>> -> memref<1x128x128xf32, #tpu.memory_space<vmem>>
      %dma_wait3A_127 = tpu.memref_squeeze %dma_wait3A_126 : memref<1x128x128xf32, #tpu.memory_space<vmem>> -> memref<128x128xf32, #tpu.memory_space<vmem>>
      %dma_wait3A_128 = arith.constant 0 : i32
      %dma_wait3A_129 = arith.constant 0 : i32
      %dma_wait3A_130 = tpu.memref_slice %arg2[%dma_wait3A_128, %dma_wait3A_129] : memref<10000x128xf32, #tpu.memory_space<hbm>> -> memref<10000x128xf32, #tpu.memory_space<hbm>>
      tpu.wait_indirect_dma semaphore(%arg16 : memref<!tpu.dma_semaphore, #tpu.memory_space<semaphore_mem>>) src(%dma_wait3A_130 : memref<10000x128xf32, #tpu.memory_space<hbm>>) dst(%dma_wait3A_127 : memref<128x128xf32, #tpu.memory_space<vmem>>)
      %run_scoped3A_131 = arith.constant 0 : i32
      "tpu.region"() ({
        %run_scoped3A_211 = tpu.sem_alloc : memref<!tpu.dma_semaphore, #tpu.memory_space<semaphore_mem>>
        %dma_start3A_212 = arith.constant 0 : i32
        %dma_start3A_213 = arith.constant 0 : i32
        %dma_start3A_214 = tpu.memref_slice %arg14[%run_scoped3A_131, %dma_start3A_212, %dma_start3A_213] : memref<2x128x128xf32, #tpu.memory_space<vmem>> -> memref<1x128x128xf32, #tpu.memory_space<vmem>>
        %dma_start3A_215 = tpu.memref_squeeze %dma_start3A_214 : memref<1x128x128xf32, #tpu.memory_space<vmem>> -> memref<128x128xf32, #tpu.memory_space<vmem>>
        %dma_start3A_216 = arith.constant 0 : i32
        %dma_start3A_217 = arith.constant 0 : i32
        %dma_start3A_218 = tpu.memref_slice %arg15[%dma_start3A_216, %dma_start3A_217] : memref<10240x128xf32, #tpu.memory_space<vmem_shared>> -> memref<10240x128xf32, #tpu.memory_space<vmem_shared>>
        tpu.enqueue_indirect_dma source(%dma_start3A_215 : memref<128x128xf32, #tpu.memory_space<vmem>>) target(%dma_start3A_218 : memref<10240x128xf32, #tpu.memory_space<vmem_shared>>) offsets(%arg10 : memref<128xi32, #tpu.memory_space<vmem>>) semaphore(%run_scoped3A_211 : memref<!tpu.dma_semaphore, #tpu.memory_space<semaphore_mem>>) {add = true}
        %dma_wait3A_219 = arith.constant 0 : i32
        %dma_wait3A_220 = arith.constant 0 : i32
        %dma_wait3A_221 = tpu.memref_slice %arg14[%run_scoped3A_131, %dma_wait3A_219, %dma_wait3A_220] : memref<2x128x128xf32, #tpu.memory_space<vmem>> -> memref<1x128x128xf32, #tpu.memory_space<vmem>>
        %dma_wait3A_222 = tpu.memref_squeeze %dma_wait3A_221 : memref<1x128x128xf32, #tpu.memory_space<vmem>> -> memref<128x128xf32, #tpu.memory_space<vmem>>
        %dma_wait3A_223 = arith.constant 0 : i32
        %dma_wait3A_224 = arith.constant 0 : i32
        %dma_wait3A_225 = tpu.memref_slice %arg15[%dma_wait3A_223, %dma_wait3A_224] : memref<10240x128xf32, #tpu.memory_space<vmem_shared>> -> memref<10240x128xf32, #tpu.memory_space<vmem_shared>>
        tpu.wait_indirect_dma semaphore(%run_scoped3A_211 : memref<!tpu.dma_semaphore, #tpu.memory_space<semaphore_mem>>) src(%dma_wait3A_222 : memref<128x128xf32, #tpu.memory_space<vmem>>) dst(%dma_wait3A_225 : memref<10240x128xf32, #tpu.memory_space<vmem_shared>>)
        tpu.yield
      }) : () -> ()
      %lt3A = arith.constant 39 : i32
      %lt3A_132 = arith.cmpi slt, %mul3A_113, %lt3A : i32
      %convert_element_type3A = arith.extui %lt3A_132 : i1 to i32
      %cond3A = arith.constant 0 : i32
      %cond3A_133 = arith.cmpi ne, %convert_element_type3A, %cond3A : i32
      scf.if %cond3A_133 {
        %add3A_211 = arith.constant 2 : i32
        %add3A_212 = arith.addi %mul3A_115, %add3A_211 : i32
        %mul3A_213 = arith.constant 80 : i32
        %mul3A_214 = arith.muli %add3A, %mul3A_213 : i32
        %add3A_215 = arith.addi %mul3A_214, %add3A_212 : i32
        %dma_wait3A_216 = arith.constant 0 : i32
        %dma_wait3A_217 = tpu.memref_slice %arg3[%add3A_215, %dma_wait3A_216] : memref<2560x128xi32, #tpu.memory_space<hbm>> -> memref<1x128xi32, #tpu.memory_space<hbm>>
        %dma_wait3A_218 = tpu.memref_squeeze %dma_wait3A_217 : memref<1x128xi32, #tpu.memory_space<hbm>> -> memref<128xi32, #tpu.memory_space<hbm>>
        %dma_wait3A_219 = arith.constant 0 : i32
        %dma_wait3A_220 = tpu.memref_slice %arg3[%add3A_215, %dma_wait3A_219] : memref<2560x128xi32, #tpu.memory_space<hbm>> -> memref<1x128xi32, #tpu.memory_space<hbm>>
        %dma_wait3A_221 = tpu.memref_squeeze %dma_wait3A_220 : memref<1x128xi32, #tpu.memory_space<hbm>> -> memref<128xi32, #tpu.memory_space<hbm>>
        tpu.wait_dma2 semaphore(%arg20 : memref<!tpu.dma_semaphore, #tpu.memory_space<semaphore_mem>>) src(%dma_wait3A_221 : memref<128xi32, #tpu.memory_space<hbm>>) dst(%arg8 : memref<128xi32, #tpu.memory_space<vmem>>)
        %dma_wait3A_222 = arith.constant 0 : i32
        %dma_wait3A_223 = tpu.memref_slice %arg4[%add3A_215, %dma_wait3A_222] : memref<2560x128xi32, #tpu.memory_space<hbm>> -> memref<1x128xi32, #tpu.memory_space<hbm>>
        %dma_wait3A_224 = tpu.memref_squeeze %dma_wait3A_223 : memref<1x128xi32, #tpu.memory_space<hbm>> -> memref<128xi32, #tpu.memory_space<hbm>>
        %dma_wait3A_225 = arith.constant 0 : i32
        %dma_wait3A_226 = tpu.memref_slice %arg4[%add3A_215, %dma_wait3A_225] : memref<2560x128xi32, #tpu.memory_space<hbm>> -> memref<1x128xi32, #tpu.memory_space<hbm>>
        %dma_wait3A_227 = tpu.memref_squeeze %dma_wait3A_226 : memref<1x128xi32, #tpu.memory_space<hbm>> -> memref<128xi32, #tpu.memory_space<hbm>>
        tpu.wait_dma2 semaphore(%arg20 : memref<!tpu.dma_semaphore, #tpu.memory_space<semaphore_mem>>) src(%dma_wait3A_227 : memref<128xi32, #tpu.memory_space<hbm>>) dst(%arg12 : memref<128xi32, #tpu.memory_space<vmem>>)
        %dma_start3A_228 = arith.constant 0 : i32
        %dma_start3A_229 = arith.constant 0 : i32
        %dma_start3A_230 = arith.constant 0 : i32
        %dma_start3A_231 = tpu.memref_slice %arg14[%dma_start3A_228, %dma_start3A_229, %dma_start3A_230] : memref<2x128x128xf32, #tpu.memory_space<vmem>> -> memref<1x128x128xf32, #tpu.memory_space<vmem>>
        %dma_start3A_232 = tpu.memref_squeeze %dma_start3A_231 : memref<1x128x128xf32, #tpu.memory_space<vmem>> -> memref<128x128xf32, #tpu.memory_space<vmem>>
        %dma_start3A_233 = arith.constant 0 : i32
        %dma_start3A_234 = arith.constant 0 : i32
        %dma_start3A_235 = tpu.memref_slice %arg2[%dma_start3A_233, %dma_start3A_234] : memref<10000x128xf32, #tpu.memory_space<hbm>> -> memref<10000x128xf32, #tpu.memory_space<hbm>>
        tpu.enqueue_indirect_dma source(%dma_start3A_235 : memref<10000x128xf32, #tpu.memory_space<hbm>>) target(%dma_start3A_232 : memref<128x128xf32, #tpu.memory_space<vmem>>) offsets(%arg8 : memref<128xi32, #tpu.memory_space<vmem>>) semaphore(%arg16 : memref<!tpu.dma_semaphore, #tpu.memory_space<semaphore_mem>>)
      } else {
      }
      %lt3A_134 = arith.constant 38 : i32
      %lt3A_135 = arith.cmpi slt, %mul3A_113, %lt3A_134 : i32
      %convert_element_type3A_136 = arith.extui %lt3A_135 : i1 to i32
      %cond3A_137 = arith.constant 0 : i32
      %cond3A_138 = arith.cmpi ne, %convert_element_type3A_136, %cond3A_137 : i32
      scf.if %cond3A_138 {
        %add3A_211 = arith.constant 4 : i32
        %add3A_212 = arith.addi %mul3A_115, %add3A_211 : i32
        %mul3A_213 = arith.constant 80 : i32
        %mul3A_214 = arith.muli %add3A, %mul3A_213 : i32
        %add3A_215 = arith.addi %mul3A_214, %add3A_212 : i32
        %dma_start3A_216 = arith.constant 0 : i32
        %dma_start3A_217 = tpu.memref_slice %arg3[%add3A_215, %dma_start3A_216] : memref<2560x128xi32, #tpu.memory_space<hbm>> -> memref<1x128xi32, #tpu.memory_space<hbm>>
        %dma_start3A_218 = tpu.memref_squeeze %dma_start3A_217 : memref<1x128xi32, #tpu.memory_space<hbm>> -> memref<128xi32, #tpu.memory_space<hbm>>
        %dma_start3A_219 = arith.constant 0 : i32
        %dma_start3A_220 = tpu.memref_slice %arg3[%add3A_215, %dma_start3A_219] : memref<2560x128xi32, #tpu.memory_space<hbm>> -> memref<1x128xi32, #tpu.memory_space<hbm>>
        %dma_start3A_221 = tpu.memref_squeeze %dma_start3A_220 : memref<1x128xi32, #tpu.memory_space<hbm>> -> memref<128xi32, #tpu.memory_space<hbm>>
        tpu.enqueue_dma source(%dma_start3A_221 : memref<128xi32, #tpu.memory_space<hbm>>) target(%arg6 : memref<128xi32, #tpu.memory_space<vmem>>) target_semaphore(%arg18 : memref<!tpu.dma_semaphore, #tpu.memory_space<semaphore_mem>>)
        %dma_start3A_222 = arith.constant 0 : i32
        %dma_start3A_223 = tpu.memref_slice %arg4[%add3A_215, %dma_start3A_222] : memref<2560x128xi32, #tpu.memory_space<hbm>> -> memref<1x128xi32, #tpu.memory_space<hbm>>
        %dma_start3A_224 = tpu.memref_squeeze %dma_start3A_223 : memref<1x128xi32, #tpu.memory_space<hbm>> -> memref<128xi32, #tpu.memory_space<hbm>>
        %dma_start3A_225 = arith.constant 0 : i32
        %dma_start3A_226 = tpu.memref_slice %arg4[%add3A_215, %dma_start3A_225] : memref<2560x128xi32, #tpu.memory_space<hbm>> -> memref<1x128xi32, #tpu.memory_space<hbm>>
        %dma_start3A_227 = tpu.memref_squeeze %dma_start3A_226 : memref<1x128xi32, #tpu.memory_space<hbm>> -> memref<128xi32, #tpu.memory_space<hbm>>
        tpu.enqueue_dma source(%dma_start3A_227 : memref<128xi32, #tpu.memory_space<hbm>>) target(%arg10 : memref<128xi32, #tpu.memory_space<vmem>>) target_semaphore(%arg18 : memref<!tpu.dma_semaphore, #tpu.memory_space<semaphore_mem>>)
      } else {
      }
      %dma_wait3A_139 = arith.constant 1 : i32
      %dma_wait3A_140 = arith.constant 0 : i32
      %dma_wait3A_141 = arith.constant 0 : i32
      %dma_wait3A_142 = tpu.memref_slice %arg14[%dma_wait3A_139, %dma_wait3A_140, %dma_wait3A_141] : memref<2x128x128xf32, #tpu.memory_space<vmem>> -> memref<1x128x128xf32, #tpu.memory_space<vmem>>
      %dma_wait3A_143 = tpu.memref_squeeze %dma_wait3A_142 : memref<1x128x128xf32, #tpu.memory_space<vmem>> -> memref<128x128xf32, #tpu.memory_space<vmem>>
      %dma_wait3A_144 = arith.constant 0 : i32
      %dma_wait3A_145 = arith.constant 0 : i32
      %dma_wait3A_146 = tpu.memref_slice %arg2[%dma_wait3A_144, %dma_wait3A_145] : memref<10000x128xf32, #tpu.memory_space<hbm>> -> memref<10000x128xf32, #tpu.memory_space<hbm>>
      tpu.wait_indirect_dma semaphore(%arg17 : memref<!tpu.dma_semaphore, #tpu.memory_space<semaphore_mem>>) src(%dma_wait3A_146 : memref<10000x128xf32, #tpu.memory_space<hbm>>) dst(%dma_wait3A_143 : memref<128x128xf32, #tpu.memory_space<vmem>>)
      %run_scoped3A_147 = arith.constant 1 : i32
      "tpu.region"() ({
        %run_scoped3A_211 = tpu.sem_alloc : memref<!tpu.dma_semaphore, #tpu.memory_space<semaphore_mem>>
        %dma_start3A_212 = arith.constant 0 : i32
        %dma_start3A_213 = arith.constant 0 : i32
        %dma_start3A_214 = tpu.memref_slice %arg14[%run_scoped3A_147, %dma_start3A_212, %dma_start3A_213] : memref<2x128x128xf32, #tpu.memory_space<vmem>> -> memref<1x128x128xf32, #tpu.memory_space<vmem>>
        %dma_start3A_215 = tpu.memref_squeeze %dma_start3A_214 : memref<1x128x128xf32, #tpu.memory_space<vmem>> -> memref<128x128xf32, #tpu.memory_space<vmem>>
        %dma_start3A_216 = arith.constant 0 : i32
        %dma_start3A_217 = arith.constant 0 : i32
        %dma_start3A_218 = tpu.memref_slice %arg15[%dma_start3A_216, %dma_start3A_217] : memref<10240x128xf32, #tpu.memory_space<vmem_shared>> -> memref<10240x128xf32, #tpu.memory_space<vmem_shared>>
        tpu.enqueue_indirect_dma source(%dma_start3A_215 : memref<128x128xf32, #tpu.memory_space<vmem>>) target(%dma_start3A_218 : memref<10240x128xf32, #tpu.memory_space<vmem_shared>>) offsets(%arg11 : memref<128xi32, #tpu.memory_space<vmem>>) semaphore(%run_scoped3A_211 : memref<!tpu.dma_semaphore, #tpu.memory_space<semaphore_mem>>) {add = true}
        %dma_wait3A_219 = arith.constant 0 : i32
        %dma_wait3A_220 = arith.constant 0 : i32
        %dma_wait3A_221 = tpu.memref_slice %arg14[%run_scoped3A_147, %dma_wait3A_219, %dma_wait3A_220] : memref<2x128x128xf32, #tpu.memory_space<vmem>> -> memref<1x128x128xf32, #tpu.memory_space<vmem>>
        %dma_wait3A_222 = tpu.memref_squeeze %dma_wait3A_221 : memref<1x128x128xf32, #tpu.memory_space<vmem>> -> memref<128x128xf32, #tpu.memory_space<vmem>>
        %dma_wait3A_223 = arith.constant 0 : i32
        %dma_wait3A_224 = arith.constant 0 : i32
        %dma_wait3A_225 = tpu.memref_slice %arg15[%dma_wait3A_223, %dma_wait3A_224] : memref<10240x128xf32, #tpu.memory_space<vmem_shared>> -> memref<10240x128xf32, #tpu.memory_space<vmem_shared>>
        tpu.wait_indirect_dma semaphore(%run_scoped3A_211 : memref<!tpu.dma_semaphore, #tpu.memory_space<semaphore_mem>>) src(%dma_wait3A_222 : memref<128x128xf32, #tpu.memory_space<vmem>>) dst(%dma_wait3A_225 : memref<10240x128xf32, #tpu.memory_space<vmem_shared>>)
        tpu.yield
      }) : () -> ()
      %lt3A_148 = arith.constant 38 : i32
      %lt3A_149 = arith.cmpi slt, %mul3A_113, %lt3A_148 : i32
      %convert_element_type3A_150 = arith.extui %lt3A_149 : i1 to i32
      %cond3A_151 = arith.constant 0 : i32
      %cond3A_152 = arith.cmpi ne, %convert_element_type3A_150, %cond3A_151 : i32
      scf.if %cond3A_152 {
        %add3A_211 = arith.constant 5 : i32
        %add3A_212 = arith.addi %mul3A_115, %add3A_211 : i32
        %mul3A_213 = arith.constant 80 : i32
        %mul3A_214 = arith.muli %add3A, %mul3A_213 : i32
        %add3A_215 = arith.addi %mul3A_214, %add3A_212 : i32
        %dma_start3A_216 = arith.constant 0 : i32
        %dma_start3A_217 = tpu.memref_slice %arg3[%add3A_215, %dma_start3A_216] : memref<2560x128xi32, #tpu.memory_space<hbm>> -> memref<1x128xi32, #tpu.memory_space<hbm>>
        %dma_start3A_218 = tpu.memref_squeeze %dma_start3A_217 : memref<1x128xi32, #tpu.memory_space<hbm>> -> memref<128xi32, #tpu.memory_space<hbm>>
        %dma_start3A_219 = arith.constant 0 : i32
        %dma_start3A_220 = tpu.memref_slice %arg3[%add3A_215, %dma_start3A_219] : memref<2560x128xi32, #tpu.memory_space<hbm>> -> memref<1x128xi32, #tpu.memory_space<hbm>>
        %dma_start3A_221 = tpu.memref_squeeze %dma_start3A_220 : memref<1x128xi32, #tpu.memory_space<hbm>> -> memref<128xi32, #tpu.memory_space<hbm>>
        tpu.enqueue_dma source(%dma_start3A_221 : memref<128xi32, #tpu.memory_space<hbm>>) target(%arg7 : memref<128xi32, #tpu.memory_space<vmem>>) target_semaphore(%arg19 : memref<!tpu.dma_semaphore, #tpu.memory_space<semaphore_mem>>)
        %dma_start3A_222 = arith.constant 0 : i32
        %dma_start3A_223 = tpu.memref_slice %arg4[%add3A_215, %dma_start3A_222] : memref<2560x128xi32, #tpu.memory_space<hbm>> -> memref<1x128xi32, #tpu.memory_space<hbm>>
        %dma_start3A_224 = tpu.memref_squeeze %dma_start3A_223 : memref<1x128xi32, #tpu.memory_space<hbm>> -> memref<128xi32, #tpu.memory_space<hbm>>
        %dma_start3A_225 = arith.constant 0 : i32
        %dma_start3A_226 = tpu.memref_slice %arg4[%add3A_215, %dma_start3A_225] : memref<2560x128xi32, #tpu.memory_space<hbm>> -> memref<1x128xi32, #tpu.memory_space<hbm>>
        %dma_start3A_227 = tpu.memref_squeeze %dma_start3A_226 : memref<1x128xi32, #tpu.memory_space<hbm>> -> memref<128xi32, #tpu.memory_space<hbm>>
        tpu.enqueue_dma source(%dma_start3A_227 : memref<128xi32, #tpu.memory_space<hbm>>) target(%arg11 : memref<128xi32, #tpu.memory_space<vmem>>) target_semaphore(%arg19 : memref<!tpu.dma_semaphore, #tpu.memory_space<semaphore_mem>>)
      } else {
      }
      %lt3A_153 = arith.constant 39 : i32
      %lt3A_154 = arith.cmpi slt, %mul3A_113, %lt3A_153 : i32
      %convert_element_type3A_155 = arith.extui %lt3A_154 : i1 to i32
      %cond3A_156 = arith.constant 0 : i32
      %cond3A_157 = arith.cmpi ne, %convert_element_type3A_155, %cond3A_156 : i32
      scf.if %cond3A_157 {
        %add3A_211 = arith.constant 3 : i32
        %add3A_212 = arith.addi %mul3A_115, %add3A_211 : i32
        %mul3A_213 = arith.constant 80 : i32
        %mul3A_214 = arith.muli %add3A, %mul3A_213 : i32
        %add3A_215 = arith.addi %mul3A_214, %add3A_212 : i32
        %dma_wait3A_216 = arith.constant 0 : i32
        %dma_wait3A_217 = tpu.memref_slice %arg3[%add3A_215, %dma_wait3A_216] : memref<2560x128xi32, #tpu.memory_space<hbm>> -> memref<1x128xi32, #tpu.memory_space<hbm>>
        %dma_wait3A_218 = tpu.memref_squeeze %dma_wait3A_217 : memref<1x128xi32, #tpu.memory_space<hbm>> -> memref<128xi32, #tpu.memory_space<hbm>>
        %dma_wait3A_219 = arith.constant 0 : i32
        %dma_wait3A_220 = tpu.memref_slice %arg3[%add3A_215, %dma_wait3A_219] : memref<2560x128xi32, #tpu.memory_space<hbm>> -> memref<1x128xi32, #tpu.memory_space<hbm>>
        %dma_wait3A_221 = tpu.memref_squeeze %dma_wait3A_220 : memref<1x128xi32, #tpu.memory_space<hbm>> -> memref<128xi32, #tpu.memory_space<hbm>>
        tpu.wait_dma2 semaphore(%arg21 : memref<!tpu.dma_semaphore, #tpu.memory_space<semaphore_mem>>) src(%dma_wait3A_221 : memref<128xi32, #tpu.memory_space<hbm>>) dst(%arg9 : memref<128xi32, #tpu.memory_space<vmem>>)
        %dma_wait3A_222 = arith.constant 0 : i32
        %dma_wait3A_223 = tpu.memref_slice %arg4[%add3A_215, %dma_wait3A_222] : memref<2560x128xi32, #tpu.memory_space<hbm>> -> memref<1x128xi32, #tpu.memory_space<hbm>>
        %dma_wait3A_224 = tpu.memref_squeeze %dma_wait3A_223 : memref<1x128xi32, #tpu.memory_space<hbm>> -> memref<128xi32, #tpu.memory_space<hbm>>
        %dma_wait3A_225 = arith.constant 0 : i32
        %dma_wait3A_226 = tpu.memref_slice %arg4[%add3A_215, %dma_wait3A_225] : memref<2560x128xi32, #tpu.memory_space<hbm>> -> memref<1x128xi32, #tpu.memory_space<hbm>>
        %dma_wait3A_227 = tpu.memref_squeeze %dma_wait3A_226 : memref<1x128xi32, #tpu.memory_space<hbm>> -> memref<128xi32, #tpu.memory_space<hbm>>
        tpu.wait_dma2 semaphore(%arg21 : memref<!tpu.dma_semaphore, #tpu.memory_space<semaphore_mem>>) src(%dma_wait3A_227 : memref<128xi32, #tpu.memory_space<hbm>>) dst(%arg13 : memref<128xi32, #tpu.memory_space<vmem>>)
      } else {
      }
      %mul3A_158 = arith.constant 2 : i32
      %mul3A_159 = arith.muli %mul3A_158, %scan3A_110 : i32
      %add3A_160 = arith.constant 1 : i32
      %add3A_161 = arith.addi %mul3A_159, %add3A_160 : i32
      %mul3A_162 = arith.constant 2 : i32
      %mul3A_163 = arith.muli %mul3A_162, %add3A_161 : i32
      %dma_start3A_164 = arith.constant 1 : i32
      %dma_start3A_165 = arith.constant 0 : i32
      %dma_start3A_166 = arith.constant 0 : i32
      %dma_start3A_167 = tpu.memref_slice %arg14[%dma_start3A_164, %dma_start3A_165, %dma_start3A_166] : memref<2x128x128xf32, #tpu.memory_space<vmem>> -> memref<1x128x128xf32, #tpu.memory_space<vmem>>
      %dma_start3A_168 = tpu.memref_squeeze %dma_start3A_167 : memref<1x128x128xf32, #tpu.memory_space<vmem>> -> memref<128x128xf32, #tpu.memory_space<vmem>>
      %dma_start3A_169 = arith.constant 0 : i32
      %dma_start3A_170 = arith.constant 0 : i32
      %dma_start3A_171 = tpu.memref_slice %arg2[%dma_start3A_169, %dma_start3A_170] : memref<10000x128xf32, #tpu.memory_space<hbm>> -> memref<10000x128xf32, #tpu.memory_space<hbm>>
      tpu.enqueue_indirect_dma source(%dma_start3A_171 : memref<10000x128xf32, #tpu.memory_space<hbm>>) target(%dma_start3A_168 : memref<128x128xf32, #tpu.memory_space<vmem>>) offsets(%arg9 : memref<128xi32, #tpu.memory_space<vmem>>) semaphore(%arg17 : memref<!tpu.dma_semaphore, #tpu.memory_space<semaphore_mem>>)
      %dma_wait3A_172 = arith.constant 0 : i32
      %dma_wait3A_173 = arith.constant 0 : i32
      %dma_wait3A_174 = arith.constant 0 : i32
      %dma_wait3A_175 = tpu.memref_slice %arg14[%dma_wait3A_172, %dma_wait3A_173, %dma_wait3A_174] : memref<2x128x128xf32, #tpu.memory_space<vmem>> -> memref<1x128x128xf32, #tpu.memory_space<vmem>>
      %dma_wait3A_176 = tpu.memref_squeeze %dma_wait3A_175 : memref<1x128x128xf32, #tpu.memory_space<vmem>> -> memref<128x128xf32, #tpu.memory_space<vmem>>
      %dma_wait3A_177 = arith.constant 0 : i32
      %dma_wait3A_178 = arith.constant 0 : i32
      %dma_wait3A_179 = tpu.memref_slice %arg2[%dma_wait3A_177, %dma_wait3A_178] : memref<10000x128xf32, #tpu.memory_space<hbm>> -> memref<10000x128xf32, #tpu.memory_space<hbm>>
      tpu.wait_indirect_dma semaphore(%arg16 : memref<!tpu.dma_semaphore, #tpu.memory_space<semaphore_mem>>) src(%dma_wait3A_179 : memref<10000x128xf32, #tpu.memory_space<hbm>>) dst(%dma_wait3A_176 : memref<128x128xf32, #tpu.memory_space<vmem>>)
      %run_scoped3A_180 = arith.constant 0 : i32
      "tpu.region"() ({
        %run_scoped3A_211 = tpu.sem_alloc : memref<!tpu.dma_semaphore, #tpu.memory_space<semaphore_mem>>
        %dma_start3A_212 = arith.constant 0 : i32
        %dma_start3A_213 = arith.constant 0 : i32
        %dma_start3A_214 = tpu.memref_slice %arg14[%run_scoped3A_180, %dma_start3A_212, %dma_start3A_213] : memref<2x128x128xf32, #tpu.memory_space<vmem>> -> memref<1x128x128xf32, #tpu.memory_space<vmem>>
        %dma_start3A_215 = tpu.memref_squeeze %dma_start3A_214 : memref<1x128x128xf32, #tpu.memory_space<vmem>> -> memref<128x128xf32, #tpu.memory_space<vmem>>
        %dma_start3A_216 = arith.constant 0 : i32
        %dma_start3A_217 = arith.constant 0 : i32
        %dma_start3A_218 = tpu.memref_slice %arg15[%dma_start3A_216, %dma_start3A_217] : memref<10240x128xf32, #tpu.memory_space<vmem_shared>> -> memref<10240x128xf32, #tpu.memory_space<vmem_shared>>
        tpu.enqueue_indirect_dma source(%dma_start3A_215 : memref<128x128xf32, #tpu.memory_space<vmem>>) target(%dma_start3A_218 : memref<10240x128xf32, #tpu.memory_space<vmem_shared>>) offsets(%arg12 : memref<128xi32, #tpu.memory_space<vmem>>) semaphore(%run_scoped3A_211 : memref<!tpu.dma_semaphore, #tpu.memory_space<semaphore_mem>>) {add = true}
        %dma_wait3A_219 = arith.constant 0 : i32
        %dma_wait3A_220 = arith.constant 0 : i32
        %dma_wait3A_221 = tpu.memref_slice %arg14[%run_scoped3A_180, %dma_wait3A_219, %dma_wait3A_220] : memref<2x128x128xf32, #tpu.memory_space<vmem>> -> memref<1x128x128xf32, #tpu.memory_space<vmem>>
        %dma_wait3A_222 = tpu.memref_squeeze %dma_wait3A_221 : memref<1x128x128xf32, #tpu.memory_space<vmem>> -> memref<128x128xf32, #tpu.memory_space<vmem>>
        %dma_wait3A_223 = arith.constant 0 : i32
        %dma_wait3A_224 = arith.constant 0 : i32
        %dma_wait3A_225 = tpu.memref_slice %arg15[%dma_wait3A_223, %dma_wait3A_224] : memref<10240x128xf32, #tpu.memory_space<vmem_shared>> -> memref<10240x128xf32, #tpu.memory_space<vmem_shared>>
        tpu.wait_indirect_dma semaphore(%run_scoped3A_211 : memref<!tpu.dma_semaphore, #tpu.memory_space<semaphore_mem>>) src(%dma_wait3A_222 : memref<128x128xf32, #tpu.memory_space<vmem>>) dst(%dma_wait3A_225 : memref<10240x128xf32, #tpu.memory_space<vmem_shared>>)
        tpu.yield
      }) : () -> ()
      %lt3A_181 = arith.constant 39 : i32
      %lt3A_182 = arith.cmpi slt, %add3A_161, %lt3A_181 : i32
      %convert_element_type3A_183 = arith.extui %lt3A_182 : i1 to i32
      %cond3A_184 = arith.constant 0 : i32
      %cond3A_185 = arith.cmpi ne, %convert_element_type3A_183, %cond3A_184 : i32
      scf.if %cond3A_185 {
        %add3A_211 = arith.constant 2 : i32
        %add3A_212 = arith.addi %mul3A_163, %add3A_211 : i32
        %mul3A_213 = arith.constant 80 : i32
        %mul3A_214 = arith.muli %add3A, %mul3A_213 : i32
        %add3A_215 = arith.addi %mul3A_214, %add3A_212 : i32
        %dma_wait3A_216 = arith.constant 0 : i32
        %dma_wait3A_217 = tpu.memref_slice %arg3[%add3A_215, %dma_wait3A_216] : memref<2560x128xi32, #tpu.memory_space<hbm>> -> memref<1x128xi32, #tpu.memory_space<hbm>>
        %dma_wait3A_218 = tpu.memref_squeeze %dma_wait3A_217 : memref<1x128xi32, #tpu.memory_space<hbm>> -> memref<128xi32, #tpu.memory_space<hbm>>
        %dma_wait3A_219 = arith.constant 0 : i32
        %dma_wait3A_220 = tpu.memref_slice %arg3[%add3A_215, %dma_wait3A_219] : memref<2560x128xi32, #tpu.memory_space<hbm>> -> memref<1x128xi32, #tpu.memory_space<hbm>>
        %dma_wait3A_221 = tpu.memref_squeeze %dma_wait3A_220 : memref<1x128xi32, #tpu.memory_space<hbm>> -> memref<128xi32, #tpu.memory_space<hbm>>
        tpu.wait_dma2 semaphore(%arg18 : memref<!tpu.dma_semaphore, #tpu.memory_space<semaphore_mem>>) src(%dma_wait3A_221 : memref<128xi32, #tpu.memory_space<hbm>>) dst(%arg6 : memref<128xi32, #tpu.memory_space<vmem>>)
        %dma_wait3A_222 = arith.constant 0 : i32
        %dma_wait3A_223 = tpu.memref_slice %arg4[%add3A_215, %dma_wait3A_222] : memref<2560x128xi32, #tpu.memory_space<hbm>> -> memref<1x128xi32, #tpu.memory_space<hbm>>
        %dma_wait3A_224 = tpu.memref_squeeze %dma_wait3A_223 : memref<1x128xi32, #tpu.memory_space<hbm>> -> memref<128xi32, #tpu.memory_space<hbm>>
        %dma_wait3A_225 = arith.constant 0 : i32
        %dma_wait3A_226 = tpu.memref_slice %arg4[%add3A_215, %dma_wait3A_225] : memref<2560x128xi32, #tpu.memory_space<hbm>> -> memref<1x128xi32, #tpu.memory_space<hbm>>
        %dma_wait3A_227 = tpu.memref_squeeze %dma_wait3A_226 : memref<1x128xi32, #tpu.memory_space<hbm>> -> memref<128xi32, #tpu.memory_space<hbm>>
        tpu.wait_dma2 semaphore(%arg18 : memref<!tpu.dma_semaphore, #tpu.memory_space<semaphore_mem>>) src(%dma_wait3A_227 : memref<128xi32, #tpu.memory_space<hbm>>) dst(%arg10 : memref<128xi32, #tpu.memory_space<vmem>>)
        %dma_start3A_228 = arith.constant 0 : i32
        %dma_start3A_229 = arith.constant 0 : i32
        %dma_start3A_230 = arith.constant 0 : i32
        %dma_start3A_231 = tpu.memref_slice %arg14[%dma_start3A_228, %dma_start3A_229, %dma_start3A_230] : memref<2x128x128xf32, #tpu.memory_space<vmem>> -> memref<1x128x128xf32, #tpu.memory_space<vmem>>
        %dma_start3A_232 = tpu.memref_squeeze %dma_start3A_231 : memref<1x128x128xf32, #tpu.memory_space<vmem>> -> memref<128x128xf32, #tpu.memory_space<vmem>>
        %dma_start3A_233 = arith.constant 0 : i32
        %dma_start3A_234 = arith.constant 0 : i32
        %dma_start3A_235 = tpu.memref_slice %arg2[%dma_start3A_233, %dma_start3A_234] : memref<10000x128xf32, #tpu.memory_space<hbm>> -> memref<10000x128xf32, #tpu.memory_space<hbm>>
        tpu.enqueue_indirect_dma source(%dma_start3A_235 : memref<10000x128xf32, #tpu.memory_space<hbm>>) target(%dma_start3A_232 : memref<128x128xf32, #tpu.memory_space<vmem>>) offsets(%arg6 : memref<128xi32, #tpu.memory_space<vmem>>) semaphore(%arg16 : memref<!tpu.dma_semaphore, #tpu.memory_space<semaphore_mem>>)
      } else {
      }
      %lt3A_186 = arith.constant 38 : i32
      %lt3A_187 = arith.cmpi slt, %add3A_161, %lt3A_186 : i32
      %convert_element_type3A_188 = arith.extui %lt3A_187 : i1 to i32
      %cond3A_189 = arith.constant 0 : i32
      %cond3A_190 = arith.cmpi ne, %convert_element_type3A_188, %cond3A_189 : i32
      scf.if %cond3A_190 {
        %add3A_211 = arith.constant 4 : i32
        %add3A_212 = arith.addi %mul3A_163, %add3A_211 : i32
        %mul3A_213 = arith.constant 80 : i32
        %mul3A_214 = arith.muli %add3A, %mul3A_213 : i32
        %add3A_215 = arith.addi %mul3A_214, %add3A_212 : i32
        %dma_start3A_216 = arith.constant 0 : i32
        %dma_start3A_217 = tpu.memref_slice %arg3[%add3A_215, %dma_start3A_216] : memref<2560x128xi32, #tpu.memory_space<hbm>> -> memref<1x128xi32, #tpu.memory_space<hbm>>
        %dma_start3A_218 = tpu.memref_squeeze %dma_start3A_217 : memref<1x128xi32, #tpu.memory_space<hbm>> -> memref<128xi32, #tpu.memory_space<hbm>>
        %dma_start3A_219 = arith.constant 0 : i32
        %dma_start3A_220 = tpu.memref_slice %arg3[%add3A_215, %dma_start3A_219] : memref<2560x128xi32, #tpu.memory_space<hbm>> -> memref<1x128xi32, #tpu.memory_space<hbm>>
        %dma_start3A_221 = tpu.memref_squeeze %dma_start3A_220 : memref<1x128xi32, #tpu.memory_space<hbm>> -> memref<128xi32, #tpu.memory_space<hbm>>
        tpu.enqueue_dma source(%dma_start3A_221 : memref<128xi32, #tpu.memory_space<hbm>>) target(%arg8 : memref<128xi32, #tpu.memory_space<vmem>>) target_semaphore(%arg20 : memref<!tpu.dma_semaphore, #tpu.memory_space<semaphore_mem>>)
        %dma_start3A_222 = arith.constant 0 : i32
        %dma_start3A_223 = tpu.memref_slice %arg4[%add3A_215, %dma_start3A_222] : memref<2560x128xi32, #tpu.memory_space<hbm>> -> memref<1x128xi32, #tpu.memory_space<hbm>>
        %dma_start3A_224 = tpu.memref_squeeze %dma_start3A_223 : memref<1x128xi32, #tpu.memory_space<hbm>> -> memref<128xi32, #tpu.memory_space<hbm>>
        %dma_start3A_225 = arith.constant 0 : i32
        %dma_start3A_226 = tpu.memref_slice %arg4[%add3A_215, %dma_start3A_225] : memref<2560x128xi32, #tpu.memory_space<hbm>> -> memref<1x128xi32, #tpu.memory_space<hbm>>
        %dma_start3A_227 = tpu.memref_squeeze %dma_start3A_226 : memref<1x128xi32, #tpu.memory_space<hbm>> -> memref<128xi32, #tpu.memory_space<hbm>>
        tpu.enqueue_dma source(%dma_start3A_227 : memref<128xi32, #tpu.memory_space<hbm>>) target(%arg12 : memref<128xi32, #tpu.memory_space<vmem>>) target_semaphore(%arg20 : memref<!tpu.dma_semaphore, #tpu.memory_space<semaphore_mem>>)
      } else {
      }
      %dma_wait3A_191 = arith.constant 1 : i32
      %dma_wait3A_192 = arith.constant 0 : i32
      %dma_wait3A_193 = arith.constant 0 : i32
      %dma_wait3A_194 = tpu.memref_slice %arg14[%dma_wait3A_191, %dma_wait3A_192, %dma_wait3A_193] : memref<2x128x128xf32, #tpu.memory_space<vmem>> -> memref<1x128x128xf32, #tpu.memory_space<vmem>>
      %dma_wait3A_195 = tpu.memref_squeeze %dma_wait3A_194 : memref<1x128x128xf32, #tpu.memory_space<vmem>> -> memref<128x128xf32, #tpu.memory_space<vmem>>
      %dma_wait3A_196 = arith.constant 0 : i32
      %dma_wait3A_197 = arith.constant 0 : i32
      %dma_wait3A_198 = tpu.memref_slice %arg2[%dma_wait3A_196, %dma_wait3A_197] : memref<10000x128xf32, #tpu.memory_space<hbm>> -> memref<10000x128xf32, #tpu.memory_space<hbm>>
      tpu.wait_indirect_dma semaphore(%arg17 : memref<!tpu.dma_semaphore, #tpu.memory_space<semaphore_mem>>) src(%dma_wait3A_198 : memref<10000x128xf32, #tpu.memory_space<hbm>>) dst(%dma_wait3A_195 : memref<128x128xf32, #tpu.memory_space<vmem>>)
      %run_scoped3A_199 = arith.constant 1 : i32
      "tpu.region"() ({
        %run_scoped3A_211 = tpu.sem_alloc : memref<!tpu.dma_semaphore, #tpu.memory_space<semaphore_mem>>
        %dma_start3A_212 = arith.constant 0 : i32
        %dma_start3A_213 = arith.constant 0 : i32
        %dma_start3A_214 = tpu.memref_slice %arg14[%run_scoped3A_199, %dma_start3A_212, %dma_start3A_213] : memref<2x128x128xf32, #tpu.memory_space<vmem>> -> memref<1x128x128xf32, #tpu.memory_space<vmem>>
        %dma_start3A_215 = tpu.memref_squeeze %dma_start3A_214 : memref<1x128x128xf32, #tpu.memory_space<vmem>> -> memref<128x128xf32, #tpu.memory_space<vmem>>
        %dma_start3A_216 = arith.constant 0 : i32
        %dma_start3A_217 = arith.constant 0 : i32
        %dma_start3A_218 = tpu.memref_slice %arg15[%dma_start3A_216, %dma_start3A_217] : memref<10240x128xf32, #tpu.memory_space<vmem_shared>> -> memref<10240x128xf32, #tpu.memory_space<vmem_shared>>
        tpu.enqueue_indirect_dma source(%dma_start3A_215 : memref<128x128xf32, #tpu.memory_space<vmem>>) target(%dma_start3A_218 : memref<10240x128xf32, #tpu.memory_space<vmem_shared>>) offsets(%arg13 : memref<128xi32, #tpu.memory_space<vmem>>) semaphore(%run_scoped3A_211 : memref<!tpu.dma_semaphore, #tpu.memory_space<semaphore_mem>>) {add = true}
        %dma_wait3A_219 = arith.constant 0 : i32
        %dma_wait3A_220 = arith.constant 0 : i32
        %dma_wait3A_221 = tpu.memref_slice %arg14[%run_scoped3A_199, %dma_wait3A_219, %dma_wait3A_220] : memref<2x128x128xf32, #tpu.memory_space<vmem>> -> memref<1x128x128xf32, #tpu.memory_space<vmem>>
        %dma_wait3A_222 = tpu.memref_squeeze %dma_wait3A_221 : memref<1x128x128xf32, #tpu.memory_space<vmem>> -> memref<128x128xf32, #tpu.memory_space<vmem>>
        %dma_wait3A_223 = arith.constant 0 : i32
        %dma_wait3A_224 = arith.constant 0 : i32
        %dma_wait3A_225 = tpu.memref_slice %arg15[%dma_wait3A_223, %dma_wait3A_224] : memref<10240x128xf32, #tpu.memory_space<vmem_shared>> -> memref<10240x128xf32, #tpu.memory_space<vmem_shared>>
        tpu.wait_indirect_dma semaphore(%run_scoped3A_211 : memref<!tpu.dma_semaphore, #tpu.memory_space<semaphore_mem>>) src(%dma_wait3A_222 : memref<128x128xf32, #tpu.memory_space<vmem>>) dst(%dma_wait3A_225 : memref<10240x128xf32, #tpu.memory_space<vmem_shared>>)
        tpu.yield
      }) : () -> ()
      %lt3A_200 = arith.constant 38 : i32
      %lt3A_201 = arith.cmpi slt, %add3A_161, %lt3A_200 : i32
      %convert_element_type3A_202 = arith.extui %lt3A_201 : i1 to i32
      %cond3A_203 = arith.constant 0 : i32
      %cond3A_204 = arith.cmpi ne, %convert_element_type3A_202, %cond3A_203 : i32
      scf.if %cond3A_204 {
        %add3A_211 = arith.constant 5 : i32
        %add3A_212 = arith.addi %mul3A_163, %add3A_211 : i32
        %mul3A_213 = arith.constant 80 : i32
        %mul3A_214 = arith.muli %add3A, %mul3A_213 : i32
        %add3A_215 = arith.addi %mul3A_214, %add3A_212 : i32
        %dma_start3A_216 = arith.constant 0 : i32
        %dma_start3A_217 = tpu.memref_slice %arg3[%add3A_215, %dma_start3A_216] : memref<2560x128xi32, #tpu.memory_space<hbm>> -> memref<1x128xi32, #tpu.memory_space<hbm>>
        %dma_start3A_218 = tpu.memref_squeeze %dma_start3A_217 : memref<1x128xi32, #tpu.memory_space<hbm>> -> memref<128xi32, #tpu.memory_space<hbm>>
        %dma_start3A_219 = arith.constant 0 : i32
        %dma_start3A_220 = tpu.memref_slice %arg3[%add3A_215, %dma_start3A_219] : memref<2560x128xi32, #tpu.memory_space<hbm>> -> memref<1x128xi32, #tpu.memory_space<hbm>>
        %dma_start3A_221 = tpu.memref_squeeze %dma_start3A_220 : memref<1x128xi32, #tpu.memory_space<hbm>> -> memref<128xi32, #tpu.memory_space<hbm>>
        tpu.enqueue_dma source(%dma_start3A_221 : memref<128xi32, #tpu.memory_space<hbm>>) target(%arg9 : memref<128xi32, #tpu.memory_space<vmem>>) target_semaphore(%arg21 : memref<!tpu.dma_semaphore, #tpu.memory_space<semaphore_mem>>)
        %dma_start3A_222 = arith.constant 0 : i32
        %dma_start3A_223 = tpu.memref_slice %arg4[%add3A_215, %dma_start3A_222] : memref<2560x128xi32, #tpu.memory_space<hbm>> -> memref<1x128xi32, #tpu.memory_space<hbm>>
        %dma_start3A_224 = tpu.memref_squeeze %dma_start3A_223 : memref<1x128xi32, #tpu.memory_space<hbm>> -> memref<128xi32, #tpu.memory_space<hbm>>
        %dma_start3A_225 = arith.constant 0 : i32
        %dma_start3A_226 = tpu.memref_slice %arg4[%add3A_215, %dma_start3A_225] : memref<2560x128xi32, #tpu.memory_space<hbm>> -> memref<1x128xi32, #tpu.memory_space<hbm>>
        %dma_start3A_227 = tpu.memref_squeeze %dma_start3A_226 : memref<1x128xi32, #tpu.memory_space<hbm>> -> memref<128xi32, #tpu.memory_space<hbm>>
        tpu.enqueue_dma source(%dma_start3A_227 : memref<128xi32, #tpu.memory_space<hbm>>) target(%arg13 : memref<128xi32, #tpu.memory_space<vmem>>) target_semaphore(%arg21 : memref<!tpu.dma_semaphore, #tpu.memory_space<semaphore_mem>>)
      } else {
      }
      %lt3A_205 = arith.constant 39 : i32
      %lt3A_206 = arith.cmpi slt, %add3A_161, %lt3A_205 : i32
      %convert_element_type3A_207 = arith.extui %lt3A_206 : i1 to i32
      %cond3A_208 = arith.constant 0 : i32
      %cond3A_209 = arith.cmpi ne, %convert_element_type3A_207, %cond3A_208 : i32
      scf.if %cond3A_209 {
        %add3A_211 = arith.constant 3 : i32
        %add3A_212 = arith.addi %mul3A_163, %add3A_211 : i32
        %mul3A_213 = arith.constant 80 : i32
        %mul3A_214 = arith.muli %add3A, %mul3A_213 : i32
        %add3A_215 = arith.addi %mul3A_214, %add3A_212 : i32
        %dma_wait3A_216 = arith.constant 0 : i32
        %dma_wait3A_217 = tpu.memref_slice %arg3[%add3A_215, %dma_wait3A_216] : memref<2560x128xi32, #tpu.memory_space<hbm>> -> memref<1x128xi32, #tpu.memory_space<hbm>>
        %dma_wait3A_218 = tpu.memref_squeeze %dma_wait3A_217 : memref<1x128xi32, #tpu.memory_space<hbm>> -> memref<128xi32, #tpu.memory_space<hbm>>
        %dma_wait3A_219 = arith.constant 0 : i32
        %dma_wait3A_220 = tpu.memref_slice %arg3[%add3A_215, %dma_wait3A_219] : memref<2560x128xi32, #tpu.memory_space<hbm>> -> memref<1x128xi32, #tpu.memory_space<hbm>>
        %dma_wait3A_221 = tpu.memref_squeeze %dma_wait3A_220 : memref<1x128xi32, #tpu.memory_space<hbm>> -> memref<128xi32, #tpu.memory_space<hbm>>
        tpu.wait_dma2 semaphore(%arg19 : memref<!tpu.dma_semaphore, #tpu.memory_space<semaphore_mem>>) src(%dma_wait3A_221 : memref<128xi32, #tpu.memory_space<hbm>>) dst(%arg7 : memref<128xi32, #tpu.memory_space<vmem>>)
        %dma_wait3A_222 = arith.constant 0 : i32
        %dma_wait3A_223 = tpu.memref_slice %arg4[%add3A_215, %dma_wait3A_222] : memref<2560x128xi32, #tpu.memory_space<hbm>> -> memref<1x128xi32, #tpu.memory_space<hbm>>
        %dma_wait3A_224 = tpu.memref_squeeze %dma_wait3A_223 : memref<1x128xi32, #tpu.memory_space<hbm>> -> memref<128xi32, #tpu.memory_space<hbm>>
        %dma_wait3A_225 = arith.constant 0 : i32
        %dma_wait3A_226 = tpu.memref_slice %arg4[%add3A_215, %dma_wait3A_225] : memref<2560x128xi32, #tpu.memory_space<hbm>> -> memref<1x128xi32, #tpu.memory_space<hbm>>
        %dma_wait3A_227 = tpu.memref_squeeze %dma_wait3A_226 : memref<1x128xi32, #tpu.memory_space<hbm>> -> memref<128xi32, #tpu.memory_space<hbm>>
        tpu.wait_dma2 semaphore(%arg19 : memref<!tpu.dma_semaphore, #tpu.memory_space<semaphore_mem>>) src(%dma_wait3A_227 : memref<128xi32, #tpu.memory_space<hbm>>) dst(%arg11 : memref<128xi32, #tpu.memory_space<vmem>>)
      } else {
      }
      %scan3A_210 = arith.constant 0 : i32
      scf.yield %scan3A_210 : i32
    }
    %scan3A_78 = arith.constant 20 : i32
    %barrier3A_79 = arith.constant 0 : index
    tpu.barrier barrier_id(%barrier3A_79)
    %add3A_80 = arith.constant 0 : i32
    %add3A_81 = arith.addi %mul3A_2, %add3A_80 : i32
    %run_scoped3A_82 = arith.constant 0 : i32
    "tpu.region"() ({
      %run_scoped3A_110 = tpu.sem_alloc : memref<!tpu.dma_semaphore, #tpu.memory_space<semaphore_mem>>
      %dma_start3A_111 = arith.constant 0 : i32
      %dma_start3A_112 = arith.constant 0 : i32
      %dma_start3A_113 = tpu.memref_slice %arg14[%run_scoped3A_82, %dma_start3A_111, %dma_start3A_112] : memref<2x128x128xf32, #tpu.memory_space<vmem>> -> memref<1x128x128xf32, #tpu.memory_space<vmem>>
      %dma_start3A_114 = tpu.memref_squeeze %dma_start3A_113 : memref<1x128x128xf32, #tpu.memory_space<vmem>> -> memref<128x128xf32, #tpu.memory_space<vmem>>
      %dma_start3A_115 = arith.constant 0 : i32
      %dma_start3A_116 = tpu.memref_slice %arg15[%add3A_81, %dma_start3A_115] : memref<10240x128xf32, #tpu.memory_space<vmem_shared>> -> memref<128x128xf32, #tpu.memory_space<vmem_shared>>
      %dma_start3A_117 = arith.constant 0 : i32
      %dma_start3A_118 = arith.constant 0 : i32
      %dma_start3A_119 = tpu.memref_slice %arg14[%run_scoped3A_82, %dma_start3A_117, %dma_start3A_118] : memref<2x128x128xf32, #tpu.memory_space<vmem>> -> memref<1x128x128xf32, #tpu.memory_space<vmem>>
      %dma_start3A_120 = tpu.memref_squeeze %dma_start3A_119 : memref<1x128x128xf32, #tpu.memory_space<vmem>> -> memref<128x128xf32, #tpu.memory_space<vmem>>
      %dma_start3A_121 = arith.constant 0 : i32
      %dma_start3A_122 = tpu.memref_slice %arg15[%add3A_81, %dma_start3A_121] : memref<10240x128xf32, #tpu.memory_space<vmem_shared>> -> memref<128x128xf32, #tpu.memory_space<vmem_shared>>
      tpu.enqueue_dma source(%dma_start3A_122 : memref<128x128xf32, #tpu.memory_space<vmem_shared>>) target(%dma_start3A_120 : memref<128x128xf32, #tpu.memory_space<vmem>>) target_semaphore(%run_scoped3A_110 : memref<!tpu.dma_semaphore, #tpu.memory_space<semaphore_mem>>)
      %dma_wait3A = arith.constant 0 : i32
      %dma_wait3A_123 = arith.constant 0 : i32
      %dma_wait3A_124 = tpu.memref_slice %arg14[%run_scoped3A_82, %dma_wait3A, %dma_wait3A_123] : memref<2x128x128xf32, #tpu.memory_space<vmem>> -> memref<1x128x128xf32, #tpu.memory_space<vmem>>
      %dma_wait3A_125 = tpu.memref_squeeze %dma_wait3A_124 : memref<1x128x128xf32, #tpu.memory_space<vmem>> -> memref<128x128xf32, #tpu.memory_space<vmem>>
      %dma_wait3A_126 = arith.constant 0 : i32
      %dma_wait3A_127 = tpu.memref_slice %arg15[%add3A_81, %dma_wait3A_126] : memref<10240x128xf32, #tpu.memory_space<vmem_shared>> -> memref<128x128xf32, #tpu.memory_space<vmem_shared>>
      %dma_wait3A_128 = arith.constant 0 : i32
      %dma_wait3A_129 = arith.constant 0 : i32
      %dma_wait3A_130 = tpu.memref_slice %arg14[%run_scoped3A_82, %dma_wait3A_128, %dma_wait3A_129] : memref<2x128x128xf32, #tpu.memory_space<vmem>> -> memref<1x128x128xf32, #tpu.memory_space<vmem>>
      %dma_wait3A_131 = tpu.memref_squeeze %dma_wait3A_130 : memref<1x128x128xf32, #tpu.memory_space<vmem>> -> memref<128x128xf32, #tpu.memory_space<vmem>>
      %dma_wait3A_132 = arith.constant 0 : i32
      %dma_wait3A_133 = tpu.memref_slice %arg15[%add3A_81, %dma_wait3A_132] : memref<10240x128xf32, #tpu.memory_space<vmem_shared>> -> memref<128x128xf32, #tpu.memory_space<vmem_shared>>
      tpu.wait_dma2 semaphore(%run_scoped3A_110 : memref<!tpu.dma_semaphore, #tpu.memory_space<semaphore_mem>>) src(%dma_wait3A_133 : memref<128x128xf32, #tpu.memory_space<vmem_shared>>) dst(%dma_wait3A_131 : memref<128x128xf32, #tpu.memory_space<vmem>>)
      tpu.yield
    }) : () -> ()
    %add3A_83 = arith.constant 0 : i32
    %add3A_84 = arith.addi %mul3A_2, %add3A_83 : i32
    %run_scoped3A_85 = arith.constant 0 : i32
    "tpu.region"() ({
      %run_scoped3A_110 = tpu.sem_alloc : memref<!tpu.dma_semaphore, #tpu.memory_space<semaphore_mem>>
      %dma_start3A_111 = arith.constant 0 : i32
      %dma_start3A_112 = arith.constant 0 : i32
      %dma_start3A_113 = tpu.memref_slice %arg14[%run_scoped3A_85, %dma_start3A_111, %dma_start3A_112] : memref<2x128x128xf32, #tpu.memory_space<vmem>> -> memref<1x128x128xf32, #tpu.memory_space<vmem>>
      %dma_start3A_114 = tpu.memref_squeeze %dma_start3A_113 : memref<1x128x128xf32, #tpu.memory_space<vmem>> -> memref<128x128xf32, #tpu.memory_space<vmem>>
      %dma_start3A_115 = arith.constant 0 : i32
      %dma_start3A_116 = tpu.memref_slice %arg5[%arg0, %add3A_84, %dma_start3A_115] : memref<2x10240x128xf32, #tpu.memory_space<hbm>> -> memref<1x128x128xf32, #tpu.memory_space<hbm>>
      %dma_start3A_117 = tpu.memref_squeeze %dma_start3A_116 : memref<1x128x128xf32, #tpu.memory_space<hbm>> -> memref<128x128xf32, #tpu.memory_space<hbm>>
      %dma_start3A_118 = arith.constant 0 : i32
      %dma_start3A_119 = tpu.memref_slice %arg5[%arg0, %add3A_84, %dma_start3A_118] : memref<2x10240x128xf32, #tpu.memory_space<hbm>> -> memref<1x128x128xf32, #tpu.memory_space<hbm>>
      %dma_start3A_120 = tpu.memref_squeeze %dma_start3A_119 : memref<1x128x128xf32, #tpu.memory_space<hbm>> -> memref<128x128xf32, #tpu.memory_space<hbm>>
      %dma_start3A_121 = arith.constant 0 : i32
      %dma_start3A_122 = arith.constant 0 : i32
      %dma_start3A_123 = tpu.memref_slice %arg14[%run_scoped3A_85, %dma_start3A_121, %dma_start3A_122] : memref<2x128x128xf32, #tpu.memory_space<vmem>> -> memref<1x128x128xf32, #tpu.memory_space<vmem>>
      %dma_start3A_124 = tpu.memref_squeeze %dma_start3A_123 : memref<1x128x128xf32, #tpu.memory_space<vmem>> -> memref<128x128xf32, #tpu.memory_space<vmem>>
      tpu.enqueue_dma source(%dma_start3A_124 : memref<128x128xf32, #tpu.memory_space<vmem>>) target(%dma_start3A_120 : memref<128x128xf32, #tpu.memory_space<hbm>>) target_semaphore(%run_scoped3A_110 : memref<!tpu.dma_semaphore, #tpu.memory_space<semaphore_mem>>)
      %dma_wait3A = arith.constant 0 : i32
      %dma_wait3A_125 = arith.constant 0 : i32
      %dma_wait3A_126 = tpu.memref_slice %arg14[%run_scoped3A_85, %dma_wait3A, %dma_wait3A_125] : memref<2x128x128xf32, #tpu.memory_space<vmem>> -> memref<1x128x128xf32, #tpu.memory_space<vmem>>
      %dma_wait3A_127 = tpu.memref_squeeze %dma_wait3A_126 : memref<1x128x128xf32, #tpu.memory_space<vmem>> -> memref<128x128xf32, #tpu.memory_space<vmem>>
      %dma_wait3A_128 = arith.constant 0 : i32
      %dma_wait3A_129 = tpu.memref_slice %arg5[%arg0, %add3A_84, %dma_wait3A_128] : memref<2x10240x128xf32, #tpu.memory_space<hbm>> -> memref<1x128x128xf32, #tpu.memory_space<hbm>>
      %dma_wait3A_130 = tpu.memref_squeeze %dma_wait3A_129 : memref<1x128x128xf32, #tpu.memory_space<hbm>> -> memref<128x128xf32, #tpu.memory_space<hbm>>
      %dma_wait3A_131 = arith.constant 0 : i32
      %dma_wait3A_132 = tpu.memref_slice %arg5[%arg0, %add3A_84, %dma_wait3A_131] : memref<2x10240x128xf32, #tpu.memory_space<hbm>> -> memref<1x128x128xf32, #tpu.memory_space<hbm>>
      %dma_wait3A_133 = tpu.memref_squeeze %dma_wait3A_132 : memref<1x128x128xf32, #tpu.memory_space<hbm>> -> memref<128x128xf32, #tpu.memory_space<hbm>>
      %dma_wait3A_134 = arith.constant 0 : i32
      %dma_wait3A_135 = arith.constant 0 : i32
      %dma_wait3A_136 = tpu.memref_slice %arg14[%run_scoped3A_85, %dma_wait3A_134, %dma_wait3A_135] : memref<2x128x128xf32, #tpu.memory_space<vmem>> -> memref<1x128x128xf32, #tpu.memory_space<vmem>>
      %dma_wait3A_137 = tpu.memref_squeeze %dma_wait3A_136 : memref<1x128x128xf32, #tpu.memory_space<vmem>> -> memref<128x128xf32, #tpu.memory_space<vmem>>
      tpu.wait_dma2 semaphore(%run_scoped3A_110 : memref<!tpu.dma_semaphore, #tpu.memory_space<semaphore_mem>>) src(%dma_wait3A_137 : memref<128x128xf32, #tpu.memory_space<vmem>>) dst(%dma_wait3A_133 : memref<128x128xf32, #tpu.memory_space<hbm>>)
      tpu.yield
    }) : () -> ()
    %add3A_86 = arith.constant 128 : i32
    %add3A_87 = arith.addi %mul3A_2, %add3A_86 : i32
    %run_scoped3A_88 = arith.constant 0 : i32
    "tpu.region"() ({
      %run_scoped3A_110 = tpu.sem_alloc : memref<!tpu.dma_semaphore, #tpu.memory_space<semaphore_mem>>
      %dma_start3A_111 = arith.constant 0 : i32
      %dma_start3A_112 = arith.constant 0 : i32
      %dma_start3A_113 = tpu.memref_slice %arg14[%run_scoped3A_88, %dma_start3A_111, %dma_start3A_112] : memref<2x128x128xf32, #tpu.memory_space<vmem>> -> memref<1x128x128xf32, #tpu.memory_space<vmem>>
      %dma_start3A_114 = tpu.memref_squeeze %dma_start3A_113 : memref<1x128x128xf32, #tpu.memory_space<vmem>> -> memref<128x128xf32, #tpu.memory_space<vmem>>
      %dma_start3A_115 = arith.constant 0 : i32
      %dma_start3A_116 = tpu.memref_slice %arg15[%add3A_87, %dma_start3A_115] : memref<10240x128xf32, #tpu.memory_space<vmem_shared>> -> memref<128x128xf32, #tpu.memory_space<vmem_shared>>
      %dma_start3A_117 = arith.constant 0 : i32
      %dma_start3A_118 = arith.constant 0 : i32
      %dma_start3A_119 = tpu.memref_slice %arg14[%run_scoped3A_88, %dma_start3A_117, %dma_start3A_118] : memref<2x128x128xf32, #tpu.memory_space<vmem>> -> memref<1x128x128xf32, #tpu.memory_space<vmem>>
      %dma_start3A_120 = tpu.memref_squeeze %dma_start3A_119 : memref<1x128x128xf32, #tpu.memory_space<vmem>> -> memref<128x128xf32, #tpu.memory_space<vmem>>
      %dma_start3A_121 = arith.constant 0 : i32
      %dma_start3A_122 = tpu.memref_slice %arg15[%add3A_87, %dma_start3A_121] : memref<10240x128xf32, #tpu.memory_space<vmem_shared>> -> memref<128x128xf32, #tpu.memory_space<vmem_shared>>
      tpu.enqueue_dma source(%dma_start3A_122 : memref<128x128xf32, #tpu.memory_space<vmem_shared>>) target(%dma_start3A_120 : memref<128x128xf32, #tpu.memory_space<vmem>>) target_semaphore(%run_scoped3A_110 : memref<!tpu.dma_semaphore, #tpu.memory_space<semaphore_mem>>)
      %dma_wait3A = arith.constant 0 : i32
      %dma_wait3A_123 = arith.constant 0 : i32
      %dma_wait3A_124 = tpu.memref_slice %arg14[%run_scoped3A_88, %dma_wait3A, %dma_wait3A_123] : memref<2x128x128xf32, #tpu.memory_space<vmem>> -> memref<1x128x128xf32, #tpu.memory_space<vmem>>
      %dma_wait3A_125 = tpu.memref_squeeze %dma_wait3A_124 : memref<1x128x128xf32, #tpu.memory_space<vmem>> -> memref<128x128xf32, #tpu.memory_space<vmem>>
      %dma_wait3A_126 = arith.constant 0 : i32
      %dma_wait3A_127 = tpu.memref_slice %arg15[%add3A_87, %dma_wait3A_126] : memref<10240x128xf32, #tpu.memory_space<vmem_shared>> -> memref<128x128xf32, #tpu.memory_space<vmem_shared>>
      %dma_wait3A_128 = arith.constant 0 : i32
      %dma_wait3A_129 = arith.constant 0 : i32
      %dma_wait3A_130 = tpu.memref_slice %arg14[%run_scoped3A_88, %dma_wait3A_128, %dma_wait3A_129] : memref<2x128x128xf32, #tpu.memory_space<vmem>> -> memref<1x128x128xf32, #tpu.memory_space<vmem>>
      %dma_wait3A_131 = tpu.memref_squeeze %dma_wait3A_130 : memref<1x128x128xf32, #tpu.memory_space<vmem>> -> memref<128x128xf32, #tpu.memory_space<vmem>>
      %dma_wait3A_132 = arith.constant 0 : i32
      %dma_wait3A_133 = tpu.memref_slice %arg15[%add3A_87, %dma_wait3A_132] : memref<10240x128xf32, #tpu.memory_space<vmem_shared>> -> memref<128x128xf32, #tpu.memory_space<vmem_shared>>
      tpu.wait_dma2 semaphore(%run_scoped3A_110 : memref<!tpu.dma_semaphore, #tpu.memory_space<semaphore_mem>>) src(%dma_wait3A_133 : memref<128x128xf32, #tpu.memory_space<vmem_shared>>) dst(%dma_wait3A_131 : memref<128x128xf32, #tpu.memory_space<vmem>>)
      tpu.yield
    }) : () -> ()
    %add3A_89 = arith.constant 128 : i32
    %add3A_90 = arith.addi %mul3A_2, %add3A_89 : i32
    %run_scoped3A_91 = arith.constant 0 : i32
    "tpu.region"() ({
      %run_scoped3A_110 = tpu.sem_alloc : memref<!tpu.dma_semaphore, #tpu.memory_space<semaphore_mem>>
      %dma_start3A_111 = arith.constant 0 : i32
      %dma_start3A_112 = arith.constant 0 : i32
      %dma_start3A_113 = tpu.memref_slice %arg14[%run_scoped3A_91, %dma_start3A_111, %dma_start3A_112] : memref<2x128x128xf32, #tpu.memory_space<vmem>> -> memref<1x128x128xf32, #tpu.memory_space<vmem>>
      %dma_start3A_114 = tpu.memref_squeeze %dma_start3A_113 : memref<1x128x128xf32, #tpu.memory_space<vmem>> -> memref<128x128xf32, #tpu.memory_space<vmem>>
      %dma_start3A_115 = arith.constant 0 : i32
      %dma_start3A_116 = tpu.memref_slice %arg5[%arg0, %add3A_90, %dma_start3A_115] : memref<2x10240x128xf32, #tpu.memory_space<hbm>> -> memref<1x128x128xf32, #tpu.memory_space<hbm>>
      %dma_start3A_117 = tpu.memref_squeeze %dma_start3A_116 : memref<1x128x128xf32, #tpu.memory_space<hbm>> -> memref<128x128xf32, #tpu.memory_space<hbm>>
      %dma_start3A_118 = arith.constant 0 : i32
      %dma_start3A_119 = tpu.memref_slice %arg5[%arg0, %add3A_90, %dma_start3A_118] : memref<2x10240x128xf32, #tpu.memory_space<hbm>> -> memref<1x128x128xf32, #tpu.memory_space<hbm>>
      %dma_start3A_120 = tpu.memref_squeeze %dma_start3A_119 : memref<1x128x128xf32, #tpu.memory_space<hbm>> -> memref<128x128xf32, #tpu.memory_space<hbm>>
      %dma_start3A_121 = arith.constant 0 : i32
      %dma_start3A_122 = arith.constant 0 : i32
      %dma_start3A_123 = tpu.memref_slice %arg14[%run_scoped3A_91, %dma_start3A_121, %dma_start3A_122] : memref<2x128x128xf32, #tpu.memory_space<vmem>> -> memref<1x128x128xf32, #tpu.memory_space<vmem>>
      %dma_start3A_124 = tpu.memref_squeeze %dma_start3A_123 : memref<1x128x128xf32, #tpu.memory_space<vmem>> -> memref<128x128xf32, #tpu.memory_space<vmem>>
      tpu.enqueue_dma source(%dma_start3A_124 : memref<128x128xf32, #tpu.memory_space<vmem>>) target(%dma_start3A_120 : memref<128x128xf32, #tpu.memory_space<hbm>>) target_semaphore(%run_scoped3A_110 : memref<!tpu.dma_semaphore, #tpu.memory_space<semaphore_mem>>)
      %dma_wait3A = arith.constant 0 : i32
      %dma_wait3A_125 = arith.constant 0 : i32
      %dma_wait3A_126 = tpu.memref_slice %arg14[%run_scoped3A_91, %dma_wait3A, %dma_wait3A_125] : memref<2x128x128xf32, #tpu.memory_space<vmem>> -> memref<1x128x128xf32, #tpu.memory_space<vmem>>
      %dma_wait3A_127 = tpu.memref_squeeze %dma_wait3A_126 : memref<1x128x128xf32, #tpu.memory_space<vmem>> -> memref<128x128xf32, #tpu.memory_space<vmem>>
      %dma_wait3A_128 = arith.constant 0 : i32
      %dma_wait3A_129 = tpu.memref_slice %arg5[%arg0, %add3A_90, %dma_wait3A_128] : memref<2x10240x128xf32, #tpu.memory_space<hbm>> -> memref<1x128x128xf32, #tpu.memory_space<hbm>>
      %dma_wait3A_130 = tpu.memref_squeeze %dma_wait3A_129 : memref<1x128x128xf32, #tpu.memory_space<hbm>> -> memref<128x128xf32, #tpu.memory_space<hbm>>
      %dma_wait3A_131 = arith.constant 0 : i32
      %dma_wait3A_132 = tpu.memref_slice %arg5[%arg0, %add3A_90, %dma_wait3A_131] : memref<2x10240x128xf32, #tpu.memory_space<hbm>> -> memref<1x128x128xf32, #tpu.memory_space<hbm>>
      %dma_wait3A_133 = tpu.memref_squeeze %dma_wait3A_132 : memref<1x128x128xf32, #tpu.memory_space<hbm>> -> memref<128x128xf32, #tpu.memory_space<hbm>>
      %dma_wait3A_134 = arith.constant 0 : i32
      %dma_wait3A_135 = arith.constant 0 : i32
      %dma_wait3A_136 = tpu.memref_slice %arg14[%run_scoped3A_91, %dma_wait3A_134, %dma_wait3A_135] : memref<2x128x128xf32, #tpu.memory_space<vmem>> -> memref<1x128x128xf32, #tpu.memory_space<vmem>>
      %dma_wait3A_137 = tpu.memref_squeeze %dma_wait3A_136 : memref<1x128x128xf32, #tpu.memory_space<vmem>> -> memref<128x128xf32, #tpu.memory_space<vmem>>
      tpu.wait_dma2 semaphore(%run_scoped3A_110 : memref<!tpu.dma_semaphore, #tpu.memory_space<semaphore_mem>>) src(%dma_wait3A_137 : memref<128x128xf32, #tpu.memory_space<vmem>>) dst(%dma_wait3A_133 : memref<128x128xf32, #tpu.memory_space<hbm>>)
      tpu.yield
    }) : () -> ()
    %add3A_92 = arith.constant 256 : i32
    %add3A_93 = arith.addi %mul3A_2, %add3A_92 : i32
    %run_scoped3A_94 = arith.constant 0 : i32
    "tpu.region"() ({
      %run_scoped3A_110 = tpu.sem_alloc : memref<!tpu.dma_semaphore, #tpu.memory_space<semaphore_mem>>
      %dma_start3A_111 = arith.constant 0 : i32
      %dma_start3A_112 = arith.constant 0 : i32
      %dma_start3A_113 = tpu.memref_slice %arg14[%run_scoped3A_94, %dma_start3A_111, %dma_start3A_112] : memref<2x128x128xf32, #tpu.memory_space<vmem>> -> memref<1x128x128xf32, #tpu.memory_space<vmem>>
      %dma_start3A_114 = tpu.memref_squeeze %dma_start3A_113 : memref<1x128x128xf32, #tpu.memory_space<vmem>> -> memref<128x128xf32, #tpu.memory_space<vmem>>
      %dma_start3A_115 = arith.constant 0 : i32
      %dma_start3A_116 = tpu.memref_slice %arg15[%add3A_93, %dma_start3A_115] : memref<10240x128xf32, #tpu.memory_space<vmem_shared>> -> memref<128x128xf32, #tpu.memory_space<vmem_shared>>
      %dma_start3A_117 = arith.constant 0 : i32
      %dma_start3A_118 = arith.constant 0 : i32
      %dma_start3A_119 = tpu.memref_slice %arg14[%run_scoped3A_94, %dma_start3A_117, %dma_start3A_118] : memref<2x128x128xf32, #tpu.memory_space<vmem>> -> memref<1x128x128xf32, #tpu.memory_space<vmem>>
      %dma_start3A_120 = tpu.memref_squeeze %dma_start3A_119 : memref<1x128x128xf32, #tpu.memory_space<vmem>> -> memref<128x128xf32, #tpu.memory_space<vmem>>
      %dma_start3A_121 = arith.constant 0 : i32
      %dma_start3A_122 = tpu.memref_slice %arg15[%add3A_93, %dma_start3A_121] : memref<10240x128xf32, #tpu.memory_space<vmem_shared>> -> memref<128x128xf32, #tpu.memory_space<vmem_shared>>
      tpu.enqueue_dma source(%dma_start3A_122 : memref<128x128xf32, #tpu.memory_space<vmem_shared>>) target(%dma_start3A_120 : memref<128x128xf32, #tpu.memory_space<vmem>>) target_semaphore(%run_scoped3A_110 : memref<!tpu.dma_semaphore, #tpu.memory_space<semaphore_mem>>)
      %dma_wait3A = arith.constant 0 : i32
      %dma_wait3A_123 = arith.constant 0 : i32
      %dma_wait3A_124 = tpu.memref_slice %arg14[%run_scoped3A_94, %dma_wait3A, %dma_wait3A_123] : memref<2x128x128xf32, #tpu.memory_space<vmem>> -> memref<1x128x128xf32, #tpu.memory_space<vmem>>
      %dma_wait3A_125 = tpu.memref_squeeze %dma_wait3A_124 : memref<1x128x128xf32, #tpu.memory_space<vmem>> -> memref<128x128xf32, #tpu.memory_space<vmem>>
      %dma_wait3A_126 = arith.constant 0 : i32
      %dma_wait3A_127 = tpu.memref_slice %arg15[%add3A_93, %dma_wait3A_126] : memref<10240x128xf32, #tpu.memory_space<vmem_shared>> -> memref<128x128xf32, #tpu.memory_space<vmem_shared>>
      %dma_wait3A_128 = arith.constant 0 : i32
      %dma_wait3A_129 = arith.constant 0 : i32
      %dma_wait3A_130 = tpu.memref_slice %arg14[%run_scoped3A_94, %dma_wait3A_128, %dma_wait3A_129] : memref<2x128x128xf32, #tpu.memory_space<vmem>> -> memref<1x128x128xf32, #tpu.memory_space<vmem>>
      %dma_wait3A_131 = tpu.memref_squeeze %dma_wait3A_130 : memref<1x128x128xf32, #tpu.memory_space<vmem>> -> memref<128x128xf32, #tpu.memory_space<vmem>>
      %dma_wait3A_132 = arith.constant 0 : i32
      %dma_wait3A_133 = tpu.memref_slice %arg15[%add3A_93, %dma_wait3A_132] : memref<10240x128xf32, #tpu.memory_space<vmem_shared>> -> memref<128x128xf32, #tpu.memory_space<vmem_shared>>
      tpu.wait_dma2 semaphore(%run_scoped3A_110 : memref<!tpu.dma_semaphore, #tpu.memory_space<semaphore_mem>>) src(%dma_wait3A_133 : memref<128x128xf32, #tpu.memory_space<vmem_shared>>) dst(%dma_wait3A_131 : memref<128x128xf32, #tpu.memory_space<vmem>>)
      tpu.yield
    }) : () -> ()
    %add3A_95 = arith.constant 256 : i32
    %add3A_96 = arith.addi %mul3A_2, %add3A_95 : i32
    %run_scoped3A_97 = arith.constant 0 : i32
    "tpu.region"() ({
      %run_scoped3A_110 = tpu.sem_alloc : memref<!tpu.dma_semaphore, #tpu.memory_space<semaphore_mem>>
      %dma_start3A_111 = arith.constant 0 : i32
      %dma_start3A_112 = arith.constant 0 : i32
      %dma_start3A_113 = tpu.memref_slice %arg14[%run_scoped3A_97, %dma_start3A_111, %dma_start3A_112] : memref<2x128x128xf32, #tpu.memory_space<vmem>> -> memref<1x128x128xf32, #tpu.memory_space<vmem>>
      %dma_start3A_114 = tpu.memref_squeeze %dma_start3A_113 : memref<1x128x128xf32, #tpu.memory_space<vmem>> -> memref<128x128xf32, #tpu.memory_space<vmem>>
      %dma_start3A_115 = arith.constant 0 : i32
      %dma_start3A_116 = tpu.memref_slice %arg5[%arg0, %add3A_96, %dma_start3A_115] : memref<2x10240x128xf32, #tpu.memory_space<hbm>> -> memref<1x128x128xf32, #tpu.memory_space<hbm>>
      %dma_start3A_117 = tpu.memref_squeeze %dma_start3A_116 : memref<1x128x128xf32, #tpu.memory_space<hbm>> -> memref<128x128xf32, #tpu.memory_space<hbm>>
      %dma_start3A_118 = arith.constant 0 : i32
      %dma_start3A_119 = tpu.memref_slice %arg5[%arg0, %add3A_96, %dma_start3A_118] : memref<2x10240x128xf32, #tpu.memory_space<hbm>> -> memref<1x128x128xf32, #tpu.memory_space<hbm>>
      %dma_start3A_120 = tpu.memref_squeeze %dma_start3A_119 : memref<1x128x128xf32, #tpu.memory_space<hbm>> -> memref<128x128xf32, #tpu.memory_space<hbm>>
      %dma_start3A_121 = arith.constant 0 : i32
      %dma_start3A_122 = arith.constant 0 : i32
      %dma_start3A_123 = tpu.memref_slice %arg14[%run_scoped3A_97, %dma_start3A_121, %dma_start3A_122] : memref<2x128x128xf32, #tpu.memory_space<vmem>> -> memref<1x128x128xf32, #tpu.memory_space<vmem>>
      %dma_start3A_124 = tpu.memref_squeeze %dma_start3A_123 : memref<1x128x128xf32, #tpu.memory_space<vmem>> -> memref<128x128xf32, #tpu.memory_space<vmem>>
      tpu.enqueue_dma source(%dma_start3A_124 : memref<128x128xf32, #tpu.memory_space<vmem>>) target(%dma_start3A_120 : memref<128x128xf32, #tpu.memory_space<hbm>>) target_semaphore(%run_scoped3A_110 : memref<!tpu.dma_semaphore, #tpu.memory_space<semaphore_mem>>)
      %dma_wait3A = arith.constant 0 : i32
      %dma_wait3A_125 = arith.constant 0 : i32
      %dma_wait3A_126 = tpu.memref_slice %arg14[%run_scoped3A_97, %dma_wait3A, %dma_wait3A_125] : memref<2x128x128xf32, #tpu.memory_space<vmem>> -> memref<1x128x128xf32, #tpu.memory_space<vmem>>
      %dma_wait3A_127 = tpu.memref_squeeze %dma_wait3A_126 : memref<1x128x128xf32, #tpu.memory_space<vmem>> -> memref<128x128xf32, #tpu.memory_space<vmem>>
      %dma_wait3A_128 = arith.constant 0 : i32
      %dma_wait3A_129 = tpu.memref_slice %arg5[%arg0, %add3A_96, %dma_wait3A_128] : memref<2x10240x128xf32, #tpu.memory_space<hbm>> -> memref<1x128x128xf32, #tpu.memory_space<hbm>>
      %dma_wait3A_130 = tpu.memref_squeeze %dma_wait3A_129 : memref<1x128x128xf32, #tpu.memory_space<hbm>> -> memref<128x128xf32, #tpu.memory_space<hbm>>
      %dma_wait3A_131 = arith.constant 0 : i32
      %dma_wait3A_132 = tpu.memref_slice %arg5[%arg0, %add3A_96, %dma_wait3A_131] : memref<2x10240x128xf32, #tpu.memory_space<hbm>> -> memref<1x128x128xf32, #tpu.memory_space<hbm>>
      %dma_wait3A_133 = tpu.memref_squeeze %dma_wait3A_132 : memref<1x128x128xf32, #tpu.memory_space<hbm>> -> memref<128x128xf32, #tpu.memory_space<hbm>>
      %dma_wait3A_134 = arith.constant 0 : i32
      %dma_wait3A_135 = arith.constant 0 : i32
      %dma_wait3A_136 = tpu.memref_slice %arg14[%run_scoped3A_97, %dma_wait3A_134, %dma_wait3A_135] : memref<2x128x128xf32, #tpu.memory_space<vmem>> -> memref<1x128x128xf32, #tpu.memory_space<vmem>>
      %dma_wait3A_137 = tpu.memref_squeeze %dma_wait3A_136 : memref<1x128x128xf32, #tpu.memory_space<vmem>> -> memref<128x128xf32, #tpu.memory_space<vmem>>
      tpu.wait_dma2 semaphore(%run_scoped3A_110 : memref<!tpu.dma_semaphore, #tpu.memory_space<semaphore_mem>>) src(%dma_wait3A_137 : memref<128x128xf32, #tpu.memory_space<vmem>>) dst(%dma_wait3A_133 : memref<128x128xf32, #tpu.memory_space<hbm>>)
      tpu.yield
    }) : () -> ()
    %add3A_98 = arith.constant 384 : i32
    %add3A_99 = arith.addi %mul3A_2, %add3A_98 : i32
    %run_scoped3A_100 = arith.constant 0 : i32
    "tpu.region"() ({
      %run_scoped3A_110 = tpu.sem_alloc : memref<!tpu.dma_semaphore, #tpu.memory_space<semaphore_mem>>
      %dma_start3A_111 = arith.constant 0 : i32
      %dma_start3A_112 = arith.constant 0 : i32
      %dma_start3A_113 = tpu.memref_slice %arg14[%run_scoped3A_100, %dma_start3A_111, %dma_start3A_112] : memref<2x128x128xf32, #tpu.memory_space<vmem>> -> memref<1x128x128xf32, #tpu.memory_space<vmem>>
      %dma_start3A_114 = tpu.memref_squeeze %dma_start3A_113 : memref<1x128x128xf32, #tpu.memory_space<vmem>> -> memref<128x128xf32, #tpu.memory_space<vmem>>
      %dma_start3A_115 = arith.constant 0 : i32
      %dma_start3A_116 = tpu.memref_slice %arg15[%add3A_99, %dma_start3A_115] : memref<10240x128xf32, #tpu.memory_space<vmem_shared>> -> memref<128x128xf32, #tpu.memory_space<vmem_shared>>
      %dma_start3A_117 = arith.constant 0 : i32
      %dma_start3A_118 = arith.constant 0 : i32
      %dma_start3A_119 = tpu.memref_slice %arg14[%run_scoped3A_100, %dma_start3A_117, %dma_start3A_118] : memref<2x128x128xf32, #tpu.memory_space<vmem>> -> memref<1x128x128xf32, #tpu.memory_space<vmem>>
      %dma_start3A_120 = tpu.memref_squeeze %dma_start3A_119 : memref<1x128x128xf32, #tpu.memory_space<vmem>> -> memref<128x128xf32, #tpu.memory_space<vmem>>
      %dma_start3A_121 = arith.constant 0 : i32
      %dma_start3A_122 = tpu.memref_slice %arg15[%add3A_99, %dma_start3A_121] : memref<10240x128xf32, #tpu.memory_space<vmem_shared>> -> memref<128x128xf32, #tpu.memory_space<vmem_shared>>
      tpu.enqueue_dma source(%dma_start3A_122 : memref<128x128xf32, #tpu.memory_space<vmem_shared>>) target(%dma_start3A_120 : memref<128x128xf32, #tpu.memory_space<vmem>>) target_semaphore(%run_scoped3A_110 : memref<!tpu.dma_semaphore, #tpu.memory_space<semaphore_mem>>)
      %dma_wait3A = arith.constant 0 : i32
      %dma_wait3A_123 = arith.constant 0 : i32
      %dma_wait3A_124 = tpu.memref_slice %arg14[%run_scoped3A_100, %dma_wait3A, %dma_wait3A_123] : memref<2x128x128xf32, #tpu.memory_space<vmem>> -> memref<1x128x128xf32, #tpu.memory_space<vmem>>
      %dma_wait3A_125 = tpu.memref_squeeze %dma_wait3A_124 : memref<1x128x128xf32, #tpu.memory_space<vmem>> -> memref<128x128xf32, #tpu.memory_space<vmem>>
      %dma_wait3A_126 = arith.constant 0 : i32
      %dma_wait3A_127 = tpu.memref_slice %arg15[%add3A_99, %dma_wait3A_126] : memref<10240x128xf32, #tpu.memory_space<vmem_shared>> -> memref<128x128xf32, #tpu.memory_space<vmem_shared>>
      %dma_wait3A_128 = arith.constant 0 : i32
      %dma_wait3A_129 = arith.constant 0 : i32
      %dma_wait3A_130 = tpu.memref_slice %arg14[%run_scoped3A_100, %dma_wait3A_128, %dma_wait3A_129] : memref<2x128x128xf32, #tpu.memory_space<vmem>> -> memref<1x128x128xf32, #tpu.memory_space<vmem>>
      %dma_wait3A_131 = tpu.memref_squeeze %dma_wait3A_130 : memref<1x128x128xf32, #tpu.memory_space<vmem>> -> memref<128x128xf32, #tpu.memory_space<vmem>>
      %dma_wait3A_132 = arith.constant 0 : i32
      %dma_wait3A_133 = tpu.memref_slice %arg15[%add3A_99, %dma_wait3A_132] : memref<10240x128xf32, #tpu.memory_space<vmem_shared>> -> memref<128x128xf32, #tpu.memory_space<vmem_shared>>
      tpu.wait_dma2 semaphore(%run_scoped3A_110 : memref<!tpu.dma_semaphore, #tpu.memory_space<semaphore_mem>>) src(%dma_wait3A_133 : memref<128x128xf32, #tpu.memory_space<vmem_shared>>) dst(%dma_wait3A_131 : memref<128x128xf32, #tpu.memory_space<vmem>>)
      tpu.yield
    }) : () -> ()
    %add3A_101 = arith.constant 384 : i32
    %add3A_102 = arith.addi %mul3A_2, %add3A_101 : i32
    %run_scoped3A_103 = arith.constant 0 : i32
    "tpu.region"() ({
      %run_scoped3A_110 = tpu.sem_alloc : memref<!tpu.dma_semaphore, #tpu.memory_space<semaphore_mem>>
      %dma_start3A_111 = arith.constant 0 : i32
      %dma_start3A_112 = arith.constant 0 : i32
      %dma_start3A_113 = tpu.memref_slice %arg14[%run_scoped3A_103, %dma_start3A_111, %dma_start3A_112] : memref<2x128x128xf32, #tpu.memory_space<vmem>> -> memref<1x128x128xf32, #tpu.memory_space<vmem>>
      %dma_start3A_114 = tpu.memref_squeeze %dma_start3A_113 : memref<1x128x128xf32, #tpu.memory_space<vmem>> -> memref<128x128xf32, #tpu.memory_space<vmem>>
      %dma_start3A_115 = arith.constant 0 : i32
      %dma_start3A_116 = tpu.memref_slice %arg5[%arg0, %add3A_102, %dma_start3A_115] : memref<2x10240x128xf32, #tpu.memory_space<hbm>> -> memref<1x128x128xf32, #tpu.memory_space<hbm>>
      %dma_start3A_117 = tpu.memref_squeeze %dma_start3A_116 : memref<1x128x128xf32, #tpu.memory_space<hbm>> -> memref<128x128xf32, #tpu.memory_space<hbm>>
      %dma_start3A_118 = arith.constant 0 : i32
      %dma_start3A_119 = tpu.memref_slice %arg5[%arg0, %add3A_102, %dma_start3A_118] : memref<2x10240x128xf32, #tpu.memory_space<hbm>> -> memref<1x128x128xf32, #tpu.memory_space<hbm>>
      %dma_start3A_120 = tpu.memref_squeeze %dma_start3A_119 : memref<1x128x128xf32, #tpu.memory_space<hbm>> -> memref<128x128xf32, #tpu.memory_space<hbm>>
      %dma_start3A_121 = arith.constant 0 : i32
      %dma_start3A_122 = arith.constant 0 : i32
      %dma_start3A_123 = tpu.memref_slice %arg14[%run_scoped3A_103, %dma_start3A_121, %dma_start3A_122] : memref<2x128x128xf32, #tpu.memory_space<vmem>> -> memref<1x128x128xf32, #tpu.memory_space<vmem>>
      %dma_start3A_124 = tpu.memref_squeeze %dma_start3A_123 : memref<1x128x128xf32, #tpu.memory_space<vmem>> -> memref<128x128xf32, #tpu.memory_space<vmem>>
      tpu.enqueue_dma source(%dma_start3A_124 : memref<128x128xf32, #tpu.memory_space<vmem>>) target(%dma_start3A_120 : memref<128x128xf32, #tpu.memory_space<hbm>>) target_semaphore(%run_scoped3A_110 : memref<!tpu.dma_semaphore, #tpu.memory_space<semaphore_mem>>)
      %dma_wait3A = arith.constant 0 : i32
      %dma_wait3A_125 = arith.constant 0 : i32
      %dma_wait3A_126 = tpu.memref_slice %arg14[%run_scoped3A_103, %dma_wait3A, %dma_wait3A_125] : memref<2x128x128xf32, #tpu.memory_space<vmem>> -> memref<1x128x128xf32, #tpu.memory_space<vmem>>
      %dma_wait3A_127 = tpu.memref_squeeze %dma_wait3A_126 : memref<1x128x128xf32, #tpu.memory_space<vmem>> -> memref<128x128xf32, #tpu.memory_space<vmem>>
      %dma_wait3A_128 = arith.constant 0 : i32
      %dma_wait3A_129 = tpu.memref_slice %arg5[%arg0, %add3A_102, %dma_wait3A_128] : memref<2x10240x128xf32, #tpu.memory_space<hbm>> -> memref<1x128x128xf32, #tpu.memory_space<hbm>>
      %dma_wait3A_130 = tpu.memref_squeeze %dma_wait3A_129 : memref<1x128x128xf32, #tpu.memory_space<hbm>> -> memref<128x128xf32, #tpu.memory_space<hbm>>
      %dma_wait3A_131 = arith.constant 0 : i32
      %dma_wait3A_132 = tpu.memref_slice %arg5[%arg0, %add3A_102, %dma_wait3A_131] : memref<2x10240x128xf32, #tpu.memory_space<hbm>> -> memref<1x128x128xf32, #tpu.memory_space<hbm>>
      %dma_wait3A_133 = tpu.memref_squeeze %dma_wait3A_132 : memref<1x128x128xf32, #tpu.memory_space<hbm>> -> memref<128x128xf32, #tpu.memory_space<hbm>>
      %dma_wait3A_134 = arith.constant 0 : i32
      %dma_wait3A_135 = arith.constant 0 : i32
      %dma_wait3A_136 = tpu.memref_slice %arg14[%run_scoped3A_103, %dma_wait3A_134, %dma_wait3A_135] : memref<2x128x128xf32, #tpu.memory_space<vmem>> -> memref<1x128x128xf32, #tpu.memory_space<vmem>>
      %dma_wait3A_137 = tpu.memref_squeeze %dma_wait3A_136 : memref<1x128x128xf32, #tpu.memory_space<vmem>> -> memref<128x128xf32, #tpu.memory_space<vmem>>
      tpu.wait_dma2 semaphore(%run_scoped3A_110 : memref<!tpu.dma_semaphore, #tpu.memory_space<semaphore_mem>>) src(%dma_wait3A_137 : memref<128x128xf32, #tpu.memory_space<vmem>>) dst(%dma_wait3A_133 : memref<128x128xf32, #tpu.memory_space<hbm>>)
      tpu.yield
    }) : () -> ()
    %add3A_104 = arith.constant 512 : i32
    %add3A_105 = arith.addi %mul3A_2, %add3A_104 : i32
    %run_scoped3A_106 = arith.constant 0 : i32
    "tpu.region"() ({
      %run_scoped3A_110 = tpu.sem_alloc : memref<!tpu.dma_semaphore, #tpu.memory_space<semaphore_mem>>
      %dma_start3A_111 = arith.constant 0 : i32
      %dma_start3A_112 = arith.constant 0 : i32
      %dma_start3A_113 = tpu.memref_slice %arg14[%run_scoped3A_106, %dma_start3A_111, %dma_start3A_112] : memref<2x128x128xf32, #tpu.memory_space<vmem>> -> memref<1x128x128xf32, #tpu.memory_space<vmem>>
      %dma_start3A_114 = tpu.memref_squeeze %dma_start3A_113 : memref<1x128x128xf32, #tpu.memory_space<vmem>> -> memref<128x128xf32, #tpu.memory_space<vmem>>
      %dma_start3A_115 = arith.constant 0 : i32
      %dma_start3A_116 = tpu.memref_slice %arg15[%add3A_105, %dma_start3A_115] : memref<10240x128xf32, #tpu.memory_space<vmem_shared>> -> memref<128x128xf32, #tpu.memory_space<vmem_shared>>
      %dma_start3A_117 = arith.constant 0 : i32
      %dma_start3A_118 = arith.constant 0 : i32
      %dma_start3A_119 = tpu.memref_slice %arg14[%run_scoped3A_106, %dma_start3A_117, %dma_start3A_118] : memref<2x128x128xf32, #tpu.memory_space<vmem>> -> memref<1x128x128xf32, #tpu.memory_space<vmem>>
      %dma_start3A_120 = tpu.memref_squeeze %dma_start3A_119 : memref<1x128x128xf32, #tpu.memory_space<vmem>> -> memref<128x128xf32, #tpu.memory_space<vmem>>
      %dma_start3A_121 = arith.constant 0 : i32
      %dma_start3A_122 = tpu.memref_slice %arg15[%add3A_105, %dma_start3A_121] : memref<10240x128xf32, #tpu.memory_space<vmem_shared>> -> memref<128x128xf32, #tpu.memory_space<vmem_shared>>
      tpu.enqueue_dma source(%dma_start3A_122 : memref<128x128xf32, #tpu.memory_space<vmem_shared>>) target(%dma_start3A_120 : memref<128x128xf32, #tpu.memory_space<vmem>>) target_semaphore(%run_scoped3A_110 : memref<!tpu.dma_semaphore, #tpu.memory_space<semaphore_mem>>)
      %dma_wait3A = arith.constant 0 : i32
      %dma_wait3A_123 = arith.constant 0 : i32
      %dma_wait3A_124 = tpu.memref_slice %arg14[%run_scoped3A_106, %dma_wait3A, %dma_wait3A_123] : memref<2x128x128xf32, #tpu.memory_space<vmem>> -> memref<1x128x128xf32, #tpu.memory_space<vmem>>
      %dma_wait3A_125 = tpu.memref_squeeze %dma_wait3A_124 : memref<1x128x128xf32, #tpu.memory_space<vmem>> -> memref<128x128xf32, #tpu.memory_space<vmem>>
      %dma_wait3A_126 = arith.constant 0 : i32
      %dma_wait3A_127 = tpu.memref_slice %arg15[%add3A_105, %dma_wait3A_126] : memref<10240x128xf32, #tpu.memory_space<vmem_shared>> -> memref<128x128xf32, #tpu.memory_space<vmem_shared>>
      %dma_wait3A_128 = arith.constant 0 : i32
      %dma_wait3A_129 = arith.constant 0 : i32
      %dma_wait3A_130 = tpu.memref_slice %arg14[%run_scoped3A_106, %dma_wait3A_128, %dma_wait3A_129] : memref<2x128x128xf32, #tpu.memory_space<vmem>> -> memref<1x128x128xf32, #tpu.memory_space<vmem>>
      %dma_wait3A_131 = tpu.memref_squeeze %dma_wait3A_130 : memref<1x128x128xf32, #tpu.memory_space<vmem>> -> memref<128x128xf32, #tpu.memory_space<vmem>>
      %dma_wait3A_132 = arith.constant 0 : i32
      %dma_wait3A_133 = tpu.memref_slice %arg15[%add3A_105, %dma_wait3A_132] : memref<10240x128xf32, #tpu.memory_space<vmem_shared>> -> memref<128x128xf32, #tpu.memory_space<vmem_shared>>
      tpu.wait_dma2 semaphore(%run_scoped3A_110 : memref<!tpu.dma_semaphore, #tpu.memory_space<semaphore_mem>>) src(%dma_wait3A_133 : memref<128x128xf32, #tpu.memory_space<vmem_shared>>) dst(%dma_wait3A_131 : memref<128x128xf32, #tpu.memory_space<vmem>>)
      tpu.yield
    }) : () -> ()
    %add3A_107 = arith.constant 512 : i32
    %add3A_108 = arith.addi %mul3A_2, %add3A_107 : i32
    %run_scoped3A_109 = arith.constant 0 : i32
    "tpu.region"() ({
      %run_scoped3A_110 = tpu.sem_alloc : memref<!tpu.dma_semaphore, #tpu.memory_space<semaphore_mem>>
      %dma_start3A_111 = arith.constant 0 : i32
      %dma_start3A_112 = arith.constant 0 : i32
      %dma_start3A_113 = tpu.memref_slice %arg14[%run_scoped3A_109, %dma_start3A_111, %dma_start3A_112] : memref<2x128x128xf32, #tpu.memory_space<vmem>> -> memref<1x128x128xf32, #tpu.memory_space<vmem>>
      %dma_start3A_114 = tpu.memref_squeeze %dma_start3A_113 : memref<1x128x128xf32, #tpu.memory_space<vmem>> -> memref<128x128xf32, #tpu.memory_space<vmem>>
      %dma_start3A_115 = arith.constant 0 : i32
      %dma_start3A_116 = tpu.memref_slice %arg5[%arg0, %add3A_108, %dma_start3A_115] : memref<2x10240x128xf32, #tpu.memory_space<hbm>> -> memref<1x128x128xf32, #tpu.memory_space<hbm>>
      %dma_start3A_117 = tpu.memref_squeeze %dma_start3A_116 : memref<1x128x128xf32, #tpu.memory_space<hbm>> -> memref<128x128xf32, #tpu.memory_space<hbm>>
      %dma_start3A_118 = arith.constant 0 : i32
      %dma_start3A_119 = tpu.memref_slice %arg5[%arg0, %add3A_108, %dma_start3A_118] : memref<2x10240x128xf32, #tpu.memory_space<hbm>> -> memref<1x128x128xf32, #tpu.memory_space<hbm>>
      %dma_start3A_120 = tpu.memref_squeeze %dma_start3A_119 : memref<1x128x128xf32, #tpu.memory_space<hbm>> -> memref<128x128xf32, #tpu.memory_space<hbm>>
      %dma_start3A_121 = arith.constant 0 : i32
      %dma_start3A_122 = arith.constant 0 : i32
      %dma_start3A_123 = tpu.memref_slice %arg14[%run_scoped3A_109, %dma_start3A_121, %dma_start3A_122] : memref<2x128x128xf32, #tpu.memory_space<vmem>> -> memref<1x128x128xf32, #tpu.memory_space<vmem>>
      %dma_start3A_124 = tpu.memref_squeeze %dma_start3A_123 : memref<1x128x128xf32, #tpu.memory_space<vmem>> -> memref<128x128xf32, #tpu.memory_space<vmem>>
      tpu.enqueue_dma source(%dma_start3A_124 : memref<128x128xf32, #tpu.memory_space<vmem>>) target(%dma_start3A_120 : memref<128x128xf32, #tpu.memory_space<hbm>>) target_semaphore(%run_scoped3A_110 : memref<!tpu.dma_semaphore, #tpu.memory_space<semaphore_mem>>)
      %dma_wait3A = arith.constant 0 : i32
      %dma_wait3A_125 = arith.constant 0 : i32
      %dma_wait3A_126 = tpu.memref_slice %arg14[%run_scoped3A_109, %dma_wait3A, %dma_wait3A_125] : memref<2x128x128xf32, #tpu.memory_space<vmem>> -> memref<1x128x128xf32, #tpu.memory_space<vmem>>
      %dma_wait3A_127 = tpu.memref_squeeze %dma_wait3A_126 : memref<1x128x128xf32, #tpu.memory_space<vmem>> -> memref<128x128xf32, #tpu.memory_space<vmem>>
      %dma_wait3A_128 = arith.constant 0 : i32
      %dma_wait3A_129 = tpu.memref_slice %arg5[%arg0, %add3A_108, %dma_wait3A_128] : memref<2x10240x128xf32, #tpu.memory_space<hbm>> -> memref<1x128x128xf32, #tpu.memory_space<hbm>>
      %dma_wait3A_130 = tpu.memref_squeeze %dma_wait3A_129 : memref<1x128x128xf32, #tpu.memory_space<hbm>> -> memref<128x128xf32, #tpu.memory_space<hbm>>
      %dma_wait3A_131 = arith.constant 0 : i32
      %dma_wait3A_132 = tpu.memref_slice %arg5[%arg0, %add3A_108, %dma_wait3A_131] : memref<2x10240x128xf32, #tpu.memory_space<hbm>> -> memref<1x128x128xf32, #tpu.memory_space<hbm>>
      %dma_wait3A_133 = tpu.memref_squeeze %dma_wait3A_132 : memref<1x128x128xf32, #tpu.memory_space<hbm>> -> memref<128x128xf32, #tpu.memory_space<hbm>>
      %dma_wait3A_134 = arith.constant 0 : i32
      %dma_wait3A_135 = arith.constant 0 : i32
      %dma_wait3A_136 = tpu.memref_slice %arg14[%run_scoped3A_109, %dma_wait3A_134, %dma_wait3A_135] : memref<2x128x128xf32, #tpu.memory_space<vmem>> -> memref<1x128x128xf32, #tpu.memory_space<vmem>>
      %dma_wait3A_137 = tpu.memref_squeeze %dma_wait3A_136 : memref<1x128x128xf32, #tpu.memory_space<vmem>> -> memref<128x128xf32, #tpu.memory_space<vmem>>
      tpu.wait_dma2 semaphore(%run_scoped3A_110 : memref<!tpu.dma_semaphore, #tpu.memory_space<semaphore_mem>>) src(%dma_wait3A_137 : memref<128x128xf32, #tpu.memory_space<vmem>>) dst(%dma_wait3A_133 : memref<128x128xf32, #tpu.memory_space<hbm>>)
      tpu.yield
    }) : () -> ()
    return
  }
}

#map = affine_map<(d0, d1) -> (0, 0)>
#map1 = affine_map<(d0, d1) -> (0, 0, 0)>
module attributes {stable_mosaic.version = 14 : i64} {
  func.func @body(%arg0: i32, %arg1: i32, %arg2: memref<10000x128xf32, #tpu.memory_space<hbm>>, %arg3: memref<2560x128xi32, #tpu.memory_space<hbm>>, %arg4: memref<2560x128xi32, #tpu.memory_space<hbm>>, %arg5: memref<2x10240x128xf32, #tpu.memory_space<hbm>>, %arg6: memref<128xi32, #tpu.memory_space<vmem>>, %arg7: memref<128xi32, #tpu.memory_space<vmem>>, %arg8: memref<128xi32, #tpu.memory_space<vmem>>, %arg9: memref<128xi32, #tpu.memory_space<vmem>>, %arg10: memref<128xi32, #tpu.memory_space<vmem>>, %arg11: memref<128xi32, #tpu.memory_space<vmem>>, %arg12: memref<128xi32, #tpu.memory_space<vmem>>, %arg13: memref<128xi32, #tpu.memory_space<vmem>>, %arg14: memref<2x128x128xf32, #tpu.memory_space<vmem>>, %arg15: memref<10240x128xf32, #tpu.memory_space<vmem_shared>>, %arg16: memref<!tpu.dma_semaphore, #tpu.memory_space<semaphore_mem>>, %arg17: memref<!tpu.dma_semaphore, #tpu.memory_space<semaphore_mem>>, %arg18: memref<!tpu.dma_semaphore, #tpu.memory_space<semaphore_mem>>, %arg19: memref<!tpu.dma_semaphore, #tpu.memory_space<semaphore_mem>>, %arg20: memref<!tpu.dma_semaphore, #tpu.memory_space<semaphore_mem>>, %arg21: memref<!tpu.dma_semaphore, #tpu.memory_space<semaphore_mem>>) attributes {dimension_semantics = [#tpu.dimension_semantics<core_parallel>, #tpu.dimension_semantics<subcore_parallel>], iteration_bounds = array<i64: 2, 16>, scalar_prefetch = 0 : i64, scratch_operands = 16 : i64, tpu.core_type = #tpu.core_type<sc_vector_subcore>, window_params = [{transform_indices = #map}, {transform_indices = #map}, {transform_indices = #map}, {transform_indices = #map1}]} {
    %mul3A = arith.constant 16 : i32
    %mul3A_0 = arith.muli %arg0, %mul3A : i32
    %add3A = arith.addi %mul3A_0, %arg1 : i32
    %mul3A_1 = arith.constant 640 : i32
    %mul3A_2 = arith.muli %arg1, %mul3A_1 : i32
    %broadcast_in_dim3A = arith.constant 0.000000e+00 : f32
    %broadcast_in_dim3A_3 = vector.broadcast %broadcast_in_dim3A : f32 to vector<16xf32>
    %scan3A = arith.constant 0 : i32
    %scan3A_4 = arith.constant 0 : i32
    %scan3A_5 = arith.constant 0 : i32
    %scan3A_6 = arith.constant 128 : i32
    %scan3A_7 = arith.addi %scan3A_5, %scan3A_6 : i32
    %scan3A_8 = arith.constant 1 : i32
    %scan3A_9 = scf.for %scan3A_110 = %scan3A_5 to %scan3A_7 step %scan3A_8 iter_args(%scan3A_111 = %scan3A_4) -> (i32)  : i32 {
      %swap3A = arith.constant 0 : i32
      %swap3A_112 = arith.constant 0 : i32
      %swap3A_113 = tpu.memref_slice %arg14[%scan3A, %swap3A, %swap3A_112] : memref<2x128x128xf32, #tpu.memory_space<vmem>> -> memref<1x128x128xf32, #tpu.memory_space<vmem>>
      %swap3A_114 = tpu.memref_squeeze %swap3A_113 : memref<1x128x128xf32, #tpu.memory_space<vmem>> -> memref<128x128xf32, #tpu.memory_space<vmem>>
      %swap3A_115 = arith.index_cast %scan3A_110 : i32 to index
      %swap3A_116 = arith.constant 0 : index
      %swap3A_117 = tpu.vector_load %swap3A_114[%swap3A_115, %swap3A_116] {strides = array<i32>} : memref<128x128xf32, #tpu.memory_space<vmem>>, vector<1x16xf32>,
      %swap3A_118 = vector.shape_cast %swap3A_117 : vector<1x16xf32> to vector<16xf32>
      %swap3A_119 = vector.shape_cast %broadcast_in_dim3A_3 : vector<16xf32> to vector<1x16xf32>
      tpu.vector_store %swap3A_114[%swap3A_115, %swap3A_116], %swap3A_119 {strides = array<i32>} : memref<128x128xf32, #tpu.memory_space<vmem>>, vector<1x16xf32>,
      %swap3A_120 = arith.constant 0 : i32
      %swap3A_121 = arith.constant 0 : i32
      %swap3A_122 = tpu.memref_slice %arg14[%scan3A, %swap3A_120, %swap3A_121] : memref<2x128x128xf32, #tpu.memory_space<vmem>> -> memref<1x128x128xf32, #tpu.memory_space<vmem>>
      %swap3A_123 = tpu.memref_squeeze %swap3A_122 : memref<1x128x128xf32, #tpu.memory_space<vmem>> -> memref<128x128xf32, #tpu.memory_space<vmem>>
      %swap3A_124 = arith.index_cast %scan3A_110 : i32 to index
      %swap3A_125 = arith.constant 16 : index
      %swap3A_126 = tpu.vector_load %swap3A_123[%swap3A_124, %swap3A_125] {strides = array<i32>} : memref<128x128xf32, #tpu.memory_space<vmem>>, vector<1x16xf32>,
      %swap3A_127 = vector.shape_cast %swap3A_126 : vector<1x16xf32> to vector<16xf32>
      %swap3A_128 = vector.shape_cast %broadcast_in_dim3A_3 : vector<16xf32> to vector<1x16xf32>
      tpu.vector_store %swap3A_123[%swap3A_124, %swap3A_125], %swap3A_128 {strides = array<i32>} : memref<128x128xf32, #tpu.memory_space<vmem>>, vector<1x16xf32>,
      %swap3A_129 = arith.constant 0 : i32
      %swap3A_130 = arith.constant 0 : i32
      %swap3A_131 = tpu.memref_slice %arg14[%scan3A, %swap3A_129, %swap3A_130] : memref<2x128x128xf32, #tpu.memory_space<vmem>> -> memref<1x128x128xf32, #tpu.memory_space<vmem>>
      %swap3A_132 = tpu.memref_squeeze %swap3A_131 : memref<1x128x128xf32, #tpu.memory_space<vmem>> -> memref<128x128xf32, #tpu.memory_space<vmem>>
      %swap3A_133 = arith.index_cast %scan3A_110 : i32 to index
      %swap3A_134 = arith.constant 32 : index
      %swap3A_135 = tpu.vector_load %swap3A_132[%swap3A_133, %swap3A_134] {strides = array<i32>} : memref<128x128xf32, #tpu.memory_space<vmem>>, vector<1x16xf32>,
      %swap3A_136 = vector.shape_cast %swap3A_135 : vector<1x16xf32> to vector<16xf32>
      %swap3A_137 = vector.shape_cast %broadcast_in_dim3A_3 : vector<16xf32> to vector<1x16xf32>
      tpu.vector_store %swap3A_132[%swap3A_133, %swap3A_134], %swap3A_137 {strides = array<i32>} : memref<128x128xf32, #tpu.memory_space<vmem>>, vector<1x16xf32>,
      %swap3A_138 = arith.constant 0 : i32
      %swap3A_139 = arith.constant 0 : i32
      %swap3A_140 = tpu.memref_slice %arg14[%scan3A, %swap3A_138, %swap3A_139] : memref<2x128x128xf32, #tpu.memory_space<vmem>> -> memref<1x128x128xf32, #tpu.memory_space<vmem>>
      %swap3A_141 = tpu.memref_squeeze %swap3A_140 : memref<1x128x128xf32, #tpu.memory_space<vmem>> -> memref<128x128xf32, #tpu.memory_space<vmem>>
      %swap3A_142 = arith.index_cast %scan3A_110 : i32 to index
      %swap3A_143 = arith.constant 48 : index
      %swap3A_144 = tpu.vector_load %swap3A_141[%swap3A_142, %swap3A_143] {strides = array<i32>} : memref<128x128xf32, #tpu.memory_space<vmem>>, vector<1x16xf32>,
      %swap3A_145 = vector.shape_cast %swap3A_144 : vector<1x16xf32> to vector<16xf32>
      %swap3A_146 = vector.shape_cast %broadcast_in_dim3A_3 : vector<16xf32> to vector<1x16xf32>
      tpu.vector_store %swap3A_141[%swap3A_142, %swap3A_143], %swap3A_146 {strides = array<i32>} : memref<128x128xf32, #tpu.memory_space<vmem>>, vector<1x16xf32>,
      %swap3A_147 = arith.constant 0 : i32
      %swap3A_148 = arith.constant 0 : i32
      %swap3A_149 = tpu.memref_slice %arg14[%scan3A, %swap3A_147, %swap3A_148] : memref<2x128x128xf32, #tpu.memory_space<vmem>> -> memref<1x128x128xf32, #tpu.memory_space<vmem>>
      %swap3A_150 = tpu.memref_squeeze %swap3A_149 : memref<1x128x128xf32, #tpu.memory_space<vmem>> -> memref<128x128xf32, #tpu.memory_space<vmem>>
      %swap3A_151 = arith.index_cast %scan3A_110 : i32 to index
      %swap3A_152 = arith.constant 64 : index
      %swap3A_153 = tpu.vector_load %swap3A_150[%swap3A_151, %swap3A_152] {strides = array<i32>} : memref<128x128xf32, #tpu.memory_space<vmem>>, vector<1x16xf32>,
      %swap3A_154 = vector.shape_cast %swap3A_153 : vector<1x16xf32> to vector<16xf32>
      %swap3A_155 = vector.shape_cast %broadcast_in_dim3A_3 : vector<16xf32> to vector<1x16xf32>
      tpu.vector_store %swap3A_150[%swap3A_151, %swap3A_152], %swap3A_155 {strides = array<i32>} : memref<128x128xf32, #tpu.memory_space<vmem>>, vector<1x16xf32>,
      %swap3A_156 = arith.constant 0 : i32
      %swap3A_157 = arith.constant 0 : i32
      %swap3A_158 = tpu.memref_slice %arg14[%scan3A, %swap3A_156, %swap3A_157] : memref<2x128x128xf32, #tpu.memory_space<vmem>> -> memref<1x128x128xf32, #tpu.memory_space<vmem>>
      %swap3A_159 = tpu.memref_squeeze %swap3A_158 : memref<1x128x128xf32, #tpu.memory_space<vmem>> -> memref<128x128xf32, #tpu.memory_space<vmem>>
      %swap3A_160 = arith.index_cast %scan3A_110 : i32 to index
      %swap3A_161 = arith.constant 80 : index
      %swap3A_162 = tpu.vector_load %swap3A_159[%swap3A_160, %swap3A_161] {strides = array<i32>} : memref<128x128xf32, #tpu.memory_space<vmem>>, vector<1x16xf32>,
      %swap3A_163 = vector.shape_cast %swap3A_162 : vector<1x16xf32> to vector<16xf32>
      %swap3A_164 = vector.shape_cast %broadcast_in_dim3A_3 : vector<16xf32> to vector<1x16xf32>
      tpu.vector_store %swap3A_159[%swap3A_160, %swap3A_161], %swap3A_164 {strides = array<i32>} : memref<128x128xf32, #tpu.memory_space<vmem>>, vector<1x16xf32>,
      %swap3A_165 = arith.constant 0 : i32
      %swap3A_166 = arith.constant 0 : i32
      %swap3A_167 = tpu.memref_slice %arg14[%scan3A, %swap3A_165, %swap3A_166] : memref<2x128x128xf32, #tpu.memory_space<vmem>> -> memref<1x128x128xf32, #tpu.memory_space<vmem>>
      %swap3A_168 = tpu.memref_squeeze %swap3A_167 : memref<1x128x128xf32, #tpu.memory_space<vmem>> -> memref<128x128xf32, #tpu.memory_space<vmem>>
      %swap3A_169 = arith.index_cast %scan3A_110 : i32 to index
      %swap3A_170 = arith.constant 96 : index
      %swap3A_171 = tpu.vector_load %swap3A_168[%swap3A_169, %swap3A_170] {strides = array<i32>} : memref<128x128xf32, #tpu.memory_space<vmem>>, vector<1x16xf32>,
      %swap3A_172 = vector.shape_cast %swap3A_171 : vector<1x16xf32> to vector<16xf32>
      %swap3A_173 = vector.shape_cast %broadcast_in_dim3A_3 : vector<16xf32> to vector<1x16xf32>
      tpu.vector_store %swap3A_168[%swap3A_169, %swap3A_170], %swap3A_173 {strides = array<i32>} : memref<128x128xf32, #tpu.memory_space<vmem>>, vector<1x16xf32>,
      %swap3A_174 = arith.constant 0 : i32
      %swap3A_175 = arith.constant 0 : i32
      %swap3A_176 = tpu.memref_slice %arg14[%scan3A, %swap3A_174, %swap3A_175] : memref<2x128x128xf32, #tpu.memory_space<vmem>> -> memref<1x128x128xf32, #tpu.memory_space<vmem>>
      %swap3A_177 = tpu.memref_squeeze %swap3A_176 : memref<1x128x128xf32, #tpu.memory_space<vmem>> -> memref<128x128xf32, #tpu.memory_space<vmem>>
      %swap3A_178 = arith.index_cast %scan3A_110 : i32 to index
      %swap3A_179 = arith.constant 112 : index
      %swap3A_180 = tpu.vector_load %swap3A_177[%swap3A_178, %swap3A_179] {strides = array<i32>} : memref<128x128xf32, #tpu.memory_space<vmem>>, vector<1x16xf32>,
      %swap3A_181 = vector.shape_cast %swap3A_180 : vector<1x16xf32> to vector<16xf32>
      %swap3A_182 = vector.shape_cast %broadcast_in_dim3A_3 : vector<16xf32> to vector<1x16xf32>
      tpu.vector_store %swap3A_177[%swap3A_178, %swap3A_179], %swap3A_182 {strides = array<i32>} : memref<128x128xf32, #tpu.memory_space<vmem>>, vector<1x16xf32>,
      %scan3A_183 = arith.constant 0 : i32
      scf.yield %scan3A_183 : i32
    }
    %scan3A_10 = arith.constant 128 : i32
    %add3A_11 = arith.constant 0 : i32
    %add3A_12 = arith.addi %mul3A_2, %add3A_11 : i32
    %run_scoped3A = arith.constant 0 : i32
    "tpu.region"() ({
      %run_scoped3A_110 = tpu.sem_alloc : memref<!tpu.dma_semaphore, #tpu.memory_space<semaphore_mem>>
      %dma_start3A_111 = arith.constant 0 : i32
      %dma_start3A_112 = arith.constant 0 : i32
      %dma_start3A_113 = tpu.memref_slice %arg14[%run_scoped3A, %dma_start3A_111, %dma_start3A_112] : memref<2x128x128xf32, #tpu.memory_space<vmem>> -> memref<1x128x128xf32, #tpu.memory_space<vmem>>
      %dma_start3A_114 = tpu.memref_squeeze %dma_start3A_113 : memref<1x128x128xf32, #tpu.memory_space<vmem>> -> memref<128x128xf32, #tpu.memory_space<vmem>>
      %dma_start3A_115 = arith.constant 0 : i32
      %dma_start3A_116 = tpu.memref_slice %arg15[%add3A_12, %dma_start3A_115] : memref<10240x128xf32, #tpu.memory_space<vmem_shared>> -> memref<128x128xf32, #tpu.memory_space<vmem_shared>>
      %dma_start3A_117 = arith.constant 0 : i32
      %dma_start3A_118 = tpu.memref_slice %arg15[%add3A_12, %dma_start3A_117] : memref<10240x128xf32, #tpu.memory_space<vmem_shared>> -> memref<128x128xf32, #tpu.memory_space<vmem_shared>>
      %dma_start3A_119 = arith.constant 0 : i32
      %dma_start3A_120 = arith.constant 0 : i32
      %dma_start3A_121 = tpu.memref_slice %arg14[%run_scoped3A, %dma_start3A_119, %dma_start3A_120] : memref<2x128x128xf32, #tpu.memory_space<vmem>> -> memref<1x128x128xf32, #tpu.memory_space<vmem>>
      %dma_start3A_122 = tpu.memref_squeeze %dma_start3A_121 : memref<1x128x128xf32, #tpu.memory_space<vmem>> -> memref<128x128xf32, #tpu.memory_space<vmem>>
      tpu.enqueue_dma source(%dma_start3A_122 : memref<128x128xf32, #tpu.memory_space<vmem>>) target(%dma_start3A_118 : memref<128x128xf32, #tpu.memory_space<vmem_shared>>) target_semaphore(%run_scoped3A_110 : memref<!tpu.dma_semaphore, #tpu.memory_space<semaphore_mem>>)
      %dma_wait3A = arith.constant 0 : i32
      %dma_wait3A_123 = arith.constant 0 : i32
      %dma_wait3A_124 = tpu.memref_slice %arg14[%run_scoped3A, %dma_wait3A, %dma_wait3A_123] : memref<2x128x128xf32, #tpu.memory_space<vmem>> -> memref<1x128x128xf32, #tpu.memory_space<vmem>>
      %dma_wait3A_125 = tpu.memref_squeeze %dma_wait3A_124 : memref<1x128x128xf32, #tpu.memory_space<vmem>> -> memref<128x128xf32, #tpu.memory_space<vmem>>
      %dma_wait3A_126 = arith.constant 0 : i32
      %dma_wait3A_127 = tpu.memref_slice %arg15[%add3A_12, %dma_wait3A_126] : memref<10240x128xf32, #tpu.memory_space<vmem_shared>> -> memref<128x128xf32, #tpu.memory_space<vmem_shared>>
      %dma_wait3A_128 = arith.constant 0 : i32
      %dma_wait3A_129 = tpu.memref_slice %arg15[%add3A_12, %dma_wait3A_128] : memref<10240x128xf32, #tpu.memory_space<vmem_shared>> -> memref<128x128xf32, #tpu.memory_space<vmem_shared>>
      %dma_wait3A_130 = arith.constant 0 : i32
      %dma_wait3A_131 = arith.constant 0 : i32
      %dma_wait3A_132 = tpu.memref_slice %arg14[%run_scoped3A, %dma_wait3A_130, %dma_wait3A_131] : memref<2x128x128xf32, #tpu.memory_space<vmem>> -> memref<1x128x128xf32, #tpu.memory_space<vmem>>
      %dma_wait3A_133 = tpu.memref_squeeze %dma_wait3A_132 : memref<1x128x128xf32, #tpu.memory_space<vmem>> -> memref<128x128xf32, #tpu.memory_space<vmem>>
      tpu.wait_dma2 semaphore(%run_scoped3A_110 : memref<!tpu.dma_semaphore, #tpu.memory_space<semaphore_mem>>) src(%dma_wait3A_133 : memref<128x128xf32, #tpu.memory_space<vmem>>) dst(%dma_wait3A_129 : memref<128x128xf32, #tpu.memory_space<vmem_shared>>)
      tpu.yield
    }) : () -> ()
    %add3A_13 = arith.constant 128 : i32
    %add3A_14 = arith.addi %mul3A_2, %add3A_13 : i32
    %run_scoped3A_15 = arith.constant 0 : i32
    "tpu.region"() ({
      %run_scoped3A_110 = tpu.sem_alloc : memref<!tpu.dma_semaphore, #tpu.memory_space<semaphore_mem>>
      %dma_start3A_111 = arith.constant 0 : i32
      %dma_start3A_112 = arith.constant 0 : i32
      %dma_start3A_113 = tpu.memref_slice %arg14[%run_scoped3A_15, %dma_start3A_111, %dma_start3A_112] : memref<2x128x128xf32, #tpu.memory_space<vmem>> -> memref<1x128x128xf32, #tpu.memory_space<vmem>>
      %dma_start3A_114 = tpu.memref_squeeze %dma_start3A_113 : memref<1x128x128xf32, #tpu.memory_space<vmem>> -> memref<128x128xf32, #tpu.memory_space<vmem>>
      %dma_start3A_115 = arith.constant 0 : i32
      %dma_start3A_116 = tpu.memref_slice %arg15[%add3A_14, %dma_start3A_115] : memref<10240x128xf32, #tpu.memory_space<vmem_shared>> -> memref<128x128xf32, #tpu.memory_space<vmem_shared>>
      %dma_start3A_117 = arith.constant 0 : i32
      %dma_start3A_118 = tpu.memref_slice %arg15[%add3A_14, %dma_start3A_117] : memref<10240x128xf32, #tpu.memory_space<vmem_shared>> -> memref<128x128xf32, #tpu.memory_space<vmem_shared>>
      %dma_start3A_119 = arith.constant 0 : i32
      %dma_start3A_120 = arith.constant 0 : i32
      %dma_start3A_121 = tpu.memref_slice %arg14[%run_scoped3A_15, %dma_start3A_119, %dma_start3A_120] : memref<2x128x128xf32, #tpu.memory_space<vmem>> -> memref<1x128x128xf32, #tpu.memory_space<vmem>>
      %dma_start3A_122 = tpu.memref_squeeze %dma_start3A_121 : memref<1x128x128xf32, #tpu.memory_space<vmem>> -> memref<128x128xf32, #tpu.memory_space<vmem>>
      tpu.enqueue_dma source(%dma_start3A_122 : memref<128x128xf32, #tpu.memory_space<vmem>>) target(%dma_start3A_118 : memref<128x128xf32, #tpu.memory_space<vmem_shared>>) target_semaphore(%run_scoped3A_110 : memref<!tpu.dma_semaphore, #tpu.memory_space<semaphore_mem>>)
      %dma_wait3A = arith.constant 0 : i32
      %dma_wait3A_123 = arith.constant 0 : i32
      %dma_wait3A_124 = tpu.memref_slice %arg14[%run_scoped3A_15, %dma_wait3A, %dma_wait3A_123] : memref<2x128x128xf32, #tpu.memory_space<vmem>> -> memref<1x128x128xf32, #tpu.memory_space<vmem>>
      %dma_wait3A_125 = tpu.memref_squeeze %dma_wait3A_124 : memref<1x128x128xf32, #tpu.memory_space<vmem>> -> memref<128x128xf32, #tpu.memory_space<vmem>>
      %dma_wait3A_126 = arith.constant 0 : i32
      %dma_wait3A_127 = tpu.memref_slice %arg15[%add3A_14, %dma_wait3A_126] : memref<10240x128xf32, #tpu.memory_space<vmem_shared>> -> memref<128x128xf32, #tpu.memory_space<vmem_shared>>
      %dma_wait3A_128 = arith.constant 0 : i32
      %dma_wait3A_129 = tpu.memref_slice %arg15[%add3A_14, %dma_wait3A_128] : memref<10240x128xf32, #tpu.memory_space<vmem_shared>> -> memref<128x128xf32, #tpu.memory_space<vmem_shared>>
      %dma_wait3A_130 = arith.constant 0 : i32
      %dma_wait3A_131 = arith.constant 0 : i32
      %dma_wait3A_132 = tpu.memref_slice %arg14[%run_scoped3A_15, %dma_wait3A_130, %dma_wait3A_131] : memref<2x128x128xf32, #tpu.memory_space<vmem>> -> memref<1x128x128xf32, #tpu.memory_space<vmem>>
      %dma_wait3A_133 = tpu.memref_squeeze %dma_wait3A_132 : memref<1x128x128xf32, #tpu.memory_space<vmem>> -> memref<128x128xf32, #tpu.memory_space<vmem>>
      tpu.wait_dma2 semaphore(%run_scoped3A_110 : memref<!tpu.dma_semaphore, #tpu.memory_space<semaphore_mem>>) src(%dma_wait3A_133 : memref<128x128xf32, #tpu.memory_space<vmem>>) dst(%dma_wait3A_129 : memref<128x128xf32, #tpu.memory_space<vmem_shared>>)
      tpu.yield
    }) : () -> ()
    %add3A_16 = arith.constant 256 : i32
    %add3A_17 = arith.addi %mul3A_2, %add3A_16 : i32
    %run_scoped3A_18 = arith.constant 0 : i32
    "tpu.region"() ({
      %run_scoped3A_110 = tpu.sem_alloc : memref<!tpu.dma_semaphore, #tpu.memory_space<semaphore_mem>>
      %dma_start3A_111 = arith.constant 0 : i32
      %dma_start3A_112 = arith.constant 0 : i32
      %dma_start3A_113 = tpu.memref_slice %arg14[%run_scoped3A_18, %dma_start3A_111, %dma_start3A_112] : memref<2x128x128xf32, #tpu.memory_space<vmem>> -> memref<1x128x128xf32, #tpu.memory_space<vmem>>
      %dma_start3A_114 = tpu.memref_squeeze %dma_start3A_113 : memref<1x128x128xf32, #tpu.memory_space<vmem>> -> memref<128x128xf32, #tpu.memory_space<vmem>>
      %dma_start3A_115 = arith.constant 0 : i32
      %dma_start3A_116 = tpu.memref_slice %arg15[%add3A_17, %dma_start3A_115] : memref<10240x128xf32, #tpu.memory_space<vmem_shared>> -> memref<128x128xf32, #tpu.memory_space<vmem_shared>>
      %dma_start3A_117 = arith.constant 0 : i32
      %dma_start3A_118 = tpu.memref_slice %arg15[%add3A_17, %dma_start3A_117] : memref<10240x128xf32, #tpu.memory_space<vmem_shared>> -> memref<128x128xf32, #tpu.memory_space<vmem_shared>>
      %dma_start3A_119 = arith.constant 0 : i32
      %dma_start3A_120 = arith.constant 0 : i32
      %dma_start3A_121 = tpu.memref_slice %arg14[%run_scoped3A_18, %dma_start3A_119, %dma_start3A_120] : memref<2x128x128xf32, #tpu.memory_space<vmem>> -> memref<1x128x128xf32, #tpu.memory_space<vmem>>
      %dma_start3A_122 = tpu.memref_squeeze %dma_start3A_121 : memref<1x128x128xf32, #tpu.memory_space<vmem>> -> memref<128x128xf32, #tpu.memory_space<vmem>>
      tpu.enqueue_dma source(%dma_start3A_122 : memref<128x128xf32, #tpu.memory_space<vmem>>) target(%dma_start3A_118 : memref<128x128xf32, #tpu.memory_space<vmem_shared>>) target_semaphore(%run_scoped3A_110 : memref<!tpu.dma_semaphore, #tpu.memory_space<semaphore_mem>>)
      %dma_wait3A = arith.constant 0 : i32
      %dma_wait3A_123 = arith.constant 0 : i32
      %dma_wait3A_124 = tpu.memref_slice %arg14[%run_scoped3A_18, %dma_wait3A, %dma_wait3A_123] : memref<2x128x128xf32, #tpu.memory_space<vmem>> -> memref<1x128x128xf32, #tpu.memory_space<vmem>>
      %dma_wait3A_125 = tpu.memref_squeeze %dma_wait3A_124 : memref<1x128x128xf32, #tpu.memory_space<vmem>> -> memref<128x128xf32, #tpu.memory_space<vmem>>
      %dma_wait3A_126 = arith.constant 0 : i32
      %dma_wait3A_127 = tpu.memref_slice %arg15[%add3A_17, %dma_wait3A_126] : memref<10240x128xf32, #tpu.memory_space<vmem_shared>> -> memref<128x128xf32, #tpu.memory_space<vmem_shared>>
      %dma_wait3A_128 = arith.constant 0 : i32
      %dma_wait3A_129 = tpu.memref_slice %arg15[%add3A_17, %dma_wait3A_128] : memref<10240x128xf32, #tpu.memory_space<vmem_shared>> -> memref<128x128xf32, #tpu.memory_space<vmem_shared>>
      %dma_wait3A_130 = arith.constant 0 : i32
      %dma_wait3A_131 = arith.constant 0 : i32
      %dma_wait3A_132 = tpu.memref_slice %arg14[%run_scoped3A_18, %dma_wait3A_130, %dma_wait3A_131] : memref<2x128x128xf32, #tpu.memory_space<vmem>> -> memref<1x128x128xf32, #tpu.memory_space<vmem>>
      %dma_wait3A_133 = tpu.memref_squeeze %dma_wait3A_132 : memref<1x128x128xf32, #tpu.memory_space<vmem>> -> memref<128x128xf32, #tpu.memory_space<vmem>>
      tpu.wait_dma2 semaphore(%run_scoped3A_110 : memref<!tpu.dma_semaphore, #tpu.memory_space<semaphore_mem>>) src(%dma_wait3A_133 : memref<128x128xf32, #tpu.memory_space<vmem>>) dst(%dma_wait3A_129 : memref<128x128xf32, #tpu.memory_space<vmem_shared>>)
      tpu.yield
    }) : () -> ()
    %add3A_19 = arith.constant 384 : i32
    %add3A_20 = arith.addi %mul3A_2, %add3A_19 : i32
    %run_scoped3A_21 = arith.constant 0 : i32
    "tpu.region"() ({
      %run_scoped3A_110 = tpu.sem_alloc : memref<!tpu.dma_semaphore, #tpu.memory_space<semaphore_mem>>
      %dma_start3A_111 = arith.constant 0 : i32
      %dma_start3A_112 = arith.constant 0 : i32
      %dma_start3A_113 = tpu.memref_slice %arg14[%run_scoped3A_21, %dma_start3A_111, %dma_start3A_112] : memref<2x128x128xf32, #tpu.memory_space<vmem>> -> memref<1x128x128xf32, #tpu.memory_space<vmem>>
      %dma_start3A_114 = tpu.memref_squeeze %dma_start3A_113 : memref<1x128x128xf32, #tpu.memory_space<vmem>> -> memref<128x128xf32, #tpu.memory_space<vmem>>
      %dma_start3A_115 = arith.constant 0 : i32
      %dma_start3A_116 = tpu.memref_slice %arg15[%add3A_20, %dma_start3A_115] : memref<10240x128xf32, #tpu.memory_space<vmem_shared>> -> memref<128x128xf32, #tpu.memory_space<vmem_shared>>
      %dma_start3A_117 = arith.constant 0 : i32
      %dma_start3A_118 = tpu.memref_slice %arg15[%add3A_20, %dma_start3A_117] : memref<10240x128xf32, #tpu.memory_space<vmem_shared>> -> memref<128x128xf32, #tpu.memory_space<vmem_shared>>
      %dma_start3A_119 = arith.constant 0 : i32
      %dma_start3A_120 = arith.constant 0 : i32
      %dma_start3A_121 = tpu.memref_slice %arg14[%run_scoped3A_21, %dma_start3A_119, %dma_start3A_120] : memref<2x128x128xf32, #tpu.memory_space<vmem>> -> memref<1x128x128xf32, #tpu.memory_space<vmem>>
      %dma_start3A_122 = tpu.memref_squeeze %dma_start3A_121 : memref<1x128x128xf32, #tpu.memory_space<vmem>> -> memref<128x128xf32, #tpu.memory_space<vmem>>
      tpu.enqueue_dma source(%dma_start3A_122 : memref<128x128xf32, #tpu.memory_space<vmem>>) target(%dma_start3A_118 : memref<128x128xf32, #tpu.memory_space<vmem_shared>>) target_semaphore(%run_scoped3A_110 : memref<!tpu.dma_semaphore, #tpu.memory_space<semaphore_mem>>)
      %dma_wait3A = arith.constant 0 : i32
      %dma_wait3A_123 = arith.constant 0 : i32
      %dma_wait3A_124 = tpu.memref_slice %arg14[%run_scoped3A_21, %dma_wait3A, %dma_wait3A_123] : memref<2x128x128xf32, #tpu.memory_space<vmem>> -> memref<1x128x128xf32, #tpu.memory_space<vmem>>
      %dma_wait3A_125 = tpu.memref_squeeze %dma_wait3A_124 : memref<1x128x128xf32, #tpu.memory_space<vmem>> -> memref<128x128xf32, #tpu.memory_space<vmem>>
      %dma_wait3A_126 = arith.constant 0 : i32
      %dma_wait3A_127 = tpu.memref_slice %arg15[%add3A_20, %dma_wait3A_126] : memref<10240x128xf32, #tpu.memory_space<vmem_shared>> -> memref<128x128xf32, #tpu.memory_space<vmem_shared>>
      %dma_wait3A_128 = arith.constant 0 : i32
      %dma_wait3A_129 = tpu.memref_slice %arg15[%add3A_20, %dma_wait3A_128] : memref<10240x128xf32, #tpu.memory_space<vmem_shared>> -> memref<128x128xf32, #tpu.memory_space<vmem_shared>>
      %dma_wait3A_130 = arith.constant 0 : i32
      %dma_wait3A_131 = arith.constant 0 : i32
      %dma_wait3A_132 = tpu.memref_slice %arg14[%run_scoped3A_21, %dma_wait3A_130, %dma_wait3A_131] : memref<2x128x128xf32, #tpu.memory_space<vmem>> -> memref<1x128x128xf32, #tpu.memory_space<vmem>>
      %dma_wait3A_133 = tpu.memref_squeeze %dma_wait3A_132 : memref<1x128x128xf32, #tpu.memory_space<vmem>> -> memref<128x128xf32, #tpu.memory_space<vmem>>
      tpu.wait_dma2 semaphore(%run_scoped3A_110 : memref<!tpu.dma_semaphore, #tpu.memory_space<semaphore_mem>>) src(%dma_wait3A_133 : memref<128x128xf32, #tpu.memory_space<vmem>>) dst(%dma_wait3A_129 : memref<128x128xf32, #tpu.memory_space<vmem_shared>>)
      tpu.yield
    }) : () -> ()
    %add3A_22 = arith.constant 512 : i32
    %add3A_23 = arith.addi %mul3A_2, %add3A_22 : i32
    %run_scoped3A_24 = arith.constant 0 : i32
    "tpu.region"() ({
      %run_scoped3A_110 = tpu.sem_alloc : memref<!tpu.dma_semaphore, #tpu.memory_space<semaphore_mem>>
      %dma_start3A_111 = arith.constant 0 : i32
      %dma_start3A_112 = arith.constant 0 : i32
      %dma_start3A_113 = tpu.memref_slice %arg14[%run_scoped3A_24, %dma_start3A_111, %dma_start3A_112] : memref<2x128x128xf32, #tpu.memory_space<vmem>> -> memref<1x128x128xf32, #tpu.memory_space<vmem>>
      %dma_start3A_114 = tpu.memref_squeeze %dma_start3A_113 : memref<1x128x128xf32, #tpu.memory_space<vmem>> -> memref<128x128xf32, #tpu.memory_space<vmem>>
      %dma_start3A_115 = arith.constant 0 : i32
      %dma_start3A_116 = tpu.memref_slice %arg15[%add3A_23, %dma_start3A_115] : memref<10240x128xf32, #tpu.memory_space<vmem_shared>> -> memref<128x128xf32, #tpu.memory_space<vmem_shared>>
      %dma_start3A_117 = arith.constant 0 : i32
      %dma_start3A_118 = tpu.memref_slice %arg15[%add3A_23, %dma_start3A_117] : memref<10240x128xf32, #tpu.memory_space<vmem_shared>> -> memref<128x128xf32, #tpu.memory_space<vmem_shared>>
      %dma_start3A_119 = arith.constant 0 : i32
      %dma_start3A_120 = arith.constant 0 : i32
      %dma_start3A_121 = tpu.memref_slice %arg14[%run_scoped3A_24, %dma_start3A_119, %dma_start3A_120] : memref<2x128x128xf32, #tpu.memory_space<vmem>> -> memref<1x128x128xf32, #tpu.memory_space<vmem>>
      %dma_start3A_122 = tpu.memref_squeeze %dma_start3A_121 : memref<1x128x128xf32, #tpu.memory_space<vmem>> -> memref<128x128xf32, #tpu.memory_space<vmem>>
      tpu.enqueue_dma source(%dma_start3A_122 : memref<128x128xf32, #tpu.memory_space<vmem>>) target(%dma_start3A_118 : memref<128x128xf32, #tpu.memory_space<vmem_shared>>) target_semaphore(%run_scoped3A_110 : memref<!tpu.dma_semaphore, #tpu.memory_space<semaphore_mem>>)
      %dma_wait3A = arith.constant 0 : i32
      %dma_wait3A_123 = arith.constant 0 : i32
      %dma_wait3A_124 = tpu.memref_slice %arg14[%run_scoped3A_24, %dma_wait3A, %dma_wait3A_123] : memref<2x128x128xf32, #tpu.memory_space<vmem>> -> memref<1x128x128xf32, #tpu.memory_space<vmem>>
      %dma_wait3A_125 = tpu.memref_squeeze %dma_wait3A_124 : memref<1x128x128xf32, #tpu.memory_space<vmem>> -> memref<128x128xf32, #tpu.memory_space<vmem>>
      %dma_wait3A_126 = arith.constant 0 : i32
      %dma_wait3A_127 = tpu.memref_slice %arg15[%add3A_23, %dma_wait3A_126] : memref<10240x128xf32, #tpu.memory_space<vmem_shared>> -> memref<128x128xf32, #tpu.memory_space<vmem_shared>>
      %dma_wait3A_128 = arith.constant 0 : i32
      %dma_wait3A_129 = tpu.memref_slice %arg15[%add3A_23, %dma_wait3A_128] : memref<10240x128xf32, #tpu.memory_space<vmem_shared>> -> memref<128x128xf32, #tpu.memory_space<vmem_shared>>
      %dma_wait3A_130 = arith.constant 0 : i32
      %dma_wait3A_131 = arith.constant 0 : i32
      %dma_wait3A_132 = tpu.memref_slice %arg14[%run_scoped3A_24, %dma_wait3A_130, %dma_wait3A_131] : memref<2x128x128xf32, #tpu.memory_space<vmem>> -> memref<1x128x128xf32, #tpu.memory_space<vmem>>
      %dma_wait3A_133 = tpu.memref_squeeze %dma_wait3A_132 : memref<1x128x128xf32, #tpu.memory_space<vmem>> -> memref<128x128xf32, #tpu.memory_space<vmem>>
      tpu.wait_dma2 semaphore(%run_scoped3A_110 : memref<!tpu.dma_semaphore, #tpu.memory_space<semaphore_mem>>) src(%dma_wait3A_133 : memref<128x128xf32, #tpu.memory_space<vmem>>) dst(%dma_wait3A_129 : memref<128x128xf32, #tpu.memory_space<vmem_shared>>)
      tpu.yield
    }) : () -> ()
    %barrier3A = arith.constant 0 : index
    tpu.barrier barrier_id(%barrier3A)
    %mul3A_25 = arith.constant 80 : i32
    %mul3A_26 = arith.muli %add3A, %mul3A_25 : i32
    %add3A_27 = arith.constant 0 : i32
    %add3A_28 = arith.addi %mul3A_26, %add3A_27 : i32
    "tpu.region"() ({
      %run_scoped3A_110 = tpu.sem_alloc : memref<!tpu.dma_semaphore, #tpu.memory_space<semaphore_mem>>
      %dma_start3A_111 = arith.constant 0 : i32
      %dma_start3A_112 = tpu.memref_slice %arg3[%add3A_28, %dma_start3A_111] : memref<2560x128xi32, #tpu.memory_space<hbm>> -> memref<1x128xi32, #tpu.memory_space<hbm>>
      %dma_start3A_113 = tpu.memref_squeeze %dma_start3A_112 : memref<1x128xi32, #tpu.memory_space<hbm>> -> memref<128xi32, #tpu.memory_space<hbm>>
      %dma_start3A_114 = arith.constant 0 : i32
      %dma_start3A_115 = tpu.memref_slice %arg3[%add3A_28, %dma_start3A_114] : memref<2560x128xi32, #tpu.memory_space<hbm>> -> memref<1x128xi32, #tpu.memory_space<hbm>>
      %dma_start3A_116 = tpu.memref_squeeze %dma_start3A_115 : memref<1x128xi32, #tpu.memory_space<hbm>> -> memref<128xi32, #tpu.memory_space<hbm>>
      tpu.enqueue_dma source(%dma_start3A_116 : memref<128xi32, #tpu.memory_space<hbm>>) target(%arg6 : memref<128xi32, #tpu.memory_space<vmem>>) target_semaphore(%run_scoped3A_110 : memref<!tpu.dma_semaphore, #tpu.memory_space<semaphore_mem>>)
      %dma_wait3A = arith.constant 0 : i32
      %dma_wait3A_117 = tpu.memref_slice %arg3[%add3A_28, %dma_wait3A] : memref<2560x128xi32, #tpu.memory_space<hbm>> -> memref<1x128xi32, #tpu.memory_space<hbm>>
      %dma_wait3A_118 = tpu.memref_squeeze %dma_wait3A_117 : memref<1x128xi32, #tpu.memory_space<hbm>> -> memref<128xi32, #tpu.memory_space<hbm>>
      %dma_wait3A_119 = arith.constant 0 : i32
      %dma_wait3A_120 = tpu.memref_slice %arg3[%add3A_28, %dma_wait3A_119] : memref<2560x128xi32, #tpu.memory_space<hbm>> -> memref<1x128xi32, #tpu.memory_space<hbm>>
      %dma_wait3A_121 = tpu.memref_squeeze %dma_wait3A_120 : memref<1x128xi32, #tpu.memory_space<hbm>> -> memref<128xi32, #tpu.memory_space<hbm>>
      tpu.wait_dma2 semaphore(%run_scoped3A_110 : memref<!tpu.dma_semaphore, #tpu.memory_space<semaphore_mem>>) src(%dma_wait3A_121 : memref<128xi32, #tpu.memory_space<hbm>>) dst(%arg6 : memref<128xi32, #tpu.memory_space<vmem>>)
      tpu.yield
    }) : () -> ()
    "tpu.region"() ({
      %run_scoped3A_110 = tpu.sem_alloc : memref<!tpu.dma_semaphore, #tpu.memory_space<semaphore_mem>>
      %dma_start3A_111 = arith.constant 0 : i32
      %dma_start3A_112 = tpu.memref_slice %arg4[%add3A_28, %dma_start3A_111] : memref<2560x128xi32, #tpu.memory_space<hbm>> -> memref<1x128xi32, #tpu.memory_space<hbm>>
      %dma_start3A_113 = tpu.memref_squeeze %dma_start3A_112 : memref<1x128xi32, #tpu.memory_space<hbm>> -> memref<128xi32, #tpu.memory_space<hbm>>
      %dma_start3A_114 = arith.constant 0 : i32
      %dma_start3A_115 = tpu.memref_slice %arg4[%add3A_28, %dma_start3A_114] : memref<2560x128xi32, #tpu.memory_space<hbm>> -> memref<1x128xi32, #tpu.memory_space<hbm>>
      %dma_start3A_116 = tpu.memref_squeeze %dma_start3A_115 : memref<1x128xi32, #tpu.memory_space<hbm>> -> memref<128xi32, #tpu.memory_space<hbm>>
      tpu.enqueue_dma source(%dma_start3A_116 : memref<128xi32, #tpu.memory_space<hbm>>) target(%arg10 : memref<128xi32, #tpu.memory_space<vmem>>) target_semaphore(%run_scoped3A_110 : memref<!tpu.dma_semaphore, #tpu.memory_space<semaphore_mem>>)
      %dma_wait3A = arith.constant 0 : i32
      %dma_wait3A_117 = tpu.memref_slice %arg4[%add3A_28, %dma_wait3A] : memref<2560x128xi32, #tpu.memory_space<hbm>> -> memref<1x128xi32, #tpu.memory_space<hbm>>
      %dma_wait3A_118 = tpu.memref_squeeze %dma_wait3A_117 : memref<1x128xi32, #tpu.memory_space<hbm>> -> memref<128xi32, #tpu.memory_space<hbm>>
      %dma_wait3A_119 = arith.constant 0 : i32
      %dma_wait3A_120 = tpu.memref_slice %arg4[%add3A_28, %dma_wait3A_119] : memref<2560x128xi32, #tpu.memory_space<hbm>> -> memref<1x128xi32, #tpu.memory_space<hbm>>
      %dma_wait3A_121 = tpu.memref_squeeze %dma_wait3A_120 : memref<1x128xi32, #tpu.memory_space<hbm>> -> memref<128xi32, #tpu.memory_space<hbm>>
      tpu.wait_dma2 semaphore(%run_scoped3A_110 : memref<!tpu.dma_semaphore, #tpu.memory_space<semaphore_mem>>) src(%dma_wait3A_121 : memref<128xi32, #tpu.memory_space<hbm>>) dst(%arg10 : memref<128xi32, #tpu.memory_space<vmem>>)
      tpu.yield
    }) : () -> ()
    %mul3A_29 = arith.constant 80 : i32
    %mul3A_30 = arith.muli %add3A, %mul3A_29 : i32
    %add3A_31 = arith.constant 1 : i32
    %add3A_32 = arith.addi %mul3A_30, %add3A_31 : i32
    "tpu.region"() ({
      %run_scoped3A_110 = tpu.sem_alloc : memref<!tpu.dma_semaphore, #tpu.memory_space<semaphore_mem>>
      %dma_start3A_111 = arith.constant 0 : i32
      %dma_start3A_112 = tpu.memref_slice %arg3[%add3A_32, %dma_start3A_111] : memref<2560x128xi32, #tpu.memory_space<hbm>> -> memref<1x128xi32, #tpu.memory_space<hbm>>
      %dma_start3A_113 = tpu.memref_squeeze %dma_start3A_112 : memref<1x128xi32, #tpu.memory_space<hbm>> -> memref<128xi32, #tpu.memory_space<hbm>>
      %dma_start3A_114 = arith.constant 0 : i32
      %dma_start3A_115 = tpu.memref_slice %arg3[%add3A_32, %dma_start3A_114] : memref<2560x128xi32, #tpu.memory_space<hbm>> -> memref<1x128xi32, #tpu.memory_space<hbm>>
      %dma_start3A_116 = tpu.memref_squeeze %dma_start3A_115 : memref<1x128xi32, #tpu.memory_space<hbm>> -> memref<128xi32, #tpu.memory_space<hbm>>
      tpu.enqueue_dma source(%dma_start3A_116 : memref<128xi32, #tpu.memory_space<hbm>>) target(%arg7 : memref<128xi32, #tpu.memory_space<vmem>>) target_semaphore(%run_scoped3A_110 : memref<!tpu.dma_semaphore, #tpu.memory_space<semaphore_mem>>)
      %dma_wait3A = arith.constant 0 : i32
      %dma_wait3A_117 = tpu.memref_slice %arg3[%add3A_32, %dma_wait3A] : memref<2560x128xi32, #tpu.memory_space<hbm>> -> memref<1x128xi32, #tpu.memory_space<hbm>>
      %dma_wait3A_118 = tpu.memref_squeeze %dma_wait3A_117 : memref<1x128xi32, #tpu.memory_space<hbm>> -> memref<128xi32, #tpu.memory_space<hbm>>
      %dma_wait3A_119 = arith.constant 0 : i32
      %dma_wait3A_120 = tpu.memref_slice %arg3[%add3A_32, %dma_wait3A_119] : memref<2560x128xi32, #tpu.memory_space<hbm>> -> memref<1x128xi32, #tpu.memory_space<hbm>>
      %dma_wait3A_121 = tpu.memref_squeeze %dma_wait3A_120 : memref<1x128xi32, #tpu.memory_space<hbm>> -> memref<128xi32, #tpu.memory_space<hbm>>
      tpu.wait_dma2 semaphore(%run_scoped3A_110 : memref<!tpu.dma_semaphore, #tpu.memory_space<semaphore_mem>>) src(%dma_wait3A_121 : memref<128xi32, #tpu.memory_space<hbm>>) dst(%arg7 : memref<128xi32, #tpu.memory_space<vmem>>)
      tpu.yield
    }) : () -> ()
    "tpu.region"() ({
      %run_scoped3A_110 = tpu.sem_alloc : memref<!tpu.dma_semaphore, #tpu.memory_space<semaphore_mem>>
      %dma_start3A_111 = arith.constant 0 : i32
      %dma_start3A_112 = tpu.memref_slice %arg4[%add3A_32, %dma_start3A_111] : memref<2560x128xi32, #tpu.memory_space<hbm>> -> memref<1x128xi32, #tpu.memory_space<hbm>>
      %dma_start3A_113 = tpu.memref_squeeze %dma_start3A_112 : memref<1x128xi32, #tpu.memory_space<hbm>> -> memref<128xi32, #tpu.memory_space<hbm>>
      %dma_start3A_114 = arith.constant 0 : i32
      %dma_start3A_115 = tpu.memref_slice %arg4[%add3A_32, %dma_start3A_114] : memref<2560x128xi32, #tpu.memory_space<hbm>> -> memref<1x128xi32, #tpu.memory_space<hbm>>
      %dma_start3A_116 = tpu.memref_squeeze %dma_start3A_115 : memref<1x128xi32, #tpu.memory_space<hbm>> -> memref<128xi32, #tpu.memory_space<hbm>>
      tpu.enqueue_dma source(%dma_start3A_116 : memref<128xi32, #tpu.memory_space<hbm>>) target(%arg11 : memref<128xi32, #tpu.memory_space<vmem>>) target_semaphore(%run_scoped3A_110 : memref<!tpu.dma_semaphore, #tpu.memory_space<semaphore_mem>>)
      %dma_wait3A = arith.constant 0 : i32
      %dma_wait3A_117 = tpu.memref_slice %arg4[%add3A_32, %dma_wait3A] : memref<2560x128xi32, #tpu.memory_space<hbm>> -> memref<1x128xi32, #tpu.memory_space<hbm>>
      %dma_wait3A_118 = tpu.memref_squeeze %dma_wait3A_117 : memref<1x128xi32, #tpu.memory_space<hbm>> -> memref<128xi32, #tpu.memory_space<hbm>>
      %dma_wait3A_119 = arith.constant 0 : i32
      %dma_wait3A_120 = tpu.memref_slice %arg4[%add3A_32, %dma_wait3A_119] : memref<2560x128xi32, #tpu.memory_space<hbm>> -> memref<1x128xi32, #tpu.memory_space<hbm>>
      %dma_wait3A_121 = tpu.memref_squeeze %dma_wait3A_120 : memref<1x128xi32, #tpu.memory_space<hbm>> -> memref<128xi32, #tpu.memory_space<hbm>>
      tpu.wait_dma2 semaphore(%run_scoped3A_110 : memref<!tpu.dma_semaphore, #tpu.memory_space<semaphore_mem>>) src(%dma_wait3A_121 : memref<128xi32, #tpu.memory_space<hbm>>) dst(%arg11 : memref<128xi32, #tpu.memory_space<vmem>>)
      tpu.yield
    }) : () -> ()
    %dma_start3A = arith.constant 0 : i32
    %dma_start3A_33 = arith.constant 0 : i32
    %dma_start3A_34 = arith.constant 0 : i32
    %dma_start3A_35 = tpu.memref_slice %arg14[%dma_start3A, %dma_start3A_33, %dma_start3A_34] : memref<2x128x128xf32, #tpu.memory_space<vmem>> -> memref<1x128x128xf32, #tpu.memory_space<vmem>>
    %dma_start3A_36 = tpu.memref_squeeze %dma_start3A_35 : memref<1x128x128xf32, #tpu.memory_space<vmem>> -> memref<128x128xf32, #tpu.memory_space<vmem>>
    %dma_start3A_37 = arith.constant 0 : i32
    %dma_start3A_38 = arith.constant 0 : i32
    %dma_start3A_39 = tpu.memref_slice %arg2[%dma_start3A_37, %dma_start3A_38] : memref<10000x128xf32, #tpu.memory_space<hbm>> -> memref<10000x128xf32, #tpu.memory_space<hbm>>
    tpu.enqueue_indirect_dma source(%dma_start3A_39 : memref<10000x128xf32, #tpu.memory_space<hbm>>) target(%dma_start3A_36 : memref<128x128xf32, #tpu.memory_space<vmem>>) offsets(%arg6 : memref<128xi32, #tpu.memory_space<vmem>>) semaphore(%arg16 : memref<!tpu.dma_semaphore, #tpu.memory_space<semaphore_mem>>)
    %mul3A_40 = arith.constant 80 : i32
    %mul3A_41 = arith.muli %add3A, %mul3A_40 : i32
    %add3A_42 = arith.constant 2 : i32
    %add3A_43 = arith.addi %mul3A_41, %add3A_42 : i32
    %dma_start3A_44 = arith.constant 0 : i32
    %dma_start3A_45 = tpu.memref_slice %arg3[%add3A_43, %dma_start3A_44] : memref<2560x128xi32, #tpu.memory_space<hbm>> -> memref<1x128xi32, #tpu.memory_space<hbm>>
    %dma_start3A_46 = tpu.memref_squeeze %dma_start3A_45 : memref<1x128xi32, #tpu.memory_space<hbm>> -> memref<128xi32, #tpu.memory_space<hbm>>
    %dma_start3A_47 = arith.constant 0 : i32
    %dma_start3A_48 = tpu.memref_slice %arg3[%add3A_43, %dma_start3A_47] : memref<2560x128xi32, #tpu.memory_space<hbm>> -> memref<1x128xi32, #tpu.memory_space<hbm>>
    %dma_start3A_49 = tpu.memref_squeeze %dma_start3A_48 : memref<1x128xi32, #tpu.memory_space<hbm>> -> memref<128xi32, #tpu.memory_space<hbm>>
    tpu.enqueue_dma source(%dma_start3A_49 : memref<128xi32, #tpu.memory_space<hbm>>) target(%arg8 : memref<128xi32, #tpu.memory_space<vmem>>) target_semaphore(%arg20 : memref<!tpu.dma_semaphore, #tpu.memory_space<semaphore_mem>>)
    %dma_start3A_50 = arith.constant 0 : i32
    %dma_start3A_51 = tpu.memref_slice %arg4[%add3A_43, %dma_start3A_50] : memref<2560x128xi32, #tpu.memory_space<hbm>> -> memref<1x128xi32, #tpu.memory_space<hbm>>
    %dma_start3A_52 = tpu.memref_squeeze %dma_start3A_51 : memref<1x128xi32, #tpu.memory_space<hbm>> -> memref<128xi32, #tpu.memory_space<hbm>>
    %dma_start3A_53 = arith.constant 0 : i32
    %dma_start3A_54 = tpu.memref_slice %arg4[%add3A_43, %dma_start3A_53] : memref<2560x128xi32, #tpu.memory_space<hbm>> -> memref<1x128xi32, #tpu.memory_space<hbm>>
    %dma_start3A_55 = tpu.memref_squeeze %dma_start3A_54 : memref<1x128xi32, #tpu.memory_space<hbm>> -> memref<128xi32, #tpu.memory_space<hbm>>
    tpu.enqueue_dma source(%dma_start3A_55 : memref<128xi32, #tpu.memory_space<hbm>>) target(%arg12 : memref<128xi32, #tpu.memory_space<vmem>>) target_semaphore(%arg20 : memref<!tpu.dma_semaphore, #tpu.memory_space<semaphore_mem>>)
    %mul3A_56 = arith.constant 80 : i32
    %mul3A_57 = arith.muli %add3A, %mul3A_56 : i32
    %add3A_58 = arith.constant 3 : i32
    %add3A_59 = arith.addi %mul3A_57, %add3A_58 : i32
    %dma_start3A_60 = arith.constant 0 : i32
    %dma_start3A_61 = tpu.memref_slice %arg3[%add3A_59, %dma_start3A_60] : memref<2560x128xi32, #tpu.memory_space<hbm>> -> memref<1x128xi32, #tpu.memory_space<hbm>>
    %dma_start3A_62 = tpu.memref_squeeze %dma_start3A_61 : memref<1x128xi32, #tpu.memory_space<hbm>> -> memref<128xi32, #tpu.memory_space<hbm>>
    %dma_start3A_63 = arith.constant 0 : i32
    %dma_start3A_64 = tpu.memref_slice %arg3[%add3A_59, %dma_start3A_63] : memref<2560x128xi32, #tpu.memory_space<hbm>> -> memref<1x128xi32, #tpu.memory_space<hbm>>
    %dma_start3A_65 = tpu.memref_squeeze %dma_start3A_64 : memref<1x128xi32, #tpu.memory_space<hbm>> -> memref<128xi32, #tpu.memory_space<hbm>>
    tpu.enqueue_dma source(%dma_start3A_65 : memref<128xi32, #tpu.memory_space<hbm>>) target(%arg9 : memref<128xi32, #tpu.memory_space<vmem>>) target_semaphore(%arg21 : memref<!tpu.dma_semaphore, #tpu.memory_space<semaphore_mem>>)
    %dma_start3A_66 = arith.constant 0 : i32
    %dma_start3A_67 = tpu.memref_slice %arg4[%add3A_59, %dma_start3A_66] : memref<2560x128xi32, #tpu.memory_space<hbm>> -> memref<1x128xi32, #tpu.memory_space<hbm>>
    %dma_start3A_68 = tpu.memref_squeeze %dma_start3A_67 : memref<1x128xi32, #tpu.memory_space<hbm>> -> memref<128xi32, #tpu.memory_space<hbm>>
    %dma_start3A_69 = arith.constant 0 : i32
    %dma_start3A_70 = tpu.memref_slice %arg4[%add3A_59, %dma_start3A_69] : memref<2560x128xi32, #tpu.memory_space<hbm>> -> memref<1x128xi32, #tpu.memory_space<hbm>>
    %dma_start3A_71 = tpu.memref_squeeze %dma_start3A_70 : memref<1x128xi32, #tpu.memory_space<hbm>> -> memref<128xi32, #tpu.memory_space<hbm>>
    tpu.enqueue_dma source(%dma_start3A_71 : memref<128xi32, #tpu.memory_space<hbm>>) target(%arg13 : memref<128xi32, #tpu.memory_space<vmem>>) target_semaphore(%arg21 : memref<!tpu.dma_semaphore, #tpu.memory_space<semaphore_mem>>)
    %scan3A_72 = arith.constant 0 : i32
    %scan3A_73 = arith.constant 0 : i32
    %scan3A_74 = arith.constant 20 : i32
    %scan3A_75 = arith.addi %scan3A_73, %scan3A_74 : i32
    %scan3A_76 = arith.constant 1 : i32
    %scan3A_77 = scf.for %scan3A_110 = %scan3A_73 to %scan3A_75 step %scan3A_76 iter_args(%scan3A_111 = %scan3A_72) -> (i32)  : i32 {
      %mul3A_112 = arith.constant 2 : i32
      %mul3A_113 = arith.muli %mul3A_112, %scan3A_110 : i32
      %mul3A_114 = arith.constant 2 : i32
      %mul3A_115 = arith.muli %mul3A_114, %mul3A_113 : i32
      %dma_start3A_116 = arith.constant 1 : i32
      %dma_start3A_117 = arith.constant 0 : i32
      %dma_start3A_118 = arith.constant 0 : i32
      %dma_start3A_119 = tpu.memref_slice %arg14[%dma_start3A_116, %dma_start3A_117, %dma_start3A_118] : memref<2x128x128xf32, #tpu.memory_space<vmem>> -> memref<1x128x128xf32, #tpu.memory_space<vmem>>
      %dma_start3A_120 = tpu.memref_squeeze %dma_start3A_119 : memref<1x128x128xf32, #tpu.memory_space<vmem>> -> memref<128x128xf32, #tpu.memory_space<vmem>>
      %dma_start3A_121 = arith.constant 0 : i32
      %dma_start3A_122 = arith.constant 0 : i32
      %dma_start3A_123 = tpu.memref_slice %arg2[%dma_start3A_121, %dma_start3A_122] : memref<10000x128xf32, #tpu.memory_space<hbm>> -> memref<10000x128xf32, #tpu.memory_space<hbm>>
      tpu.enqueue_indirect_dma source(%dma_start3A_123 : memref<10000x128xf32, #tpu.memory_space<hbm>>) target(%dma_start3A_120 : memref<128x128xf32, #tpu.memory_space<vmem>>) offsets(%arg7 : memref<128xi32, #tpu.memory_space<vmem>>) semaphore(%arg17 : memref<!tpu.dma_semaphore, #tpu.memory_space<semaphore_mem>>)
      %dma_wait3A = arith.constant 0 : i32
      %dma_wait3A_124 = arith.constant 0 : i32
      %dma_wait3A_125 = arith.constant 0 : i32
      %dma_wait3A_126 = tpu.memref_slice %arg14[%dma_wait3A, %dma_wait3A_124, %dma_wait3A_125] : memref<2x128x128xf32, #tpu.memory_space<vmem>> -> memref<1x128x128xf32, #tpu.memory_space<vmem>>
      %dma_wait3A_127 = tpu.memref_squeeze %dma_wait3A_126 : memref<1x128x128xf32, #tpu.memory_space<vmem>> -> memref<128x128xf32, #tpu.memory_space<vmem>>
      %dma_wait3A_128 = arith.constant 0 : i32
      %dma_wait3A_129 = arith.constant 0 : i32
      %dma_wait3A_130 = tpu.memref_slice %arg2[%dma_wait3A_128, %dma_wait3A_129] : memref<10000x128xf32, #tpu.memory_space<hbm>> -> memref<10000x128xf32, #tpu.memory_space<hbm>>
      tpu.wait_indirect_dma semaphore(%arg16 : memref<!tpu.dma_semaphore, #tpu.memory_space<semaphore_mem>>) src(%dma_wait3A_130 : memref<10000x128xf32, #tpu.memory_space<hbm>>) dst(%dma_wait3A_127 : memref<128x128xf32, #tpu.memory_space<vmem>>)
      %run_scoped3A_131 = arith.constant 0 : i32
      "tpu.region"() ({
        %run_scoped3A_211 = tpu.sem_alloc : memref<!tpu.dma_semaphore, #tpu.memory_space<semaphore_mem>>
        %dma_start3A_212 = arith.constant 0 : i32
        %dma_start3A_213 = arith.constant 0 : i32
        %dma_start3A_214 = tpu.memref_slice %arg14[%run_scoped3A_131, %dma_start3A_212, %dma_start3A_213] : memref<2x128x128xf32, #tpu.memory_space<vmem>> -> memref<1x128x128xf32, #tpu.memory_space<vmem>>
        %dma_start3A_215 = tpu.memref_squeeze %dma_start3A_214 : memref<1x128x128xf32, #tpu.memory_space<vmem>> -> memref<128x128xf32, #tpu.memory_space<vmem>>
        %dma_start3A_216 = arith.constant 0 : i32
        %dma_start3A_217 = arith.constant 0 : i32
        %dma_start3A_218 = tpu.memref_slice %arg15[%dma_start3A_216, %dma_start3A_217] : memref<10240x128xf32, #tpu.memory_space<vmem_shared>> -> memref<10240x128xf32, #tpu.memory_space<vmem_shared>>
        tpu.enqueue_indirect_dma source(%dma_start3A_215 : memref<128x128xf32, #tpu.memory_space<vmem>>) target(%dma_start3A_218 : memref<10240x128xf32, #tpu.memory_space<vmem_shared>>) offsets(%arg10 : memref<128xi32, #tpu.memory_space<vmem>>) semaphore(%run_scoped3A_211 : memref<!tpu.dma_semaphore, #tpu.memory_space<semaphore_mem>>) {add = true}
        %dma_wait3A_219 = arith.constant 0 : i32
        %dma_wait3A_220 = arith.constant 0 : i32
        %dma_wait3A_221 = tpu.memref_slice %arg14[%run_scoped3A_131, %dma_wait3A_219, %dma_wait3A_220] : memref<2x128x128xf32, #tpu.memory_space<vmem>> -> memref<1x128x128xf32, #tpu.memory_space<vmem>>
        %dma_wait3A_222 = tpu.memref_squeeze %dma_wait3A_221 : memref<1x128x128xf32, #tpu.memory_space<vmem>> -> memref<128x128xf32, #tpu.memory_space<vmem>>
        %dma_wait3A_223 = arith.constant 0 : i32
        %dma_wait3A_224 = arith.constant 0 : i32
        %dma_wait3A_225 = tpu.memref_slice %arg15[%dma_wait3A_223, %dma_wait3A_224] : memref<10240x128xf32, #tpu.memory_space<vmem_shared>> -> memref<10240x128xf32, #tpu.memory_space<vmem_shared>>
        tpu.wait_indirect_dma semaphore(%run_scoped3A_211 : memref<!tpu.dma_semaphore, #tpu.memory_space<semaphore_mem>>) src(%dma_wait3A_222 : memref<128x128xf32, #tpu.memory_space<vmem>>) dst(%dma_wait3A_225 : memref<10240x128xf32, #tpu.memory_space<vmem_shared>>)
        tpu.yield
      }) : () -> ()
      %lt3A = arith.constant 39 : i32
      %lt3A_132 = arith.cmpi slt, %mul3A_113, %lt3A : i32
      %convert_element_type3A = arith.extui %lt3A_132 : i1 to i32
      %cond3A = arith.constant 0 : i32
      %cond3A_133 = arith.cmpi ne, %convert_element_type3A, %cond3A : i32
      scf.if %cond3A_133 {
        %add3A_211 = arith.constant 2 : i32
        %add3A_212 = arith.addi %mul3A_115, %add3A_211 : i32
        %mul3A_213 = arith.constant 80 : i32
        %mul3A_214 = arith.muli %add3A, %mul3A_213 : i32
        %add3A_215 = arith.addi %mul3A_214, %add3A_212 : i32
        %dma_wait3A_216 = arith.constant 0 : i32
        %dma_wait3A_217 = tpu.memref_slice %arg3[%add3A_215, %dma_wait3A_216] : memref<2560x128xi32, #tpu.memory_space<hbm>> -> memref<1x128xi32, #tpu.memory_space<hbm>>
        %dma_wait3A_218 = tpu.memref_squeeze %dma_wait3A_217 : memref<1x128xi32, #tpu.memory_space<hbm>> -> memref<128xi32, #tpu.memory_space<hbm>>
        %dma_wait3A_219 = arith.constant 0 : i32
        %dma_wait3A_220 = tpu.memref_slice %arg3[%add3A_215, %dma_wait3A_219] : memref<2560x128xi32, #tpu.memory_space<hbm>> -> memref<1x128xi32, #tpu.memory_space<hbm>>
        %dma_wait3A_221 = tpu.memref_squeeze %dma_wait3A_220 : memref<1x128xi32, #tpu.memory_space<hbm>> -> memref<128xi32, #tpu.memory_space<hbm>>
        tpu.wait_dma2 semaphore(%arg20 : memref<!tpu.dma_semaphore, #tpu.memory_space<semaphore_mem>>) src(%dma_wait3A_221 : memref<128xi32, #tpu.memory_space<hbm>>) dst(%arg8 : memref<128xi32, #tpu.memory_space<vmem>>)
        %dma_wait3A_222 = arith.constant 0 : i32
        %dma_wait3A_223 = tpu.memref_slice %arg4[%add3A_215, %dma_wait3A_222] : memref<2560x128xi32, #tpu.memory_space<hbm>> -> memref<1x128xi32, #tpu.memory_space<hbm>>
        %dma_wait3A_224 = tpu.memref_squeeze %dma_wait3A_223 : memref<1x128xi32, #tpu.memory_space<hbm>> -> memref<128xi32, #tpu.memory_space<hbm>>
        %dma_wait3A_225 = arith.constant 0 : i32
        %dma_wait3A_226 = tpu.memref_slice %arg4[%add3A_215, %dma_wait3A_225] : memref<2560x128xi32, #tpu.memory_space<hbm>> -> memref<1x128xi32, #tpu.memory_space<hbm>>
        %dma_wait3A_227 = tpu.memref_squeeze %dma_wait3A_226 : memref<1x128xi32, #tpu.memory_space<hbm>> -> memref<128xi32, #tpu.memory_space<hbm>>
        tpu.wait_dma2 semaphore(%arg20 : memref<!tpu.dma_semaphore, #tpu.memory_space<semaphore_mem>>) src(%dma_wait3A_227 : memref<128xi32, #tpu.memory_space<hbm>>) dst(%arg12 : memref<128xi32, #tpu.memory_space<vmem>>)
        %dma_start3A_228 = arith.constant 0 : i32
        %dma_start3A_229 = arith.constant 0 : i32
        %dma_start3A_230 = arith.constant 0 : i32
        %dma_start3A_231 = tpu.memref_slice %arg14[%dma_start3A_228, %dma_start3A_229, %dma_start3A_230] : memref<2x128x128xf32, #tpu.memory_space<vmem>> -> memref<1x128x128xf32, #tpu.memory_space<vmem>>
        %dma_start3A_232 = tpu.memref_squeeze %dma_start3A_231 : memref<1x128x128xf32, #tpu.memory_space<vmem>> -> memref<128x128xf32, #tpu.memory_space<vmem>>
        %dma_start3A_233 = arith.constant 0 : i32
        %dma_start3A_234 = arith.constant 0 : i32
        %dma_start3A_235 = tpu.memref_slice %arg2[%dma_start3A_233, %dma_start3A_234] : memref<10000x128xf32, #tpu.memory_space<hbm>> -> memref<10000x128xf32, #tpu.memory_space<hbm>>
        tpu.enqueue_indirect_dma source(%dma_start3A_235 : memref<10000x128xf32, #tpu.memory_space<hbm>>) target(%dma_start3A_232 : memref<128x128xf32, #tpu.memory_space<vmem>>) offsets(%arg8 : memref<128xi32, #tpu.memory_space<vmem>>) semaphore(%arg16 : memref<!tpu.dma_semaphore, #tpu.memory_space<semaphore_mem>>)
      } else {
      }
      %lt3A_134 = arith.constant 38 : i32
      %lt3A_135 = arith.cmpi slt, %mul3A_113, %lt3A_134 : i32
      %convert_element_type3A_136 = arith.extui %lt3A_135 : i1 to i32
      %cond3A_137 = arith.constant 0 : i32
      %cond3A_138 = arith.cmpi ne, %convert_element_type3A_136, %cond3A_137 : i32
      scf.if %cond3A_138 {
        %add3A_211 = arith.constant 4 : i32
        %add3A_212 = arith.addi %mul3A_115, %add3A_211 : i32
        %mul3A_213 = arith.constant 80 : i32
        %mul3A_214 = arith.muli %add3A, %mul3A_213 : i32
        %add3A_215 = arith.addi %mul3A_214, %add3A_212 : i32
        %dma_start3A_216 = arith.constant 0 : i32
        %dma_start3A_217 = tpu.memref_slice %arg3[%add3A_215, %dma_start3A_216] : memref<2560x128xi32, #tpu.memory_space<hbm>> -> memref<1x128xi32, #tpu.memory_space<hbm>>
        %dma_start3A_218 = tpu.memref_squeeze %dma_start3A_217 : memref<1x128xi32, #tpu.memory_space<hbm>> -> memref<128xi32, #tpu.memory_space<hbm>>
        %dma_start3A_219 = arith.constant 0 : i32
        %dma_start3A_220 = tpu.memref_slice %arg3[%add3A_215, %dma_start3A_219] : memref<2560x128xi32, #tpu.memory_space<hbm>> -> memref<1x128xi32, #tpu.memory_space<hbm>>
        %dma_start3A_221 = tpu.memref_squeeze %dma_start3A_220 : memref<1x128xi32, #tpu.memory_space<hbm>> -> memref<128xi32, #tpu.memory_space<hbm>>
        tpu.enqueue_dma source(%dma_start3A_221 : memref<128xi32, #tpu.memory_space<hbm>>) target(%arg6 : memref<128xi32, #tpu.memory_space<vmem>>) target_semaphore(%arg18 : memref<!tpu.dma_semaphore, #tpu.memory_space<semaphore_mem>>)
        %dma_start3A_222 = arith.constant 0 : i32
        %dma_start3A_223 = tpu.memref_slice %arg4[%add3A_215, %dma_start3A_222] : memref<2560x128xi32, #tpu.memory_space<hbm>> -> memref<1x128xi32, #tpu.memory_space<hbm>>
        %dma_start3A_224 = tpu.memref_squeeze %dma_start3A_223 : memref<1x128xi32, #tpu.memory_space<hbm>> -> memref<128xi32, #tpu.memory_space<hbm>>
        %dma_start3A_225 = arith.constant 0 : i32
        %dma_start3A_226 = tpu.memref_slice %arg4[%add3A_215, %dma_start3A_225] : memref<2560x128xi32, #tpu.memory_space<hbm>> -> memref<1x128xi32, #tpu.memory_space<hbm>>
        %dma_start3A_227 = tpu.memref_squeeze %dma_start3A_226 : memref<1x128xi32, #tpu.memory_space<hbm>> -> memref<128xi32, #tpu.memory_space<hbm>>
        tpu.enqueue_dma source(%dma_start3A_227 : memref<128xi32, #tpu.memory_space<hbm>>) target(%arg10 : memref<128xi32, #tpu.memory_space<vmem>>) target_semaphore(%arg18 : memref<!tpu.dma_semaphore, #tpu.memory_space<semaphore_mem>>)
      } else {
      }
      %dma_wait3A_139 = arith.constant 1 : i32
      %dma_wait3A_140 = arith.constant 0 : i32
      %dma_wait3A_141 = arith.constant 0 : i32
      %dma_wait3A_142 = tpu.memref_slice %arg14[%dma_wait3A_139, %dma_wait3A_140, %dma_wait3A_141] : memref<2x128x128xf32, #tpu.memory_space<vmem>> -> memref<1x128x128xf32, #tpu.memory_space<vmem>>
      %dma_wait3A_143 = tpu.memref_squeeze %dma_wait3A_142 : memref<1x128x128xf32, #tpu.memory_space<vmem>> -> memref<128x128xf32, #tpu.memory_space<vmem>>
      %dma_wait3A_144 = arith.constant 0 : i32
      %dma_wait3A_145 = arith.constant 0 : i32
      %dma_wait3A_146 = tpu.memref_slice %arg2[%dma_wait3A_144, %dma_wait3A_145] : memref<10000x128xf32, #tpu.memory_space<hbm>> -> memref<10000x128xf32, #tpu.memory_space<hbm>>
      tpu.wait_indirect_dma semaphore(%arg17 : memref<!tpu.dma_semaphore, #tpu.memory_space<semaphore_mem>>) src(%dma_wait3A_146 : memref<10000x128xf32, #tpu.memory_space<hbm>>) dst(%dma_wait3A_143 : memref<128x128xf32, #tpu.memory_space<vmem>>)
      %run_scoped3A_147 = arith.constant 1 : i32
      "tpu.region"() ({
        %run_scoped3A_211 = tpu.sem_alloc : memref<!tpu.dma_semaphore, #tpu.memory_space<semaphore_mem>>
        %dma_start3A_212 = arith.constant 0 : i32
        %dma_start3A_213 = arith.constant 0 : i32
        %dma_start3A_214 = tpu.memref_slice %arg14[%run_scoped3A_147, %dma_start3A_212, %dma_start3A_213] : memref<2x128x128xf32, #tpu.memory_space<vmem>> -> memref<1x128x128xf32, #tpu.memory_space<vmem>>
        %dma_start3A_215 = tpu.memref_squeeze %dma_start3A_214 : memref<1x128x128xf32, #tpu.memory_space<vmem>> -> memref<128x128xf32, #tpu.memory_space<vmem>>
        %dma_start3A_216 = arith.constant 0 : i32
        %dma_start3A_217 = arith.constant 0 : i32
        %dma_start3A_218 = tpu.memref_slice %arg15[%dma_start3A_216, %dma_start3A_217] : memref<10240x128xf32, #tpu.memory_space<vmem_shared>> -> memref<10240x128xf32, #tpu.memory_space<vmem_shared>>
        tpu.enqueue_indirect_dma source(%dma_start3A_215 : memref<128x128xf32, #tpu.memory_space<vmem>>) target(%dma_start3A_218 : memref<10240x128xf32, #tpu.memory_space<vmem_shared>>) offsets(%arg11 : memref<128xi32, #tpu.memory_space<vmem>>) semaphore(%run_scoped3A_211 : memref<!tpu.dma_semaphore, #tpu.memory_space<semaphore_mem>>) {add = true}
        %dma_wait3A_219 = arith.constant 0 : i32
        %dma_wait3A_220 = arith.constant 0 : i32
        %dma_wait3A_221 = tpu.memref_slice %arg14[%run_scoped3A_147, %dma_wait3A_219, %dma_wait3A_220] : memref<2x128x128xf32, #tpu.memory_space<vmem>> -> memref<1x128x128xf32, #tpu.memory_space<vmem>>
        %dma_wait3A_222 = tpu.memref_squeeze %dma_wait3A_221 : memref<1x128x128xf32, #tpu.memory_space<vmem>> -> memref<128x128xf32, #tpu.memory_space<vmem>>
        %dma_wait3A_223 = arith.constant 0 : i32
        %dma_wait3A_224 = arith.constant 0 : i32
        %dma_wait3A_225 = tpu.memref_slice %arg15[%dma_wait3A_223, %dma_wait3A_224] : memref<10240x128xf32, #tpu.memory_space<vmem_shared>> -> memref<10240x128xf32, #tpu.memory_space<vmem_shared>>
        tpu.wait_indirect_dma semaphore(%run_scoped3A_211 : memref<!tpu.dma_semaphore, #tpu.memory_space<semaphore_mem>>) src(%dma_wait3A_222 : memref<128x128xf32, #tpu.memory_space<vmem>>) dst(%dma_wait3A_225 : memref<10240x128xf32, #tpu.memory_space<vmem_shared>>)
        tpu.yield
      }) : () -> ()
      %lt3A_148 = arith.constant 38 : i32
      %lt3A_149 = arith.cmpi slt, %mul3A_113, %lt3A_148 : i32
      %convert_element_type3A_150 = arith.extui %lt3A_149 : i1 to i32
      %cond3A_151 = arith.constant 0 : i32
      %cond3A_152 = arith.cmpi ne, %convert_element_type3A_150, %cond3A_151 : i32
      scf.if %cond3A_152 {
        %add3A_211 = arith.constant 5 : i32
        %add3A_212 = arith.addi %mul3A_115, %add3A_211 : i32
        %mul3A_213 = arith.constant 80 : i32
        %mul3A_214 = arith.muli %add3A, %mul3A_213 : i32
        %add3A_215 = arith.addi %mul3A_214, %add3A_212 : i32
        %dma_start3A_216 = arith.constant 0 : i32
        %dma_start3A_217 = tpu.memref_slice %arg3[%add3A_215, %dma_start3A_216] : memref<2560x128xi32, #tpu.memory_space<hbm>> -> memref<1x128xi32, #tpu.memory_space<hbm>>
        %dma_start3A_218 = tpu.memref_squeeze %dma_start3A_217 : memref<1x128xi32, #tpu.memory_space<hbm>> -> memref<128xi32, #tpu.memory_space<hbm>>
        %dma_start3A_219 = arith.constant 0 : i32
        %dma_start3A_220 = tpu.memref_slice %arg3[%add3A_215, %dma_start3A_219] : memref<2560x128xi32, #tpu.memory_space<hbm>> -> memref<1x128xi32, #tpu.memory_space<hbm>>
        %dma_start3A_221 = tpu.memref_squeeze %dma_start3A_220 : memref<1x128xi32, #tpu.memory_space<hbm>> -> memref<128xi32, #tpu.memory_space<hbm>>
        tpu.enqueue_dma source(%dma_start3A_221 : memref<128xi32, #tpu.memory_space<hbm>>) target(%arg7 : memref<128xi32, #tpu.memory_space<vmem>>) target_semaphore(%arg19 : memref<!tpu.dma_semaphore, #tpu.memory_space<semaphore_mem>>)
        %dma_start3A_222 = arith.constant 0 : i32
        %dma_start3A_223 = tpu.memref_slice %arg4[%add3A_215, %dma_start3A_222] : memref<2560x128xi32, #tpu.memory_space<hbm>> -> memref<1x128xi32, #tpu.memory_space<hbm>>
        %dma_start3A_224 = tpu.memref_squeeze %dma_start3A_223 : memref<1x128xi32, #tpu.memory_space<hbm>> -> memref<128xi32, #tpu.memory_space<hbm>>
        %dma_start3A_225 = arith.constant 0 : i32
        %dma_start3A_226 = tpu.memref_slice %arg4[%add3A_215, %dma_start3A_225] : memref<2560x128xi32, #tpu.memory_space<hbm>> -> memref<1x128xi32, #tpu.memory_space<hbm>>
        %dma_start3A_227 = tpu.memref_squeeze %dma_start3A_226 : memref<1x128xi32, #tpu.memory_space<hbm>> -> memref<128xi32, #tpu.memory_space<hbm>>
        tpu.enqueue_dma source(%dma_start3A_227 : memref<128xi32, #tpu.memory_space<hbm>>) target(%arg11 : memref<128xi32, #tpu.memory_space<vmem>>) target_semaphore(%arg19 : memref<!tpu.dma_semaphore, #tpu.memory_space<semaphore_mem>>)
      } else {
      }
      %lt3A_153 = arith.constant 39 : i32
      %lt3A_154 = arith.cmpi slt, %mul3A_113, %lt3A_153 : i32
      %convert_element_type3A_155 = arith.extui %lt3A_154 : i1 to i32
      %cond3A_156 = arith.constant 0 : i32
      %cond3A_157 = arith.cmpi ne, %convert_element_type3A_155, %cond3A_156 : i32
      scf.if %cond3A_157 {
        %add3A_211 = arith.constant 3 : i32
        %add3A_212 = arith.addi %mul3A_115, %add3A_211 : i32
        %mul3A_213 = arith.constant 80 : i32
        %mul3A_214 = arith.muli %add3A, %mul3A_213 : i32
        %add3A_215 = arith.addi %mul3A_214, %add3A_212 : i32
        %dma_wait3A_216 = arith.constant 0 : i32
        %dma_wait3A_217 = tpu.memref_slice %arg3[%add3A_215, %dma_wait3A_216] : memref<2560x128xi32, #tpu.memory_space<hbm>> -> memref<1x128xi32, #tpu.memory_space<hbm>>
        %dma_wait3A_218 = tpu.memref_squeeze %dma_wait3A_217 : memref<1x128xi32, #tpu.memory_space<hbm>> -> memref<128xi32, #tpu.memory_space<hbm>>
        %dma_wait3A_219 = arith.constant 0 : i32
        %dma_wait3A_220 = tpu.memref_slice %arg3[%add3A_215, %dma_wait3A_219] : memref<2560x128xi32, #tpu.memory_space<hbm>> -> memref<1x128xi32, #tpu.memory_space<hbm>>
        %dma_wait3A_221 = tpu.memref_squeeze %dma_wait3A_220 : memref<1x128xi32, #tpu.memory_space<hbm>> -> memref<128xi32, #tpu.memory_space<hbm>>
        tpu.wait_dma2 semaphore(%arg21 : memref<!tpu.dma_semaphore, #tpu.memory_space<semaphore_mem>>) src(%dma_wait3A_221 : memref<128xi32, #tpu.memory_space<hbm>>) dst(%arg9 : memref<128xi32, #tpu.memory_space<vmem>>)
        %dma_wait3A_222 = arith.constant 0 : i32
        %dma_wait3A_223 = tpu.memref_slice %arg4[%add3A_215, %dma_wait3A_222] : memref<2560x128xi32, #tpu.memory_space<hbm>> -> memref<1x128xi32, #tpu.memory_space<hbm>>
        %dma_wait3A_224 = tpu.memref_squeeze %dma_wait3A_223 : memref<1x128xi32, #tpu.memory_space<hbm>> -> memref<128xi32, #tpu.memory_space<hbm>>
        %dma_wait3A_225 = arith.constant 0 : i32
        %dma_wait3A_226 = tpu.memref_slice %arg4[%add3A_215, %dma_wait3A_225] : memref<2560x128xi32, #tpu.memory_space<hbm>> -> memref<1x128xi32, #tpu.memory_space<hbm>>
        %dma_wait3A_227 = tpu.memref_squeeze %dma_wait3A_226 : memref<1x128xi32, #tpu.memory_space<hbm>> -> memref<128xi32, #tpu.memory_space<hbm>>
        tpu.wait_dma2 semaphore(%arg21 : memref<!tpu.dma_semaphore, #tpu.memory_space<semaphore_mem>>) src(%dma_wait3A_227 : memref<128xi32, #tpu.memory_space<hbm>>) dst(%arg13 : memref<128xi32, #tpu.memory_space<vmem>>)
      } else {
      }
      %mul3A_158 = arith.constant 2 : i32
      %mul3A_159 = arith.muli %mul3A_158, %scan3A_110 : i32
      %add3A_160 = arith.constant 1 : i32
      %add3A_161 = arith.addi %mul3A_159, %add3A_160 : i32
      %mul3A_162 = arith.constant 2 : i32
      %mul3A_163 = arith.muli %mul3A_162, %add3A_161 : i32
      %dma_start3A_164 = arith.constant 1 : i32
      %dma_start3A_165 = arith.constant 0 : i32
      %dma_start3A_166 = arith.constant 0 : i32
      %dma_start3A_167 = tpu.memref_slice %arg14[%dma_start3A_164, %dma_start3A_165, %dma_start3A_166] : memref<2x128x128xf32, #tpu.memory_space<vmem>> -> memref<1x128x128xf32, #tpu.memory_space<vmem>>
      %dma_start3A_168 = tpu.memref_squeeze %dma_start3A_167 : memref<1x128x128xf32, #tpu.memory_space<vmem>> -> memref<128x128xf32, #tpu.memory_space<vmem>>
      %dma_start3A_169 = arith.constant 0 : i32
      %dma_start3A_170 = arith.constant 0 : i32
      %dma_start3A_171 = tpu.memref_slice %arg2[%dma_start3A_169, %dma_start3A_170] : memref<10000x128xf32, #tpu.memory_space<hbm>> -> memref<10000x128xf32, #tpu.memory_space<hbm>>
      tpu.enqueue_indirect_dma source(%dma_start3A_171 : memref<10000x128xf32, #tpu.memory_space<hbm>>) target(%dma_start3A_168 : memref<128x128xf32, #tpu.memory_space<vmem>>) offsets(%arg9 : memref<128xi32, #tpu.memory_space<vmem>>) semaphore(%arg17 : memref<!tpu.dma_semaphore, #tpu.memory_space<semaphore_mem>>)
      %dma_wait3A_172 = arith.constant 0 : i32
      %dma_wait3A_173 = arith.constant 0 : i32
      %dma_wait3A_174 = arith.constant 0 : i32
      %dma_wait3A_175 = tpu.memref_slice %arg14[%dma_wait3A_172, %dma_wait3A_173, %dma_wait3A_174] : memref<2x128x128xf32, #tpu.memory_space<vmem>> -> memref<1x128x128xf32, #tpu.memory_space<vmem>>
      %dma_wait3A_176 = tpu.memref_squeeze %dma_wait3A_175 : memref<1x128x128xf32, #tpu.memory_space<vmem>> -> memref<128x128xf32, #tpu.memory_space<vmem>>
      %dma_wait3A_177 = arith.constant 0 : i32
      %dma_wait3A_178 = arith.constant 0 : i32
      %dma_wait3A_179 = tpu.memref_slice %arg2[%dma_wait3A_177, %dma_wait3A_178] : memref<10000x128xf32, #tpu.memory_space<hbm>> -> memref<10000x128xf32, #tpu.memory_space<hbm>>
      tpu.wait_indirect_dma semaphore(%arg16 : memref<!tpu.dma_semaphore, #tpu.memory_space<semaphore_mem>>) src(%dma_wait3A_179 : memref<10000x128xf32, #tpu.memory_space<hbm>>) dst(%dma_wait3A_176 : memref<128x128xf32, #tpu.memory_space<vmem>>)
      %run_scoped3A_180 = arith.constant 0 : i32
      "tpu.region"() ({
        %run_scoped3A_211 = tpu.sem_alloc : memref<!tpu.dma_semaphore, #tpu.memory_space<semaphore_mem>>
        %dma_start3A_212 = arith.constant 0 : i32
        %dma_start3A_213 = arith.constant 0 : i32
        %dma_start3A_214 = tpu.memref_slice %arg14[%run_scoped3A_180, %dma_start3A_212, %dma_start3A_213] : memref<2x128x128xf32, #tpu.memory_space<vmem>> -> memref<1x128x128xf32, #tpu.memory_space<vmem>>
        %dma_start3A_215 = tpu.memref_squeeze %dma_start3A_214 : memref<1x128x128xf32, #tpu.memory_space<vmem>> -> memref<128x128xf32, #tpu.memory_space<vmem>>
        %dma_start3A_216 = arith.constant 0 : i32
        %dma_start3A_217 = arith.constant 0 : i32
        %dma_start3A_218 = tpu.memref_slice %arg15[%dma_start3A_216, %dma_start3A_217] : memref<10240x128xf32, #tpu.memory_space<vmem_shared>> -> memref<10240x128xf32, #tpu.memory_space<vmem_shared>>
        tpu.enqueue_indirect_dma source(%dma_start3A_215 : memref<128x128xf32, #tpu.memory_space<vmem>>) target(%dma_start3A_218 : memref<10240x128xf32, #tpu.memory_space<vmem_shared>>) offsets(%arg12 : memref<128xi32, #tpu.memory_space<vmem>>) semaphore(%run_scoped3A_211 : memref<!tpu.dma_semaphore, #tpu.memory_space<semaphore_mem>>) {add = true}
        %dma_wait3A_219 = arith.constant 0 : i32
        %dma_wait3A_220 = arith.constant 0 : i32
        %dma_wait3A_221 = tpu.memref_slice %arg14[%run_scoped3A_180, %dma_wait3A_219, %dma_wait3A_220] : memref<2x128x128xf32, #tpu.memory_space<vmem>> -> memref<1x128x128xf32, #tpu.memory_space<vmem>>
        %dma_wait3A_222 = tpu.memref_squeeze %dma_wait3A_221 : memref<1x128x128xf32, #tpu.memory_space<vmem>> -> memref<128x128xf32, #tpu.memory_space<vmem>>
        %dma_wait3A_223 = arith.constant 0 : i32
        %dma_wait3A_224 = arith.constant 0 : i32
        %dma_wait3A_225 = tpu.memref_slice %arg15[%dma_wait3A_223, %dma_wait3A_224] : memref<10240x128xf32, #tpu.memory_space<vmem_shared>> -> memref<10240x128xf32, #tpu.memory_space<vmem_shared>>
        tpu.wait_indirect_dma semaphore(%run_scoped3A_211 : memref<!tpu.dma_semaphore, #tpu.memory_space<semaphore_mem>>) src(%dma_wait3A_222 : memref<128x128xf32, #tpu.memory_space<vmem>>) dst(%dma_wait3A_225 : memref<10240x128xf32, #tpu.memory_space<vmem_shared>>)
        tpu.yield
      }) : () -> ()
      %lt3A_181 = arith.constant 39 : i32
      %lt3A_182 = arith.cmpi slt, %add3A_161, %lt3A_181 : i32
      %convert_element_type3A_183 = arith.extui %lt3A_182 : i1 to i32
      %cond3A_184 = arith.constant 0 : i32
      %cond3A_185 = arith.cmpi ne, %convert_element_type3A_183, %cond3A_184 : i32
      scf.if %cond3A_185 {
        %add3A_211 = arith.constant 2 : i32
        %add3A_212 = arith.addi %mul3A_163, %add3A_211 : i32
        %mul3A_213 = arith.constant 80 : i32
        %mul3A_214 = arith.muli %add3A, %mul3A_213 : i32
        %add3A_215 = arith.addi %mul3A_214, %add3A_212 : i32
        %dma_wait3A_216 = arith.constant 0 : i32
        %dma_wait3A_217 = tpu.memref_slice %arg3[%add3A_215, %dma_wait3A_216] : memref<2560x128xi32, #tpu.memory_space<hbm>> -> memref<1x128xi32, #tpu.memory_space<hbm>>
        %dma_wait3A_218 = tpu.memref_squeeze %dma_wait3A_217 : memref<1x128xi32, #tpu.memory_space<hbm>> -> memref<128xi32, #tpu.memory_space<hbm>>
        %dma_wait3A_219 = arith.constant 0 : i32
        %dma_wait3A_220 = tpu.memref_slice %arg3[%add3A_215, %dma_wait3A_219] : memref<2560x128xi32, #tpu.memory_space<hbm>> -> memref<1x128xi32, #tpu.memory_space<hbm>>
        %dma_wait3A_221 = tpu.memref_squeeze %dma_wait3A_220 : memref<1x128xi32, #tpu.memory_space<hbm>> -> memref<128xi32, #tpu.memory_space<hbm>>
        tpu.wait_dma2 semaphore(%arg18 : memref<!tpu.dma_semaphore, #tpu.memory_space<semaphore_mem>>) src(%dma_wait3A_221 : memref<128xi32, #tpu.memory_space<hbm>>) dst(%arg6 : memref<128xi32, #tpu.memory_space<vmem>>)
        %dma_wait3A_222 = arith.constant 0 : i32
        %dma_wait3A_223 = tpu.memref_slice %arg4[%add3A_215, %dma_wait3A_222] : memref<2560x128xi32, #tpu.memory_space<hbm>> -> memref<1x128xi32, #tpu.memory_space<hbm>>
        %dma_wait3A_224 = tpu.memref_squeeze %dma_wait3A_223 : memref<1x128xi32, #tpu.memory_space<hbm>> -> memref<128xi32, #tpu.memory_space<hbm>>
        %dma_wait3A_225 = arith.constant 0 : i32
        %dma_wait3A_226 = tpu.memref_slice %arg4[%add3A_215, %dma_wait3A_225] : memref<2560x128xi32, #tpu.memory_space<hbm>> -> memref<1x128xi32, #tpu.memory_space<hbm>>
        %dma_wait3A_227 = tpu.memref_squeeze %dma_wait3A_226 : memref<1x128xi32, #tpu.memory_space<hbm>> -> memref<128xi32, #tpu.memory_space<hbm>>
        tpu.wait_dma2 semaphore(%arg18 : memref<!tpu.dma_semaphore, #tpu.memory_space<semaphore_mem>>) src(%dma_wait3A_227 : memref<128xi32, #tpu.memory_space<hbm>>) dst(%arg10 : memref<128xi32, #tpu.memory_space<vmem>>)
        %dma_start3A_228 = arith.constant 0 : i32
        %dma_start3A_229 = arith.constant 0 : i32
        %dma_start3A_230 = arith.constant 0 : i32
        %dma_start3A_231 = tpu.memref_slice %arg14[%dma_start3A_228, %dma_start3A_229, %dma_start3A_230] : memref<2x128x128xf32, #tpu.memory_space<vmem>> -> memref<1x128x128xf32, #tpu.memory_space<vmem>>
        %dma_start3A_232 = tpu.memref_squeeze %dma_start3A_231 : memref<1x128x128xf32, #tpu.memory_space<vmem>> -> memref<128x128xf32, #tpu.memory_space<vmem>>
        %dma_start3A_233 = arith.constant 0 : i32
        %dma_start3A_234 = arith.constant 0 : i32
        %dma_start3A_235 = tpu.memref_slice %arg2[%dma_start3A_233, %dma_start3A_234] : memref<10000x128xf32, #tpu.memory_space<hbm>> -> memref<10000x128xf32, #tpu.memory_space<hbm>>
        tpu.enqueue_indirect_dma source(%dma_start3A_235 : memref<10000x128xf32, #tpu.memory_space<hbm>>) target(%dma_start3A_232 : memref<128x128xf32, #tpu.memory_space<vmem>>) offsets(%arg6 : memref<128xi32, #tpu.memory_space<vmem>>) semaphore(%arg16 : memref<!tpu.dma_semaphore, #tpu.memory_space<semaphore_mem>>)
      } else {
      }
      %lt3A_186 = arith.constant 38 : i32
      %lt3A_187 = arith.cmpi slt, %add3A_161, %lt3A_186 : i32
      %convert_element_type3A_188 = arith.extui %lt3A_187 : i1 to i32
      %cond3A_189 = arith.constant 0 : i32
      %cond3A_190 = arith.cmpi ne, %convert_element_type3A_188, %cond3A_189 : i32
      scf.if %cond3A_190 {
        %add3A_211 = arith.constant 4 : i32
        %add3A_212 = arith.addi %mul3A_163, %add3A_211 : i32
        %mul3A_213 = arith.constant 80 : i32
        %mul3A_214 = arith.muli %add3A, %mul3A_213 : i32
        %add3A_215 = arith.addi %mul3A_214, %add3A_212 : i32
        %dma_start3A_216 = arith.constant 0 : i32
        %dma_start3A_217 = tpu.memref_slice %arg3[%add3A_215, %dma_start3A_216] : memref<2560x128xi32, #tpu.memory_space<hbm>> -> memref<1x128xi32, #tpu.memory_space<hbm>>
        %dma_start3A_218 = tpu.memref_squeeze %dma_start3A_217 : memref<1x128xi32, #tpu.memory_space<hbm>> -> memref<128xi32, #tpu.memory_space<hbm>>
        %dma_start3A_219 = arith.constant 0 : i32
        %dma_start3A_220 = tpu.memref_slice %arg3[%add3A_215, %dma_start3A_219] : memref<2560x128xi32, #tpu.memory_space<hbm>> -> memref<1x128xi32, #tpu.memory_space<hbm>>
        %dma_start3A_221 = tpu.memref_squeeze %dma_start3A_220 : memref<1x128xi32, #tpu.memory_space<hbm>> -> memref<128xi32, #tpu.memory_space<hbm>>
        tpu.enqueue_dma source(%dma_start3A_221 : memref<128xi32, #tpu.memory_space<hbm>>) target(%arg8 : memref<128xi32, #tpu.memory_space<vmem>>) target_semaphore(%arg20 : memref<!tpu.dma_semaphore, #tpu.memory_space<semaphore_mem>>)
        %dma_start3A_222 = arith.constant 0 : i32
        %dma_start3A_223 = tpu.memref_slice %arg4[%add3A_215, %dma_start3A_222] : memref<2560x128xi32, #tpu.memory_space<hbm>> -> memref<1x128xi32, #tpu.memory_space<hbm>>
        %dma_start3A_224 = tpu.memref_squeeze %dma_start3A_223 : memref<1x128xi32, #tpu.memory_space<hbm>> -> memref<128xi32, #tpu.memory_space<hbm>>
        %dma_start3A_225 = arith.constant 0 : i32
        %dma_start3A_226 = tpu.memref_slice %arg4[%add3A_215, %dma_start3A_225] : memref<2560x128xi32, #tpu.memory_space<hbm>> -> memref<1x128xi32, #tpu.memory_space<hbm>>
        %dma_start3A_227 = tpu.memref_squeeze %dma_start3A_226 : memref<1x128xi32, #tpu.memory_space<hbm>> -> memref<128xi32, #tpu.memory_space<hbm>>
        tpu.enqueue_dma source(%dma_start3A_227 : memref<128xi32, #tpu.memory_space<hbm>>) target(%arg12 : memref<128xi32, #tpu.memory_space<vmem>>) target_semaphore(%arg20 : memref<!tpu.dma_semaphore, #tpu.memory_space<semaphore_mem>>)
      } else {
      }
      %dma_wait3A_191 = arith.constant 1 : i32
      %dma_wait3A_192 = arith.constant 0 : i32
      %dma_wait3A_193 = arith.constant 0 : i32
      %dma_wait3A_194 = tpu.memref_slice %arg14[%dma_wait3A_191, %dma_wait3A_192, %dma_wait3A_193] : memref<2x128x128xf32, #tpu.memory_space<vmem>> -> memref<1x128x128xf32, #tpu.memory_space<vmem>>
      %dma_wait3A_195 = tpu.memref_squeeze %dma_wait3A_194 : memref<1x128x128xf32, #tpu.memory_space<vmem>> -> memref<128x128xf32, #tpu.memory_space<vmem>>
      %dma_wait3A_196 = arith.constant 0 : i32
      %dma_wait3A_197 = arith.constant 0 : i32
      %dma_wait3A_198 = tpu.memref_slice %arg2[%dma_wait3A_196, %dma_wait3A_197] : memref<10000x128xf32, #tpu.memory_space<hbm>> -> memref<10000x128xf32, #tpu.memory_space<hbm>>
      tpu.wait_indirect_dma semaphore(%arg17 : memref<!tpu.dma_semaphore, #tpu.memory_space<semaphore_mem>>) src(%dma_wait3A_198 : memref<10000x128xf32, #tpu.memory_space<hbm>>) dst(%dma_wait3A_195 : memref<128x128xf32, #tpu.memory_space<vmem>>)
      %run_scoped3A_199 = arith.constant 1 : i32
      "tpu.region"() ({
        %run_scoped3A_211 = tpu.sem_alloc : memref<!tpu.dma_semaphore, #tpu.memory_space<semaphore_mem>>
        %dma_start3A_212 = arith.constant 0 : i32
        %dma_start3A_213 = arith.constant 0 : i32
        %dma_start3A_214 = tpu.memref_slice %arg14[%run_scoped3A_199, %dma_start3A_212, %dma_start3A_213] : memref<2x128x128xf32, #tpu.memory_space<vmem>> -> memref<1x128x128xf32, #tpu.memory_space<vmem>>
        %dma_start3A_215 = tpu.memref_squeeze %dma_start3A_214 : memref<1x128x128xf32, #tpu.memory_space<vmem>> -> memref<128x128xf32, #tpu.memory_space<vmem>>
        %dma_start3A_216 = arith.constant 0 : i32
        %dma_start3A_217 = arith.constant 0 : i32
        %dma_start3A_218 = tpu.memref_slice %arg15[%dma_start3A_216, %dma_start3A_217] : memref<10240x128xf32, #tpu.memory_space<vmem_shared>> -> memref<10240x128xf32, #tpu.memory_space<vmem_shared>>
        tpu.enqueue_indirect_dma source(%dma_start3A_215 : memref<128x128xf32, #tpu.memory_space<vmem>>) target(%dma_start3A_218 : memref<10240x128xf32, #tpu.memory_space<vmem_shared>>) offsets(%arg13 : memref<128xi32, #tpu.memory_space<vmem>>) semaphore(%run_scoped3A_211 : memref<!tpu.dma_semaphore, #tpu.memory_space<semaphore_mem>>) {add = true}
        %dma_wait3A_219 = arith.constant 0 : i32
        %dma_wait3A_220 = arith.constant 0 : i32
        %dma_wait3A_221 = tpu.memref_slice %arg14[%run_scoped3A_199, %dma_wait3A_219, %dma_wait3A_220] : memref<2x128x128xf32, #tpu.memory_space<vmem>> -> memref<1x128x128xf32, #tpu.memory_space<vmem>>
        %dma_wait3A_222 = tpu.memref_squeeze %dma_wait3A_221 : memref<1x128x128xf32, #tpu.memory_space<vmem>> -> memref<128x128xf32, #tpu.memory_space<vmem>>
        %dma_wait3A_223 = arith.constant 0 : i32
        %dma_wait3A_224 = arith.constant 0 : i32
        %dma_wait3A_225 = tpu.memref_slice %arg15[%dma_wait3A_223, %dma_wait3A_224] : memref<10240x128xf32, #tpu.memory_space<vmem_shared>> -> memref<10240x128xf32, #tpu.memory_space<vmem_shared>>
        tpu.wait_indirect_dma semaphore(%run_scoped3A_211 : memref<!tpu.dma_semaphore, #tpu.memory_space<semaphore_mem>>) src(%dma_wait3A_222 : memref<128x128xf32, #tpu.memory_space<vmem>>) dst(%dma_wait3A_225 : memref<10240x128xf32, #tpu.memory_space<vmem_shared>>)
        tpu.yield
      }) : () -> ()
      %lt3A_200 = arith.constant 38 : i32
      %lt3A_201 = arith.cmpi slt, %add3A_161, %lt3A_200 : i32
      %convert_element_type3A_202 = arith.extui %lt3A_201 : i1 to i32
      %cond3A_203 = arith.constant 0 : i32
      %cond3A_204 = arith.cmpi ne, %convert_element_type3A_202, %cond3A_203 : i32
      scf.if %cond3A_204 {
        %add3A_211 = arith.constant 5 : i32
        %add3A_212 = arith.addi %mul3A_163, %add3A_211 : i32
        %mul3A_213 = arith.constant 80 : i32
        %mul3A_214 = arith.muli %add3A, %mul3A_213 : i32
        %add3A_215 = arith.addi %mul3A_214, %add3A_212 : i32
        %dma_start3A_216 = arith.constant 0 : i32
        %dma_start3A_217 = tpu.memref_slice %arg3[%add3A_215, %dma_start3A_216] : memref<2560x128xi32, #tpu.memory_space<hbm>> -> memref<1x128xi32, #tpu.memory_space<hbm>>
        %dma_start3A_218 = tpu.memref_squeeze %dma_start3A_217 : memref<1x128xi32, #tpu.memory_space<hbm>> -> memref<128xi32, #tpu.memory_space<hbm>>
        %dma_start3A_219 = arith.constant 0 : i32
        %dma_start3A_220 = tpu.memref_slice %arg3[%add3A_215, %dma_start3A_219] : memref<2560x128xi32, #tpu.memory_space<hbm>> -> memref<1x128xi32, #tpu.memory_space<hbm>>
        %dma_start3A_221 = tpu.memref_squeeze %dma_start3A_220 : memref<1x128xi32, #tpu.memory_space<hbm>> -> memref<128xi32, #tpu.memory_space<hbm>>
        tpu.enqueue_dma source(%dma_start3A_221 : memref<128xi32, #tpu.memory_space<hbm>>) target(%arg9 : memref<128xi32, #tpu.memory_space<vmem>>) target_semaphore(%arg21 : memref<!tpu.dma_semaphore, #tpu.memory_space<semaphore_mem>>)
        %dma_start3A_222 = arith.constant 0 : i32
        %dma_start3A_223 = tpu.memref_slice %arg4[%add3A_215, %dma_start3A_222] : memref<2560x128xi32, #tpu.memory_space<hbm>> -> memref<1x128xi32, #tpu.memory_space<hbm>>
        %dma_start3A_224 = tpu.memref_squeeze %dma_start3A_223 : memref<1x128xi32, #tpu.memory_space<hbm>> -> memref<128xi32, #tpu.memory_space<hbm>>
        %dma_start3A_225 = arith.constant 0 : i32
        %dma_start3A_226 = tpu.memref_slice %arg4[%add3A_215, %dma_start3A_225] : memref<2560x128xi32, #tpu.memory_space<hbm>> -> memref<1x128xi32, #tpu.memory_space<hbm>>
        %dma_start3A_227 = tpu.memref_squeeze %dma_start3A_226 : memref<1x128xi32, #tpu.memory_space<hbm>> -> memref<128xi32, #tpu.memory_space<hbm>>
        tpu.enqueue_dma source(%dma_start3A_227 : memref<128xi32, #tpu.memory_space<hbm>>) target(%arg13 : memref<128xi32, #tpu.memory_space<vmem>>) target_semaphore(%arg21 : memref<!tpu.dma_semaphore, #tpu.memory_space<semaphore_mem>>)
      } else {
      }
      %lt3A_205 = arith.constant 39 : i32
      %lt3A_206 = arith.cmpi slt, %add3A_161, %lt3A_205 : i32
      %convert_element_type3A_207 = arith.extui %lt3A_206 : i1 to i32
      %cond3A_208 = arith.constant 0 : i32
      %cond3A_209 = arith.cmpi ne, %convert_element_type3A_207, %cond3A_208 : i32
      scf.if %cond3A_209 {
        %add3A_211 = arith.constant 3 : i32
        %add3A_212 = arith.addi %mul3A_163, %add3A_211 : i32
        %mul3A_213 = arith.constant 80 : i32
        %mul3A_214 = arith.muli %add3A, %mul3A_213 : i32
        %add3A_215 = arith.addi %mul3A_214, %add3A_212 : i32
        %dma_wait3A_216 = arith.constant 0 : i32
        %dma_wait3A_217 = tpu.memref_slice %arg3[%add3A_215, %dma_wait3A_216] : memref<2560x128xi32, #tpu.memory_space<hbm>> -> memref<1x128xi32, #tpu.memory_space<hbm>>
        %dma_wait3A_218 = tpu.memref_squeeze %dma_wait3A_217 : memref<1x128xi32, #tpu.memory_space<hbm>> -> memref<128xi32, #tpu.memory_space<hbm>>
        %dma_wait3A_219 = arith.constant 0 : i32
        %dma_wait3A_220 = tpu.memref_slice %arg3[%add3A_215, %dma_wait3A_219] : memref<2560x128xi32, #tpu.memory_space<hbm>> -> memref<1x128xi32, #tpu.memory_space<hbm>>
        %dma_wait3A_221 = tpu.memref_squeeze %dma_wait3A_220 : memref<1x128xi32, #tpu.memory_space<hbm>> -> memref<128xi32, #tpu.memory_space<hbm>>
        tpu.wait_dma2 semaphore(%arg19 : memref<!tpu.dma_semaphore, #tpu.memory_space<semaphore_mem>>) src(%dma_wait3A_221 : memref<128xi32, #tpu.memory_space<hbm>>) dst(%arg7 : memref<128xi32, #tpu.memory_space<vmem>>)
        %dma_wait3A_222 = arith.constant 0 : i32
        %dma_wait3A_223 = tpu.memref_slice %arg4[%add3A_215, %dma_wait3A_222] : memref<2560x128xi32, #tpu.memory_space<hbm>> -> memref<1x128xi32, #tpu.memory_space<hbm>>
        %dma_wait3A_224 = tpu.memref_squeeze %dma_wait3A_223 : memref<1x128xi32, #tpu.memory_space<hbm>> -> memref<128xi32, #tpu.memory_space<hbm>>
        %dma_wait3A_225 = arith.constant 0 : i32
        %dma_wait3A_226 = tpu.memref_slice %arg4[%add3A_215, %dma_wait3A_225] : memref<2560x128xi32, #tpu.memory_space<hbm>> -> memref<1x128xi32, #tpu.memory_space<hbm>>
        %dma_wait3A_227 = tpu.memref_squeeze %dma_wait3A_226 : memref<1x128xi32, #tpu.memory_space<hbm>> -> memref<128xi32, #tpu.memory_space<hbm>>
        tpu.wait_dma2 semaphore(%arg19 : memref<!tpu.dma_semaphore, #tpu.memory_space<semaphore_mem>>) src(%dma_wait3A_227 : memref<128xi32, #tpu.memory_space<hbm>>) dst(%arg11 : memref<128xi32, #tpu.memory_space<vmem>>)
      } else {
      }
      %scan3A_210 = arith.constant 0 : i32
      scf.yield %scan3A_210 : i32
    }
    %scan3A_78 = arith.constant 20 : i32
    %barrier3A_79 = arith.constant 0 : index
    tpu.barrier barrier_id(%barrier3A_79)
    %add3A_80 = arith.constant 0 : i32
    %add3A_81 = arith.addi %mul3A_2, %add3A_80 : i32
    %run_scoped3A_82 = arith.constant 0 : i32
    "tpu.region"() ({
      %run_scoped3A_110 = tpu.sem_alloc : memref<!tpu.dma_semaphore, #tpu.memory_space<semaphore_mem>>
      %dma_start3A_111 = arith.constant 0 : i32
      %dma_start3A_112 = arith.constant 0 : i32
      %dma_start3A_113 = tpu.memref_slice %arg14[%run_scoped3A_82, %dma_start3A_111, %dma_start3A_112] : memref<2x128x128xf32, #tpu.memory_space<vmem>> -> memref<1x128x128xf32, #tpu.memory_space<vmem>>
      %dma_start3A_114 = tpu.memref_squeeze %dma_start3A_113 : memref<1x128x128xf32, #tpu.memory_space<vmem>> -> memref<128x128xf32, #tpu.memory_space<vmem>>
      %dma_start3A_115 = arith.constant 0 : i32
      %dma_start3A_116 = tpu.memref_slice %arg15[%add3A_81, %dma_start3A_115] : memref<10240x128xf32, #tpu.memory_space<vmem_shared>> -> memref<128x128xf32, #tpu.memory_space<vmem_shared>>
      %dma_start3A_117 = arith.constant 0 : i32
      %dma_start3A_118 = arith.constant 0 : i32
      %dma_start3A_119 = tpu.memref_slice %arg14[%run_scoped3A_82, %dma_start3A_117, %dma_start3A_118] : memref<2x128x128xf32, #tpu.memory_space<vmem>> -> memref<1x128x128xf32, #tpu.memory_space<vmem>>
      %dma_start3A_120 = tpu.memref_squeeze %dma_start3A_119 : memref<1x128x128xf32, #tpu.memory_space<vmem>> -> memref<128x128xf32, #tpu.memory_space<vmem>>
      %dma_start3A_121 = arith.constant 0 : i32
      %dma_start3A_122 = tpu.memref_slice %arg15[%add3A_81, %dma_start3A_121] : memref<10240x128xf32, #tpu.memory_space<vmem_shared>> -> memref<128x128xf32, #tpu.memory_space<vmem_shared>>
      tpu.enqueue_dma source(%dma_start3A_122 : memref<128x128xf32, #tpu.memory_space<vmem_shared>>) target(%dma_start3A_120 : memref<128x128xf32, #tpu.memory_space<vmem>>) target_semaphore(%run_scoped3A_110 : memref<!tpu.dma_semaphore, #tpu.memory_space<semaphore_mem>>)
      %dma_wait3A = arith.constant 0 : i32
      %dma_wait3A_123 = arith.constant 0 : i32
      %dma_wait3A_124 = tpu.memref_slice %arg14[%run_scoped3A_82, %dma_wait3A, %dma_wait3A_123] : memref<2x128x128xf32, #tpu.memory_space<vmem>> -> memref<1x128x128xf32, #tpu.memory_space<vmem>>
      %dma_wait3A_125 = tpu.memref_squeeze %dma_wait3A_124 : memref<1x128x128xf32, #tpu.memory_space<vmem>> -> memref<128x128xf32, #tpu.memory_space<vmem>>
      %dma_wait3A_126 = arith.constant 0 : i32
      %dma_wait3A_127 = tpu.memref_slice %arg15[%add3A_81, %dma_wait3A_126] : memref<10240x128xf32, #tpu.memory_space<vmem_shared>> -> memref<128x128xf32, #tpu.memory_space<vmem_shared>>
      %dma_wait3A_128 = arith.constant 0 : i32
      %dma_wait3A_129 = arith.constant 0 : i32
      %dma_wait3A_130 = tpu.memref_slice %arg14[%run_scoped3A_82, %dma_wait3A_128, %dma_wait3A_129] : memref<2x128x128xf32, #tpu.memory_space<vmem>> -> memref<1x128x128xf32, #tpu.memory_space<vmem>>
      %dma_wait3A_131 = tpu.memref_squeeze %dma_wait3A_130 : memref<1x128x128xf32, #tpu.memory_space<vmem>> -> memref<128x128xf32, #tpu.memory_space<vmem>>
      %dma_wait3A_132 = arith.constant 0 : i32
      %dma_wait3A_133 = tpu.memref_slice %arg15[%add3A_81, %dma_wait3A_132] : memref<10240x128xf32, #tpu.memory_space<vmem_shared>> -> memref<128x128xf32, #tpu.memory_space<vmem_shared>>
      tpu.wait_dma2 semaphore(%run_scoped3A_110 : memref<!tpu.dma_semaphore, #tpu.memory_space<semaphore_mem>>) src(%dma_wait3A_133 : memref<128x128xf32, #tpu.memory_space<vmem_shared>>) dst(%dma_wait3A_131 : memref<128x128xf32, #tpu.memory_space<vmem>>)
      tpu.yield
    }) : () -> ()
    %add3A_83 = arith.constant 0 : i32
    %add3A_84 = arith.addi %mul3A_2, %add3A_83 : i32
    %run_scoped3A_85 = arith.constant 0 : i32
    "tpu.region"() ({
      %run_scoped3A_110 = tpu.sem_alloc : memref<!tpu.dma_semaphore, #tpu.memory_space<semaphore_mem>>
      %dma_start3A_111 = arith.constant 0 : i32
      %dma_start3A_112 = arith.constant 0 : i32
      %dma_start3A_113 = tpu.memref_slice %arg14[%run_scoped3A_85, %dma_start3A_111, %dma_start3A_112] : memref<2x128x128xf32, #tpu.memory_space<vmem>> -> memref<1x128x128xf32, #tpu.memory_space<vmem>>
      %dma_start3A_114 = tpu.memref_squeeze %dma_start3A_113 : memref<1x128x128xf32, #tpu.memory_space<vmem>> -> memref<128x128xf32, #tpu.memory_space<vmem>>
      %dma_start3A_115 = arith.constant 0 : i32
      %dma_start3A_116 = tpu.memref_slice %arg5[%arg0, %add3A_84, %dma_start3A_115] : memref<2x10240x128xf32, #tpu.memory_space<hbm>> -> memref<1x128x128xf32, #tpu.memory_space<hbm>>
      %dma_start3A_117 = tpu.memref_squeeze %dma_start3A_116 : memref<1x128x128xf32, #tpu.memory_space<hbm>> -> memref<128x128xf32, #tpu.memory_space<hbm>>
      %dma_start3A_118 = arith.constant 0 : i32
      %dma_start3A_119 = tpu.memref_slice %arg5[%arg0, %add3A_84, %dma_start3A_118] : memref<2x10240x128xf32, #tpu.memory_space<hbm>> -> memref<1x128x128xf32, #tpu.memory_space<hbm>>
      %dma_start3A_120 = tpu.memref_squeeze %dma_start3A_119 : memref<1x128x128xf32, #tpu.memory_space<hbm>> -> memref<128x128xf32, #tpu.memory_space<hbm>>
      %dma_start3A_121 = arith.constant 0 : i32
      %dma_start3A_122 = arith.constant 0 : i32
      %dma_start3A_123 = tpu.memref_slice %arg14[%run_scoped3A_85, %dma_start3A_121, %dma_start3A_122] : memref<2x128x128xf32, #tpu.memory_space<vmem>> -> memref<1x128x128xf32, #tpu.memory_space<vmem>>
      %dma_start3A_124 = tpu.memref_squeeze %dma_start3A_123 : memref<1x128x128xf32, #tpu.memory_space<vmem>> -> memref<128x128xf32, #tpu.memory_space<vmem>>
      tpu.enqueue_dma source(%dma_start3A_124 : memref<128x128xf32, #tpu.memory_space<vmem>>) target(%dma_start3A_120 : memref<128x128xf32, #tpu.memory_space<hbm>>) target_semaphore(%run_scoped3A_110 : memref<!tpu.dma_semaphore, #tpu.memory_space<semaphore_mem>>)
      %dma_wait3A = arith.constant 0 : i32
      %dma_wait3A_125 = arith.constant 0 : i32
      %dma_wait3A_126 = tpu.memref_slice %arg14[%run_scoped3A_85, %dma_wait3A, %dma_wait3A_125] : memref<2x128x128xf32, #tpu.memory_space<vmem>> -> memref<1x128x128xf32, #tpu.memory_space<vmem>>
      %dma_wait3A_127 = tpu.memref_squeeze %dma_wait3A_126 : memref<1x128x128xf32, #tpu.memory_space<vmem>> -> memref<128x128xf32, #tpu.memory_space<vmem>>
      %dma_wait3A_128 = arith.constant 0 : i32
      %dma_wait3A_129 = tpu.memref_slice %arg5[%arg0, %add3A_84, %dma_wait3A_128] : memref<2x10240x128xf32, #tpu.memory_space<hbm>> -> memref<1x128x128xf32, #tpu.memory_space<hbm>>
      %dma_wait3A_130 = tpu.memref_squeeze %dma_wait3A_129 : memref<1x128x128xf32, #tpu.memory_space<hbm>> -> memref<128x128xf32, #tpu.memory_space<hbm>>
      %dma_wait3A_131 = arith.constant 0 : i32
      %dma_wait3A_132 = tpu.memref_slice %arg5[%arg0, %add3A_84, %dma_wait3A_131] : memref<2x10240x128xf32, #tpu.memory_space<hbm>> -> memref<1x128x128xf32, #tpu.memory_space<hbm>>
      %dma_wait3A_133 = tpu.memref_squeeze %dma_wait3A_132 : memref<1x128x128xf32, #tpu.memory_space<hbm>> -> memref<128x128xf32, #tpu.memory_space<hbm>>
      %dma_wait3A_134 = arith.constant 0 : i32
      %dma_wait3A_135 = arith.constant 0 : i32
      %dma_wait3A_136 = tpu.memref_slice %arg14[%run_scoped3A_85, %dma_wait3A_134, %dma_wait3A_135] : memref<2x128x128xf32, #tpu.memory_space<vmem>> -> memref<1x128x128xf32, #tpu.memory_space<vmem>>
      %dma_wait3A_137 = tpu.memref_squeeze %dma_wait3A_136 : memref<1x128x128xf32, #tpu.memory_space<vmem>> -> memref<128x128xf32, #tpu.memory_space<vmem>>
      tpu.wait_dma2 semaphore(%run_scoped3A_110 : memref<!tpu.dma_semaphore, #tpu.memory_space<semaphore_mem>>) src(%dma_wait3A_137 : memref<128x128xf32, #tpu.memory_space<vmem>>) dst(%dma_wait3A_133 : memref<128x128xf32, #tpu.memory_space<hbm>>)
      tpu.yield
    }) : () -> ()
    %add3A_86 = arith.constant 128 : i32
    %add3A_87 = arith.addi %mul3A_2, %add3A_86 : i32
    %run_scoped3A_88 = arith.constant 0 : i32
    "tpu.region"() ({
      %run_scoped3A_110 = tpu.sem_alloc : memref<!tpu.dma_semaphore, #tpu.memory_space<semaphore_mem>>
      %dma_start3A_111 = arith.constant 0 : i32
      %dma_start3A_112 = arith.constant 0 : i32
      %dma_start3A_113 = tpu.memref_slice %arg14[%run_scoped3A_88, %dma_start3A_111, %dma_start3A_112] : memref<2x128x128xf32, #tpu.memory_space<vmem>> -> memref<1x128x128xf32, #tpu.memory_space<vmem>>
      %dma_start3A_114 = tpu.memref_squeeze %dma_start3A_113 : memref<1x128x128xf32, #tpu.memory_space<vmem>> -> memref<128x128xf32, #tpu.memory_space<vmem>>
      %dma_start3A_115 = arith.constant 0 : i32
      %dma_start3A_116 = tpu.memref_slice %arg15[%add3A_87, %dma_start3A_115] : memref<10240x128xf32, #tpu.memory_space<vmem_shared>> -> memref<128x128xf32, #tpu.memory_space<vmem_shared>>
      %dma_start3A_117 = arith.constant 0 : i32
      %dma_start3A_118 = arith.constant 0 : i32
      %dma_start3A_119 = tpu.memref_slice %arg14[%run_scoped3A_88, %dma_start3A_117, %dma_start3A_118] : memref<2x128x128xf32, #tpu.memory_space<vmem>> -> memref<1x128x128xf32, #tpu.memory_space<vmem>>
      %dma_start3A_120 = tpu.memref_squeeze %dma_start3A_119 : memref<1x128x128xf32, #tpu.memory_space<vmem>> -> memref<128x128xf32, #tpu.memory_space<vmem>>
      %dma_start3A_121 = arith.constant 0 : i32
      %dma_start3A_122 = tpu.memref_slice %arg15[%add3A_87, %dma_start3A_121] : memref<10240x128xf32, #tpu.memory_space<vmem_shared>> -> memref<128x128xf32, #tpu.memory_space<vmem_shared>>
      tpu.enqueue_dma source(%dma_start3A_122 : memref<128x128xf32, #tpu.memory_space<vmem_shared>>) target(%dma_start3A_120 : memref<128x128xf32, #tpu.memory_space<vmem>>) target_semaphore(%run_scoped3A_110 : memref<!tpu.dma_semaphore, #tpu.memory_space<semaphore_mem>>)
      %dma_wait3A = arith.constant 0 : i32
      %dma_wait3A_123 = arith.constant 0 : i32
      %dma_wait3A_124 = tpu.memref_slice %arg14[%run_scoped3A_88, %dma_wait3A, %dma_wait3A_123] : memref<2x128x128xf32, #tpu.memory_space<vmem>> -> memref<1x128x128xf32, #tpu.memory_space<vmem>>
      %dma_wait3A_125 = tpu.memref_squeeze %dma_wait3A_124 : memref<1x128x128xf32, #tpu.memory_space<vmem>> -> memref<128x128xf32, #tpu.memory_space<vmem>>
      %dma_wait3A_126 = arith.constant 0 : i32
      %dma_wait3A_127 = tpu.memref_slice %arg15[%add3A_87, %dma_wait3A_126] : memref<10240x128xf32, #tpu.memory_space<vmem_shared>> -> memref<128x128xf32, #tpu.memory_space<vmem_shared>>
      %dma_wait3A_128 = arith.constant 0 : i32
      %dma_wait3A_129 = arith.constant 0 : i32
      %dma_wait3A_130 = tpu.memref_slice %arg14[%run_scoped3A_88, %dma_wait3A_128, %dma_wait3A_129] : memref<2x128x128xf32, #tpu.memory_space<vmem>> -> memref<1x128x128xf32, #tpu.memory_space<vmem>>
      %dma_wait3A_131 = tpu.memref_squeeze %dma_wait3A_130 : memref<1x128x128xf32, #tpu.memory_space<vmem>> -> memref<128x128xf32, #tpu.memory_space<vmem>>
      %dma_wait3A_132 = arith.constant 0 : i32
      %dma_wait3A_133 = tpu.memref_slice %arg15[%add3A_87, %dma_wait3A_132] : memref<10240x128xf32, #tpu.memory_space<vmem_shared>> -> memref<128x128xf32, #tpu.memory_space<vmem_shared>>
      tpu.wait_dma2 semaphore(%run_scoped3A_110 : memref<!tpu.dma_semaphore, #tpu.memory_space<semaphore_mem>>) src(%dma_wait3A_133 : memref<128x128xf32, #tpu.memory_space<vmem_shared>>) dst(%dma_wait3A_131 : memref<128x128xf32, #tpu.memory_space<vmem>>)
      tpu.yield
    }) : () -> ()
    %add3A_89 = arith.constant 128 : i32
    %add3A_90 = arith.addi %mul3A_2, %add3A_89 : i32
    %run_scoped3A_91 = arith.constant 0 : i32
    "tpu.region"() ({
      %run_scoped3A_110 = tpu.sem_alloc : memref<!tpu.dma_semaphore, #tpu.memory_space<semaphore_mem>>
      %dma_start3A_111 = arith.constant 0 : i32
      %dma_start3A_112 = arith.constant 0 : i32
      %dma_start3A_113 = tpu.memref_slice %arg14[%run_scoped3A_91, %dma_start3A_111, %dma_start3A_112] : memref<2x128x128xf32, #tpu.memory_space<vmem>> -> memref<1x128x128xf32, #tpu.memory_space<vmem>>
      %dma_start3A_114 = tpu.memref_squeeze %dma_start3A_113 : memref<1x128x128xf32, #tpu.memory_space<vmem>> -> memref<128x128xf32, #tpu.memory_space<vmem>>
      %dma_start3A_115 = arith.constant 0 : i32
      %dma_start3A_116 = tpu.memref_slice %arg5[%arg0, %add3A_90, %dma_start3A_115] : memref<2x10240x128xf32, #tpu.memory_space<hbm>> -> memref<1x128x128xf32, #tpu.memory_space<hbm>>
      %dma_start3A_117 = tpu.memref_squeeze %dma_start3A_116 : memref<1x128x128xf32, #tpu.memory_space<hbm>> -> memref<128x128xf32, #tpu.memory_space<hbm>>
      %dma_start3A_118 = arith.constant 0 : i32
      %dma_start3A_119 = tpu.memref_slice %arg5[%arg0, %add3A_90, %dma_start3A_118] : memref<2x10240x128xf32, #tpu.memory_space<hbm>> -> memref<1x128x128xf32, #tpu.memory_space<hbm>>
      %dma_start3A_120 = tpu.memref_squeeze %dma_start3A_119 : memref<1x128x128xf32, #tpu.memory_space<hbm>> -> memref<128x128xf32, #tpu.memory_space<hbm>>
      %dma_start3A_121 = arith.constant 0 : i32
      %dma_start3A_122 = arith.constant 0 : i32
      %dma_start3A_123 = tpu.memref_slice %arg14[%run_scoped3A_91, %dma_start3A_121, %dma_start3A_122] : memref<2x128x128xf32, #tpu.memory_space<vmem>> -> memref<1x128x128xf32, #tpu.memory_space<vmem>>
      %dma_start3A_124 = tpu.memref_squeeze %dma_start3A_123 : memref<1x128x128xf32, #tpu.memory_space<vmem>> -> memref<128x128xf32, #tpu.memory_space<vmem>>
      tpu.enqueue_dma source(%dma_start3A_124 : memref<128x128xf32, #tpu.memory_space<vmem>>) target(%dma_start3A_120 : memref<128x128xf32, #tpu.memory_space<hbm>>) target_semaphore(%run_scoped3A_110 : memref<!tpu.dma_semaphore, #tpu.memory_space<semaphore_mem>>)
      %dma_wait3A = arith.constant 0 : i32
      %dma_wait3A_125 = arith.constant 0 : i32
      %dma_wait3A_126 = tpu.memref_slice %arg14[%run_scoped3A_91, %dma_wait3A, %dma_wait3A_125] : memref<2x128x128xf32, #tpu.memory_space<vmem>> -> memref<1x128x128xf32, #tpu.memory_space<vmem>>
      %dma_wait3A_127 = tpu.memref_squeeze %dma_wait3A_126 : memref<1x128x128xf32, #tpu.memory_space<vmem>> -> memref<128x128xf32, #tpu.memory_space<vmem>>
      %dma_wait3A_128 = arith.constant 0 : i32
      %dma_wait3A_129 = tpu.memref_slice %arg5[%arg0, %add3A_90, %dma_wait3A_128] : memref<2x10240x128xf32, #tpu.memory_space<hbm>> -> memref<1x128x128xf32, #tpu.memory_space<hbm>>
      %dma_wait3A_130 = tpu.memref_squeeze %dma_wait3A_129 : memref<1x128x128xf32, #tpu.memory_space<hbm>> -> memref<128x128xf32, #tpu.memory_space<hbm>>
      %dma_wait3A_131 = arith.constant 0 : i32
      %dma_wait3A_132 = tpu.memref_slice %arg5[%arg0, %add3A_90, %dma_wait3A_131] : memref<2x10240x128xf32, #tpu.memory_space<hbm>> -> memref<1x128x128xf32, #tpu.memory_space<hbm>>
      %dma_wait3A_133 = tpu.memref_squeeze %dma_wait3A_132 : memref<1x128x128xf32, #tpu.memory_space<hbm>> -> memref<128x128xf32, #tpu.memory_space<hbm>>
      %dma_wait3A_134 = arith.constant 0 : i32
      %dma_wait3A_135 = arith.constant 0 : i32
      %dma_wait3A_136 = tpu.memref_slice %arg14[%run_scoped3A_91, %dma_wait3A_134, %dma_wait3A_135] : memref<2x128x128xf32, #tpu.memory_space<vmem>> -> memref<1x128x128xf32, #tpu.memory_space<vmem>>
      %dma_wait3A_137 = tpu.memref_squeeze %dma_wait3A_136 : memref<1x128x128xf32, #tpu.memory_space<vmem>> -> memref<128x128xf32, #tpu.memory_space<vmem>>
      tpu.wait_dma2 semaphore(%run_scoped3A_110 : memref<!tpu.dma_semaphore, #tpu.memory_space<semaphore_mem>>) src(%dma_wait3A_137 : memref<128x128xf32, #tpu.memory_space<vmem>>) dst(%dma_wait3A_133 : memref<128x128xf32, #tpu.memory_space<hbm>>)
      tpu.yield
    }) : () -> ()
    %add3A_92 = arith.constant 256 : i32
    %add3A_93 = arith.addi %mul3A_2, %add3A_92 : i32
    %run_scoped3A_94 = arith.constant 0 : i32
    "tpu.region"() ({
      %run_scoped3A_110 = tpu.sem_alloc : memref<!tpu.dma_semaphore, #tpu.memory_space<semaphore_mem>>
      %dma_start3A_111 = arith.constant 0 : i32
      %dma_start3A_112 = arith.constant 0 : i32
      %dma_start3A_113 = tpu.memref_slice %arg14[%run_scoped3A_94, %dma_start3A_111, %dma_start3A_112] : memref<2x128x128xf32, #tpu.memory_space<vmem>> -> memref<1x128x128xf32, #tpu.memory_space<vmem>>
      %dma_start3A_114 = tpu.memref_squeeze %dma_start3A_113 : memref<1x128x128xf32, #tpu.memory_space<vmem>> -> memref<128x128xf32, #tpu.memory_space<vmem>>
      %dma_start3A_115 = arith.constant 0 : i32
      %dma_start3A_116 = tpu.memref_slice %arg15[%add3A_93, %dma_start3A_115] : memref<10240x128xf32, #tpu.memory_space<vmem_shared>> -> memref<128x128xf32, #tpu.memory_space<vmem_shared>>
      %dma_start3A_117 = arith.constant 0 : i32
      %dma_start3A_118 = arith.constant 0 : i32
      %dma_start3A_119 = tpu.memref_slice %arg14[%run_scoped3A_94, %dma_start3A_117, %dma_start3A_118] : memref<2x128x128xf32, #tpu.memory_space<vmem>> -> memref<1x128x128xf32, #tpu.memory_space<vmem>>
      %dma_start3A_120 = tpu.memref_squeeze %dma_start3A_119 : memref<1x128x128xf32, #tpu.memory_space<vmem>> -> memref<128x128xf32, #tpu.memory_space<vmem>>
      %dma_start3A_121 = arith.constant 0 : i32
      %dma_start3A_122 = tpu.memref_slice %arg15[%add3A_93, %dma_start3A_121] : memref<10240x128xf32, #tpu.memory_space<vmem_shared>> -> memref<128x128xf32, #tpu.memory_space<vmem_shared>>
      tpu.enqueue_dma source(%dma_start3A_122 : memref<128x128xf32, #tpu.memory_space<vmem_shared>>) target(%dma_start3A_120 : memref<128x128xf32, #tpu.memory_space<vmem>>) target_semaphore(%run_scoped3A_110 : memref<!tpu.dma_semaphore, #tpu.memory_space<semaphore_mem>>)
      %dma_wait3A = arith.constant 0 : i32
      %dma_wait3A_123 = arith.constant 0 : i32
      %dma_wait3A_124 = tpu.memref_slice %arg14[%run_scoped3A_94, %dma_wait3A, %dma_wait3A_123] : memref<2x128x128xf32, #tpu.memory_space<vmem>> -> memref<1x128x128xf32, #tpu.memory_space<vmem>>
      %dma_wait3A_125 = tpu.memref_squeeze %dma_wait3A_124 : memref<1x128x128xf32, #tpu.memory_space<vmem>> -> memref<128x128xf32, #tpu.memory_space<vmem>>
      %dma_wait3A_126 = arith.constant 0 : i32
      %dma_wait3A_127 = tpu.memref_slice %arg15[%add3A_93, %dma_wait3A_126] : memref<10240x128xf32, #tpu.memory_space<vmem_shared>> -> memref<128x128xf32, #tpu.memory_space<vmem_shared>>
      %dma_wait3A_128 = arith.constant 0 : i32
      %dma_wait3A_129 = arith.constant 0 : i32
      %dma_wait3A_130 = tpu.memref_slice %arg14[%run_scoped3A_94, %dma_wait3A_128, %dma_wait3A_129] : memref<2x128x128xf32, #tpu.memory_space<vmem>> -> memref<1x128x128xf32, #tpu.memory_space<vmem>>
      %dma_wait3A_131 = tpu.memref_squeeze %dma_wait3A_130 : memref<1x128x128xf32, #tpu.memory_space<vmem>> -> memref<128x128xf32, #tpu.memory_space<vmem>>
      %dma_wait3A_132 = arith.constant 0 : i32
      %dma_wait3A_133 = tpu.memref_slice %arg15[%add3A_93, %dma_wait3A_132] : memref<10240x128xf32, #tpu.memory_space<vmem_shared>> -> memref<128x128xf32, #tpu.memory_space<vmem_shared>>
      tpu.wait_dma2 semaphore(%run_scoped3A_110 : memref<!tpu.dma_semaphore, #tpu.memory_space<semaphore_mem>>) src(%dma_wait3A_133 : memref<128x128xf32, #tpu.memory_space<vmem_shared>>) dst(%dma_wait3A_131 : memref<128x128xf32, #tpu.memory_space<vmem>>)
      tpu.yield
    }) : () -> ()
    %add3A_95 = arith.constant 256 : i32
    %add3A_96 = arith.addi %mul3A_2, %add3A_95 : i32
    %run_scoped3A_97 = arith.constant 0 : i32
    "tpu.region"() ({
      %run_scoped3A_110 = tpu.sem_alloc : memref<!tpu.dma_semaphore, #tpu.memory_space<semaphore_mem>>
      %dma_start3A_111 = arith.constant 0 : i32
      %dma_start3A_112 = arith.constant 0 : i32
      %dma_start3A_113 = tpu.memref_slice %arg14[%run_scoped3A_97, %dma_start3A_111, %dma_start3A_112] : memref<2x128x128xf32, #tpu.memory_space<vmem>> -> memref<1x128x128xf32, #tpu.memory_space<vmem>>
      %dma_start3A_114 = tpu.memref_squeeze %dma_start3A_113 : memref<1x128x128xf32, #tpu.memory_space<vmem>> -> memref<128x128xf32, #tpu.memory_space<vmem>>
      %dma_start3A_115 = arith.constant 0 : i32
      %dma_start3A_116 = tpu.memref_slice %arg5[%arg0, %add3A_96, %dma_start3A_115] : memref<2x10240x128xf32, #tpu.memory_space<hbm>> -> memref<1x128x128xf32, #tpu.memory_space<hbm>>
      %dma_start3A_117 = tpu.memref_squeeze %dma_start3A_116 : memref<1x128x128xf32, #tpu.memory_space<hbm>> -> memref<128x128xf32, #tpu.memory_space<hbm>>
      %dma_start3A_118 = arith.constant 0 : i32
      %dma_start3A_119 = tpu.memref_slice %arg5[%arg0, %add3A_96, %dma_start3A_118] : memref<2x10240x128xf32, #tpu.memory_space<hbm>> -> memref<1x128x128xf32, #tpu.memory_space<hbm>>
      %dma_start3A_120 = tpu.memref_squeeze %dma_start3A_119 : memref<1x128x128xf32, #tpu.memory_space<hbm>> -> memref<128x128xf32, #tpu.memory_space<hbm>>
      %dma_start3A_121 = arith.constant 0 : i32
      %dma_start3A_122 = arith.constant 0 : i32
      %dma_start3A_123 = tpu.memref_slice %arg14[%run_scoped3A_97, %dma_start3A_121, %dma_start3A_122] : memref<2x128x128xf32, #tpu.memory_space<vmem>> -> memref<1x128x128xf32, #tpu.memory_space<vmem>>
      %dma_start3A_124 = tpu.memref_squeeze %dma_start3A_123 : memref<1x128x128xf32, #tpu.memory_space<vmem>> -> memref<128x128xf32, #tpu.memory_space<vmem>>
      tpu.enqueue_dma source(%dma_start3A_124 : memref<128x128xf32, #tpu.memory_space<vmem>>) target(%dma_start3A_120 : memref<128x128xf32, #tpu.memory_space<hbm>>) target_semaphore(%run_scoped3A_110 : memref<!tpu.dma_semaphore, #tpu.memory_space<semaphore_mem>>)
      %dma_wait3A = arith.constant 0 : i32
      %dma_wait3A_125 = arith.constant 0 : i32
      %dma_wait3A_126 = tpu.memref_slice %arg14[%run_scoped3A_97, %dma_wait3A, %dma_wait3A_125] : memref<2x128x128xf32, #tpu.memory_space<vmem>> -> memref<1x128x128xf32, #tpu.memory_space<vmem>>
      %dma_wait3A_127 = tpu.memref_squeeze %dma_wait3A_126 : memref<1x128x128xf32, #tpu.memory_space<vmem>> -> memref<128x128xf32, #tpu.memory_space<vmem>>
      %dma_wait3A_128 = arith.constant 0 : i32
      %dma_wait3A_129 = tpu.memref_slice %arg5[%arg0, %add3A_96, %dma_wait3A_128] : memref<2x10240x128xf32, #tpu.memory_space<hbm>> -> memref<1x128x128xf32, #tpu.memory_space<hbm>>
      %dma_wait3A_130 = tpu.memref_squeeze %dma_wait3A_129 : memref<1x128x128xf32, #tpu.memory_space<hbm>> -> memref<128x128xf32, #tpu.memory_space<hbm>>
      %dma_wait3A_131 = arith.constant 0 : i32
      %dma_wait3A_132 = tpu.memref_slice %arg5[%arg0, %add3A_96, %dma_wait3A_131] : memref<2x10240x128xf32, #tpu.memory_space<hbm>> -> memref<1x128x128xf32, #tpu.memory_space<hbm>>
      %dma_wait3A_133 = tpu.memref_squeeze %dma_wait3A_132 : memref<1x128x128xf32, #tpu.memory_space<hbm>> -> memref<128x128xf32, #tpu.memory_space<hbm>>
      %dma_wait3A_134 = arith.constant 0 : i32
      %dma_wait3A_135 = arith.constant 0 : i32
      %dma_wait3A_136 = tpu.memref_slice %arg14[%run_scoped3A_97, %dma_wait3A_134, %dma_wait3A_135] : memref<2x128x128xf32, #tpu.memory_space<vmem>> -> memref<1x128x128xf32, #tpu.memory_space<vmem>>
      %dma_wait3A_137 = tpu.memref_squeeze %dma_wait3A_136 : memref<1x128x128xf32, #tpu.memory_space<vmem>> -> memref<128x128xf32, #tpu.memory_space<vmem>>
      tpu.wait_dma2 semaphore(%run_scoped3A_110 : memref<!tpu.dma_semaphore, #tpu.memory_space<semaphore_mem>>) src(%dma_wait3A_137 : memref<128x128xf32, #tpu.memory_space<vmem>>) dst(%dma_wait3A_133 : memref<128x128xf32, #tpu.memory_space<hbm>>)
      tpu.yield
    }) : () -> ()
    %add3A_98 = arith.constant 384 : i32
    %add3A_99 = arith.addi %mul3A_2, %add3A_98 : i32
    %run_scoped3A_100 = arith.constant 0 : i32
    "tpu.region"() ({
      %run_scoped3A_110 = tpu.sem_alloc : memref<!tpu.dma_semaphore, #tpu.memory_space<semaphore_mem>>
      %dma_start3A_111 = arith.constant 0 : i32
      %dma_start3A_112 = arith.constant 0 : i32
      %dma_start3A_113 = tpu.memref_slice %arg14[%run_scoped3A_100, %dma_start3A_111, %dma_start3A_112] : memref<2x128x128xf32, #tpu.memory_space<vmem>> -> memref<1x128x128xf32, #tpu.memory_space<vmem>>
      %dma_start3A_114 = tpu.memref_squeeze %dma_start3A_113 : memref<1x128x128xf32, #tpu.memory_space<vmem>> -> memref<128x128xf32, #tpu.memory_space<vmem>>
      %dma_start3A_115 = arith.constant 0 : i32
      %dma_start3A_116 = tpu.memref_slice %arg15[%add3A_99, %dma_start3A_115] : memref<10240x128xf32, #tpu.memory_space<vmem_shared>> -> memref<128x128xf32, #tpu.memory_space<vmem_shared>>
      %dma_start3A_117 = arith.constant 0 : i32
      %dma_start3A_118 = arith.constant 0 : i32
      %dma_start3A_119 = tpu.memref_slice %arg14[%run_scoped3A_100, %dma_start3A_117, %dma_start3A_118] : memref<2x128x128xf32, #tpu.memory_space<vmem>> -> memref<1x128x128xf32, #tpu.memory_space<vmem>>
      %dma_start3A_120 = tpu.memref_squeeze %dma_start3A_119 : memref<1x128x128xf32, #tpu.memory_space<vmem>> -> memref<128x128xf32, #tpu.memory_space<vmem>>
      %dma_start3A_121 = arith.constant 0 : i32
      %dma_start3A_122 = tpu.memref_slice %arg15[%add3A_99, %dma_start3A_121] : memref<10240x128xf32, #tpu.memory_space<vmem_shared>> -> memref<128x128xf32, #tpu.memory_space<vmem_shared>>
      tpu.enqueue_dma source(%dma_start3A_122 : memref<128x128xf32, #tpu.memory_space<vmem_shared>>) target(%dma_start3A_120 : memref<128x128xf32, #tpu.memory_space<vmem>>) target_semaphore(%run_scoped3A_110 : memref<!tpu.dma_semaphore, #tpu.memory_space<semaphore_mem>>)
      %dma_wait3A = arith.constant 0 : i32
      %dma_wait3A_123 = arith.constant 0 : i32
      %dma_wait3A_124 = tpu.memref_slice %arg14[%run_scoped3A_100, %dma_wait3A, %dma_wait3A_123] : memref<2x128x128xf32, #tpu.memory_space<vmem>> -> memref<1x128x128xf32, #tpu.memory_space<vmem>>
      %dma_wait3A_125 = tpu.memref_squeeze %dma_wait3A_124 : memref<1x128x128xf32, #tpu.memory_space<vmem>> -> memref<128x128xf32, #tpu.memory_space<vmem>>
      %dma_wait3A_126 = arith.constant 0 : i32
      %dma_wait3A_127 = tpu.memref_slice %arg15[%add3A_99, %dma_wait3A_126] : memref<10240x128xf32, #tpu.memory_space<vmem_shared>> -> memref<128x128xf32, #tpu.memory_space<vmem_shared>>
      %dma_wait3A_128 = arith.constant 0 : i32
      %dma_wait3A_129 = arith.constant 0 : i32
      %dma_wait3A_130 = tpu.memref_slice %arg14[%run_scoped3A_100, %dma_wait3A_128, %dma_wait3A_129] : memref<2x128x128xf32, #tpu.memory_space<vmem>> -> memref<1x128x128xf32, #tpu.memory_space<vmem>>
      %dma_wait3A_131 = tpu.memref_squeeze %dma_wait3A_130 : memref<1x128x128xf32, #tpu.memory_space<vmem>> -> memref<128x128xf32, #tpu.memory_space<vmem>>
      %dma_wait3A_132 = arith.constant 0 : i32
      %dma_wait3A_133 = tpu.memref_slice %arg15[%add3A_99, %dma_wait3A_132] : memref<10240x128xf32, #tpu.memory_space<vmem_shared>> -> memref<128x128xf32, #tpu.memory_space<vmem_shared>>
      tpu.wait_dma2 semaphore(%run_scoped3A_110 : memref<!tpu.dma_semaphore, #tpu.memory_space<semaphore_mem>>) src(%dma_wait3A_133 : memref<128x128xf32, #tpu.memory_space<vmem_shared>>) dst(%dma_wait3A_131 : memref<128x128xf32, #tpu.memory_space<vmem>>)
      tpu.yield
    }) : () -> ()
    %add3A_101 = arith.constant 384 : i32
    %add3A_102 = arith.addi %mul3A_2, %add3A_101 : i32
    %run_scoped3A_103 = arith.constant 0 : i32
    "tpu.region"() ({
      %run_scoped3A_110 = tpu.sem_alloc : memref<!tpu.dma_semaphore, #tpu.memory_space<semaphore_mem>>
      %dma_start3A_111 = arith.constant 0 : i32
      %dma_start3A_112 = arith.constant 0 : i32
      %dma_start3A_113 = tpu.memref_slice %arg14[%run_scoped3A_103, %dma_start3A_111, %dma_start3A_112] : memref<2x128x128xf32, #tpu.memory_space<vmem>> -> memref<1x128x128xf32, #tpu.memory_space<vmem>>
      %dma_start3A_114 = tpu.memref_squeeze %dma_start3A_113 : memref<1x128x128xf32, #tpu.memory_space<vmem>> -> memref<128x128xf32, #tpu.memory_space<vmem>>
      %dma_start3A_115 = arith.constant 0 : i32
      %dma_start3A_116 = tpu.memref_slice %arg5[%arg0, %add3A_102, %dma_start3A_115] : memref<2x10240x128xf32, #tpu.memory_space<hbm>> -> memref<1x128x128xf32, #tpu.memory_space<hbm>>
      %dma_start3A_117 = tpu.memref_squeeze %dma_start3A_116 : memref<1x128x128xf32, #tpu.memory_space<hbm>> -> memref<128x128xf32, #tpu.memory_space<hbm>>
      %dma_start3A_118 = arith.constant 0 : i32
      %dma_start3A_119 = tpu.memref_slice %arg5[%arg0, %add3A_102, %dma_start3A_118] : memref<2x10240x128xf32, #tpu.memory_space<hbm>> -> memref<1x128x128xf32, #tpu.memory_space<hbm>>
      %dma_start3A_120 = tpu.memref_squeeze %dma_start3A_119 : memref<1x128x128xf32, #tpu.memory_space<hbm>> -> memref<128x128xf32, #tpu.memory_space<hbm>>
      %dma_start3A_121 = arith.constant 0 : i32
      %dma_start3A_122 = arith.constant 0 : i32
      %dma_start3A_123 = tpu.memref_slice %arg14[%run_scoped3A_103, %dma_start3A_121, %dma_start3A_122] : memref<2x128x128xf32, #tpu.memory_space<vmem>> -> memref<1x128x128xf32, #tpu.memory_space<vmem>>
      %dma_start3A_124 = tpu.memref_squeeze %dma_start3A_123 : memref<1x128x128xf32, #tpu.memory_space<vmem>> -> memref<128x128xf32, #tpu.memory_space<vmem>>
      tpu.enqueue_dma source(%dma_start3A_124 : memref<128x128xf32, #tpu.memory_space<vmem>>) target(%dma_start3A_120 : memref<128x128xf32, #tpu.memory_space<hbm>>) target_semaphore(%run_scoped3A_110 : memref<!tpu.dma_semaphore, #tpu.memory_space<semaphore_mem>>)
      %dma_wait3A = arith.constant 0 : i32
      %dma_wait3A_125 = arith.constant 0 : i32
      %dma_wait3A_126 = tpu.memref_slice %arg14[%run_scoped3A_103, %dma_wait3A, %dma_wait3A_125] : memref<2x128x128xf32, #tpu.memory_space<vmem>> -> memref<1x128x128xf32, #tpu.memory_space<vmem>>
      %dma_wait3A_127 = tpu.memref_squeeze %dma_wait3A_126 : memref<1x128x128xf32, #tpu.memory_space<vmem>> -> memref<128x128xf32, #tpu.memory_space<vmem>>
      %dma_wait3A_128 = arith.constant 0 : i32
      %dma_wait3A_129 = tpu.memref_slice %arg5[%arg0, %add3A_102, %dma_wait3A_128] : memref<2x10240x128xf32, #tpu.memory_space<hbm>> -> memref<1x128x128xf32, #tpu.memory_space<hbm>>
      %dma_wait3A_130 = tpu.memref_squeeze %dma_wait3A_129 : memref<1x128x128xf32, #tpu.memory_space<hbm>> -> memref<128x128xf32, #tpu.memory_space<hbm>>
      %dma_wait3A_131 = arith.constant 0 : i32
      %dma_wait3A_132 = tpu.memref_slice %arg5[%arg0, %add3A_102, %dma_wait3A_131] : memref<2x10240x128xf32, #tpu.memory_space<hbm>> -> memref<1x128x128xf32, #tpu.memory_space<hbm>>
      %dma_wait3A_133 = tpu.memref_squeeze %dma_wait3A_132 : memref<1x128x128xf32, #tpu.memory_space<hbm>> -> memref<128x128xf32, #tpu.memory_space<hbm>>
      %dma_wait3A_134 = arith.constant 0 : i32
      %dma_wait3A_135 = arith.constant 0 : i32
      %dma_wait3A_136 = tpu.memref_slice %arg14[%run_scoped3A_103, %dma_wait3A_134, %dma_wait3A_135] : memref<2x128x128xf32, #tpu.memory_space<vmem>> -> memref<1x128x128xf32, #tpu.memory_space<vmem>>
      %dma_wait3A_137 = tpu.memref_squeeze %dma_wait3A_136 : memref<1x128x128xf32, #tpu.memory_space<vmem>> -> memref<128x128xf32, #tpu.memory_space<vmem>>
      tpu.wait_dma2 semaphore(%run_scoped3A_110 : memref<!tpu.dma_semaphore, #tpu.memory_space<semaphore_mem>>) src(%dma_wait3A_137 : memref<128x128xf32, #tpu.memory_space<vmem>>) dst(%dma_wait3A_133 : memref<128x128xf32, #tpu.memory_space<hbm>>)
      tpu.yield
    }) : () -> ()
    %add3A_104 = arith.constant 512 : i32
    %add3A_105 = arith.addi %mul3A_2, %add3A_104 : i32
    %run_scoped3A_106 = arith.constant 0 : i32
    "tpu.region"() ({
      %run_scoped3A_110 = tpu.sem_alloc : memref<!tpu.dma_semaphore, #tpu.memory_space<semaphore_mem>>
      %dma_start3A_111 = arith.constant 0 : i32
      %dma_start3A_112 = arith.constant 0 : i32
      %dma_start3A_113 = tpu.memref_slice %arg14[%run_scoped3A_106, %dma_start3A_111, %dma_start3A_112] : memref<2x128x128xf32, #tpu.memory_space<vmem>> -> memref<1x128x128xf32, #tpu.memory_space<vmem>>
      %dma_start3A_114 = tpu.memref_squeeze %dma_start3A_113 : memref<1x128x128xf32, #tpu.memory_space<vmem>> -> memref<128x128xf32, #tpu.memory_space<vmem>>
      %dma_start3A_115 = arith.constant 0 : i32
      %dma_start3A_116 = tpu.memref_slice %arg15[%add3A_105, %dma_start3A_115] : memref<10240x128xf32, #tpu.memory_space<vmem_shared>> -> memref<128x128xf32, #tpu.memory_space<vmem_shared>>
      %dma_start3A_117 = arith.constant 0 : i32
      %dma_start3A_118 = arith.constant 0 : i32
      %dma_start3A_119 = tpu.memref_slice %arg14[%run_scoped3A_106, %dma_start3A_117, %dma_start3A_118] : memref<2x128x128xf32, #tpu.memory_space<vmem>> -> memref<1x128x128xf32, #tpu.memory_space<vmem>>
      %dma_start3A_120 = tpu.memref_squeeze %dma_start3A_119 : memref<1x128x128xf32, #tpu.memory_space<vmem>> -> memref<128x128xf32, #tpu.memory_space<vmem>>
      %dma_start3A_121 = arith.constant 0 : i32
      %dma_start3A_122 = tpu.memref_slice %arg15[%add3A_105, %dma_start3A_121] : memref<10240x128xf32, #tpu.memory_space<vmem_shared>> -> memref<128x128xf32, #tpu.memory_space<vmem_shared>>
      tpu.enqueue_dma source(%dma_start3A_122 : memref<128x128xf32, #tpu.memory_space<vmem_shared>>) target(%dma_start3A_120 : memref<128x128xf32, #tpu.memory_space<vmem>>) target_semaphore(%run_scoped3A_110 : memref<!tpu.dma_semaphore, #tpu.memory_space<semaphore_mem>>)
      %dma_wait3A = arith.constant 0 : i32
      %dma_wait3A_123 = arith.constant 0 : i32
      %dma_wait3A_124 = tpu.memref_slice %arg14[%run_scoped3A_106, %dma_wait3A, %dma_wait3A_123] : memref<2x128x128xf32, #tpu.memory_space<vmem>> -> memref<1x128x128xf32, #tpu.memory_space<vmem>>
      %dma_wait3A_125 = tpu.memref_squeeze %dma_wait3A_124 : memref<1x128x128xf32, #tpu.memory_space<vmem>> -> memref<128x128xf32, #tpu.memory_space<vmem>>
      %dma_wait3A_126 = arith.constant 0 : i32
      %dma_wait3A_127 = tpu.memref_slice %arg15[%add3A_105, %dma_wait3A_126] : memref<10240x128xf32, #tpu.memory_space<vmem_shared>> -> memref<128x128xf32, #tpu.memory_space<vmem_shared>>
      %dma_wait3A_128 = arith.constant 0 : i32
      %dma_wait3A_129 = arith.constant 0 : i32
      %dma_wait3A_130 = tpu.memref_slice %arg14[%run_scoped3A_106, %dma_wait3A_128, %dma_wait3A_129] : memref<2x128x128xf32, #tpu.memory_space<vmem>> -> memref<1x128x128xf32, #tpu.memory_space<vmem>>
      %dma_wait3A_131 = tpu.memref_squeeze %dma_wait3A_130 : memref<1x128x128xf32, #tpu.memory_space<vmem>> -> memref<128x128xf32, #tpu.memory_space<vmem>>
      %dma_wait3A_132 = arith.constant 0 : i32
      %dma_wait3A_133 = tpu.memref_slice %arg15[%add3A_105, %dma_wait3A_132] : memref<10240x128xf32, #tpu.memory_space<vmem_shared>> -> memref<128x128xf32, #tpu.memory_space<vmem_shared>>
      tpu.wait_dma2 semaphore(%run_scoped3A_110 : memref<!tpu.dma_semaphore, #tpu.memory_space<semaphore_mem>>) src(%dma_wait3A_133 : memref<128x128xf32, #tpu.memory_space<vmem_shared>>) dst(%dma_wait3A_131 : memref<128x128xf32, #tpu.memory_space<vmem>>)
      tpu.yield
    }) : () -> ()
    %add3A_107 = arith.constant 512 : i32
    %add3A_108 = arith.addi %mul3A_2, %add3A_107 : i32
    %run_scoped3A_109 = arith.constant 0 : i32
    "tpu.region"() ({
      %run_scoped3A_110 = tpu.sem_alloc : memref<!tpu.dma_semaphore, #tpu.memory_space<semaphore_mem>>
      %dma_start3A_111 = arith.constant 0 : i32
      %dma_start3A_112 = arith.constant 0 : i32
      %dma_start3A_113 = tpu.memref_slice %arg14[%run_scoped3A_109, %dma_start3A_111, %dma_start3A_112] : memref<2x128x128xf32, #tpu.memory_space<vmem>> -> memref<1x128x128xf32, #tpu.memory_space<vmem>>
      %dma_start3A_114 = tpu.memref_squeeze %dma_start3A_113 : memref<1x128x128xf32, #tpu.memory_space<vmem>> -> memref<128x128xf32, #tpu.memory_space<vmem>>
      %dma_start3A_115 = arith.constant 0 : i32
      %dma_start3A_116 = tpu.memref_slice %arg5[%arg0, %add3A_108, %dma_start3A_115] : memref<2x10240x128xf32, #tpu.memory_space<hbm>> -> memref<1x128x128xf32, #tpu.memory_space<hbm>>
      %dma_start3A_117 = tpu.memref_squeeze %dma_start3A_116 : memref<1x128x128xf32, #tpu.memory_space<hbm>> -> memref<128x128xf32, #tpu.memory_space<hbm>>
      %dma_start3A_118 = arith.constant 0 : i32
      %dma_start3A_119 = tpu.memref_slice %arg5[%arg0, %add3A_108, %dma_start3A_118] : memref<2x10240x128xf32, #tpu.memory_space<hbm>> -> memref<1x128x128xf32, #tpu.memory_space<hbm>>
      %dma_start3A_120 = tpu.memref_squeeze %dma_start3A_119 : memref<1x128x128xf32, #tpu.memory_space<hbm>> -> memref<128x128xf32, #tpu.memory_space<hbm>>
      %dma_start3A_121 = arith.constant 0 : i32
      %dma_start3A_122 = arith.constant 0 : i32
      %dma_start3A_123 = tpu.memref_slice %arg14[%run_scoped3A_109, %dma_start3A_121, %dma_start3A_122] : memref<2x128x128xf32, #tpu.memory_space<vmem>> -> memref<1x128x128xf32, #tpu.memory_space<vmem>>
      %dma_start3A_124 = tpu.memref_squeeze %dma_start3A_123 : memref<1x128x128xf32, #tpu.memory_space<vmem>> -> memref<128x128xf32, #tpu.memory_space<vmem>>
      tpu.enqueue_dma source(%dma_start3A_124 : memref<128x128xf32, #tpu.memory_space<vmem>>) target(%dma_start3A_120 : memref<128x128xf32, #tpu.memory_space<hbm>>) target_semaphore(%run_scoped3A_110 : memref<!tpu.dma_semaphore, #tpu.memory_space<semaphore_mem>>)
      %dma_wait3A = arith.constant 0 : i32
      %dma_wait3A_125 = arith.constant 0 : i32
      %dma_wait3A_126 = tpu.memref_slice %arg14[%run_scoped3A_109, %dma_wait3A, %dma_wait3A_125] : memref<2x128x128xf32, #tpu.memory_space<vmem>> -> memref<1x128x128xf32, #tpu.memory_space<vmem>>
      %dma_wait3A_127 = tpu.memref_squeeze %dma_wait3A_126 : memref<1x128x128xf32, #tpu.memory_space<vmem>> -> memref<128x128xf32, #tpu.memory_space<vmem>>
      %dma_wait3A_128 = arith.constant 0 : i32
      %dma_wait3A_129 = tpu.memref_slice %arg5[%arg0, %add3A_108, %dma_wait3A_128] : memref<2x10240x128xf32, #tpu.memory_space<hbm>> -> memref<1x128x128xf32, #tpu.memory_space<hbm>>
      %dma_wait3A_130 = tpu.memref_squeeze %dma_wait3A_129 : memref<1x128x128xf32, #tpu.memory_space<hbm>> -> memref<128x128xf32, #tpu.memory_space<hbm>>
      %dma_wait3A_131 = arith.constant 0 : i32
      %dma_wait3A_132 = tpu.memref_slice %arg5[%arg0, %add3A_108, %dma_wait3A_131] : memref<2x10240x128xf32, #tpu.memory_space<hbm>> -> memref<1x128x128xf32, #tpu.memory_space<hbm>>
      %dma_wait3A_133 = tpu.memref_squeeze %dma_wait3A_132 : memref<1x128x128xf32, #tpu.memory_space<hbm>> -> memref<128x128xf32, #tpu.memory_space<hbm>>
      %dma_wait3A_134 = arith.constant 0 : i32
      %dma_wait3A_135 = arith.constant 0 : i32
      %dma_wait3A_136 = tpu.memref_slice %arg14[%run_scoped3A_109, %dma_wait3A_134, %dma_wait3A_135] : memref<2x128x128xf32, #tpu.memory_space<vmem>> -> memref<1x128x128xf32, #tpu.memory_space<vmem>>
      %dma_wait3A_137 = tpu.memref_squeeze %dma_wait3A_136 : memref<1x128x128xf32, #tpu.memory_space<vmem>> -> memref<128x128xf32, #tpu.memory_space<vmem>>
      tpu.wait_dma2 semaphore(%run_scoped3A_110 : memref<!tpu.dma_semaphore, #tpu.memory_space<semaphore_mem>>) src(%dma_wait3A_137 : memref<128x128xf32, #tpu.memory_space<vmem>>) dst(%dma_wait3A_133 : memref<128x128xf32, #tpu.memory_space<hbm>>)
      tpu.yield
    }) : () -> ()
    return
  }
}

#map = affine_map<(d0, d1) -> (0, 0)>
#map1 = affine_map<(d0, d1) -> (0, 0, 0)>
module attributes {stable_mosaic.version = 14 : i64} {
  func.func @body(%arg0: i32, %arg1: i32, %arg2: memref<2560x128xi32, #tpu.memory_space<hbm>>, %arg3: memref<2x10240x128xf32, #tpu.memory_space<hbm>>, %arg4: memref<128xi32, #tpu.memory_space<vmem>>, %arg5: memref<128xi32, #tpu.memory_space<vmem>>, %arg6: memref<128x128xf32, #tpu.memory_space<vmem>>, %arg7: memref<128x128xf32, #tpu.memory_space<vmem>>, %arg8: memref<10240x128xf32, #tpu.memory_space<vmem_shared>>, %arg9: memref<!tpu.dma_semaphore, #tpu.memory_space<semaphore_mem>>, %arg10: memref<!tpu.dma_semaphore, #tpu.memory_space<semaphore_mem>>) attributes {dimension_semantics = [#tpu.dimension_semantics<core_parallel>, #tpu.dimension_semantics<subcore_parallel>], iteration_bounds = array<i64: 2, 16>, scalar_prefetch = 0 : i64, scratch_operands = 7 : i64, tpu.core_type = #tpu.core_type<sc_vector_subcore>, window_params = [{transform_indices = #map}, {transform_indices = #map1}]} {
    %mul3A = arith.constant 16 : i32
    %mul3A_0 = arith.muli %arg0, %mul3A : i32
    %add3A = arith.addi %mul3A_0, %arg1 : i32
    %mul3A_1 = arith.constant 640 : i32
    %mul3A_2 = arith.muli %arg1, %mul3A_1 : i32
    %broadcast_in_dim3A = arith.constant 0.000000e+00 : f32
    %broadcast_in_dim3A_3 = vector.broadcast %broadcast_in_dim3A : f32 to vector<16xf32>
    %scan3A = arith.constant 0 : i32
    %scan3A_4 = arith.constant 0 : i32
    %scan3A_5 = arith.constant 128 : i32
    %scan3A_6 = arith.addi %scan3A_4, %scan3A_5 : i32
    %scan3A_7 = arith.constant 1 : i32
    %scan3A_8 = scf.for %scan3A_68 = %scan3A_4 to %scan3A_6 step %scan3A_7 iter_args(%scan3A_69 = %scan3A) -> (i32)  : i32 {
      %swap3A = arith.index_cast %scan3A_68 : i32 to index
      %swap3A_70 = arith.constant 0 : index
      %swap3A_71 = tpu.vector_load %arg7[%swap3A, %swap3A_70] {strides = array<i32>} : memref<128x128xf32, #tpu.memory_space<vmem>>, vector<1x16xf32>,
      %swap3A_72 = vector.shape_cast %swap3A_71 : vector<1x16xf32> to vector<16xf32>
      %swap3A_73 = vector.shape_cast %broadcast_in_dim3A_3 : vector<16xf32> to vector<1x16xf32>
      tpu.vector_store %arg7[%swap3A, %swap3A_70], %swap3A_73 {strides = array<i32>} : memref<128x128xf32, #tpu.memory_space<vmem>>, vector<1x16xf32>,
      %swap3A_74 = arith.index_cast %scan3A_68 : i32 to index
      %swap3A_75 = arith.constant 16 : index
      %swap3A_76 = tpu.vector_load %arg7[%swap3A_74, %swap3A_75] {strides = array<i32>} : memref<128x128xf32, #tpu.memory_space<vmem>>, vector<1x16xf32>,
      %swap3A_77 = vector.shape_cast %swap3A_76 : vector<1x16xf32> to vector<16xf32>
      %swap3A_78 = vector.shape_cast %broadcast_in_dim3A_3 : vector<16xf32> to vector<1x16xf32>
      tpu.vector_store %arg7[%swap3A_74, %swap3A_75], %swap3A_78 {strides = array<i32>} : memref<128x128xf32, #tpu.memory_space<vmem>>, vector<1x16xf32>,
      %swap3A_79 = arith.index_cast %scan3A_68 : i32 to index
      %swap3A_80 = arith.constant 32 : index
      %swap3A_81 = tpu.vector_load %arg7[%swap3A_79, %swap3A_80] {strides = array<i32>} : memref<128x128xf32, #tpu.memory_space<vmem>>, vector<1x16xf32>,
      %swap3A_82 = vector.shape_cast %swap3A_81 : vector<1x16xf32> to vector<16xf32>
      %swap3A_83 = vector.shape_cast %broadcast_in_dim3A_3 : vector<16xf32> to vector<1x16xf32>
      tpu.vector_store %arg7[%swap3A_79, %swap3A_80], %swap3A_83 {strides = array<i32>} : memref<128x128xf32, #tpu.memory_space<vmem>>, vector<1x16xf32>,
      %swap3A_84 = arith.index_cast %scan3A_68 : i32 to index
      %swap3A_85 = arith.constant 48 : index
      %swap3A_86 = tpu.vector_load %arg7[%swap3A_84, %swap3A_85] {strides = array<i32>} : memref<128x128xf32, #tpu.memory_space<vmem>>, vector<1x16xf32>,
      %swap3A_87 = vector.shape_cast %swap3A_86 : vector<1x16xf32> to vector<16xf32>
      %swap3A_88 = vector.shape_cast %broadcast_in_dim3A_3 : vector<16xf32> to vector<1x16xf32>
      tpu.vector_store %arg7[%swap3A_84, %swap3A_85], %swap3A_88 {strides = array<i32>} : memref<128x128xf32, #tpu.memory_space<vmem>>, vector<1x16xf32>,
      %swap3A_89 = arith.index_cast %scan3A_68 : i32 to index
      %swap3A_90 = arith.constant 64 : index
      %swap3A_91 = tpu.vector_load %arg7[%swap3A_89, %swap3A_90] {strides = array<i32>} : memref<128x128xf32, #tpu.memory_space<vmem>>, vector<1x16xf32>,
      %swap3A_92 = vector.shape_cast %swap3A_91 : vector<1x16xf32> to vector<16xf32>
      %swap3A_93 = vector.shape_cast %broadcast_in_dim3A_3 : vector<16xf32> to vector<1x16xf32>
      tpu.vector_store %arg7[%swap3A_89, %swap3A_90], %swap3A_93 {strides = array<i32>} : memref<128x128xf32, #tpu.memory_space<vmem>>, vector<1x16xf32>,
      %swap3A_94 = arith.index_cast %scan3A_68 : i32 to index
      %swap3A_95 = arith.constant 80 : index
      %swap3A_96 = tpu.vector_load %arg7[%swap3A_94, %swap3A_95] {strides = array<i32>} : memref<128x128xf32, #tpu.memory_space<vmem>>, vector<1x16xf32>,
      %swap3A_97 = vector.shape_cast %swap3A_96 : vector<1x16xf32> to vector<16xf32>
      %swap3A_98 = vector.shape_cast %broadcast_in_dim3A_3 : vector<16xf32> to vector<1x16xf32>
      tpu.vector_store %arg7[%swap3A_94, %swap3A_95], %swap3A_98 {strides = array<i32>} : memref<128x128xf32, #tpu.memory_space<vmem>>, vector<1x16xf32>,
      %swap3A_99 = arith.index_cast %scan3A_68 : i32 to index
      %swap3A_100 = arith.constant 96 : index
      %swap3A_101 = tpu.vector_load %arg7[%swap3A_99, %swap3A_100] {strides = array<i32>} : memref<128x128xf32, #tpu.memory_space<vmem>>, vector<1x16xf32>,
      %swap3A_102 = vector.shape_cast %swap3A_101 : vector<1x16xf32> to vector<16xf32>
      %swap3A_103 = vector.shape_cast %broadcast_in_dim3A_3 : vector<16xf32> to vector<1x16xf32>
      tpu.vector_store %arg7[%swap3A_99, %swap3A_100], %swap3A_103 {strides = array<i32>} : memref<128x128xf32, #tpu.memory_space<vmem>>, vector<1x16xf32>,
      %swap3A_104 = arith.index_cast %scan3A_68 : i32 to index
      %swap3A_105 = arith.constant 112 : index
      %swap3A_106 = tpu.vector_load %arg7[%swap3A_104, %swap3A_105] {strides = array<i32>} : memref<128x128xf32, #tpu.memory_space<vmem>>, vector<1x16xf32>,
      %swap3A_107 = vector.shape_cast %swap3A_106 : vector<1x16xf32> to vector<16xf32>
      %swap3A_108 = vector.shape_cast %broadcast_in_dim3A_3 : vector<16xf32> to vector<1x16xf32>
      tpu.vector_store %arg7[%swap3A_104, %swap3A_105], %swap3A_108 {strides = array<i32>} : memref<128x128xf32, #tpu.memory_space<vmem>>, vector<1x16xf32>,
      %scan3A_109 = arith.constant 0 : i32
      scf.yield %scan3A_109 : i32
    }
    %scan3A_9 = arith.constant 128 : i32
    %broadcast_in_dim3A_10 = arith.constant 1.000000e+00 : f32
    %broadcast_in_dim3A_11 = vector.broadcast %broadcast_in_dim3A_10 : f32 to vector<16xf32>
    %scan3A_12 = arith.constant 0 : i32
    %scan3A_13 = arith.constant 0 : i32
    %scan3A_14 = arith.constant 128 : i32
    %scan3A_15 = arith.addi %scan3A_13, %scan3A_14 : i32
    %scan3A_16 = arith.constant 1 : i32
    %scan3A_17 = scf.for %scan3A_68 = %scan3A_13 to %scan3A_15 step %scan3A_16 iter_args(%scan3A_69 = %scan3A_12) -> (i32)  : i32 {
      %swap3A = arith.index_cast %scan3A_68 : i32 to index
      %swap3A_70 = arith.constant 0 : index
      %swap3A_71 = tpu.vector_load %arg6[%swap3A, %swap3A_70] {strides = array<i32>} : memref<128x128xf32, #tpu.memory_space<vmem>>, vector<1x16xf32>,
      %swap3A_72 = vector.shape_cast %swap3A_71 : vector<1x16xf32> to vector<16xf32>
      %swap3A_73 = vector.shape_cast %broadcast_in_dim3A_11 : vector<16xf32> to vector<1x16xf32>
      tpu.vector_store %arg6[%swap3A, %swap3A_70], %swap3A_73 {strides = array<i32>} : memref<128x128xf32, #tpu.memory_space<vmem>>, vector<1x16xf32>,
      %swap3A_74 = arith.index_cast %scan3A_68 : i32 to index
      %swap3A_75 = arith.constant 16 : index
      %swap3A_76 = tpu.vector_load %arg6[%swap3A_74, %swap3A_75] {strides = array<i32>} : memref<128x128xf32, #tpu.memory_space<vmem>>, vector<1x16xf32>,
      %swap3A_77 = vector.shape_cast %swap3A_76 : vector<1x16xf32> to vector<16xf32>
      %swap3A_78 = vector.shape_cast %broadcast_in_dim3A_11 : vector<16xf32> to vector<1x16xf32>
      tpu.vector_store %arg6[%swap3A_74, %swap3A_75], %swap3A_78 {strides = array<i32>} : memref<128x128xf32, #tpu.memory_space<vmem>>, vector<1x16xf32>,
      %swap3A_79 = arith.index_cast %scan3A_68 : i32 to index
      %swap3A_80 = arith.constant 32 : index
      %swap3A_81 = tpu.vector_load %arg6[%swap3A_79, %swap3A_80] {strides = array<i32>} : memref<128x128xf32, #tpu.memory_space<vmem>>, vector<1x16xf32>,
      %swap3A_82 = vector.shape_cast %swap3A_81 : vector<1x16xf32> to vector<16xf32>
      %swap3A_83 = vector.shape_cast %broadcast_in_dim3A_11 : vector<16xf32> to vector<1x16xf32>
      tpu.vector_store %arg6[%swap3A_79, %swap3A_80], %swap3A_83 {strides = array<i32>} : memref<128x128xf32, #tpu.memory_space<vmem>>, vector<1x16xf32>,
      %swap3A_84 = arith.index_cast %scan3A_68 : i32 to index
      %swap3A_85 = arith.constant 48 : index
      %swap3A_86 = tpu.vector_load %arg6[%swap3A_84, %swap3A_85] {strides = array<i32>} : memref<128x128xf32, #tpu.memory_space<vmem>>, vector<1x16xf32>,
      %swap3A_87 = vector.shape_cast %swap3A_86 : vector<1x16xf32> to vector<16xf32>
      %swap3A_88 = vector.shape_cast %broadcast_in_dim3A_11 : vector<16xf32> to vector<1x16xf32>
      tpu.vector_store %arg6[%swap3A_84, %swap3A_85], %swap3A_88 {strides = array<i32>} : memref<128x128xf32, #tpu.memory_space<vmem>>, vector<1x16xf32>,
      %swap3A_89 = arith.index_cast %scan3A_68 : i32 to index
      %swap3A_90 = arith.constant 64 : index
      %swap3A_91 = tpu.vector_load %arg6[%swap3A_89, %swap3A_90] {strides = array<i32>} : memref<128x128xf32, #tpu.memory_space<vmem>>, vector<1x16xf32>,
      %swap3A_92 = vector.shape_cast %swap3A_91 : vector<1x16xf32> to vector<16xf32>
      %swap3A_93 = vector.shape_cast %broadcast_in_dim3A_11 : vector<16xf32> to vector<1x16xf32>
      tpu.vector_store %arg6[%swap3A_89, %swap3A_90], %swap3A_93 {strides = array<i32>} : memref<128x128xf32, #tpu.memory_space<vmem>>, vector<1x16xf32>,
      %swap3A_94 = arith.index_cast %scan3A_68 : i32 to index
      %swap3A_95 = arith.constant 80 : index
      %swap3A_96 = tpu.vector_load %arg6[%swap3A_94, %swap3A_95] {strides = array<i32>} : memref<128x128xf32, #tpu.memory_space<vmem>>, vector<1x16xf32>,
      %swap3A_97 = vector.shape_cast %swap3A_96 : vector<1x16xf32> to vector<16xf32>
      %swap3A_98 = vector.shape_cast %broadcast_in_dim3A_11 : vector<16xf32> to vector<1x16xf32>
      tpu.vector_store %arg6[%swap3A_94, %swap3A_95], %swap3A_98 {strides = array<i32>} : memref<128x128xf32, #tpu.memory_space<vmem>>, vector<1x16xf32>,
      %swap3A_99 = arith.index_cast %scan3A_68 : i32 to index
      %swap3A_100 = arith.constant 96 : index
      %swap3A_101 = tpu.vector_load %arg6[%swap3A_99, %swap3A_100] {strides = array<i32>} : memref<128x128xf32, #tpu.memory_space<vmem>>, vector<1x16xf32>,
      %swap3A_102 = vector.shape_cast %swap3A_101 : vector<1x16xf32> to vector<16xf32>
      %swap3A_103 = vector.shape_cast %broadcast_in_dim3A_11 : vector<16xf32> to vector<1x16xf32>
      tpu.vector_store %arg6[%swap3A_99, %swap3A_100], %swap3A_103 {strides = array<i32>} : memref<128x128xf32, #tpu.memory_space<vmem>>, vector<1x16xf32>,
      %swap3A_104 = arith.index_cast %scan3A_68 : i32 to index
      %swap3A_105 = arith.constant 112 : index
      %swap3A_106 = tpu.vector_load %arg6[%swap3A_104, %swap3A_105] {strides = array<i32>} : memref<128x128xf32, #tpu.memory_space<vmem>>, vector<1x16xf32>,
      %swap3A_107 = vector.shape_cast %swap3A_106 : vector<1x16xf32> to vector<16xf32>
      %swap3A_108 = vector.shape_cast %broadcast_in_dim3A_11 : vector<16xf32> to vector<1x16xf32>
      tpu.vector_store %arg6[%swap3A_104, %swap3A_105], %swap3A_108 {strides = array<i32>} : memref<128x128xf32, #tpu.memory_space<vmem>>, vector<1x16xf32>,
      %scan3A_109 = arith.constant 0 : i32
      scf.yield %scan3A_109 : i32
    }
    %scan3A_18 = arith.constant 128 : i32
    %add3A_19 = arith.constant 0 : i32
    %add3A_20 = arith.addi %mul3A_2, %add3A_19 : i32
    "tpu.region"() ({
      %run_scoped3A = tpu.sem_alloc : memref<!tpu.dma_semaphore, #tpu.memory_space<semaphore_mem>>
      %dma_start3A_68 = arith.constant 0 : i32
      %dma_start3A_69 = tpu.memref_slice %arg8[%add3A_20, %dma_start3A_68] : memref<10240x128xf32, #tpu.memory_space<vmem_shared>> -> memref<128x128xf32, #tpu.memory_space<vmem_shared>>
      %dma_start3A_70 = arith.constant 0 : i32
      %dma_start3A_71 = tpu.memref_slice %arg8[%add3A_20, %dma_start3A_70] : memref<10240x128xf32, #tpu.memory_space<vmem_shared>> -> memref<128x128xf32, #tpu.memory_space<vmem_shared>>
      tpu.enqueue_dma source(%arg7 : memref<128x128xf32, #tpu.memory_space<vmem>>) target(%dma_start3A_71 : memref<128x128xf32, #tpu.memory_space<vmem_shared>>) target_semaphore(%run_scoped3A : memref<!tpu.dma_semaphore, #tpu.memory_space<semaphore_mem>>)
      %dma_wait3A = arith.constant 0 : i32
      %dma_wait3A_72 = tpu.memref_slice %arg8[%add3A_20, %dma_wait3A] : memref<10240x128xf32, #tpu.memory_space<vmem_shared>> -> memref<128x128xf32, #tpu.memory_space<vmem_shared>>
      %dma_wait3A_73 = arith.constant 0 : i32
      %dma_wait3A_74 = tpu.memref_slice %arg8[%add3A_20, %dma_wait3A_73] : memref<10240x128xf32, #tpu.memory_space<vmem_shared>> -> memref<128x128xf32, #tpu.memory_space<vmem_shared>>
      tpu.wait_dma2 semaphore(%run_scoped3A : memref<!tpu.dma_semaphore, #tpu.memory_space<semaphore_mem>>) src(%arg7 : memref<128x128xf32, #tpu.memory_space<vmem>>) dst(%dma_wait3A_74 : memref<128x128xf32, #tpu.memory_space<vmem_shared>>)
      tpu.yield
    }) : () -> ()
    %add3A_21 = arith.constant 128 : i32
    %add3A_22 = arith.addi %mul3A_2, %add3A_21 : i32
    "tpu.region"() ({
      %run_scoped3A = tpu.sem_alloc : memref<!tpu.dma_semaphore, #tpu.memory_space<semaphore_mem>>
      %dma_start3A_68 = arith.constant 0 : i32
      %dma_start3A_69 = tpu.memref_slice %arg8[%add3A_22, %dma_start3A_68] : memref<10240x128xf32, #tpu.memory_space<vmem_shared>> -> memref<128x128xf32, #tpu.memory_space<vmem_shared>>
      %dma_start3A_70 = arith.constant 0 : i32
      %dma_start3A_71 = tpu.memref_slice %arg8[%add3A_22, %dma_start3A_70] : memref<10240x128xf32, #tpu.memory_space<vmem_shared>> -> memref<128x128xf32, #tpu.memory_space<vmem_shared>>
      tpu.enqueue_dma source(%arg7 : memref<128x128xf32, #tpu.memory_space<vmem>>) target(%dma_start3A_71 : memref<128x128xf32, #tpu.memory_space<vmem_shared>>) target_semaphore(%run_scoped3A : memref<!tpu.dma_semaphore, #tpu.memory_space<semaphore_mem>>)
      %dma_wait3A = arith.constant 0 : i32
      %dma_wait3A_72 = tpu.memref_slice %arg8[%add3A_22, %dma_wait3A] : memref<10240x128xf32, #tpu.memory_space<vmem_shared>> -> memref<128x128xf32, #tpu.memory_space<vmem_shared>>
      %dma_wait3A_73 = arith.constant 0 : i32
      %dma_wait3A_74 = tpu.memref_slice %arg8[%add3A_22, %dma_wait3A_73] : memref<10240x128xf32, #tpu.memory_space<vmem_shared>> -> memref<128x128xf32, #tpu.memory_space<vmem_shared>>
      tpu.wait_dma2 semaphore(%run_scoped3A : memref<!tpu.dma_semaphore, #tpu.memory_space<semaphore_mem>>) src(%arg7 : memref<128x128xf32, #tpu.memory_space<vmem>>) dst(%dma_wait3A_74 : memref<128x128xf32, #tpu.memory_space<vmem_shared>>)
      tpu.yield
    }) : () -> ()
    %add3A_23 = arith.constant 256 : i32
    %add3A_24 = arith.addi %mul3A_2, %add3A_23 : i32
    "tpu.region"() ({
      %run_scoped3A = tpu.sem_alloc : memref<!tpu.dma_semaphore, #tpu.memory_space<semaphore_mem>>
      %dma_start3A_68 = arith.constant 0 : i32
      %dma_start3A_69 = tpu.memref_slice %arg8[%add3A_24, %dma_start3A_68] : memref<10240x128xf32, #tpu.memory_space<vmem_shared>> -> memref<128x128xf32, #tpu.memory_space<vmem_shared>>
      %dma_start3A_70 = arith.constant 0 : i32
      %dma_start3A_71 = tpu.memref_slice %arg8[%add3A_24, %dma_start3A_70] : memref<10240x128xf32, #tpu.memory_space<vmem_shared>> -> memref<128x128xf32, #tpu.memory_space<vmem_shared>>
      tpu.enqueue_dma source(%arg7 : memref<128x128xf32, #tpu.memory_space<vmem>>) target(%dma_start3A_71 : memref<128x128xf32, #tpu.memory_space<vmem_shared>>) target_semaphore(%run_scoped3A : memref<!tpu.dma_semaphore, #tpu.memory_space<semaphore_mem>>)
      %dma_wait3A = arith.constant 0 : i32
      %dma_wait3A_72 = tpu.memref_slice %arg8[%add3A_24, %dma_wait3A] : memref<10240x128xf32, #tpu.memory_space<vmem_shared>> -> memref<128x128xf32, #tpu.memory_space<vmem_shared>>
      %dma_wait3A_73 = arith.constant 0 : i32
      %dma_wait3A_74 = tpu.memref_slice %arg8[%add3A_24, %dma_wait3A_73] : memref<10240x128xf32, #tpu.memory_space<vmem_shared>> -> memref<128x128xf32, #tpu.memory_space<vmem_shared>>
      tpu.wait_dma2 semaphore(%run_scoped3A : memref<!tpu.dma_semaphore, #tpu.memory_space<semaphore_mem>>) src(%arg7 : memref<128x128xf32, #tpu.memory_space<vmem>>) dst(%dma_wait3A_74 : memref<128x128xf32, #tpu.memory_space<vmem_shared>>)
      tpu.yield
    }) : () -> ()
    %add3A_25 = arith.constant 384 : i32
    %add3A_26 = arith.addi %mul3A_2, %add3A_25 : i32
    "tpu.region"() ({
      %run_scoped3A = tpu.sem_alloc : memref<!tpu.dma_semaphore, #tpu.memory_space<semaphore_mem>>
      %dma_start3A_68 = arith.constant 0 : i32
      %dma_start3A_69 = tpu.memref_slice %arg8[%add3A_26, %dma_start3A_68] : memref<10240x128xf32, #tpu.memory_space<vmem_shared>> -> memref<128x128xf32, #tpu.memory_space<vmem_shared>>
      %dma_start3A_70 = arith.constant 0 : i32
      %dma_start3A_71 = tpu.memref_slice %arg8[%add3A_26, %dma_start3A_70] : memref<10240x128xf32, #tpu.memory_space<vmem_shared>> -> memref<128x128xf32, #tpu.memory_space<vmem_shared>>
      tpu.enqueue_dma source(%arg7 : memref<128x128xf32, #tpu.memory_space<vmem>>) target(%dma_start3A_71 : memref<128x128xf32, #tpu.memory_space<vmem_shared>>) target_semaphore(%run_scoped3A : memref<!tpu.dma_semaphore, #tpu.memory_space<semaphore_mem>>)
      %dma_wait3A = arith.constant 0 : i32
      %dma_wait3A_72 = tpu.memref_slice %arg8[%add3A_26, %dma_wait3A] : memref<10240x128xf32, #tpu.memory_space<vmem_shared>> -> memref<128x128xf32, #tpu.memory_space<vmem_shared>>
      %dma_wait3A_73 = arith.constant 0 : i32
      %dma_wait3A_74 = tpu.memref_slice %arg8[%add3A_26, %dma_wait3A_73] : memref<10240x128xf32, #tpu.memory_space<vmem_shared>> -> memref<128x128xf32, #tpu.memory_space<vmem_shared>>
      tpu.wait_dma2 semaphore(%run_scoped3A : memref<!tpu.dma_semaphore, #tpu.memory_space<semaphore_mem>>) src(%arg7 : memref<128x128xf32, #tpu.memory_space<vmem>>) dst(%dma_wait3A_74 : memref<128x128xf32, #tpu.memory_space<vmem_shared>>)
      tpu.yield
    }) : () -> ()
    %add3A_27 = arith.constant 512 : i32
    %add3A_28 = arith.addi %mul3A_2, %add3A_27 : i32
    "tpu.region"() ({
      %run_scoped3A = tpu.sem_alloc : memref<!tpu.dma_semaphore, #tpu.memory_space<semaphore_mem>>
      %dma_start3A_68 = arith.constant 0 : i32
      %dma_start3A_69 = tpu.memref_slice %arg8[%add3A_28, %dma_start3A_68] : memref<10240x128xf32, #tpu.memory_space<vmem_shared>> -> memref<128x128xf32, #tpu.memory_space<vmem_shared>>
      %dma_start3A_70 = arith.constant 0 : i32
      %dma_start3A_71 = tpu.memref_slice %arg8[%add3A_28, %dma_start3A_70] : memref<10240x128xf32, #tpu.memory_space<vmem_shared>> -> memref<128x128xf32, #tpu.memory_space<vmem_shared>>
      tpu.enqueue_dma source(%arg7 : memref<128x128xf32, #tpu.memory_space<vmem>>) target(%dma_start3A_71 : memref<128x128xf32, #tpu.memory_space<vmem_shared>>) target_semaphore(%run_scoped3A : memref<!tpu.dma_semaphore, #tpu.memory_space<semaphore_mem>>)
      %dma_wait3A = arith.constant 0 : i32
      %dma_wait3A_72 = tpu.memref_slice %arg8[%add3A_28, %dma_wait3A] : memref<10240x128xf32, #tpu.memory_space<vmem_shared>> -> memref<128x128xf32, #tpu.memory_space<vmem_shared>>
      %dma_wait3A_73 = arith.constant 0 : i32
      %dma_wait3A_74 = tpu.memref_slice %arg8[%add3A_28, %dma_wait3A_73] : memref<10240x128xf32, #tpu.memory_space<vmem_shared>> -> memref<128x128xf32, #tpu.memory_space<vmem_shared>>
      tpu.wait_dma2 semaphore(%run_scoped3A : memref<!tpu.dma_semaphore, #tpu.memory_space<semaphore_mem>>) src(%arg7 : memref<128x128xf32, #tpu.memory_space<vmem>>) dst(%dma_wait3A_74 : memref<128x128xf32, #tpu.memory_space<vmem_shared>>)
      tpu.yield
    }) : () -> ()
    %barrier3A = arith.constant 0 : index
    tpu.barrier barrier_id(%barrier3A)
    %mul3A_29 = arith.constant 80 : i32
    %mul3A_30 = arith.muli %add3A, %mul3A_29 : i32
    "tpu.region"() ({
      %run_scoped3A = tpu.sem_alloc : memref<!tpu.dma_semaphore, #tpu.memory_space<semaphore_mem>>
      %dma_start3A_68 = arith.constant 0 : i32
      %dma_start3A_69 = tpu.memref_slice %arg2[%mul3A_30, %dma_start3A_68] : memref<2560x128xi32, #tpu.memory_space<hbm>> -> memref<1x128xi32, #tpu.memory_space<hbm>>
      %dma_start3A_70 = tpu.memref_squeeze %dma_start3A_69 : memref<1x128xi32, #tpu.memory_space<hbm>> -> memref<128xi32, #tpu.memory_space<hbm>>
      %dma_start3A_71 = arith.constant 0 : i32
      %dma_start3A_72 = tpu.memref_slice %arg2[%mul3A_30, %dma_start3A_71] : memref<2560x128xi32, #tpu.memory_space<hbm>> -> memref<1x128xi32, #tpu.memory_space<hbm>>
      %dma_start3A_73 = tpu.memref_squeeze %dma_start3A_72 : memref<1x128xi32, #tpu.memory_space<hbm>> -> memref<128xi32, #tpu.memory_space<hbm>>
      tpu.enqueue_dma source(%dma_start3A_73 : memref<128xi32, #tpu.memory_space<hbm>>) target(%arg4 : memref<128xi32, #tpu.memory_space<vmem>>) target_semaphore(%run_scoped3A : memref<!tpu.dma_semaphore, #tpu.memory_space<semaphore_mem>>)
      %dma_wait3A = arith.constant 0 : i32
      %dma_wait3A_74 = tpu.memref_slice %arg2[%mul3A_30, %dma_wait3A] : memref<2560x128xi32, #tpu.memory_space<hbm>> -> memref<1x128xi32, #tpu.memory_space<hbm>>
      %dma_wait3A_75 = tpu.memref_squeeze %dma_wait3A_74 : memref<1x128xi32, #tpu.memory_space<hbm>> -> memref<128xi32, #tpu.memory_space<hbm>>
      %dma_wait3A_76 = arith.constant 0 : i32
      %dma_wait3A_77 = tpu.memref_slice %arg2[%mul3A_30, %dma_wait3A_76] : memref<2560x128xi32, #tpu.memory_space<hbm>> -> memref<1x128xi32, #tpu.memory_space<hbm>>
      %dma_wait3A_78 = tpu.memref_squeeze %dma_wait3A_77 : memref<1x128xi32, #tpu.memory_space<hbm>> -> memref<128xi32, #tpu.memory_space<hbm>>
      tpu.wait_dma2 semaphore(%run_scoped3A : memref<!tpu.dma_semaphore, #tpu.memory_space<semaphore_mem>>) src(%dma_wait3A_78 : memref<128xi32, #tpu.memory_space<hbm>>) dst(%arg4 : memref<128xi32, #tpu.memory_space<vmem>>)
      tpu.yield
    }) : () -> ()
    %mul3A_31 = arith.constant 80 : i32
    %mul3A_32 = arith.muli %add3A, %mul3A_31 : i32
    %add3A_33 = arith.constant 1 : i32
    %add3A_34 = arith.addi %mul3A_32, %add3A_33 : i32
    %dma_start3A = arith.constant 0 : i32
    %dma_start3A_35 = tpu.memref_slice %arg2[%add3A_34, %dma_start3A] : memref<2560x128xi32, #tpu.memory_space<hbm>> -> memref<1x128xi32, #tpu.memory_space<hbm>>
    %dma_start3A_36 = tpu.memref_squeeze %dma_start3A_35 : memref<1x128xi32, #tpu.memory_space<hbm>> -> memref<128xi32, #tpu.memory_space<hbm>>
    %dma_start3A_37 = arith.constant 0 : i32
    %dma_start3A_38 = tpu.memref_slice %arg2[%add3A_34, %dma_start3A_37] : memref<2560x128xi32, #tpu.memory_space<hbm>> -> memref<1x128xi32, #tpu.memory_space<hbm>>
    %dma_start3A_39 = tpu.memref_squeeze %dma_start3A_38 : memref<1x128xi32, #tpu.memory_space<hbm>> -> memref<128xi32, #tpu.memory_space<hbm>>
    tpu.enqueue_dma source(%dma_start3A_39 : memref<128xi32, #tpu.memory_space<hbm>>) target(%arg5 : memref<128xi32, #tpu.memory_space<vmem>>) target_semaphore(%arg10 : memref<!tpu.dma_semaphore, #tpu.memory_space<semaphore_mem>>)
    %scan3A_40 = arith.constant 0 : i32
    %scan3A_41 = arith.constant 0 : i32
    %scan3A_42 = arith.constant 40 : i32
    %scan3A_43 = arith.addi %scan3A_41, %scan3A_42 : i32
    %scan3A_44 = arith.constant 1 : i32
    %scan3A_45 = scf.for %scan3A_68 = %scan3A_41 to %scan3A_43 step %scan3A_44 iter_args(%scan3A_69 = %scan3A_40) -> (i32)  : i32 {
      %mul3A_70 = arith.constant 2 : i32
      %mul3A_71 = arith.muli %mul3A_70, %scan3A_68 : i32
      %mul3A_72 = arith.constant 80 : i32
      %mul3A_73 = arith.muli %add3A, %mul3A_72 : i32
      %add3A_74 = arith.addi %mul3A_73, %mul3A_71 : i32
      %gt3A = arith.constant 0 : i32
      %gt3A_75 = arith.cmpi sgt, %scan3A_68, %gt3A : i32
      %convert_element_type3A = arith.extui %gt3A_75 : i1 to i32
      %cond3A = arith.constant 0 : i32
      %cond3A_76 = arith.cmpi ne, %convert_element_type3A, %cond3A : i32
      scf.if %cond3A_76 {
        %dma_wait3A_103 = arith.constant 0 : i32
        %dma_wait3A_104 = tpu.memref_slice %arg2[%add3A_74, %dma_wait3A_103] : memref<2560x128xi32, #tpu.memory_space<hbm>> -> memref<1x128xi32, #tpu.memory_space<hbm>>
        %dma_wait3A_105 = tpu.memref_squeeze %dma_wait3A_104 : memref<1x128xi32, #tpu.memory_space<hbm>> -> memref<128xi32, #tpu.memory_space<hbm>>
        %dma_wait3A_106 = arith.constant 0 : i32
        %dma_wait3A_107 = tpu.memref_slice %arg2[%add3A_74, %dma_wait3A_106] : memref<2560x128xi32, #tpu.memory_space<hbm>> -> memref<1x128xi32, #tpu.memory_space<hbm>>
        %dma_wait3A_108 = tpu.memref_squeeze %dma_wait3A_107 : memref<1x128xi32, #tpu.memory_space<hbm>> -> memref<128xi32, #tpu.memory_space<hbm>>
        tpu.wait_dma2 semaphore(%arg9 : memref<!tpu.dma_semaphore, #tpu.memory_space<semaphore_mem>>) src(%dma_wait3A_108 : memref<128xi32, #tpu.memory_space<hbm>>) dst(%arg4 : memref<128xi32, #tpu.memory_space<vmem>>)
      } else {
      }
      "tpu.region"() ({
        %run_scoped3A = tpu.sem_alloc : memref<!tpu.dma_semaphore, #tpu.memory_space<semaphore_mem>>
        %dma_start3A_103 = arith.constant 0 : i32
        %dma_start3A_104 = arith.constant 0 : i32
        %dma_start3A_105 = tpu.memref_slice %arg8[%dma_start3A_103, %dma_start3A_104] : memref<10240x128xf32, #tpu.memory_space<vmem_shared>> -> memref<10240x128xf32, #tpu.memory_space<vmem_shared>>
        tpu.enqueue_indirect_dma source(%arg6 : memref<128x128xf32, #tpu.memory_space<vmem>>) target(%dma_start3A_105 : memref<10240x128xf32, #tpu.memory_space<vmem_shared>>) offsets(%arg4 : memref<128xi32, #tpu.memory_space<vmem>>) semaphore(%run_scoped3A : memref<!tpu.dma_semaphore, #tpu.memory_space<semaphore_mem>>) {add = true}
        %dma_wait3A_106 = arith.constant 0 : i32
        %dma_wait3A_107 = arith.constant 0 : i32
        %dma_wait3A_108 = tpu.memref_slice %arg8[%dma_wait3A_106, %dma_wait3A_107] : memref<10240x128xf32, #tpu.memory_space<vmem_shared>> -> memref<10240x128xf32, #tpu.memory_space<vmem_shared>>
        tpu.wait_indirect_dma semaphore(%run_scoped3A : memref<!tpu.dma_semaphore, #tpu.memory_space<semaphore_mem>>) src(%arg6 : memref<128x128xf32, #tpu.memory_space<vmem>>) dst(%dma_wait3A_108 : memref<10240x128xf32, #tpu.memory_space<vmem_shared>>)
        tpu.yield
      }) : () -> ()
      %add3A_77 = arith.constant 2 : i32
      %add3A_78 = arith.addi %mul3A_71, %add3A_77 : i32
      %lt3A = arith.constant 80 : i32
      %lt3A_79 = arith.cmpi slt, %add3A_78, %lt3A : i32
      %convert_element_type3A_80 = arith.extui %lt3A_79 : i1 to i32
      %cond3A_81 = arith.constant 0 : i32
      %cond3A_82 = arith.cmpi ne, %convert_element_type3A_80, %cond3A_81 : i32
      scf.if %cond3A_82 {
        %add3A_103 = arith.constant 2 : i32
        %add3A_104 = arith.addi %add3A_74, %add3A_103 : i32
        %dma_start3A_105 = arith.constant 0 : i32
        %dma_start3A_106 = tpu.memref_slice %arg2[%add3A_104, %dma_start3A_105] : memref<2560x128xi32, #tpu.memory_space<hbm>> -> memref<1x128xi32, #tpu.memory_space<hbm>>
        %dma_start3A_107 = tpu.memref_squeeze %dma_start3A_106 : memref<1x128xi32, #tpu.memory_space<hbm>> -> memref<128xi32, #tpu.memory_space<hbm>>
        %dma_start3A_108 = arith.constant 0 : i32
        %dma_start3A_109 = tpu.memref_slice %arg2[%add3A_104, %dma_start3A_108] : memref<2560x128xi32, #tpu.memory_space<hbm>> -> memref<1x128xi32, #tpu.memory_space<hbm>>
        %dma_start3A_110 = tpu.memref_squeeze %dma_start3A_109 : memref<1x128xi32, #tpu.memory_space<hbm>> -> memref<128xi32, #tpu.memory_space<hbm>>
        tpu.enqueue_dma source(%dma_start3A_110 : memref<128xi32, #tpu.memory_space<hbm>>) target(%arg4 : memref<128xi32, #tpu.memory_space<vmem>>) target_semaphore(%arg9 : memref<!tpu.dma_semaphore, #tpu.memory_space<semaphore_mem>>)
      } else {
      }
      %mul3A_83 = arith.constant 2 : i32
      %mul3A_84 = arith.muli %mul3A_83, %scan3A_68 : i32
      %add3A_85 = arith.constant 1 : i32
      %add3A_86 = arith.addi %mul3A_84, %add3A_85 : i32
      %mul3A_87 = arith.constant 80 : i32
      %mul3A_88 = arith.muli %add3A, %mul3A_87 : i32
      %add3A_89 = arith.addi %mul3A_88, %add3A_86 : i32
      %dma_wait3A = arith.constant 0 : i32
      %dma_wait3A_90 = tpu.memref_slice %arg2[%add3A_89, %dma_wait3A] : memref<2560x128xi32, #tpu.memory_space<hbm>> -> memref<1x128xi32, #tpu.memory_space<hbm>>
      %dma_wait3A_91 = tpu.memref_squeeze %dma_wait3A_90 : memref<1x128xi32, #tpu.memory_space<hbm>> -> memref<128xi32, #tpu.memory_space<hbm>>
      %dma_wait3A_92 = arith.constant 0 : i32
      %dma_wait3A_93 = tpu.memref_slice %arg2[%add3A_89, %dma_wait3A_92] : memref<2560x128xi32, #tpu.memory_space<hbm>> -> memref<1x128xi32, #tpu.memory_space<hbm>>
      %dma_wait3A_94 = tpu.memref_squeeze %dma_wait3A_93 : memref<1x128xi32, #tpu.memory_space<hbm>> -> memref<128xi32, #tpu.memory_space<hbm>>
      tpu.wait_dma2 semaphore(%arg10 : memref<!tpu.dma_semaphore, #tpu.memory_space<semaphore_mem>>) src(%dma_wait3A_94 : memref<128xi32, #tpu.memory_space<hbm>>) dst(%arg5 : memref<128xi32, #tpu.memory_space<vmem>>)
      "tpu.region"() ({
        %run_scoped3A = tpu.sem_alloc : memref<!tpu.dma_semaphore, #tpu.memory_space<semaphore_mem>>
        %dma_start3A_103 = arith.constant 0 : i32
        %dma_start3A_104 = arith.constant 0 : i32
        %dma_start3A_105 = tpu.memref_slice %arg8[%dma_start3A_103, %dma_start3A_104] : memref<10240x128xf32, #tpu.memory_space<vmem_shared>> -> memref<10240x128xf32, #tpu.memory_space<vmem_shared>>
        tpu.enqueue_indirect_dma source(%arg6 : memref<128x128xf32, #tpu.memory_space<vmem>>) target(%dma_start3A_105 : memref<10240x128xf32, #tpu.memory_space<vmem_shared>>) offsets(%arg5 : memref<128xi32, #tpu.memory_space<vmem>>) semaphore(%run_scoped3A : memref<!tpu.dma_semaphore, #tpu.memory_space<semaphore_mem>>) {add = true}
        %dma_wait3A_106 = arith.constant 0 : i32
        %dma_wait3A_107 = arith.constant 0 : i32
        %dma_wait3A_108 = tpu.memref_slice %arg8[%dma_wait3A_106, %dma_wait3A_107] : memref<10240x128xf32, #tpu.memory_space<vmem_shared>> -> memref<10240x128xf32, #tpu.memory_space<vmem_shared>>
        tpu.wait_indirect_dma semaphore(%run_scoped3A : memref<!tpu.dma_semaphore, #tpu.memory_space<semaphore_mem>>) src(%arg6 : memref<128x128xf32, #tpu.memory_space<vmem>>) dst(%dma_wait3A_108 : memref<10240x128xf32, #tpu.memory_space<vmem_shared>>)
        tpu.yield
      }) : () -> ()
      %add3A_95 = arith.constant 2 : i32
      %add3A_96 = arith.addi %add3A_86, %add3A_95 : i32
      %lt3A_97 = arith.constant 80 : i32
      %lt3A_98 = arith.cmpi slt, %add3A_96, %lt3A_97 : i32
      %convert_element_type3A_99 = arith.extui %lt3A_98 : i1 to i32
      %cond3A_100 = arith.constant 0 : i32
      %cond3A_101 = arith.cmpi ne, %convert_element_type3A_99, %cond3A_100 : i32
      scf.if %cond3A_101 {
        %add3A_103 = arith.constant 2 : i32
        %add3A_104 = arith.addi %add3A_89, %add3A_103 : i32
        %dma_start3A_105 = arith.constant 0 : i32
        %dma_start3A_106 = tpu.memref_slice %arg2[%add3A_104, %dma_start3A_105] : memref<2560x128xi32, #tpu.memory_space<hbm>> -> memref<1x128xi32, #tpu.memory_space<hbm>>
        %dma_start3A_107 = tpu.memref_squeeze %dma_start3A_106 : memref<1x128xi32, #tpu.memory_space<hbm>> -> memref<128xi32, #tpu.memory_space<hbm>>
        %dma_start3A_108 = arith.constant 0 : i32
        %dma_start3A_109 = tpu.memref_slice %arg2[%add3A_104, %dma_start3A_108] : memref<2560x128xi32, #tpu.memory_space<hbm>> -> memref<1x128xi32, #tpu.memory_space<hbm>>
        %dma_start3A_110 = tpu.memref_squeeze %dma_start3A_109 : memref<1x128xi32, #tpu.memory_space<hbm>> -> memref<128xi32, #tpu.memory_space<hbm>>
        tpu.enqueue_dma source(%dma_start3A_110 : memref<128xi32, #tpu.memory_space<hbm>>) target(%arg5 : memref<128xi32, #tpu.memory_space<vmem>>) target_semaphore(%arg10 : memref<!tpu.dma_semaphore, #tpu.memory_space<semaphore_mem>>)
      } else {
      }
      %scan3A_102 = arith.constant 0 : i32
      scf.yield %scan3A_102 : i32
    }
    %scan3A_46 = arith.constant 40 : i32
    %barrier3A_47 = arith.constant 0 : index
    tpu.barrier barrier_id(%barrier3A_47)
    %add3A_48 = arith.constant 0 : i32
    %add3A_49 = arith.addi %mul3A_2, %add3A_48 : i32
    "tpu.region"() ({
      %run_scoped3A = tpu.sem_alloc : memref<!tpu.dma_semaphore, #tpu.memory_space<semaphore_mem>>
      %dma_start3A_68 = arith.constant 0 : i32
      %dma_start3A_69 = tpu.memref_slice %arg8[%add3A_49, %dma_start3A_68] : memref<10240x128xf32, #tpu.memory_space<vmem_shared>> -> memref<128x128xf32, #tpu.memory_space<vmem_shared>>
      %dma_start3A_70 = arith.constant 0 : i32
      %dma_start3A_71 = tpu.memref_slice %arg8[%add3A_49, %dma_start3A_70] : memref<10240x128xf32, #tpu.memory_space<vmem_shared>> -> memref<128x128xf32, #tpu.memory_space<vmem_shared>>
      tpu.enqueue_dma source(%dma_start3A_71 : memref<128x128xf32, #tpu.memory_space<vmem_shared>>) target(%arg7 : memref<128x128xf32, #tpu.memory_space<vmem>>) target_semaphore(%run_scoped3A : memref<!tpu.dma_semaphore, #tpu.memory_space<semaphore_mem>>)
      %dma_wait3A = arith.constant 0 : i32
      %dma_wait3A_72 = tpu.memref_slice %arg8[%add3A_49, %dma_wait3A] : memref<10240x128xf32, #tpu.memory_space<vmem_shared>> -> memref<128x128xf32, #tpu.memory_space<vmem_shared>>
      %dma_wait3A_73 = arith.constant 0 : i32
      %dma_wait3A_74 = tpu.memref_slice %arg8[%add3A_49, %dma_wait3A_73] : memref<10240x128xf32, #tpu.memory_space<vmem_shared>> -> memref<128x128xf32, #tpu.memory_space<vmem_shared>>
      tpu.wait_dma2 semaphore(%run_scoped3A : memref<!tpu.dma_semaphore, #tpu.memory_space<semaphore_mem>>) src(%dma_wait3A_74 : memref<128x128xf32, #tpu.memory_space<vmem_shared>>) dst(%arg7 : memref<128x128xf32, #tpu.memory_space<vmem>>)
      tpu.yield
    }) : () -> ()
    %add3A_50 = arith.constant 0 : i32
    %add3A_51 = arith.addi %mul3A_2, %add3A_50 : i32
    "tpu.region"() ({
      %run_scoped3A = tpu.sem_alloc : memref<!tpu.dma_semaphore, #tpu.memory_space<semaphore_mem>>
      %dma_start3A_68 = arith.constant 0 : i32
      %dma_start3A_69 = tpu.memref_slice %arg3[%arg0, %add3A_51, %dma_start3A_68] : memref<2x10240x128xf32, #tpu.memory_space<hbm>> -> memref<1x128x128xf32, #tpu.memory_space<hbm>>
      %dma_start3A_70 = tpu.memref_squeeze %dma_start3A_69 : memref<1x128x128xf32, #tpu.memory_space<hbm>> -> memref<128x128xf32, #tpu.memory_space<hbm>>
      %dma_start3A_71 = arith.constant 0 : i32
      %dma_start3A_72 = tpu.memref_slice %arg3[%arg0, %add3A_51, %dma_start3A_71] : memref<2x10240x128xf32, #tpu.memory_space<hbm>> -> memref<1x128x128xf32, #tpu.memory_space<hbm>>
      %dma_start3A_73 = tpu.memref_squeeze %dma_start3A_72 : memref<1x128x128xf32, #tpu.memory_space<hbm>> -> memref<128x128xf32, #tpu.memory_space<hbm>>
      tpu.enqueue_dma source(%arg7 : memref<128x128xf32, #tpu.memory_space<vmem>>) target(%dma_start3A_73 : memref<128x128xf32, #tpu.memory_space<hbm>>) target_semaphore(%run_scoped3A : memref<!tpu.dma_semaphore, #tpu.memory_space<semaphore_mem>>)
      %dma_wait3A = arith.constant 0 : i32
      %dma_wait3A_74 = tpu.memref_slice %arg3[%arg0, %add3A_51, %dma_wait3A] : memref<2x10240x128xf32, #tpu.memory_space<hbm>> -> memref<1x128x128xf32, #tpu.memory_space<hbm>>
      %dma_wait3A_75 = tpu.memref_squeeze %dma_wait3A_74 : memref<1x128x128xf32, #tpu.memory_space<hbm>> -> memref<128x128xf32, #tpu.memory_space<hbm>>
      %dma_wait3A_76 = arith.constant 0 : i32
      %dma_wait3A_77 = tpu.memref_slice %arg3[%arg0, %add3A_51, %dma_wait3A_76] : memref<2x10240x128xf32, #tpu.memory_space<hbm>> -> memref<1x128x128xf32, #tpu.memory_space<hbm>>
      %dma_wait3A_78 = tpu.memref_squeeze %dma_wait3A_77 : memref<1x128x128xf32, #tpu.memory_space<hbm>> -> memref<128x128xf32, #tpu.memory_space<hbm>>
      tpu.wait_dma2 semaphore(%run_scoped3A : memref<!tpu.dma_semaphore, #tpu.memory_space<semaphore_mem>>) src(%arg7 : memref<128x128xf32, #tpu.memory_space<vmem>>) dst(%dma_wait3A_78 : memref<128x128xf32, #tpu.memory_space<hbm>>)
      tpu.yield
    }) : () -> ()
    %add3A_52 = arith.constant 128 : i32
    %add3A_53 = arith.addi %mul3A_2, %add3A_52 : i32
    "tpu.region"() ({
      %run_scoped3A = tpu.sem_alloc : memref<!tpu.dma_semaphore, #tpu.memory_space<semaphore_mem>>
      %dma_start3A_68 = arith.constant 0 : i32
      %dma_start3A_69 = tpu.memref_slice %arg8[%add3A_53, %dma_start3A_68] : memref<10240x128xf32, #tpu.memory_space<vmem_shared>> -> memref<128x128xf32, #tpu.memory_space<vmem_shared>>
      %dma_start3A_70 = arith.constant 0 : i32
      %dma_start3A_71 = tpu.memref_slice %arg8[%add3A_53, %dma_start3A_70] : memref<10240x128xf32, #tpu.memory_space<vmem_shared>> -> memref<128x128xf32, #tpu.memory_space<vmem_shared>>
      tpu.enqueue_dma source(%dma_start3A_71 : memref<128x128xf32, #tpu.memory_space<vmem_shared>>) target(%arg7 : memref<128x128xf32, #tpu.memory_space<vmem>>) target_semaphore(%run_scoped3A : memref<!tpu.dma_semaphore, #tpu.memory_space<semaphore_mem>>)
      %dma_wait3A = arith.constant 0 : i32
      %dma_wait3A_72 = tpu.memref_slice %arg8[%add3A_53, %dma_wait3A] : memref<10240x128xf32, #tpu.memory_space<vmem_shared>> -> memref<128x128xf32, #tpu.memory_space<vmem_shared>>
      %dma_wait3A_73 = arith.constant 0 : i32
      %dma_wait3A_74 = tpu.memref_slice %arg8[%add3A_53, %dma_wait3A_73] : memref<10240x128xf32, #tpu.memory_space<vmem_shared>> -> memref<128x128xf32, #tpu.memory_space<vmem_shared>>
      tpu.wait_dma2 semaphore(%run_scoped3A : memref<!tpu.dma_semaphore, #tpu.memory_space<semaphore_mem>>) src(%dma_wait3A_74 : memref<128x128xf32, #tpu.memory_space<vmem_shared>>) dst(%arg7 : memref<128x128xf32, #tpu.memory_space<vmem>>)
      tpu.yield
    }) : () -> ()
    %add3A_54 = arith.constant 128 : i32
    %add3A_55 = arith.addi %mul3A_2, %add3A_54 : i32
    "tpu.region"() ({
      %run_scoped3A = tpu.sem_alloc : memref<!tpu.dma_semaphore, #tpu.memory_space<semaphore_mem>>
      %dma_start3A_68 = arith.constant 0 : i32
      %dma_start3A_69 = tpu.memref_slice %arg3[%arg0, %add3A_55, %dma_start3A_68] : memref<2x10240x128xf32, #tpu.memory_space<hbm>> -> memref<1x128x128xf32, #tpu.memory_space<hbm>>
      %dma_start3A_70 = tpu.memref_squeeze %dma_start3A_69 : memref<1x128x128xf32, #tpu.memory_space<hbm>> -> memref<128x128xf32, #tpu.memory_space<hbm>>
      %dma_start3A_71 = arith.constant 0 : i32
      %dma_start3A_72 = tpu.memref_slice %arg3[%arg0, %add3A_55, %dma_start3A_71] : memref<2x10240x128xf32, #tpu.memory_space<hbm>> -> memref<1x128x128xf32, #tpu.memory_space<hbm>>
      %dma_start3A_73 = tpu.memref_squeeze %dma_start3A_72 : memref<1x128x128xf32, #tpu.memory_space<hbm>> -> memref<128x128xf32, #tpu.memory_space<hbm>>
      tpu.enqueue_dma source(%arg7 : memref<128x128xf32, #tpu.memory_space<vmem>>) target(%dma_start3A_73 : memref<128x128xf32, #tpu.memory_space<hbm>>) target_semaphore(%run_scoped3A : memref<!tpu.dma_semaphore, #tpu.memory_space<semaphore_mem>>)
      %dma_wait3A = arith.constant 0 : i32
      %dma_wait3A_74 = tpu.memref_slice %arg3[%arg0, %add3A_55, %dma_wait3A] : memref<2x10240x128xf32, #tpu.memory_space<hbm>> -> memref<1x128x128xf32, #tpu.memory_space<hbm>>
      %dma_wait3A_75 = tpu.memref_squeeze %dma_wait3A_74 : memref<1x128x128xf32, #tpu.memory_space<hbm>> -> memref<128x128xf32, #tpu.memory_space<hbm>>
      %dma_wait3A_76 = arith.constant 0 : i32
      %dma_wait3A_77 = tpu.memref_slice %arg3[%arg0, %add3A_55, %dma_wait3A_76] : memref<2x10240x128xf32, #tpu.memory_space<hbm>> -> memref<1x128x128xf32, #tpu.memory_space<hbm>>
      %dma_wait3A_78 = tpu.memref_squeeze %dma_wait3A_77 : memref<1x128x128xf32, #tpu.memory_space<hbm>> -> memref<128x128xf32, #tpu.memory_space<hbm>>
      tpu.wait_dma2 semaphore(%run_scoped3A : memref<!tpu.dma_semaphore, #tpu.memory_space<semaphore_mem>>) src(%arg7 : memref<128x128xf32, #tpu.memory_space<vmem>>) dst(%dma_wait3A_78 : memref<128x128xf32, #tpu.memory_space<hbm>>)
      tpu.yield
    }) : () -> ()
    %add3A_56 = arith.constant 256 : i32
    %add3A_57 = arith.addi %mul3A_2, %add3A_56 : i32
    "tpu.region"() ({
      %run_scoped3A = tpu.sem_alloc : memref<!tpu.dma_semaphore, #tpu.memory_space<semaphore_mem>>
      %dma_start3A_68 = arith.constant 0 : i32
      %dma_start3A_69 = tpu.memref_slice %arg8[%add3A_57, %dma_start3A_68] : memref<10240x128xf32, #tpu.memory_space<vmem_shared>> -> memref<128x128xf32, #tpu.memory_space<vmem_shared>>
      %dma_start3A_70 = arith.constant 0 : i32
      %dma_start3A_71 = tpu.memref_slice %arg8[%add3A_57, %dma_start3A_70] : memref<10240x128xf32, #tpu.memory_space<vmem_shared>> -> memref<128x128xf32, #tpu.memory_space<vmem_shared>>
      tpu.enqueue_dma source(%dma_start3A_71 : memref<128x128xf32, #tpu.memory_space<vmem_shared>>) target(%arg7 : memref<128x128xf32, #tpu.memory_space<vmem>>) target_semaphore(%run_scoped3A : memref<!tpu.dma_semaphore, #tpu.memory_space<semaphore_mem>>)
      %dma_wait3A = arith.constant 0 : i32
      %dma_wait3A_72 = tpu.memref_slice %arg8[%add3A_57, %dma_wait3A] : memref<10240x128xf32, #tpu.memory_space<vmem_shared>> -> memref<128x128xf32, #tpu.memory_space<vmem_shared>>
      %dma_wait3A_73 = arith.constant 0 : i32
      %dma_wait3A_74 = tpu.memref_slice %arg8[%add3A_57, %dma_wait3A_73] : memref<10240x128xf32, #tpu.memory_space<vmem_shared>> -> memref<128x128xf32, #tpu.memory_space<vmem_shared>>
      tpu.wait_dma2 semaphore(%run_scoped3A : memref<!tpu.dma_semaphore, #tpu.memory_space<semaphore_mem>>) src(%dma_wait3A_74 : memref<128x128xf32, #tpu.memory_space<vmem_shared>>) dst(%arg7 : memref<128x128xf32, #tpu.memory_space<vmem>>)
      tpu.yield
    }) : () -> ()
    %add3A_58 = arith.constant 256 : i32
    %add3A_59 = arith.addi %mul3A_2, %add3A_58 : i32
    "tpu.region"() ({
      %run_scoped3A = tpu.sem_alloc : memref<!tpu.dma_semaphore, #tpu.memory_space<semaphore_mem>>
      %dma_start3A_68 = arith.constant 0 : i32
      %dma_start3A_69 = tpu.memref_slice %arg3[%arg0, %add3A_59, %dma_start3A_68] : memref<2x10240x128xf32, #tpu.memory_space<hbm>> -> memref<1x128x128xf32, #tpu.memory_space<hbm>>
      %dma_start3A_70 = tpu.memref_squeeze %dma_start3A_69 : memref<1x128x128xf32, #tpu.memory_space<hbm>> -> memref<128x128xf32, #tpu.memory_space<hbm>>
      %dma_start3A_71 = arith.constant 0 : i32
      %dma_start3A_72 = tpu.memref_slice %arg3[%arg0, %add3A_59, %dma_start3A_71] : memref<2x10240x128xf32, #tpu.memory_space<hbm>> -> memref<1x128x128xf32, #tpu.memory_space<hbm>>
      %dma_start3A_73 = tpu.memref_squeeze %dma_start3A_72 : memref<1x128x128xf32, #tpu.memory_space<hbm>> -> memref<128x128xf32, #tpu.memory_space<hbm>>
      tpu.enqueue_dma source(%arg7 : memref<128x128xf32, #tpu.memory_space<vmem>>) target(%dma_start3A_73 : memref<128x128xf32, #tpu.memory_space<hbm>>) target_semaphore(%run_scoped3A : memref<!tpu.dma_semaphore, #tpu.memory_space<semaphore_mem>>)
      %dma_wait3A = arith.constant 0 : i32
      %dma_wait3A_74 = tpu.memref_slice %arg3[%arg0, %add3A_59, %dma_wait3A] : memref<2x10240x128xf32, #tpu.memory_space<hbm>> -> memref<1x128x128xf32, #tpu.memory_space<hbm>>
      %dma_wait3A_75 = tpu.memref_squeeze %dma_wait3A_74 : memref<1x128x128xf32, #tpu.memory_space<hbm>> -> memref<128x128xf32, #tpu.memory_space<hbm>>
      %dma_wait3A_76 = arith.constant 0 : i32
      %dma_wait3A_77 = tpu.memref_slice %arg3[%arg0, %add3A_59, %dma_wait3A_76] : memref<2x10240x128xf32, #tpu.memory_space<hbm>> -> memref<1x128x128xf32, #tpu.memory_space<hbm>>
      %dma_wait3A_78 = tpu.memref_squeeze %dma_wait3A_77 : memref<1x128x128xf32, #tpu.memory_space<hbm>> -> memref<128x128xf32, #tpu.memory_space<hbm>>
      tpu.wait_dma2 semaphore(%run_scoped3A : memref<!tpu.dma_semaphore, #tpu.memory_space<semaphore_mem>>) src(%arg7 : memref<128x128xf32, #tpu.memory_space<vmem>>) dst(%dma_wait3A_78 : memref<128x128xf32, #tpu.memory_space<hbm>>)
      tpu.yield
    }) : () -> ()
    %add3A_60 = arith.constant 384 : i32
    %add3A_61 = arith.addi %mul3A_2, %add3A_60 : i32
    "tpu.region"() ({
      %run_scoped3A = tpu.sem_alloc : memref<!tpu.dma_semaphore, #tpu.memory_space<semaphore_mem>>
      %dma_start3A_68 = arith.constant 0 : i32
      %dma_start3A_69 = tpu.memref_slice %arg8[%add3A_61, %dma_start3A_68] : memref<10240x128xf32, #tpu.memory_space<vmem_shared>> -> memref<128x128xf32, #tpu.memory_space<vmem_shared>>
      %dma_start3A_70 = arith.constant 0 : i32
      %dma_start3A_71 = tpu.memref_slice %arg8[%add3A_61, %dma_start3A_70] : memref<10240x128xf32, #tpu.memory_space<vmem_shared>> -> memref<128x128xf32, #tpu.memory_space<vmem_shared>>
      tpu.enqueue_dma source(%dma_start3A_71 : memref<128x128xf32, #tpu.memory_space<vmem_shared>>) target(%arg7 : memref<128x128xf32, #tpu.memory_space<vmem>>) target_semaphore(%run_scoped3A : memref<!tpu.dma_semaphore, #tpu.memory_space<semaphore_mem>>)
      %dma_wait3A = arith.constant 0 : i32
      %dma_wait3A_72 = tpu.memref_slice %arg8[%add3A_61, %dma_wait3A] : memref<10240x128xf32, #tpu.memory_space<vmem_shared>> -> memref<128x128xf32, #tpu.memory_space<vmem_shared>>
      %dma_wait3A_73 = arith.constant 0 : i32
      %dma_wait3A_74 = tpu.memref_slice %arg8[%add3A_61, %dma_wait3A_73] : memref<10240x128xf32, #tpu.memory_space<vmem_shared>> -> memref<128x128xf32, #tpu.memory_space<vmem_shared>>
      tpu.wait_dma2 semaphore(%run_scoped3A : memref<!tpu.dma_semaphore, #tpu.memory_space<semaphore_mem>>) src(%dma_wait3A_74 : memref<128x128xf32, #tpu.memory_space<vmem_shared>>) dst(%arg7 : memref<128x128xf32, #tpu.memory_space<vmem>>)
      tpu.yield
    }) : () -> ()
    %add3A_62 = arith.constant 384 : i32
    %add3A_63 = arith.addi %mul3A_2, %add3A_62 : i32
    "tpu.region"() ({
      %run_scoped3A = tpu.sem_alloc : memref<!tpu.dma_semaphore, #tpu.memory_space<semaphore_mem>>
      %dma_start3A_68 = arith.constant 0 : i32
      %dma_start3A_69 = tpu.memref_slice %arg3[%arg0, %add3A_63, %dma_start3A_68] : memref<2x10240x128xf32, #tpu.memory_space<hbm>> -> memref<1x128x128xf32, #tpu.memory_space<hbm>>
      %dma_start3A_70 = tpu.memref_squeeze %dma_start3A_69 : memref<1x128x128xf32, #tpu.memory_space<hbm>> -> memref<128x128xf32, #tpu.memory_space<hbm>>
      %dma_start3A_71 = arith.constant 0 : i32
      %dma_start3A_72 = tpu.memref_slice %arg3[%arg0, %add3A_63, %dma_start3A_71] : memref<2x10240x128xf32, #tpu.memory_space<hbm>> -> memref<1x128x128xf32, #tpu.memory_space<hbm>>
      %dma_start3A_73 = tpu.memref_squeeze %dma_start3A_72 : memref<1x128x128xf32, #tpu.memory_space<hbm>> -> memref<128x128xf32, #tpu.memory_space<hbm>>
      tpu.enqueue_dma source(%arg7 : memref<128x128xf32, #tpu.memory_space<vmem>>) target(%dma_start3A_73 : memref<128x128xf32, #tpu.memory_space<hbm>>) target_semaphore(%run_scoped3A : memref<!tpu.dma_semaphore, #tpu.memory_space<semaphore_mem>>)
      %dma_wait3A = arith.constant 0 : i32
      %dma_wait3A_74 = tpu.memref_slice %arg3[%arg0, %add3A_63, %dma_wait3A] : memref<2x10240x128xf32, #tpu.memory_space<hbm>> -> memref<1x128x128xf32, #tpu.memory_space<hbm>>
      %dma_wait3A_75 = tpu.memref_squeeze %dma_wait3A_74 : memref<1x128x128xf32, #tpu.memory_space<hbm>> -> memref<128x128xf32, #tpu.memory_space<hbm>>
      %dma_wait3A_76 = arith.constant 0 : i32
      %dma_wait3A_77 = tpu.memref_slice %arg3[%arg0, %add3A_63, %dma_wait3A_76] : memref<2x10240x128xf32, #tpu.memory_space<hbm>> -> memref<1x128x128xf32, #tpu.memory_space<hbm>>
      %dma_wait3A_78 = tpu.memref_squeeze %dma_wait3A_77 : memref<1x128x128xf32, #tpu.memory_space<hbm>> -> memref<128x128xf32, #tpu.memory_space<hbm>>
      tpu.wait_dma2 semaphore(%run_scoped3A : memref<!tpu.dma_semaphore, #tpu.memory_space<semaphore_mem>>) src(%arg7 : memref<128x128xf32, #tpu.memory_space<vmem>>) dst(%dma_wait3A_78 : memref<128x128xf32, #tpu.memory_space<hbm>>)
      tpu.yield
    }) : () -> ()
    %add3A_64 = arith.constant 512 : i32
    %add3A_65 = arith.addi %mul3A_2, %add3A_64 : i32
    "tpu.region"() ({
      %run_scoped3A = tpu.sem_alloc : memref<!tpu.dma_semaphore, #tpu.memory_space<semaphore_mem>>
      %dma_start3A_68 = arith.constant 0 : i32
      %dma_start3A_69 = tpu.memref_slice %arg8[%add3A_65, %dma_start3A_68] : memref<10240x128xf32, #tpu.memory_space<vmem_shared>> -> memref<128x128xf32, #tpu.memory_space<vmem_shared>>
      %dma_start3A_70 = arith.constant 0 : i32
      %dma_start3A_71 = tpu.memref_slice %arg8[%add3A_65, %dma_start3A_70] : memref<10240x128xf32, #tpu.memory_space<vmem_shared>> -> memref<128x128xf32, #tpu.memory_space<vmem_shared>>
      tpu.enqueue_dma source(%dma_start3A_71 : memref<128x128xf32, #tpu.memory_space<vmem_shared>>) target(%arg7 : memref<128x128xf32, #tpu.memory_space<vmem>>) target_semaphore(%run_scoped3A : memref<!tpu.dma_semaphore, #tpu.memory_space<semaphore_mem>>)
      %dma_wait3A = arith.constant 0 : i32
      %dma_wait3A_72 = tpu.memref_slice %arg8[%add3A_65, %dma_wait3A] : memref<10240x128xf32, #tpu.memory_space<vmem_shared>> -> memref<128x128xf32, #tpu.memory_space<vmem_shared>>
      %dma_wait3A_73 = arith.constant 0 : i32
      %dma_wait3A_74 = tpu.memref_slice %arg8[%add3A_65, %dma_wait3A_73] : memref<10240x128xf32, #tpu.memory_space<vmem_shared>> -> memref<128x128xf32, #tpu.memory_space<vmem_shared>>
      tpu.wait_dma2 semaphore(%run_scoped3A : memref<!tpu.dma_semaphore, #tpu.memory_space<semaphore_mem>>) src(%dma_wait3A_74 : memref<128x128xf32, #tpu.memory_space<vmem_shared>>) dst(%arg7 : memref<128x128xf32, #tpu.memory_space<vmem>>)
      tpu.yield
    }) : () -> ()
    %add3A_66 = arith.constant 512 : i32
    %add3A_67 = arith.addi %mul3A_2, %add3A_66 : i32
    "tpu.region"() ({
      %run_scoped3A = tpu.sem_alloc : memref<!tpu.dma_semaphore, #tpu.memory_space<semaphore_mem>>
      %dma_start3A_68 = arith.constant 0 : i32
      %dma_start3A_69 = tpu.memref_slice %arg3[%arg0, %add3A_67, %dma_start3A_68] : memref<2x10240x128xf32, #tpu.memory_space<hbm>> -> memref<1x128x128xf32, #tpu.memory_space<hbm>>
      %dma_start3A_70 = tpu.memref_squeeze %dma_start3A_69 : memref<1x128x128xf32, #tpu.memory_space<hbm>> -> memref<128x128xf32, #tpu.memory_space<hbm>>
      %dma_start3A_71 = arith.constant 0 : i32
      %dma_start3A_72 = tpu.memref_slice %arg3[%arg0, %add3A_67, %dma_start3A_71] : memref<2x10240x128xf32, #tpu.memory_space<hbm>> -> memref<1x128x128xf32, #tpu.memory_space<hbm>>
      %dma_start3A_73 = tpu.memref_squeeze %dma_start3A_72 : memref<1x128x128xf32, #tpu.memory_space<hbm>> -> memref<128x128xf32, #tpu.memory_space<hbm>>
      tpu.enqueue_dma source(%arg7 : memref<128x128xf32, #tpu.memory_space<vmem>>) target(%dma_start3A_73 : memref<128x128xf32, #tpu.memory_space<hbm>>) target_semaphore(%run_scoped3A : memref<!tpu.dma_semaphore, #tpu.memory_space<semaphore_mem>>)
      %dma_wait3A = arith.constant 0 : i32
      %dma_wait3A_74 = tpu.memref_slice %arg3[%arg0, %add3A_67, %dma_wait3A] : memref<2x10240x128xf32, #tpu.memory_space<hbm>> -> memref<1x128x128xf32, #tpu.memory_space<hbm>>
      %dma_wait3A_75 = tpu.memref_squeeze %dma_wait3A_74 : memref<1x128x128xf32, #tpu.memory_space<hbm>> -> memref<128x128xf32, #tpu.memory_space<hbm>>
      %dma_wait3A_76 = arith.constant 0 : i32
      %dma_wait3A_77 = tpu.memref_slice %arg3[%arg0, %add3A_67, %dma_wait3A_76] : memref<2x10240x128xf32, #tpu.memory_space<hbm>> -> memref<1x128x128xf32, #tpu.memory_space<hbm>>
      %dma_wait3A_78 = tpu.memref_squeeze %dma_wait3A_77 : memref<1x128x128xf32, #tpu.memory_space<hbm>> -> memref<128x128xf32, #tpu.memory_space<hbm>>
      tpu.wait_dma2 semaphore(%run_scoped3A : memref<!tpu.dma_semaphore, #tpu.memory_space<semaphore_mem>>) src(%arg7 : memref<128x128xf32, #tpu.memory_space<vmem>>) dst(%dma_wait3A_78 : memref<128x128xf32, #tpu.memory_space<hbm>>)
      tpu.yield
    }) : () -> ()
    return
  }
}

module attributes {stable_mosaic.version = 14 : i64} {
  func.func @body(%arg0: memref<2x10240x128xf32, #tpu.memory_space<vmem>>, %arg1: memref<2x10240x128xf32, #tpu.memory_space<vmem>>, %arg2: memref<10000x128xf32, #tpu.memory_space<vmem>>, %arg3: memref<128x128xf32, #tpu.memory_space<vmem>>, %arg4: memref<128xf32, #tpu.memory_space<vmem>>, %arg5: memref<128x128xf32, #tpu.memory_space<vmem>>, %arg6: memref<128xf32, #tpu.memory_space<vmem>>, %arg7: memref<128xf32, #tpu.memory_space<vmem>>, %arg8: memref<10000x128xf32, #tpu.memory_space<vmem>>) attributes {dimension_semantics = [], scalar_prefetch = 0 : i64, scratch_operands = 0 : i64, tpu.core_type = #tpu.core_type<tc>} {
    %get3A = arith.constant 0 : index
    %get3A_0 = arith.constant 0 : index
    %get3A_1 = arith.constant 0 : index
    %get3A_2 = vector.load %arg0[%get3A, %get3A_0, %get3A_1] : memref<2x10240x128xf32, #tpu.memory_space<vmem>>, vector<1x10000x128xf32>
    %get3A_3 = vector.shape_cast %get3A_2 : vector<1x10000x128xf32> to vector<10000x128xf32>
    %get3A_4 = arith.constant 1 : index
    %get3A_5 = arith.constant 0 : index
    %get3A_6 = arith.constant 0 : index
    %get3A_7 = vector.load %arg0[%get3A_4, %get3A_5, %get3A_6] : memref<2x10240x128xf32, #tpu.memory_space<vmem>>, vector<1x10000x128xf32>
    %get3A_8 = vector.shape_cast %get3A_7 : vector<1x10000x128xf32> to vector<10000x128xf32>
    %add3A = arith.addf %get3A_3, %get3A_8 : vector<10000x128xf32>
    %get3A_9 = arith.constant 0 : index
    %get3A_10 = arith.constant 0 : index
    %get3A_11 = arith.constant 0 : index
    %get3A_12 = vector.load %arg1[%get3A_9, %get3A_10, %get3A_11] : memref<2x10240x128xf32, #tpu.memory_space<vmem>>, vector<1x10000x1xf32>
    %get3A_13 = vector.shape_cast %get3A_12 : vector<1x10000x1xf32> to vector<10000x1xf32>
    %get3A_14 = arith.constant 1 : index
    %get3A_15 = arith.constant 0 : index
    %get3A_16 = arith.constant 0 : index
    %get3A_17 = vector.load %arg1[%get3A_14, %get3A_15, %get3A_16] : memref<2x10240x128xf32, #tpu.memory_space<vmem>>, vector<1x10000x1xf32>
    %get3A_18 = vector.shape_cast %get3A_17 : vector<1x10000x1xf32> to vector<10000x1xf32>
    %add3A_19 = arith.addf %get3A_13, %get3A_18 : vector<10000x1xf32>
    %max3A = arith.constant 1.000000e+00 : f32
    %max3A_20 = vector.broadcast %max3A : f32 to vector<10000x1xf32>
    %max3A_21 = arith.maximumf %add3A_19, %max3A_20 : vector<10000x1xf32>
    %div3A = arith.constant 1.000000e+00 : f32
    %div3A_22 = vector.broadcast %div3A : f32 to vector<10000x1xf32>
    %div3A_23 = arith.divf %div3A_22, %max3A_21 : vector<10000x1xf32>
    %mul3A = vector.broadcast %div3A_23 : vector<10000x1xf32> to vector<10000x128xf32>
    %mul3A_24 = arith.mulf %add3A, %mul3A : vector<10000x128xf32>
    %get3A_25 = arith.constant 0 : index
    %get3A_26 = arith.constant 0 : index
    %get3A_27 = vector.load %arg3[%get3A_25, %get3A_26] : memref<128x128xf32, #tpu.memory_space<vmem>>, vector<128x128xf32>
    %dot_general3A = arith.constant dense<0.000000e+00> : vector<10000x128xf32>
    %dot_general3A_28 = tpu.matmul %mul3A_24, %get3A_27, %dot_general3A {dimension_numbers = #tpu.dot_dimension_numbers<[1], [1], [0], [0], [0, 0, 1, 0], [], []>, transpose_lhs_hint = false} : vector<10000x128xf32>, vector<128x128xf32>, vector<10000x128xf32> -> vector<10000x128xf32>
    %get3A_29 = arith.constant 0 : index
    %get3A_30 = vector.load %arg4[%get3A_29] : memref<128xf32, #tpu.memory_space<vmem>>, vector<128xf32>
    %broadcast_in_dim3A = vector.shape_cast %get3A_30 : vector<128xf32> to vector<1x128xf32>
    %add3A_31 = vector.broadcast %broadcast_in_dim3A : vector<1x128xf32> to vector<10000x128xf32>
    %add3A_32 = arith.addf %dot_general3A_28, %add3A_31 : vector<10000x128xf32>
    %get3A_33 = arith.constant 0 : index
    %get3A_34 = arith.constant 0 : index
    %get3A_35 = vector.load %arg2[%get3A_33, %get3A_34] : memref<10000x128xf32, #tpu.memory_space<vmem>>, vector<10000x128xf32>
    %get3A_36 = arith.constant 0 : index
    %get3A_37 = arith.constant 0 : index
    %get3A_38 = vector.load %arg5[%get3A_36, %get3A_37] : memref<128x128xf32, #tpu.memory_space<vmem>>, vector<128x128xf32>
    %dot_general3A_39 = arith.constant dense<0.000000e+00> : vector<10000x128xf32>
    %dot_general3A_40 = tpu.matmul %get3A_35, %get3A_38, %dot_general3A_39 {dimension_numbers = #tpu.dot_dimension_numbers<[1], [1], [0], [0], [0, 0, 1, 0], [], []>, transpose_lhs_hint = false} : vector<10000x128xf32>, vector<128x128xf32>, vector<10000x128xf32> -> vector<10000x128xf32>
    %add3A_41 = arith.addf %add3A_32, %dot_general3A_40 : vector<10000x128xf32>
    %reduce_sum3A = arith.constant dense<0.000000e+00> : vector<128xf32>
    %reduce_sum3A_42 = vector.multi_reduction <add>, %add3A_41, %reduce_sum3A [0] : vector<10000x128xf32> to vector<128xf32>
    %broadcast_in_dim3A_43 = vector.shape_cast %reduce_sum3A_42 : vector<128xf32> to vector<1x128xf32>
    %div3A_44 = arith.constant 1.000000e+04 : f32
    %div3A_45 = vector.broadcast %div3A_44 : f32 to vector<1x128xf32>
    %div3A_46 = arith.divf %broadcast_in_dim3A_43, %div3A_45 : vector<1x128xf32>
    %sub3A = vector.broadcast %div3A_46 : vector<1x128xf32> to vector<10000x128xf32>
    %sub3A_47 = arith.subf %add3A_41, %sub3A : vector<10000x128xf32>
    %integer_pow3A = arith.mulf %sub3A_47, %sub3A_47 : vector<10000x128xf32>
    %reduce_sum3A_48 = arith.constant dense<0.000000e+00> : vector<128xf32>
    %reduce_sum3A_49 = vector.multi_reduction <add>, %integer_pow3A, %reduce_sum3A_48 [0] : vector<10000x128xf32> to vector<128xf32>
    %broadcast_in_dim3A_50 = vector.shape_cast %reduce_sum3A_49 : vector<128xf32> to vector<1x128xf32>
    %div3A_51 = arith.constant 1.000000e+04 : f32
    %div3A_52 = vector.broadcast %div3A_51 : f32 to vector<1x128xf32>
    %div3A_53 = arith.divf %broadcast_in_dim3A_50, %div3A_52 : vector<1x128xf32>
    %get3A_54 = arith.constant 0 : index
    %get3A_55 = vector.load %arg6[%get3A_54] : memref<128xf32, #tpu.memory_space<vmem>>, vector<128xf32>
    %broadcast_in_dim3A_56 = vector.shape_cast %get3A_55 : vector<128xf32> to vector<1x128xf32>
    %sub3A_57 = vector.broadcast %div3A_46 : vector<1x128xf32> to vector<10000x128xf32>
    %sub3A_58 = arith.subf %add3A_41, %sub3A_57 : vector<10000x128xf32>
    %mul3A_59 = vector.broadcast %broadcast_in_dim3A_56 : vector<1x128xf32> to vector<10000x128xf32>
    %mul3A_60 = arith.mulf %mul3A_59, %sub3A_58 : vector<10000x128xf32>
    %add3A_61 = arith.constant 9.99999974E-6 : f32
    %add3A_62 = vector.broadcast %add3A_61 : f32 to vector<1x128xf32>
    %add3A_63 = arith.addf %div3A_53, %add3A_62 : vector<1x128xf32>
    %sqrt3A = math.sqrt %add3A_63 : vector<1x128xf32>
    %div3A_64 = vector.broadcast %sqrt3A : vector<1x128xf32> to vector<10000x128xf32>
    %div3A_65 = arith.divf %mul3A_60, %div3A_64 : vector<10000x128xf32>
    %get3A_66 = arith.constant 0 : index
    %get3A_67 = vector.load %arg7[%get3A_66] : memref<128xf32, #tpu.memory_space<vmem>>, vector<128xf32>
    %broadcast_in_dim3A_68 = vector.shape_cast %get3A_67 : vector<128xf32> to vector<1x128xf32>
    %add3A_69 = vector.broadcast %broadcast_in_dim3A_68 : vector<1x128xf32> to vector<10000x128xf32>
    %add3A_70 = arith.addf %div3A_65, %add3A_69 : vector<10000x128xf32>
    %max3A_71 = arith.constant 0.000000e+00 : f32
    %max3A_72 = vector.broadcast %max3A_71 : f32 to vector<10000x128xf32>
    %max3A_73 = arith.maximumf %add3A_70, %max3A_72 : vector<10000x128xf32>
    %swap3A = arith.constant 0 : index
    %swap3A_74 = arith.constant 0 : index
    %swap3A_75 = vector.load %arg8[%swap3A, %swap3A_74] : memref<10000x128xf32, #tpu.memory_space<vmem>>, vector<10000x128xf32>
    tpu.vector_store %arg8[%swap3A, %swap3A_74], %max3A_73 {strides = array<i32>} : memref<10000x128xf32, #tpu.memory_space<vmem>>, vector<10000x128xf32>,
    return
  }
}

module attributes {stable_mosaic.version = 14 : i64} {
  func.func @body(%arg0: memref<2x10240x128xf32, #tpu.memory_space<vmem>>, %arg1: memref<2x10240x128xf32, #tpu.memory_space<vmem>>, %arg2: memref<10000x128xf32, #tpu.memory_space<vmem>>, %arg3: memref<128x128xf32, #tpu.memory_space<vmem>>, %arg4: memref<128xf32, #tpu.memory_space<vmem>>, %arg5: memref<128x128xf32, #tpu.memory_space<vmem>>, %arg6: memref<10000x128xf32, #tpu.memory_space<vmem>>) attributes {dimension_semantics = [], scalar_prefetch = 0 : i64, scratch_operands = 0 : i64, tpu.core_type = #tpu.core_type<tc>} {
    %get3A = arith.constant 0 : index
    %get3A_0 = arith.constant 0 : index
    %get3A_1 = arith.constant 0 : index
    %get3A_2 = vector.load %arg0[%get3A, %get3A_0, %get3A_1] : memref<2x10240x128xf32, #tpu.memory_space<vmem>>, vector<1x10000x128xf32>
    %get3A_3 = vector.shape_cast %get3A_2 : vector<1x10000x128xf32> to vector<10000x128xf32>
    %get3A_4 = arith.constant 1 : index
    %get3A_5 = arith.constant 0 : index
    %get3A_6 = arith.constant 0 : index
    %get3A_7 = vector.load %arg0[%get3A_4, %get3A_5, %get3A_6] : memref<2x10240x128xf32, #tpu.memory_space<vmem>>, vector<1x10000x128xf32>
    %get3A_8 = vector.shape_cast %get3A_7 : vector<1x10000x128xf32> to vector<10000x128xf32>
    %add3A = arith.addf %get3A_3, %get3A_8 : vector<10000x128xf32>
    %get3A_9 = arith.constant 0 : index
    %get3A_10 = arith.constant 0 : index
    %get3A_11 = arith.constant 0 : index
    %get3A_12 = vector.load %arg1[%get3A_9, %get3A_10, %get3A_11] : memref<2x10240x128xf32, #tpu.memory_space<vmem>>, vector<1x10000x1xf32>
    %get3A_13 = vector.shape_cast %get3A_12 : vector<1x10000x1xf32> to vector<10000x1xf32>
    %get3A_14 = arith.constant 1 : index
    %get3A_15 = arith.constant 0 : index
    %get3A_16 = arith.constant 0 : index
    %get3A_17 = vector.load %arg1[%get3A_14, %get3A_15, %get3A_16] : memref<2x10240x128xf32, #tpu.memory_space<vmem>>, vector<1x10000x1xf32>
    %get3A_18 = vector.shape_cast %get3A_17 : vector<1x10000x1xf32> to vector<10000x1xf32>
    %add3A_19 = arith.addf %get3A_13, %get3A_18 : vector<10000x1xf32>
    %max3A = arith.constant 1.000000e+00 : f32
    %max3A_20 = vector.broadcast %max3A : f32 to vector<10000x1xf32>
    %max3A_21 = arith.maximumf %add3A_19, %max3A_20 : vector<10000x1xf32>
    %div3A = arith.constant 1.000000e+00 : f32
    %div3A_22 = vector.broadcast %div3A : f32 to vector<10000x1xf32>
    %div3A_23 = arith.divf %div3A_22, %max3A_21 : vector<10000x1xf32>
    %mul3A = vector.broadcast %div3A_23 : vector<10000x1xf32> to vector<10000x128xf32>
    %mul3A_24 = arith.mulf %add3A, %mul3A : vector<10000x128xf32>
    %get3A_25 = arith.constant 0 : index
    %get3A_26 = arith.constant 0 : index
    %get3A_27 = vector.load %arg3[%get3A_25, %get3A_26] : memref<128x128xf32, #tpu.memory_space<vmem>>, vector<128x128xf32>
    %dot_general3A = arith.constant dense<0.000000e+00> : vector<10000x128xf32>
    %dot_general3A_28 = tpu.matmul %mul3A_24, %get3A_27, %dot_general3A {dimension_numbers = #tpu.dot_dimension_numbers<[1], [1], [0], [0], [0, 0, 1, 0], [], []>, transpose_lhs_hint = false} : vector<10000x128xf32>, vector<128x128xf32>, vector<10000x128xf32> -> vector<10000x128xf32>
    %get3A_29 = arith.constant 0 : index
    %get3A_30 = vector.load %arg4[%get3A_29] : memref<128xf32, #tpu.memory_space<vmem>>, vector<128xf32>
    %broadcast_in_dim3A = vector.shape_cast %get3A_30 : vector<128xf32> to vector<1x128xf32>
    %add3A_31 = vector.broadcast %broadcast_in_dim3A : vector<1x128xf32> to vector<10000x128xf32>
    %add3A_32 = arith.addf %dot_general3A_28, %add3A_31 : vector<10000x128xf32>
    %get3A_33 = arith.constant 0 : index
    %get3A_34 = arith.constant 0 : index
    %get3A_35 = vector.load %arg2[%get3A_33, %get3A_34] : memref<10000x128xf32, #tpu.memory_space<vmem>>, vector<10000x128xf32>
    %get3A_36 = arith.constant 0 : index
    %get3A_37 = arith.constant 0 : index
    %get3A_38 = vector.load %arg5[%get3A_36, %get3A_37] : memref<128x128xf32, #tpu.memory_space<vmem>>, vector<128x128xf32>
    %dot_general3A_39 = arith.constant dense<0.000000e+00> : vector<10000x128xf32>
    %dot_general3A_40 = tpu.matmul %get3A_35, %get3A_38, %dot_general3A_39 {dimension_numbers = #tpu.dot_dimension_numbers<[1], [1], [0], [0], [0, 0, 1, 0], [], []>, transpose_lhs_hint = false} : vector<10000x128xf32>, vector<128x128xf32>, vector<10000x128xf32> -> vector<10000x128xf32>
    %add3A_41 = arith.addf %add3A_32, %dot_general3A_40 : vector<10000x128xf32>
    %swap3A = arith.constant 0 : index
    %swap3A_42 = arith.constant 0 : index
    %swap3A_43 = vector.load %arg6[%swap3A, %swap3A_42] : memref<10000x128xf32, #tpu.memory_space<vmem>>, vector<10000x128xf32>
    tpu.vector_store %arg6[%swap3A, %swap3A_42], %add3A_41 {strides = array<i32>} : memref<10000x128xf32, #tpu.memory_space<vmem>>, vector<10000x128xf32>,
    return
  }
}

</mosaic_0001>

<sc_bundles>
// kernel: kernel.10.cloned.1.call-start
scs
__scs_entry_jumppad:
0x0: {  	(pc) =	sbr.rel $0x88, $3  }
0x1: {  	(tag) =	ssettag $0x0;
	lr =	simm.s32 $0x1  }
0x2: {  	[smem:$0x3F97] =	sst lr;
	_ =	strace $0xD0000000  }
0x3: {  	_ = 	snop  }
0x4: {  	_ = 	snop  }
0x5: {  	_ = 	snop  }
0x6: {  	_ = 	snop  }
0x7: {  	_ = 	snop  }
__scs_overlays_trampoline_lowered:
0x8: {  	[smem:$0x3FA6] =	sst s0  }
0x9: {  	[smem:$0x3FA7] =	sst s1  }
0xa: {  	[smem:$0x3FA8] =	sst s2  }
0xb: {  	[smem:$0x3FA9] =	sst s3  }
0xc: {  	[smem:$0x3FAA] =	sst s4  }
0xd: {  	[smem:$0x3FAB] =	sst s5  }
0xe: {  	[smem:$0x3FAC] =	sst s6  }
0xf: {  	[smem:$0x3FAD] =	sst s7  }
0x10: {  	[smem:$0x3FAE] =	sst s8  }
0x11: {  	[smem:$0x3FAF] =	sst s9;
	s0 =	simm.s32 @!p0 $0x0  }
0x12: {  	s1 =	sld [smem:$0x3F95];
	s0 =	simm.s32 @p0 $0x1  }
0x13: {  	[smem:$0x3FB0] =	sst s0;
	s0 =	simm.s32 @!p1 $0x0  }
0x14: {  	s2 =	sld [smem:$0x3F94];
	s0 =	simm.s32 @p1 $0x1  }
0x15: {  	[smem:$0x3FB1] =	sst s0;
	s0 =	simm.s32 @!p2 $0x0  }
0x16: {  	s3 =	sld [smem:$0x3FDB];
	s0 =	simm.s32 @p2 $0x1  }
0x17: {  	s4 =	simm.s32 $0x1BF5;
	[smem:$0x3FB3] =	sst s0  }
0x18: {  	s0 =	sld [smem:$0x3F96];
	_ =	swait.ge [sflag:s4], $0x0  }
0x19: {  	s7 =	sld [smem:$0x3F97]  }
0x1a: {  	s8 =	sadd.s32 $0xFFFFE003, lr  }
0x1b: {  	s9 =	sadd.s32 $0xFFFFFEF7, lr;
	s5 =	simm.s32 $0xFFFFFFFF;
	p2 =	slt.u32 s8, $0xFFFFF086  }
0x1c: {  	p1 =	slt.u32 s9, $0xF7A;
	s5 =	simm.s32 @!p2 $0x0  }
0x1d: {  	s5 =	simm.s32 @p1 $0x1;
	p0 =	seq.s32 s7, s2  }
0x1e: {  	s7 =	smul.u32 @!p0 $0xF7A, s2;
	p2 =	seq.s32 @!p0 s5, $0x0  }
0x1f: {  	s9 =	smul.u32 $0xF7A, s1;
	s8 =	simm.s32 @!p0 $0x1BF5;
	p2 =	por !p2, p0  }
0x20: {  	[sflag:s8] =	ssyncset.s32 @!p0 $0xFFFFF086;
	s6 =	sadd.s32 @!p0 s3, s7;
	s7 =	simm.s32 @!p0 $0x108  }
0x21: {  	s3 =	sadd.s32 s3, s9;
	s6 =	sadd.s32 @!p0 $0x88, s6;
	s7 =	simm.s32 @p2 $0x1082  }
0x22: {  	[simem:s7], [sflag:s8] =	dma.local @!p0 [hbm:s6], $0xF7A  }
0x23: {  	s9 =	sor.u32 $0xD0000000, s2;
	s6 =	simm.s32 $0x108;
	_ =	swait.ge @!p0 [sflag:s8], $0x0  }
0x24: {  	s3 =	sadd.s32 $0x88, s3;
	s6 =	simm.s32 @!p1 $0x1082;
	[sflag:s4] =	ssyncset.s32 $0xFFFFF086  }
0x25: {  	[simem:s6], [sflag:s4] =	dma.local [hbm:s3], $0xF7A  }
0x26: {  	[smem:$0x3F97] =	sst s1;
	(tag) =	ssettag s2;
	_ =	strace s9  }
0x27: {  	s1 =	sld [smem:$0x3FA7]  }
0x28: {  	s2 =	sld [smem:$0x3FA8]  }
0x29: {  	s4 =	sld [smem:$0x3FAA]  }
0x2a: {  	p0 =	seq.s32 s5, $0x0;
	s5 =	sld [smem:$0x3FAB]  }
0x2b: {  	s6 =	sld [smem:$0x3FAC]  }
0x2c: {  	s7 =	sld [smem:$0x3FAD]  }
0x2d: {  	s3 =	simm.s32 $0x108;
	s8 =	sld [smem:$0x3FAE]  }
0x2e: {  	s3 =	simm.s32 @!p0 $0x1082;
	s9 =	sld [smem:$0x3FAF]  }
0x2f: {  	lr =	sadd.s32 s0, s3;
	s0 =	sld [smem:$0x3FA6]  }
0x30: {  	s3 =	sld [smem:$0x3FA9]  }
0x31: {  	[smem:$0x3FB2] =	sst s10  }
0x32: {  	s10 =	sld [smem:$0x3FB0];
	_ =	sdelay $0x3  }
0x33: {  	p0 =	seq.s32 s10, $0x1;
	s10 =	sld [smem:$0x3FB2];
	_ =	sdelay $0x3  }
0x34: {  	[smem:$0x3FB2] =	sst s10  }
0x35: {  	s10 =	sld [smem:$0x3FB1];
	_ =	sdelay $0x3  }
0x36: {  	p1 =	seq.s32 s10, $0x1;
	s10 =	sld [smem:$0x3FB2];
	_ =	sdelay $0x3  }
0x37: {  	[smem:$0x3FB2] =	sst s10  }
0x38: {  	s10 =	sld [smem:$0x3FB3]  }
0x39: {  	_ = 	snop;
	(pc) =	sbr.ind lr, $3  }
0x3a: {  	_ = 	snop  }
0x3b: {  	_ = 	snop  }
0x3c: {  	p2 =	seq.s32 s10, $0x1;
	s10 =	sld [smem:$0x3FB2]  }
0x3d: {  	_ =	shalt  }
0x3e: {  	_ =	shalt  }
0x3f: {  	_ =	shalt  }
0x40: {  	_ =	shalt  }
0x41: {  	_ =	shalt  }
0x42: {  	_ =	shalt  }
0x43: {  	_ =	shalt  }
0x44: {  	_ =	shalt  }
0x45: {  	_ =	shalt  }
0x46: {  	_ =	shalt  }
0x47: {  	_ =	shalt  }
0x48: {  	_ =	shalt  }
0x49: {  	_ =	shalt  }
0x4a: {  	_ =	shalt  }
0x4b: {  	_ =	shalt  }
0x4c: {  	_ =	shalt  }
0x4d: {  	_ =	shalt  }
0x4e: {  	_ =	shalt  }
0x4f: {  	_ =	shalt  }
0x50: {  	_ =	shalt  }
0x51: {  	_ =	shalt  }
0x52: {  	_ =	shalt  }
0x53: {  	_ =	shalt  }
0x54: {  	_ =	shalt  }
0x55: {  	_ =	shalt  }
0x56: {  	_ =	shalt  }
0x57: {  	_ =	shalt  }
0x58: {  	_ =	shalt  }
0x59: {  	_ =	shalt  }
0x5a: {  	_ =	shalt  }
0x5b: {  	_ =	shalt  }
0x5c: {  	_ =	shalt  }
0x5d: {  	_ =	shalt  }
0x5e: {  	_ =	shalt  }
0x5f: {  	_ =	shalt  }
0x60: {  	_ =	shalt  }
0x61: {  	_ =	shalt  }
0x62: {  	_ =	shalt  }
0x63: {  	_ =	shalt  }
0x64: {  	_ =	shalt  }
0x65: {  	_ =	shalt  }
0x66: {  	_ =	shalt  }
0x67: {  	_ =	shalt  }
0x68: {  	_ =	shalt  }
0x69: {  	_ =	shalt  }
0x6a: {  	_ =	shalt  }
0x6b: {  	_ =	shalt  }
0x6c: {  	_ =	shalt  }
0x6d: {  	_ =	shalt  }
0x6e: {  	_ =	shalt  }
0x6f: {  	_ =	shalt  }
0x70: {  	_ =	shalt  }
0x71: {  	_ =	shalt  }
0x72: {  	_ =	shalt  }
0x73: {  	_ =	shalt  }
0x74: {  	_ =	shalt  }
0x75: {  	_ =	shalt  }
0x76: {  	_ =	shalt  }
0x77: {  	_ =	shalt  }
0x78: {  	_ =	shalt  }
0x79: {  	_ =	shalt  }
0x7a: {  	_ =	shalt  }
0x7b: {  	_ =	shalt  }
0x7c: {  	_ =	shalt  }
0x7d: {  	_ =	shalt  }
0x7e: {  	_ =	shalt  }
0x7f: {  	_ =	shalt  }
0x80: {  	_ =	shalt  }
0x81: {  	_ =	shalt  }
0x82: {  	_ =	shalt  }
0x83: {  	_ =	shalt  }
0x84: {  	_ =	shalt  }
0x85: {  	_ =	shalt  }
0x86: {  	_ =	shalt  }
0x87: {  	_ =	shalt  }
.Lfunc_end0:
.L_simem_size_0:
called_computation.1_lowered:
.L_overlay_start_0:
0x88: {  	s2 =	sld [smem:$0x3FD9]  }
0x89: {  	s3 =	sld [smem:$0x3FFE];
	_ =	sdelay $0x1  }
0x8a: {  	s1 =	srdreg.scid  }
0x8b: {  	s0 =	sand.u32 $0x1, s1  }
0x8c: {  	s17 =	sshll.u32 s0, $0xA;
	s2 =	sadd.s32 s3, s2  }
0x8d: {  	s2 =	sadd.s32 s2, s17  }
0x8e: {  	[smem:$0x3FBE] =	sst s2  }
0x8f: {  	_ = 	snop  }
0x90: {  	s2 =	sld [smem:$0x3FC9];
	(tm) =	ssettm $0x1  }
0x91: {  	s18 =	sld [smem:$0x3FFB];
	_ =	sdelay $0x3  }
0x92: {  	_ =	strace s18  }
0x93: {  	s3 =	sld [smem:$0x3FFC];
	_ =	sdelay $0x3  }
0x94: {  	_ =	strace s3  }
0x95: {  	s3 =	sld [smem:$0x3FFD];
	_ =	sdelay $0x3  }
0x96: {  	_ =	strace s3  }
0x97: {  	_ =	strace $0x8FFFFFFF  }
0x98: {  	s19 =	sld [smem:$0x3FDB];
	_ =	sdelay $0x1  }
0x99: {  	s4 =	simm.s32 $_scs_section_size  }
0x9a: {  	s5 =	simm.s32 $_size__tile_overlayer_lowered;
	s6 =	simm.s32 $_tile_overlayer_lowered  }
0x9b: {  	s22 =	simm.s32 $0x1BFF;
	s21 =	sshll.u32 s6, $0x1;
	s3 =	sadd.s32 s4, s19  }
0x9c: {  	s7 =	simm.s32 $0x0;
	s20 =	sshll.u32 s5, $0x1;
	s5 =	sadd.s32 s21, s3  }
0x9d: {  	[timem:s7], [sflag:s22] =	dma.local [hbm:s5], s20  }
0x9e: {  	_ =	swait.ge [sflag:s22], s20  }
0x9f: {  	s4 =	ssub.s32 $0x0, s20;
	[sflag:s22] =	ssyncset.done $0x0  }
0xa0: {  	[sflag:s22] =	ssyncadd.s32 s4;
	_ =	sdelay $0x1  }
0xa1: {  	s23 =	simm.s32 $0x1B8B  }
0xa2: {  	_ =	swait.ge [sflag:s23], $0x1  }
0xa3: {  	[sflag:s23] =	ssyncset.done $0x0  }
0xa4: {  	s25 =	simm.s32 $0x1B8E;
	s24 =	sld [smem:$0x3FFE];
	[sflag:s23] =	ssyncadd.s32 $0xFFFFFFFF  }
0xa5: {  	s26 =	simm.s32 $execute0_lowered;
	[smem:$0x3FD2] =	sst s25  }
0xa6: {  	s5 =	sshll.u32 s26, $0x1;
	_ =	strace $0x80000046;
	[dreg:$0x1] =	wrdreg $0xFFFFFFFF  }
0xa7: {  	s28 =	simm.s32 $_size_execute0_lowered;
	s3 =	sadd.s32 s3, s5;
	[dreg:$0x0] =	wrdreg $0x0  }
0xa8: {  	s5 =	sshll.u32 s28, $0x1;
	[dreg:$0x2] =	wrdreg s3  }
0xa9: {  	[dreg:$0x3] =	wrdreg s5  }
0xaa: {  	[dreg:$0x4] =	wrdreg $0xC0  }
0xab: {  	_ =	task [dreg:s7], $0x5FFFF  }
0xac: {  	[dreg:$0x1] =	wrdreg $0xFFFFFFFF  }
0xad: {  	[dreg:$0x0] =	wrdreg $0x60  }
0xae: {  	[dreg:$0x2] =	wrdreg s2  }
0xaf: {  	[dreg:$0x3] =	wrdreg s24  }
0xb0: {  	[dreg:$0x4] =	wrdreg $0x84000  }
0xb1: {  	[dreg:$0x5] =	wrdreg $0xA  }
0xb2: {  	_ =	task.clear_ibuf [dreg:s7], $0x6FFFF;
	_ =	strace $0x90000046  }
0xb3: {  	s29 =	simm.s32 $0xA;
	_ =	strace $0x80000048  }
0xb4: {  	_ =	swait.ge [sflag:s29], $0x1  }
0xb5: {  	[sflag:s29] =	ssyncadd.s32 $0xFFFFFFFF  }
0xb6: {  	_ =	strace $0x90000048  }
0xb7: {  	_ =	sfence  }
0xb8: {  	s30 =	sld [smem:$0x0];
	_ =	sdelay $0x2  }
0xb9: {  	s31 =	sshll.u32 s1, $0xD;
	s1 =	sshrl.u32 s1, $0x2  }
0xba: {  	s3 =	sand.u32 $0x4000, s31;
	s1 =	sadd.s32 s1, s30  }
0xbb: {  	s0 =	sor.u32 s3, s0;
	s1 =	sshll.u32 s1, $0x11  }
0xbc: {  	s0 =	sor.u32 s1, s0  }
0xbd: {  	s0 =	sadd.s32 $0x8F2B, s0  }
0xbe: {  	[sflag:s0] =	ssyncadd.remote.s32 $0x1  }
0xbf: {  	_ =	sfence.sel $0xFFFF  }
0xc0: {  	[dreg:$0x0] =	wrdreg $0xFFFFFFFF;
	(pc) =	sbr.abs _section_cstart, $3  }
0xc1: {  	[dreg:$0x1] =	wrdreg $0xFFFFFFFF  }
0xc2: {  	_ =	task.clear_ibuf [dreg:s7], $0x2FFFF;
	_ =	strace $0x9FFFFFFF  }
0xc3: {  	(tm) =	ssettm $0x7FFFFFFF  }
tec
execute0_lowered:
.L_overlay_start_1:
0x0: {  	(tag) =	ssettag $0x1  }
0x1: {  	s1 =	rddreg [dreg:$0x0]  }
0x2: {  	s0 =	rddreg [dreg:$0x1]  }
0x3: {  	s2 =	rddreg [dreg:$0x2];
	s16 =	simm.s32 $0x0  }
0x4: {  	s3 =	srdreg.scid;
	s15 =	stileid.u32;
	s28 =	simm.s32 $0x7  }
0x5: {  	s30 =	simm.s32 $0x80;
	s29 =	simm.s32 $0x4400;
	s31 =	simm.s32 $0x4400  }
0x6: {  	[smem:$0x7FF] =	sst s16;
	s5 =	sadd.s32 $0x2600, s0;
	s7 =	smul.u32 $0x50000, s15  }
0x7: {  	s3 =	sand.u32 $0x1, s3;
	s6 =	sadd.s32 $0xC600, s0;
	s10 =	smul.u32 $0x14000, s15  }
0x8: {  	s0 =	sadd.s32 $0x16600, s0;
	_ =	strace $0x80000047;
	s13 =	smul.u32 $0x140000, s3  }
0x9: {  	s4 =	ssub.s32 $0x2, s3;
	s9 =	sshll.u32 s3, $0x4;
	s3 =	smul.u32 $0x5000, s3  }
0xa: {  	s8 =	sshrl.u32 s4, $0x1;
	s22 =	sor.u32 s15, s9;
	s7 =	sshrl.u32 s7, $0x2  }
0xb: {  	s23 =	sadd.s32 $0x4000, s10;
	s11 =	sadd.s32 $0x8000, s10;
	s24 =	sadd.s32 $0xC000, s10  }
0xc: {  	s12 =	sadd.s32 $0x10000, s10;
	s4 =	ssub.s32 s4, s8;
	s17 =	sadd.s32 s7, s2  }
0xd: {  	s18 =	sadd.s32 s23, s2;
	s19 =	sadd.s32 s11, s2;
	s8 =	smul.u32 $0x500, s22  }
0xe: {  	s20 =	sadd.s32 s24, s2;
	s21 =	sadd.s32 s12, s2;
	[dreg:$0x5] =	wrdreg s17  }
0xf: {  	s10 =	sadd.s32 s10, s13;
	s9 =	sadd.s32 s13, s23;
	[dreg:$0x6] =	wrdreg s18  }
0x10: {  	s11 =	sadd.s32 s13, s11;
	s7 =	sadd.s32 s13, s24;
	[dreg:$0x7] =	wrdreg s19  }
0x11: {  	s13 =	sadd.s32 s13, s12;
	s12 =	simm.s32 $0x180;
	[dreg:$0x8] =	wrdreg s20  }
0x12: {  	s10 =	sshrl.u32 s10, $0x3;
	[dreg:$0x9] =	wrdreg s21;
	s14 =	sadd.s32 s5, s8  }
0x13: {  	s9 =	sshrl.u32 s9, $0x3;
	s25 =	sadd.s32 s6, s8;
	[dreg:$0xa] =	wrdreg s14  }
0x14: {  	s7 =	sshrl.u32 s7, $0x3;
	s10 =	sadd.s32 s0, s10;
	[dreg:$0xb] =	wrdreg s25  }
0x15: {  	s26 =	sor.u32 $0x10, s8;
	s9 =	sadd.s32 s0, s9;
	[dreg:$0xe] =	wrdreg s10  }
0x16: {  	s7 =	sadd.s32 s0, s7;
	s24 =	sor.u32 $0x30, s8;
	[dreg:$0xf] =	wrdreg s9  }
0x17: {  	s22 =	sadd.s32 s5, s26;
	s14 =	sadd.s32 s6, s26;
	[dreg:$0x11] =	wrdreg s7  }
0x18: {  	s9 =	sshrl.u32 s11, $0x3;
	s25 =	sadd.s32 s5, s24;
	[dreg:$0xc] =	wrdreg s22  }
0x19: {  	s26 =	smax.u32 s4, $0x1;
	s4 =	simm.s32 $0x200;
	[dreg:$0xd] =	wrdreg s14  }
0x1a: {  	s14 =	smul.u32 $0x500, s15;
	s9 =	sadd.s32 s0, s9;
	[dreg:$0x15] =	wrdreg s25  }
0x1b: {  	s15 =	sshrl.u32 s13, $0x3;
	s22 =	sor.u32 $0x20, s8;
	[dreg:$0x17] =	wrdreg s26  }
0x1c: {  	s26 =	simm.s32 $0x400;
	[dreg:$0x10] =	wrdreg s9;
	s0 =	sadd.s32 s0, s15  }
0x1d: {  	s25 =	simm.s32 $0x300;
	s23 =	sadd.s32 s5, s22;
	[dreg:$0x12] =	wrdreg s0  }
0x1e: {  	s13 =	simm.s32 $0x1;
	[dreg:$0x13] =	wrdreg s23;
	s0 =	sadd.s32 s6, s22  }
0x1f: {  	s15 =	simm.s32 $0x6;
	s3 =	sadd.s32 s14, s3;
	[dreg:$0x14] =	wrdreg s0  }
0x20: {  	s14 =	simm.s32 $0x5;
	[dreg:$0x4] =	wrdreg s3;
	s0 =	sadd.s32 s6, s24  }
0x21: {  	v0 =	vimm.f32 $0.0e+00;
	s24 =	simm.s32 $0x100;
	s3 =	simm.s32 $0x0;
	[dreg:$0x16] =	wrdreg s0  }
.LBB2_1:
0x22: {  	[dreg:$0x18] =	wrdreg s3;
	s3 =	simm.s32 $0x0;
	s7 =	simm.s32 $0x200  }
.LBB2_2:
0x23: {  	p0 =	sne.s32 s7, $0xFE00;
	[tilespmem:s3+$0x470] =	vst v0  }
0x24: {  	[tilespmem:s3+$0x400] =	vst v0  }
0x25: {  	[tilespmem:s3+$0x410] =	vst v0  }
.Ltmp0:
0x26: {  	[tilespmem:s3+$0x420] =	vst v0;
	(pc) =	sbr.rel @p0 .LBB2_2-.Ltmp0, $4  }
0x27: {  	[tilespmem:s3+$0x430] =	vst v0  }
0x28: {  	[tilespmem:s3+$0x440] =	vst v0  }
0x29: {  	[tilespmem:s3+$0x450] =	vst v0  }
0x2a: {  	[tilespmem:s3+$0x460] =	vst v0;
	s3 =	sshra.s32 s7, $0x2;
	s7 =	sadd.s32 $0x200, s7  }
0x2b: {  	[tilespmem:s3+$0x470] =	vst v0  }
0x2c: {  	[tilespmem:s3+$0x400] =	vst v0  }
0x2d: {  	[tilespmem:s3+$0x410] =	vst v0  }
0x2e: {  	[tilespmem:s3+$0x420] =	vst v0  }
0x2f: {  	[tilespmem:s3+$0x430] =	vst v0  }
0x30: {  	[tilespmem:s3+$0x440] =	vst v0  }
0x31: {  	[tilespmem:s3+$0x450] =	vst v0  }
0x32: {  	[tilespmem:s3+$0x460] =	vst v0  }
0x33: {  	[spmem:s17] =	stream.linear.scatter [tilespmem:s26], [sflag:$0x7], $0x4000, $0x38;
	[tilespmem:$0x1C400] =	vst v63  }
0x34: {  	_ =	swait.ge [sflag:s28], $0x4000  }
0x35: {  	[sflag:s28] =	ssyncset.done $0x0  }
0x36: {  	[sflag:s28] =	ssyncadd.s32 $0xFFFFC000  }
0x37: {  	[spmem:s18] =	stream.linear.scatter [tilespmem:s26], [sflag:$0x7], $0x4000, $0x38;
	[tilespmem:$0x1C400] =	vst v63  }
0x38: {  	_ =	swait.ge [sflag:s28], $0x4000  }
0x39: {  	[sflag:s28] =	ssyncset.done $0x0  }
0x3a: {  	[sflag:s28] =	ssyncadd.s32 $0xFFFFC000  }
0x3b: {  	[spmem:s19] =	stream.linear.scatter [tilespmem:s26], [sflag:$0x7], $0x4000, $0x38;
	[tilespmem:$0x1C400] =	vst v63  }
0x3c: {  	_ =	swait.ge [sflag:s28], $0x4000  }
0x3d: {  	[sflag:s28] =	ssyncset.done $0x0  }
0x3e: {  	[sflag:s28] =	ssyncadd.s32 $0xFFFFC000  }
0x3f: {  	[spmem:s20] =	stream.linear.scatter [tilespmem:s26], [sflag:$0x7], $0x4000, $0x38;
	[tilespmem:$0x1C400] =	vst v63  }
0x40: {  	_ =	swait.ge [sflag:s28], $0x4000  }
0x41: {  	[sflag:s28] =	ssyncset.done $0x0  }
0x42: {  	[sflag:s28] =	ssyncadd.s32 $0xFFFFC000  }
0x43: {  	[spmem:s21] =	stream.linear.scatter [tilespmem:s26], [sflag:$0x7], $0x4000, $0x38;
	[tilespmem:$0x1C400] =	vst v63  }
0x44: {  	_ =	swait.ge [sflag:s28], $0x4000  }
0x45: {  	[sflag:s28] =	ssyncset.done $0x0  }
0x46: {  	[sflag:s28] =	ssyncadd.s32 $0xFFFFC000  }
0x47: {  	[bflag:$0x0] =	sbarrier.arrive $0xFFFF  }
0x48: {  	s0 =	rddreg [dreg:$0xa]  }
0x49: {  	[tilespmem:s16], [sflag:$0x7] =	stream.linear.gather [hbm4b:s0+s16], $0x80, $0x38;
	[tilespmem:$0x1C400] =	vst v63  }
0x4a: {  	_ =	swait.ge [sflag:s28], $0x80  }
0x4b: {  	[sflag:s28] =	ssyncset.done $0x0  }
0x4c: {  	s10 =	rddreg [dreg:$0xb];
	[sflag:s28] =	ssyncadd.s32 $0xFFFFFF80  }
0x4d: {  	[tilespmem:s4], [sflag:$0x7] =	stream.linear.gather [hbm4b:s10+s16], $0x80, $0x38;
	[tilespmem:$0x1C400] =	vst v63  }
0x4e: {  	_ =	swait.ge [sflag:s28], $0x80  }
0x4f: {  	[sflag:s28] =	ssyncset.done $0x0  }
0x50: {  	s11 =	rddreg [dreg:$0xc];
	[sflag:s28] =	ssyncadd.s32 $0xFFFFFF80  }
0x51: {  	[tilespmem:s30], [sflag:$0x7] =	stream.linear.gather [hbm4b:s11+s16], $0x80, $0x38;
	[tilespmem:$0x1C400] =	vst v63  }
0x52: {  	_ =	swait.ge [sflag:s28], $0x80  }
0x53: {  	[sflag:s28] =	ssyncset.done $0x0  }
0x54: {  	s18 =	simm.s32 $0x280;
	s17 =	rddreg [dreg:$0xd];
	[sflag:s28] =	ssyncadd.s32 $0xFFFFFF80  }
0x55: {  	[tilespmem:s18], [sflag:$0x7] =	stream.linear.gather [hbm4b:s17+s16], $0x80, $0x38;
	[tilespmem:$0x1C400] =	vst v63  }
0x56: {  	_ =	swait.ge [sflag:s28], $0x80  }
0x57: {  	[sflag:s28] =	ssyncset.done $0x0  }
0x58: {  	[sflag:s28] =	ssyncadd.s32 $0xFFFFFF80  }
0x59: {  	[tilespmem:s26], [sflag:$0x1] =	stream.indirect.gather [hbm4b:s1+s30], $0x80, s16, s30, $0xb8;
	[tilespmem:$0x1C400] =	vst v63  }
0x5a: {  	s19 =	rddreg [dreg:$0x13]  }
0x5b: {  	[tilespmem:s24], [sflag:$0x5] =	stream.linear.gather [hbm4b:s19+s16], $0x80, $0x38;
	[tilespmem:$0x1C400] =	vst v63  }
0x5c: {  	s20 =	rddreg [dreg:$0x14]  }
0x5d: {  	[tilespmem:s25], [sflag:$0x5] =	stream.linear.gather [hbm4b:s20+s16], $0x80, $0x38;
	[tilespmem:$0x1C400] =	vst v63  }
0x5e: {  	s21 =	rddreg [dreg:$0x15]  }
0x5f: {  	[tilespmem:s12], [sflag:$0x6] =	stream.linear.gather [hbm4b:s21+s16], $0x80, $0x38;
	[tilespmem:$0x1C400] =	vst v63  }
0x60: {  	s23 =	simm.s32 $0x380;
	s22 =	rddreg [dreg:$0x16]  }
0x61: {  	[tilespmem:s23], [sflag:$0x6] =	stream.linear.gather [hbm4b:s22+s16], $0x80, $0x38;
	[tilespmem:$0x1C400] =	vst v63  }
0x62: {  	_ = 	snop  }
0x63: {  	[tilespmem:s29], [sflag:$0x2] =	stream.indirect.gather [hbm4b:s1+s30], $0x80, s30, s30, $0xb8;
	[tilespmem:$0x1C400] =	vst v63  }
0x64: {  	_ =	swait.ge [sflag:s13], $0x4000  }
0x65: {  	[sflag:s13] =	ssyncset.done $0x0  }
0x66: {  	[sflag:s13] =	ssyncadd.s32 $0xFFFFC000  }
0x67: {  	[spmem:s2] =	stream.indirect.scatter.add.f32 [tilespmem:s26], [sflag:$0x7], $0x80, s4, s30, $0xb8;
	[tilespmem:$0x1C400] =	vst v63  }
0x68: {  	_ =	swait.ge [sflag:s28], $0x4000  }
0x69: {  	[sflag:s28] =	ssyncset.done $0x0  }
0x6a: {  	[sflag:s28] =	ssyncadd.s32 $0xFFFFC000  }
0x6b: {  	_ =	swait.ge [sflag:s14], $0x80  }
0x6c: {  	[sflag:s14] =	ssyncset.done $0x0  }
0x6d: {  	[sflag:s14] =	ssyncadd.s32 $0xFFFFFF80  }
0x6e: {  	_ =	swait.ge [sflag:s14], $0x80  }
0x6f: {  	p0 =	por $0x0, $0x0;
	[sflag:s14] =	ssyncset.done $0x0  }
0x70: {  	s9 =	simm.s32 @p0 $0x2;
	[sflag:s14] =	ssyncadd.s32 $0xFFFFFF80  }
0x71: {  	[tilespmem:s26], [sflag:$0x1] =	stream.indirect.gather [hbm4b:s1+s30], $0x80, s24, s30, $0xb8;
	[tilespmem:$0x1C400] =	vst v63  }
0x72: {  	_ =	swait.ge @p0 [sflag:s9], $0x4000  }
0x73: {  	s7 =	simm.s32 @p0 $0x280;
	s3 =	simm.s32 @p0 $0x7;
	[sflag:s9] =	ssyncset.done @p0 $0x0  }
0x74: {  	s10 =	simm.s32 @p0 $0x4400;
	s11 =	simm.s32 @p0 $0x80;
	[sflag:s9] =	ssyncadd.s32 @p0 $0xFFFFC000  }
0x75: {  	[spmem:s2] =	stream.indirect.scatter.add.f32 @p0 [tilespmem:s10], [sflag:$0x7], $0x80, s7, s11, $0xb8;
	[tilespmem:$0x1C400] =	vst v63  }
0x76: {  	_ =	swait.ge @p0 [sflag:s3], $0x4000  }
0x77: {  	s7 =	rddreg [dreg:$0x4]  }
0x78: {  	s8 =	sadd.s32 @!p0 $0x70, s7  }
0x79: {  	s7 =	simm.s32 @!p0 $0x40;
	s17 =	sadd.s32 @!p0 $0xFFFFFFD0, s8  }
0x7a: {  	s7 =	sand.u32 @!p0 $0x40, s7;
	s17 =	sand.u32 @!p0 $0xFFFFF80, s17  }
0x7b: {  	[sflag:s3] =	ssyncset.done @p0 $0x0;
	s17 =	sor.u32 @!p0 s7, s17  }
0x7c: {  	[sflag:s3] =	ssyncadd.s32 @p0 $0xFFFFC000;
	s7 =	simm.s32 @!p0 $0x0;
	s18 =	sadd.s32 @!p0 s5, s17  }
0x7d: {  	[tilespmem:s7], [sflag:$0x3] =	stream.linear.gather @!p0 [hbm4b:s18+s7], $0x80, $0x38;
	[tilespmem:$0x1C400] =	vst v63  }
0x7e: {  	s19 =	sadd.s32 @!p0 s6, s17;
	s17 =	simm.s32 @!p0 $0x2;
	s18 =	simm.s32 @!p0 $0x200  }
0x7f: {  	[tilespmem:s18], [sflag:$0x3] =	stream.linear.gather @!p0 [hbm4b:s19+s7], $0x80, $0x38;
	[tilespmem:$0x1C400] =	vst v63  }
0x80: {  	s20 =	simm.s32 @!p0 $0x80;
	s21 =	simm.s32 @!p0 $0x50;
	_ =	swait.ge @!p0 [sflag:s17], $0x4000  }
0x81: {  	s23 =	simm.s32 @!p0 $0x280;
	s22 =	sadd.s32 @!p0 $0xFFFFFFE0, s8;
	[sflag:s17] =	ssyncset.done @!p0 $0x0  }
0x82: {  	s19 =	simm.s32 @!p0 $0x4400;
	s18 =	simm.s32 @!p0 $0x7;
	[sflag:s17] =	ssyncadd.s32 @!p0 $0xFFFFC000  }
0x83: {  	[spmem:s2] =	stream.indirect.scatter.add.f32 @!p0 [tilespmem:s19], [sflag:$0x7], $0x80, s23, s20, $0xb8;
	[tilespmem:$0x1C400] =	vst v63  }
0x84: {  	s21 =	sand.u32 @!p0 $0x50, s21;
	s22 =	sand.u32 @!p0 $0xFFFFF80, s22;
	_ =	swait.ge @!p0 [sflag:s18], $0x4000  }
0x85: {  	s21 =	sor.u32 @!p0 s21, s22;
	[sflag:s18] =	ssyncset.done @!p0 $0x0  }
0x86: {  	s22 =	sadd.s32 @!p0 s5, s21;
	[sflag:s18] =	ssyncadd.s32 @!p0 $0xFFFFC000  }
0x87: {  	[tilespmem:s20], [sflag:$0x4] =	stream.linear.gather @!p0 [hbm4b:s22+s7], $0x80, $0x38;
	[tilespmem:$0x1C400] =	vst v63  }
0x88: {  	s21 =	sadd.s32 @!p0 s6, s21  }
0x89: {  	[tilespmem:s23], [sflag:$0x4] =	stream.linear.gather @!p0 [hbm4b:s21+s7], $0x80, $0x38;
	[tilespmem:$0x1C400] =	vst v63  }
0x8a: {  	_ =	swait.ge [sflag:s15], $0x80  }
0x8b: {  	[sflag:s15] =	ssyncset.done $0x0  }
0x8c: {  	[sflag:s15] =	ssyncadd.s32 $0xFFFFFF80  }
0x8d: {  	_ =	swait.ge [sflag:s15], $0x80  }
0x8e: {  	[sflag:s15] =	ssyncset.done $0x0  }
0x8f: {  	[sflag:s15] =	ssyncadd.s32 $0xFFFFFF80  }
0x90: {  	[tilespmem:s29], [sflag:$0x2] =	stream.indirect.gather [hbm4b:s1+s30], $0x80, s12, s30, $0xb8;
	[tilespmem:$0x1C400] =	vst v63  }
0x91: {  	_ =	swait.ge [sflag:s13], $0x4000  }
0x92: {  	[sflag:s13] =	ssyncset.done $0x0  }
0x93: {  	[sflag:s13] =	ssyncadd.s32 $0xFFFFC000  }
0x94: {  	[spmem:s2] =	stream.indirect.scatter.add.f32 [tilespmem:s26], [sflag:$0x7], $0x80, s25, s30, $0xb8;
	[tilespmem:$0x1C400] =	vst v63  }
0x95: {  	_ =	swait.ge [sflag:s28], $0x4000  }
0x96: {  	p2 =	por $0x0, $0x0;
	[sflag:s28] =	ssyncset.done $0x0  }
0x97: {  	s21 =	simm.s32 @!p2 $0x3;
	[sflag:s28] =	ssyncadd.s32 $0xFFFFC000  }
0x98: {  	_ =	swait.ge @!p2 [sflag:s21], $0x80  }
0x99: {  	[sflag:s21] =	ssyncset.done @!p2 $0x0  }
0x9a: {  	[sflag:s21] =	ssyncadd.s32 @!p2 $0xFFFFFF80  }
0x9b: {  	_ =	swait.ge @!p2 [sflag:s21], $0x80  }
0x9c: {  	s22 =	simm.s32 @!p2 $0x400;
	[sflag:s21] =	ssyncset.done @!p2 $0x0  }
0x9d: {  	s23 =	simm.s32 @!p2 $0x80;
	[sflag:s21] =	ssyncadd.s32 @!p2 $0xFFFFFF80;
	s21 =	simm.s32 @!p2 $0x0  }
0x9e: {  	[tilespmem:s22], [sflag:$0x1] =	stream.indirect.gather @!p2 [hbm4b:s1+s23], $0x80, s21, s23, $0xb8;
	[tilespmem:$0x1C400] =	vst v63  }
0x9f: {  	_ =	swait.ge @p0 [sflag:s9], $0x4000  }
0xa0: {  	[sflag:s9] =	ssyncset.done @p0 $0x0  }
0xa1: {  	[sflag:s9] =	ssyncadd.s32 @p0 $0xFFFFC000;
	s9 =	simm.s32 @p0 $0x380  }
0xa2: {  	[spmem:s2] =	stream.indirect.scatter.add.f32 @p0 [tilespmem:s10], [sflag:$0x7], $0x80, s9, s11, $0xb8;
	[tilespmem:$0x1C400] =	vst v63  }
0xa3: {  	s9 =	simm.s32 @!p0 $0x60;
	s10 =	sadd.s32 @!p0 $0xFFFFFFF0, s8  }
0xa4: {  	s9 =	sand.u32 @!p0 $0x60, s9;
	s10 =	sand.u32 @!p0 $0xFFFFF80, s10;
	_ =	swait.ge @p0 [sflag:s3], $0x4000  }
0xa5: {  	s9 =	sor.u32 @!p0 s9, s10;
	[sflag:s3] =	ssyncset.done @p0 $0x0  }
0xa6: {  	s10 =	sadd.s32 @!p0 s5, s9;
	[sflag:s3] =	ssyncadd.s32 @p0 $0xFFFFC000;
	s3 =	simm.s32 @!p0 $0x100  }
0xa7: {  	[tilespmem:s3], [sflag:$0x5] =	stream.linear.gather @!p0 [hbm4b:s10+s7], $0x80, $0x38;
	[tilespmem:$0x1C400] =	vst v63  }
0xa8: {  	s3 =	sadd.s32 @!p0 s6, s9;
	s9 =	simm.s32 @!p0 $0x300  }
0xa9: {  	[tilespmem:s9], [sflag:$0x5] =	stream.linear.gather @!p0 [hbm4b:s3+s7], $0x80, $0x38;
	[tilespmem:$0x1C400] =	vst v63  }
0xaa: {  	_ =	swait.ge @!p0 [sflag:s17], $0x4000  }
0xab: {  	[sflag:s17] =	ssyncset.done @!p0 $0x0  }
0xac: {  	s3 =	simm.s32 @!p0 $0x380;
	s9 =	simm.s32 $0x70;
	[sflag:s17] =	ssyncadd.s32 @!p0 $0xFFFFC000  }
0xad: {  	[spmem:s2] =	stream.indirect.scatter.add.f32 @!p0 [tilespmem:s19], [sflag:$0x7], $0x80, s3, s20, $0xb8;
	[tilespmem:$0x1C400] =	vst v63  }
0xae: {  	s8 =	sand.u32 @!p0 $0xFFFFF80, s8;
	s9 =	sand.u32 @!p0 $0x70, s9;
	_ =	swait.ge @!p0 [sflag:s18], $0x4000  }
0xaf: {  	s8 =	sor.u32 @!p0 s9, s8;
	[sflag:s18] =	ssyncset.done @!p0 $0x0  }
0xb0: {  	s10 =	simm.s32 @!p0 $0x180;
	s9 =	sadd.s32 @!p0 s5, s8;
	[sflag:s18] =	ssyncadd.s32 @!p0 $0xFFFFC000  }
0xb1: {  	[tilespmem:s10], [sflag:$0x6] =	stream.linear.gather @!p0 [hbm4b:s9+s7], $0x80, $0x38;
	[tilespmem:$0x1C400] =	vst v63  }
0xb2: {  	s8 =	sadd.s32 @!p0 s6, s8  }
0xb3: {  	[tilespmem:s3], [sflag:$0x6] =	stream.linear.gather @!p0 [hbm4b:s8+s7], $0x80, $0x38;
	[tilespmem:$0x1C400] =	vst v63  }
0xb4: {  	s7 =	simm.s32 @!p2 $0x4  }
0xb5: {  	_ =	swait.ge @!p2 [sflag:s7], $0x80  }
0xb6: {  	[sflag:s7] =	ssyncset.done @!p2 $0x0  }
0xb7: {  	s12 =	simm.s32 $0x180;
	[sflag:s7] =	ssyncadd.s32 @!p2 $0xFFFFFF80  }
0xb8: {  	s17 =	simm.s32 $0x1;
	s18 =	simm.s32 $0xB0;
	_ =	swait.ge @!p2 [sflag:s7], $0x80  }
.LBB2_4:
0xb9: {  	[sflag:s7] =	ssyncset.done @!p2 $0x0  }
0xba: {  	[sflag:s7] =	ssyncadd.s32 @!p2 $0xFFFFFF80  }
0xbb: {  	[tilespmem:s31], [sflag:$0x2] =	stream.indirect.gather [hbm4b:s1+s30], $0x80, s30, s30, $0xb8;
	[tilespmem:$0x1C400] =	vst v63  }
0xbc: {  	_ =	swait.ge [sflag:s13], $0x4000  }
0xbd: {  	[sflag:s13] =	ssyncset.done $0x0  }
0xbe: {  	[sflag:s13] =	ssyncadd.s32 $0xFFFFC000  }
0xbf: {  	[spmem:s2] =	stream.indirect.scatter.add.f32 [tilespmem:s26], [sflag:$0x7], $0x80, s4, s30, $0xb8;
	[tilespmem:$0x1C400] =	vst v63  }
0xc0: {  	_ =	swait.ge [sflag:s28], $0x4000  }
0xc1: {  	[sflag:s28] =	ssyncset.done $0x0  }
0xc2: {  	[sflag:s28] =	ssyncadd.s32 $0xFFFFC000  }
0xc3: {  	_ =	swait.ge [sflag:s14], $0x80  }
0xc4: {  	[sflag:s14] =	ssyncset.done $0x0  }
0xc5: {  	[sflag:s14] =	ssyncadd.s32 $0xFFFFFF80  }
0xc6: {  	s3 =	smov.u32 s18;
	_ =	swait.ge [sflag:s14], $0x80  }
0xc7: {  	p1 =	seq.s32 s3, $0x530;
	[sflag:s14] =	ssyncset.done $0x0  }
0xc8: {  	s19 =	simm.s32 @p1 $0x2;
	[sflag:s14] =	ssyncadd.s32 $0xFFFFFF80  }
0xc9: {  	[tilespmem:s26], [sflag:$0x1] =	stream.indirect.gather [hbm4b:s1+s30], $0x80, s24, s30, $0xb8;
	[tilespmem:$0x1C400] =	vst v63  }
0xca: {  	s7 =	sadd.s32 @!p1 $0xFFFFFFD0, s3;
	s8 =	sadd.s32 @!p1 $0xFFFFFFE0, s3;
	_ =	swait.ge @p1 [sflag:s19], $0x4000  }
0xcb: {  	s21 =	simm.s32 @p1 $0x4400;
	s23 =	simm.s32 @p1 $0x80;
	[sflag:s19] =	ssyncset.done @p1 $0x0  }
0xcc: {  	s9 =	simm.s32 @p1 $0x280;
	s22 =	simm.s32 @p1 $0x7;
	[sflag:s19] =	ssyncadd.s32 @p1 $0xFFFFC000  }
0xcd: {  	[spmem:s2] =	stream.indirect.scatter.add.f32 @p1 [tilespmem:s21], [sflag:$0x7], $0x80, s9, s23, $0xb8;
	[tilespmem:$0x1C400] =	vst v63  }
0xce: {  	s16 =	sand.u32 @!p1 $0x70, s3;
	s29 =	simm.s32 @!p1 $0x200;
	_ =	swait.ge @p1 [sflag:s22], $0x4000  }
0xcf: {  	s20 =	simm.s32 @!p1 $0x0;
	s7 =	sand.u32 @!p1 $0x40, s7;
	s10 =	rddreg [dreg:$0x4]  }
0xd0: {  	s8 =	sand.u32 @!p1 $0x50, s8;
	s9 =	sadd.s32 @!p1 $0xFFFFFFF0, s3;
	s10 =	sadd.s32 @!p1 s3, s10  }
0xd1: {  	s24 =	simm.s32 @!p1 $0x2;
	s9 =	sand.u32 @!p1 $0x60, s9;
	s3 =	sadd.s32 @!p1 $0xFFFFFFD0, s10  }
0xd2: {  	[sflag:s22] =	ssyncset.done @p1 $0x0;
	s11 =	sadd.s32 @!p1 $0xFFFFFFE0, s10;
	s3 =	sand.u32 @!p1 $0xFFFFF80, s3  }
0xd3: {  	[sflag:s22] =	ssyncadd.s32 @p1 $0xFFFFC000;
	s11 =	sand.u32 @!p1 $0xFFFFF80, s11;
	s3 =	sor.u32 @!p1 s7, s3  }
0xd4: {  	s25 =	sadd.s32 @!p1 $0xFFFFFFF0, s10;
	s7 =	sor.u32 @!p1 s8, s11;
	s8 =	sadd.s32 @!p1 s5, s3  }
0xd5: {  	[tilespmem:s20], [sflag:$0x3] =	stream.linear.gather @!p1 [hbm4b:s8+s20], $0x80, $0x38;
	[tilespmem:$0x1C400] =	vst v63  }
0xd6: {  	s3 =	sadd.s32 @!p1 s6, s3;
	s0 =	sadd.s32 @!p1 s5, s7;
	s4 =	sadd.s32 @!p1 s6, s7  }
0xd7: {  	[tilespmem:s29], [sflag:$0x3] =	stream.linear.gather @!p1 [hbm4b:s3+s20], $0x80, $0x38;
	[tilespmem:$0x1C400] =	vst v63  }
0xd8: {  	s7 =	sand.u32 @!p1 $0xFFFFF80, s25;
	s25 =	simm.s32 @!p1 $0x4400;
	_ =	swait.ge @!p1 [sflag:s24], $0x4000  }
0xd9: {  	s8 =	simm.s32 @!p1 $0x80;
	s3 =	sor.u32 @!p1 s9, s7;
	[sflag:s24] =	ssyncset.done @!p1 $0x0  }
0xda: {  	s29 =	simm.s32 @!p1 $0x280;
	s7 =	simm.s32 @!p1 $0x7;
	[sflag:s24] =	ssyncadd.s32 @!p1 $0xFFFFC000  }
0xdb: {  	[spmem:s2] =	stream.indirect.scatter.add.f32 @!p1 [tilespmem:s25], [sflag:$0x7], $0x80, s29, s8, $0xb8;
	[tilespmem:$0x1C400] =	vst v63  }
0xdc: {  	_ =	swait.ge @!p1 [sflag:s7], $0x4000  }
0xdd: {  	[sflag:s7] =	ssyncset.done @!p1 $0x0  }
0xde: {  	[sflag:s7] =	ssyncadd.s32 @!p1 $0xFFFFC000  }
0xdf: {  	[tilespmem:s8], [sflag:$0x4] =	stream.linear.gather @!p1 [hbm4b:s0+s20], $0x80, $0x38;
	[tilespmem:$0x1C400] =	vst v63  }
0xe0: {  	_ = 	snop  }
0xe1: {  	[tilespmem:s29], [sflag:$0x4] =	stream.linear.gather @!p1 [hbm4b:s4+s20], $0x80, $0x38;
	[tilespmem:$0x1C400] =	vst v63  }
0xe2: {  	_ =	swait.ge [sflag:s15], $0x80  }
0xe3: {  	[sflag:s15] =	ssyncset.done $0x0  }
0xe4: {  	[sflag:s15] =	ssyncadd.s32 $0xFFFFFF80  }
0xe5: {  	_ =	swait.ge [sflag:s15], $0x80  }
0xe6: {  	[sflag:s15] =	ssyncset.done $0x0  }
0xe7: {  	[sflag:s15] =	ssyncadd.s32 $0xFFFFFF80  }
0xe8: {  	[tilespmem:s31], [sflag:$0x2] =	stream.indirect.gather [hbm4b:s1+s30], $0x80, s12, s30, $0xb8;
	[tilespmem:$0x1C400] =	vst v63  }
0xe9: {  	_ =	swait.ge [sflag:s13], $0x4000  }
0xea: {  	[sflag:s13] =	ssyncset.done $0x0  }
0xeb: {  	s29 =	simm.s32 $0x300;
	[sflag:s13] =	ssyncadd.s32 $0xFFFFC000  }
0xec: {  	[spmem:s2] =	stream.indirect.scatter.add.f32 [tilespmem:s26], [sflag:$0x7], $0x80, s29, s30, $0xb8;
	[tilespmem:$0x1C400] =	vst v63  }
0xed: {  	s17 =	sadd.s32 $0x2, s17;
	_ =	swait.ge [sflag:s28], $0x4000  }
0xee: {  	p2 =	sgt.u32 s17, $0x26;
	[sflag:s28] =	ssyncset.done $0x0  }
0xef: {  	s0 =	simm.s32 @!p2 $0x3;
	[sflag:s28] =	ssyncadd.s32 $0xFFFFC000  }
0xf0: {  	_ =	swait.ge @!p2 [sflag:s0], $0x80  }
0xf1: {  	[sflag:s0] =	ssyncset.done @!p2 $0x0  }
0xf2: {  	[sflag:s0] =	ssyncadd.s32 @!p2 $0xFFFFFF80  }
0xf3: {  	s9 =	sand.u32 @!p1 $0xFFFFF80, s10;
	_ =	swait.ge @!p2 [sflag:s0], $0x80  }
0xf4: {  	s9 =	sor.u32 @!p1 s16, s9;
	s16 =	simm.s32 @!p2 $0x80;
	[sflag:s0] =	ssyncset.done @!p2 $0x0  }
0xf5: {  	s4 =	simm.s32 @!p2 $0x400;
	s29 =	simm.s32 @!p2 $0x0;
	[sflag:s0] =	ssyncadd.s32 @!p2 $0xFFFFFF80  }
0xf6: {  	[tilespmem:s4], [sflag:$0x1] =	stream.indirect.gather @!p2 [hbm4b:s1+s16], $0x80, s29, s16, $0xb8;
	[tilespmem:$0x1C400] =	vst v63  }
0xf7: {  	_ =	swait.ge @p1 [sflag:s19], $0x4000  }
0xf8: {  	[sflag:s19] =	ssyncset.done @p1 $0x0  }
0xf9: {  	s0 =	simm.s32 @p1 $0x380;
	[sflag:s19] =	ssyncadd.s32 @p1 $0xFFFFC000  }
0xfa: {  	[spmem:s2] =	stream.indirect.scatter.add.f32 @p1 [tilespmem:s21], [sflag:$0x7], $0x80, s0, s23, $0xb8;
	[tilespmem:$0x1C400] =	vst v63  }
0xfb: {  	_ =	swait.ge @p1 [sflag:s22], $0x4000  }
0xfc: {  	[sflag:s22] =	ssyncset.done @p1 $0x0  }
0xfd: {  	s11 =	sadd.s32 @!p1 s5, s3;
	s0 =	simm.s32 @!p1 $0x100;
	[sflag:s22] =	ssyncadd.s32 @p1 $0xFFFFC000  }
0xfe: {  	[tilespmem:s0], [sflag:$0x5] =	stream.linear.gather @!p1 [hbm4b:s11+s20], $0x80, $0x38;
	[tilespmem:$0x1C400] =	vst v63  }
0xff: {  	s3 =	sadd.s32 @!p1 s6, s3;
	s4 =	simm.s32 @!p1 $0x300  }
0x100: {  	[tilespmem:s4], [sflag:$0x5] =	stream.linear.gather @!p1 [hbm4b:s3+s20], $0x80, $0x38;
	[tilespmem:$0x1C400] =	vst v63  }
0x101: {  	_ =	swait.ge @!p1 [sflag:s24], $0x4000  }
0x102: {  	[sflag:s24] =	ssyncset.done @!p1 $0x0  }
0x103: {  	s0 =	simm.s32 @!p1 $0x380;
	[sflag:s24] =	ssyncadd.s32 @!p1 $0xFFFFC000  }
0x104: {  	[spmem:s2] =	stream.indirect.scatter.add.f32 @!p1 [tilespmem:s25], [sflag:$0x7], $0x80, s0, s8, $0xb8;
	[tilespmem:$0x1C400] =	vst v63  }
0x105: {  	_ =	swait.ge @!p1 [sflag:s7], $0x4000  }
0x106: {  	s18 =	sadd.s32 $0x40, s18;
	[sflag:s7] =	ssyncset.done @!p1 $0x0  }
0x107: {  	s10 =	sadd.s32 @!p1 s5, s9;
	s3 =	simm.s32 @!p1 $0x180;
	[sflag:s7] =	ssyncadd.s32 @!p1 $0xFFFFC000  }
0x108: {  	[tilespmem:s3], [sflag:$0x6] =	stream.linear.gather @!p1 [hbm4b:s10+s20], $0x80, $0x38;
	[tilespmem:$0x1C400] =	vst v63  }
0x109: {  	p0 =	sne.s32 s18, $0x570;
	s9 =	sadd.s32 @!p1 s6, s9  }
0x10a: {  	[tilespmem:s0], [sflag:$0x6] =	stream.linear.gather @!p1 [hbm4b:s9+s20], $0x80, $0x38;
	[tilespmem:$0x1C400] =	vst v63  }
.Ltmp1:
0x10b: {  	s7 =	simm.s32 @!p2 $0x4;
	(pc) =	sbr.rel @p0 .LBB2_4-.Ltmp1, $4  }
0x10c: {  	_ =	swait.ge @!p2 [sflag:s7], $0x80  }
0x10d: {  	[sflag:s7] =	ssyncset.done @!p2 $0x0  }
0x10e: {  	[sflag:s7] =	ssyncadd.s32 @!p2 $0xFFFFFF80  }
0x10f: {  	s4 =	simm.s32 $0x200;
	s24 =	simm.s32 $0x100;
	_ =	swait.ge @!p2 [sflag:s7], $0x80  }
0x110: {  	[sflag:s7] =	ssyncset.done @!p2 $0x0  }
0x111: {  	[sflag:s7] =	ssyncadd.s32 @!p2 $0xFFFFFF80  }
0x112: {  	[bflag:$0x0] =	sbarrier.arrive $0xFFFF  }
0x113: {  	s17 =	rddreg [dreg:$0x5]  }
0x114: {  	[tilespmem:s26], [sflag:$0x7] =	stream.linear.gather [spmem:s17], $0x4000, $0x38;
	[tilespmem:$0x1C400] =	vst v63  }
0x115: {  	_ =	swait.ge [sflag:s28], $0x4000  }
0x116: {  	[sflag:s28] =	ssyncset.done $0x0  }
0x117: {  	s16 =	simm.s32 $0x0;
	s0 =	rddreg [dreg:$0xe];
	[sflag:s28] =	ssyncadd.s32 $0xFFFFC000  }
0x118: {  	[hbm4b:s0+s16] =	stream.linear.scatter [tilespmem:s26], [sflag:$0x7], $0x4000, $0x38;
	[tilespmem:$0x1C400] =	vst v63  }
0x119: {  	_ =	swait.ge [sflag:s28], $0x4000  }
0x11a: {  	[sflag:s28] =	ssyncset.done $0x0  }
0x11b: {  	s18 =	rddreg [dreg:$0x6];
	[sflag:s28] =	ssyncadd.s32 $0xFFFFC000  }
0x11c: {  	[tilespmem:s26], [sflag:$0x7] =	stream.linear.gather [spmem:s18], $0x4000, $0x38;
	[tilespmem:$0x1C400] =	vst v63  }
0x11d: {  	_ =	swait.ge [sflag:s28], $0x4000  }
0x11e: {  	[sflag:s28] =	ssyncset.done $0x0  }
0x11f: {  	s20 =	rddreg [dreg:$0xf];
	[sflag:s28] =	ssyncadd.s32 $0xFFFFC000  }
0x120: {  	[hbm4b:s20+s16] =	stream.linear.scatter [tilespmem:s26], [sflag:$0x7], $0x4000, $0x38;
	[tilespmem:$0x1C400] =	vst v63  }
0x121: {  	_ =	swait.ge [sflag:s28], $0x4000  }
0x122: {  	[sflag:s28] =	ssyncset.done $0x0  }
0x123: {  	s19 =	rddreg [dreg:$0x7];
	[sflag:s28] =	ssyncadd.s32 $0xFFFFC000  }
0x124: {  	[tilespmem:s26], [sflag:$0x7] =	stream.linear.gather [spmem:s19], $0x4000, $0x38;
	[tilespmem:$0x1C400] =	vst v63  }
0x125: {  	_ =	swait.ge [sflag:s28], $0x4000  }
0x126: {  	[sflag:s28] =	ssyncset.done $0x0  }
0x127: {  	s21 =	rddreg [dreg:$0x10];
	[sflag:s28] =	ssyncadd.s32 $0xFFFFC000  }
0x128: {  	[hbm4b:s21+s16] =	stream.linear.scatter [tilespmem:s26], [sflag:$0x7], $0x4000, $0x38;
	[tilespmem:$0x1C400] =	vst v63  }
0x129: {  	_ =	swait.ge [sflag:s28], $0x4000  }
0x12a: {  	[sflag:s28] =	ssyncset.done $0x0  }
0x12b: {  	s20 =	rddreg [dreg:$0x8];
	[sflag:s28] =	ssyncadd.s32 $0xFFFFC000  }
0x12c: {  	[tilespmem:s26], [sflag:$0x7] =	stream.linear.gather [spmem:s20], $0x4000, $0x38;
	[tilespmem:$0x1C400] =	vst v63  }
0x12d: {  	_ =	swait.ge [sflag:s28], $0x4000  }
0x12e: {  	[sflag:s28] =	ssyncset.done $0x0  }
0x12f: {  	s22 =	rddreg [dreg:$0x11];
	[sflag:s28] =	ssyncadd.s32 $0xFFFFC000  }
0x130: {  	[hbm4b:s22+s16] =	stream.linear.scatter [tilespmem:s26], [sflag:$0x7], $0x4000, $0x38;
	[tilespmem:$0x1C400] =	vst v63  }
0x131: {  	_ =	swait.ge [sflag:s28], $0x4000  }
0x132: {  	[sflag:s28] =	ssyncset.done $0x0  }
0x133: {  	s21 =	rddreg [dreg:$0x9];
	[sflag:s28] =	ssyncadd.s32 $0xFFFFC000  }
0x134: {  	[tilespmem:s26], [sflag:$0x7] =	stream.linear.gather [spmem:s21], $0x4000, $0x38;
	[tilespmem:$0x1C400] =	vst v63  }
0x135: {  	_ =	swait.ge [sflag:s28], $0x4000  }
0x136: {  	[sflag:s28] =	ssyncset.done $0x0  }
0x137: {  	s23 =	rddreg [dreg:$0x12];
	[sflag:s28] =	ssyncadd.s32 $0xFFFFC000  }
0x138: {  	[hbm4b:s23+s16] =	stream.linear.scatter [tilespmem:s26], [sflag:$0x7], $0x4000, $0x38;
	[tilespmem:$0x1C400] =	vst v63  }
0x139: {  	_ =	swait.ge [sflag:s28], $0x4000  }
0x13a: {  	s3 =	rddreg [dreg:$0x18]  }
0x13b: {  	s25 =	rddreg [dreg:$0x17];
	s3 =	sadd.s32 $0x1, s3  }
0x13c: {  	p0 =	sne.s32 s3, s25  }
.Ltmp2:
0x13d: {  	_ = 	snop;
	(pc) =	sbr.rel @p0 .LBB2_1-.Ltmp2, $3  }
0x13e: {  	_ =	sdelay $0x1  }
0x13f: {  	s12 =	simm.s32 $0x180;
	[sflag:s28] =	ssyncset.done $0x0  }
0x140: {  	s29 =	simm.s32 $0x4400;
	[sflag:s28] =	ssyncadd.s32 $0xFFFFC000;
	s25 =	simm.s32 $0x300  }
0x141: {  	_ =	sfence.sel $0x180000  }
0x142: {  	[bflag:$0x0] =	sbarrier.arrive $0xFFFF  }
0x143: {  	_ =	strace $0x90000047  }
0x144: {  	s0 =	stileid.u32;
	[bflag:$0x2] =	sbarrier.arrive $0xFFFF  }
0x145: {  	p0 =	sne.s32 s0, $0x0;
	s0 =	rddreg [dreg:$0x3]  }
0x146: {  	s0 =	sadd.s32 @!p0 $0x100000, s0  }
0x147: {  	[sflag:s0] =	ssyncadd.tile.s32 @!p0 $0x1;
	_ =	shalt  }
.Lfunc_end2:
_tile_overlayer_lowered:
.L_overlay_start_2:
0x148: {  	(tag) =	ssettag $0x2  }
0x149: {  	s0 =	rddreg [dreg:$0x0];
	s2 =	stileid.u32  }
0x14a: {  	s1 =	rddreg [dreg:$0x1];
	p0 =	sne.s32 s2, $0x0  }
0x14b: {  	s3 =	rddreg [dreg:$0x2];
	[bflag:$0x3] =	sbarrier.arrive $0xFFFF;
	s2 =	simm.s32 @!p0 $0x1C07  }
0x14c: {  	[timem:s3], [sflag:s2] =	dma.local @!p0 [hbm:s0], s1  }
0x14d: {  	s0 =	simm.s32 @!p0 $0x7  }
0x14e: {  	_ =	swait.ge @!p0 [sflag:s0], s1  }
0x14f: {  	s1 =	ssub.s32 @!p0 $0x0, s1;
	[sflag:s0] =	ssyncset.done @!p0 $0x0  }
0x150: {  	[sflag:s0] =	ssyncadd.s32 @!p0 s1  }
0x151: {  	[bflag:$0x3] =	sbarrier.arrive $0xFFFF  }
0x152: {  	_ =	shalt  }

// kernel: kernel.13.cloned.1.call-start
scs
__scs_entry_jumppad:
0x0: {  	(pc) =	sbr.rel $0x88, $3  }
0x1: {  	(tag) =	ssettag $0x0;
	lr =	simm.s32 $0x1  }
0x2: {  	[smem:$0x3F97] =	sst lr;
	_ =	strace $0xD0000000  }
0x3: {  	_ = 	snop  }
0x4: {  	_ = 	snop  }
0x5: {  	_ = 	snop  }
0x6: {  	_ = 	snop  }
0x7: {  	_ = 	snop  }
__scs_overlays_trampoline_lowered:
0x8: {  	[smem:$0x3FA6] =	sst s0  }
0x9: {  	[smem:$0x3FA7] =	sst s1  }
0xa: {  	[smem:$0x3FA8] =	sst s2  }
0xb: {  	[smem:$0x3FA9] =	sst s3  }
0xc: {  	[smem:$0x3FAA] =	sst s4  }
0xd: {  	[smem:$0x3FAB] =	sst s5  }
0xe: {  	[smem:$0x3FAC] =	sst s6  }
0xf: {  	[smem:$0x3FAD] =	sst s7  }
0x10: {  	[smem:$0x3FAE] =	sst s8  }
0x11: {  	[smem:$0x3FAF] =	sst s9;
	s0 =	simm.s32 @!p0 $0x0  }
0x12: {  	s1 =	sld [smem:$0x3F95];
	s0 =	simm.s32 @p0 $0x1  }
0x13: {  	[smem:$0x3FB0] =	sst s0;
	s0 =	simm.s32 @!p1 $0x0  }
0x14: {  	s2 =	sld [smem:$0x3F94];
	s0 =	simm.s32 @p1 $0x1  }
0x15: {  	[smem:$0x3FB1] =	sst s0;
	s0 =	simm.s32 @!p2 $0x0  }
0x16: {  	s3 =	sld [smem:$0x3FDB];
	s0 =	simm.s32 @p2 $0x1  }
0x17: {  	s4 =	simm.s32 $0x1BF5;
	[smem:$0x3FB3] =	sst s0  }
0x18: {  	s0 =	sld [smem:$0x3F96];
	_ =	swait.ge [sflag:s4], $0x0  }
0x19: {  	s7 =	sld [smem:$0x3F97]  }
0x1a: {  	s8 =	sadd.s32 $0xFFFFE003, lr  }
0x1b: {  	s9 =	sadd.s32 $0xFFFFFEF7, lr;
	s5 =	simm.s32 $0xFFFFFFFF;
	p2 =	slt.u32 s8, $0xFFFFF086  }
0x1c: {  	p1 =	slt.u32 s9, $0xF7A;
	s5 =	simm.s32 @!p2 $0x0  }
0x1d: {  	s5 =	simm.s32 @p1 $0x1;
	p0 =	seq.s32 s7, s2  }
0x1e: {  	s7 =	smul.u32 @!p0 $0xF7A, s2;
	p2 =	seq.s32 @!p0 s5, $0x0  }
0x1f: {  	s9 =	smul.u32 $0xF7A, s1;
	s8 =	simm.s32 @!p0 $0x1BF5;
	p2 =	por !p2, p0  }
0x20: {  	[sflag:s8] =	ssyncset.s32 @!p0 $0xFFFFF086;
	s6 =	sadd.s32 @!p0 s3, s7;
	s7 =	simm.s32 @!p0 $0x108  }
0x21: {  	s3 =	sadd.s32 s3, s9;
	s6 =	sadd.s32 @!p0 $0x88, s6;
	s7 =	simm.s32 @p2 $0x1082  }
0x22: {  	[simem:s7], [sflag:s8] =	dma.local @!p0 [hbm:s6], $0xF7A  }
0x23: {  	s9 =	sor.u32 $0xD0000000, s2;
	s6 =	simm.s32 $0x108;
	_ =	swait.ge @!p0 [sflag:s8], $0x0  }
0x24: {  	s3 =	sadd.s32 $0x88, s3;
	s6 =	simm.s32 @!p1 $0x1082;
	[sflag:s4] =	ssyncset.s32 $0xFFFFF086  }
0x25: {  	[simem:s6], [sflag:s4] =	dma.local [hbm:s3], $0xF7A  }
0x26: {  	[smem:$0x3F97] =	sst s1;
	(tag) =	ssettag s2;
	_ =	strace s9  }
0x27: {  	s1 =	sld [smem:$0x3FA7]  }
0x28: {  	s2 =	sld [smem:$0x3FA8]  }
0x29: {  	s4 =	sld [smem:$0x3FAA]  }
0x2a: {  	p0 =	seq.s32 s5, $0x0;
	s5 =	sld [smem:$0x3FAB]  }
0x2b: {  	s6 =	sld [smem:$0x3FAC]  }
0x2c: {  	s7 =	sld [smem:$0x3FAD]  }
0x2d: {  	s3 =	simm.s32 $0x108;
	s8 =	sld [smem:$0x3FAE]  }
0x2e: {  	s3 =	simm.s32 @!p0 $0x1082;
	s9 =	sld [smem:$0x3FAF]  }
0x2f: {  	lr =	sadd.s32 s0, s3;
	s0 =	sld [smem:$0x3FA6]  }
0x30: {  	s3 =	sld [smem:$0x3FA9]  }
0x31: {  	[smem:$0x3FB2] =	sst s10  }
0x32: {  	s10 =	sld [smem:$0x3FB0];
	_ =	sdelay $0x3  }
0x33: {  	p0 =	seq.s32 s10, $0x1;
	s10 =	sld [smem:$0x3FB2];
	_ =	sdelay $0x3  }
0x34: {  	[smem:$0x3FB2] =	sst s10  }
0x35: {  	s10 =	sld [smem:$0x3FB1];
	_ =	sdelay $0x3  }
0x36: {  	p1 =	seq.s32 s10, $0x1;
	s10 =	sld [smem:$0x3FB2];
	_ =	sdelay $0x3  }
0x37: {  	[smem:$0x3FB2] =	sst s10  }
0x38: {  	s10 =	sld [smem:$0x3FB3]  }
0x39: {  	_ = 	snop;
	(pc) =	sbr.ind lr, $3  }
0x3a: {  	_ = 	snop  }
0x3b: {  	_ = 	snop  }
0x3c: {  	p2 =	seq.s32 s10, $0x1;
	s10 =	sld [smem:$0x3FB2]  }
0x3d: {  	_ =	shalt  }
0x3e: {  	_ =	shalt  }
0x3f: {  	_ =	shalt  }
0x40: {  	_ =	shalt  }
0x41: {  	_ =	shalt  }
0x42: {  	_ =	shalt  }
0x43: {  	_ =	shalt  }
0x44: {  	_ =	shalt  }
0x45: {  	_ =	shalt  }
0x46: {  	_ =	shalt  }
0x47: {  	_ =	shalt  }
0x48: {  	_ =	shalt  }
0x49: {  	_ =	shalt  }
0x4a: {  	_ =	shalt  }
0x4b: {  	_ =	shalt  }
0x4c: {  	_ =	shalt  }
0x4d: {  	_ =	shalt  }
0x4e: {  	_ =	shalt  }
0x4f: {  	_ =	shalt  }
0x50: {  	_ =	shalt  }
0x51: {  	_ =	shalt  }
0x52: {  	_ =	shalt  }
0x53: {  	_ =	shalt  }
0x54: {  	_ =	shalt  }
0x55: {  	_ =	shalt  }
0x56: {  	_ =	shalt  }
0x57: {  	_ =	shalt  }
0x58: {  	_ =	shalt  }
0x59: {  	_ =	shalt  }
0x5a: {  	_ =	shalt  }
0x5b: {  	_ =	shalt  }
0x5c: {  	_ =	shalt  }
0x5d: {  	_ =	shalt  }
0x5e: {  	_ =	shalt  }
0x5f: {  	_ =	shalt  }
0x60: {  	_ =	shalt  }
0x61: {  	_ =	shalt  }
0x62: {  	_ =	shalt  }
0x63: {  	_ =	shalt  }
0x64: {  	_ =	shalt  }
0x65: {  	_ =	shalt  }
0x66: {  	_ =	shalt  }
0x67: {  	_ =	shalt  }
0x68: {  	_ =	shalt  }
0x69: {  	_ =	shalt  }
0x6a: {  	_ =	shalt  }
0x6b: {  	_ =	shalt  }
0x6c: {  	_ =	shalt  }
0x6d: {  	_ =	shalt  }
0x6e: {  	_ =	shalt  }
0x6f: {  	_ =	shalt  }
0x70: {  	_ =	shalt  }
0x71: {  	_ =	shalt  }
0x72: {  	_ =	shalt  }
0x73: {  	_ =	shalt  }
0x74: {  	_ =	shalt  }
0x75: {  	_ =	shalt  }
0x76: {  	_ =	shalt  }
0x77: {  	_ =	shalt  }
0x78: {  	_ =	shalt  }
0x79: {  	_ =	shalt  }
0x7a: {  	_ =	shalt  }
0x7b: {  	_ =	shalt  }
0x7c: {  	_ =	shalt  }
0x7d: {  	_ =	shalt  }
0x7e: {  	_ =	shalt  }
0x7f: {  	_ =	shalt  }
0x80: {  	_ =	shalt  }
0x81: {  	_ =	shalt  }
0x82: {  	_ =	shalt  }
0x83: {  	_ =	shalt  }
0x84: {  	_ =	shalt  }
0x85: {  	_ =	shalt  }
0x86: {  	_ =	shalt  }
0x87: {  	_ =	shalt  }
.Lfunc_end0:
.L_simem_size_0:
called_computation.2_lowered:
.L_overlay_start_0:
0x88: {  	s2 =	sld [smem:$0x3FD9]  }
0x89: {  	s3 =	sld [smem:$0x3FFE];
	_ =	sdelay $0x1  }
0x8a: {  	s1 =	srdreg.scid  }
0x8b: {  	s0 =	sand.u32 $0x1, s1  }
0x8c: {  	s17 =	sshll.u32 s0, $0xA;
	s2 =	sadd.s32 s3, s2  }
0x8d: {  	s2 =	sadd.s32 s2, s17  }
0x8e: {  	[smem:$0x3FBE] =	sst s2  }
0x8f: {  	_ = 	snop  }
0x90: {  	s2 =	sld [smem:$0x3FD0];
	(tm) =	ssettm $0x1  }
0x91: {  	s18 =	sld [smem:$0x3FFB];
	_ =	sdelay $0x3  }
0x92: {  	_ =	strace s18  }
0x93: {  	s3 =	sld [smem:$0x3FFC];
	_ =	sdelay $0x3  }
0x94: {  	_ =	strace s3  }
0x95: {  	s3 =	sld [smem:$0x3FFD];
	_ =	sdelay $0x3  }
0x96: {  	_ =	strace s3  }
0x97: {  	_ =	strace $0x8FFFFFFF  }
0x98: {  	s19 =	sld [smem:$0x3FDB];
	_ =	sdelay $0x1  }
0x99: {  	s4 =	simm.s32 $_scs_section_size  }
0x9a: {  	s5 =	simm.s32 $_size__tile_overlayer_lowered;
	s6 =	simm.s32 $_tile_overlayer_lowered  }
0x9b: {  	s22 =	simm.s32 $0x1BFF;
	s21 =	sshll.u32 s6, $0x1;
	s3 =	sadd.s32 s4, s19  }
0x9c: {  	s7 =	simm.s32 $0x0;
	s20 =	sshll.u32 s5, $0x1;
	s5 =	sadd.s32 s21, s3  }
0x9d: {  	[timem:s7], [sflag:s22] =	dma.local [hbm:s5], s20  }
0x9e: {  	_ =	swait.ge [sflag:s22], s20  }
0x9f: {  	s4 =	ssub.s32 $0x0, s20;
	[sflag:s22] =	ssyncset.done $0x0  }
0xa0: {  	[sflag:s22] =	ssyncadd.s32 s4;
	_ =	sdelay $0x1  }
0xa1: {  	s23 =	simm.s32 $0x1B8B  }
0xa2: {  	_ =	swait.ge [sflag:s23], $0x1  }
0xa3: {  	[sflag:s23] =	ssyncset.done $0x0  }
0xa4: {  	s25 =	simm.s32 $0x1B8E;
	s24 =	sld [smem:$0x3FFE];
	[sflag:s23] =	ssyncadd.s32 $0xFFFFFFFF  }
0xa5: {  	s26 =	simm.s32 $execute0_lowered;
	[smem:$0x3FD2] =	sst s25  }
0xa6: {  	s5 =	sshll.u32 s26, $0x1;
	_ =	strace $0x8000004C;
	[dreg:$0x1] =	wrdreg $0xFFFFFFFF  }
0xa7: {  	s28 =	simm.s32 $_size_execute0_lowered;
	s3 =	sadd.s32 s3, s5;
	[dreg:$0x0] =	wrdreg $0x0  }
0xa8: {  	s5 =	sshll.u32 s28, $0x1;
	[dreg:$0x2] =	wrdreg s3  }
0xa9: {  	[dreg:$0x3] =	wrdreg s5  }
0xaa: {  	[dreg:$0x4] =	wrdreg $0xC0  }
0xab: {  	_ =	task [dreg:s7], $0x5FFFF  }
0xac: {  	[dreg:$0x1] =	wrdreg $0xFFFFFFFF  }
0xad: {  	[dreg:$0x0] =	wrdreg $0x60  }
0xae: {  	[dreg:$0x2] =	wrdreg s2  }
0xaf: {  	[dreg:$0x3] =	wrdreg s24  }
0xb0: {  	[dreg:$0x4] =	wrdreg $0x84000  }
0xb1: {  	[dreg:$0x5] =	wrdreg $0x9  }
0xb2: {  	_ =	task.clear_ibuf [dreg:s7], $0x6FFFF;
	_ =	strace $0x9000004C  }
0xb3: {  	s29 =	simm.s32 $0x9;
	_ =	strace $0x8000004E  }
0xb4: {  	_ =	swait.ge [sflag:s29], $0x1  }
0xb5: {  	[sflag:s29] =	ssyncadd.s32 $0xFFFFFFFF  }
0xb6: {  	_ =	strace $0x9000004E  }
0xb7: {  	_ =	sfence  }
0xb8: {  	s30 =	sld [smem:$0x0];
	_ =	sdelay $0x2  }
0xb9: {  	s31 =	sshll.u32 s1, $0xD;
	s1 =	sshrl.u32 s1, $0x2  }
0xba: {  	s3 =	sand.u32 $0x4000, s31;
	s1 =	sadd.s32 s1, s30  }
0xbb: {  	s0 =	sor.u32 s3, s0;
	s1 =	sshll.u32 s1, $0x11  }
0xbc: {  	s0 =	sor.u32 s1, s0  }
0xbd: {  	s0 =	sadd.s32 $0x8F2B, s0  }
0xbe: {  	[sflag:s0] =	ssyncadd.remote.s32 $0x1  }
0xbf: {  	_ =	sfence.sel $0xFFFF  }
0xc0: {  	[dreg:$0x0] =	wrdreg $0xFFFFFFFF;
	(pc) =	sbr.abs _section_cstart, $3  }
0xc1: {  	[dreg:$0x1] =	wrdreg $0xFFFFFFFF  }
0xc2: {  	_ =	task.clear_ibuf [dreg:s7], $0x2FFFF;
	_ =	strace $0x9FFFFFFF  }
0xc3: {  	(tm) =	ssettm $0x7FFFFFFF  }
tec
execute0_lowered:
.L_overlay_start_1:
0x0: {  	(tag) =	ssettag $0x1  }
0x1: {  	s1 =	rddreg [dreg:$0x0]  }
0x2: {  	s0 =	rddreg [dreg:$0x1]  }
0x3: {  	s2 =	rddreg [dreg:$0x2];
	s16 =	simm.s32 $0x0  }
0x4: {  	s3 =	srdreg.scid;
	s15 =	stileid.u32;
	s28 =	simm.s32 $0x7  }
0x5: {  	s30 =	simm.s32 $0x80;
	s29 =	simm.s32 $0x4400;
	s31 =	simm.s32 $0x4400  }
0x6: {  	[smem:$0x7FF] =	sst s16;
	s5 =	sadd.s32 $0x2600, s0;
	s7 =	smul.u32 $0x50000, s15  }
0x7: {  	s3 =	sand.u32 $0x1, s3;
	s6 =	sadd.s32 $0xC600, s0;
	s10 =	smul.u32 $0x14000, s15  }
0x8: {  	s0 =	sadd.s32 $0x16600, s0;
	_ =	strace $0x8000004D;
	s13 =	smul.u32 $0x140000, s3  }
0x9: {  	s4 =	ssub.s32 $0x2, s3;
	s9 =	sshll.u32 s3, $0x4;
	s3 =	smul.u32 $0x5000, s3  }
0xa: {  	s8 =	sshrl.u32 s4, $0x1;
	s22 =	sor.u32 s15, s9;
	s7 =	sshrl.u32 s7, $0x2  }
0xb: {  	s23 =	sadd.s32 $0x4000, s10;
	s11 =	sadd.s32 $0x8000, s10;
	s24 =	sadd.s32 $0xC000, s10  }
0xc: {  	s12 =	sadd.s32 $0x10000, s10;
	s4 =	ssub.s32 s4, s8;
	s17 =	sadd.s32 s7, s2  }
0xd: {  	s18 =	sadd.s32 s23, s2;
	s19 =	sadd.s32 s11, s2;
	s8 =	smul.u32 $0x500, s22  }
0xe: {  	s20 =	sadd.s32 s24, s2;
	s21 =	sadd.s32 s12, s2;
	[dreg:$0x5] =	wrdreg s17  }
0xf: {  	s10 =	sadd.s32 s10, s13;
	s9 =	sadd.s32 s13, s23;
	[dreg:$0x6] =	wrdreg s18  }
0x10: {  	s11 =	sadd.s32 s13, s11;
	s7 =	sadd.s32 s13, s24;
	[dreg:$0x7] =	wrdreg s19  }
0x11: {  	s13 =	sadd.s32 s13, s12;
	s12 =	simm.s32 $0x180;
	[dreg:$0x8] =	wrdreg s20  }
0x12: {  	s10 =	sshrl.u32 s10, $0x3;
	[dreg:$0x9] =	wrdreg s21;
	s14 =	sadd.s32 s5, s8  }
0x13: {  	s9 =	sshrl.u32 s9, $0x3;
	s25 =	sadd.s32 s6, s8;
	[dreg:$0xa] =	wrdreg s14  }
0x14: {  	s7 =	sshrl.u32 s7, $0x3;
	s10 =	sadd.s32 s0, s10;
	[dreg:$0xb] =	wrdreg s25  }
0x15: {  	s26 =	sor.u32 $0x10, s8;
	s9 =	sadd.s32 s0, s9;
	[dreg:$0xe] =	wrdreg s10  }
0x16: {  	s7 =	sadd.s32 s0, s7;
	s24 =	sor.u32 $0x30, s8;
	[dreg:$0xf] =	wrdreg s9  }
0x17: {  	s22 =	sadd.s32 s5, s26;
	s14 =	sadd.s32 s6, s26;
	[dreg:$0x11] =	wrdreg s7  }
0x18: {  	s9 =	sshrl.u32 s11, $0x3;
	s25 =	sadd.s32 s5, s24;
	[dreg:$0xc] =	wrdreg s22  }
0x19: {  	s26 =	smax.u32 s4, $0x1;
	s4 =	simm.s32 $0x200;
	[dreg:$0xd] =	wrdreg s14  }
0x1a: {  	s14 =	smul.u32 $0x500, s15;
	s9 =	sadd.s32 s0, s9;
	[dreg:$0x15] =	wrdreg s25  }
0x1b: {  	s15 =	sshrl.u32 s13, $0x3;
	s22 =	sor.u32 $0x20, s8;
	[dreg:$0x17] =	wrdreg s26  }
0x1c: {  	s26 =	simm.s32 $0x400;
	[dreg:$0x10] =	wrdreg s9;
	s0 =	sadd.s32 s0, s15  }
0x1d: {  	s25 =	simm.s32 $0x300;
	s23 =	sadd.s32 s5, s22;
	[dreg:$0x12] =	wrdreg s0  }
0x1e: {  	s13 =	simm.s32 $0x1;
	[dreg:$0x13] =	wrdreg s23;
	s0 =	sadd.s32 s6, s22  }
0x1f: {  	s15 =	simm.s32 $0x6;
	s3 =	sadd.s32 s14, s3;
	[dreg:$0x14] =	wrdreg s0  }
0x20: {  	s14 =	simm.s32 $0x5;
	[dreg:$0x4] =	wrdreg s3;
	s0 =	sadd.s32 s6, s24  }
0x21: {  	v0 =	vimm.f32 $0.0e+00;
	s24 =	simm.s32 $0x100;
	s3 =	simm.s32 $0x0;
	[dreg:$0x16] =	wrdreg s0  }
.LBB2_1:
0x22: {  	[dreg:$0x18] =	wrdreg s3;
	s3 =	simm.s32 $0x0;
	s7 =	simm.s32 $0x200  }
.LBB2_2:
0x23: {  	p0 =	sne.s32 s7, $0xFE00;
	[tilespmem:s3+$0x470] =	vst v0  }
0x24: {  	[tilespmem:s3+$0x400] =	vst v0  }
0x25: {  	[tilespmem:s3+$0x410] =	vst v0  }
.Ltmp0:
0x26: {  	[tilespmem:s3+$0x420] =	vst v0;
	(pc) =	sbr.rel @p0 .LBB2_2-.Ltmp0, $4  }
0x27: {  	[tilespmem:s3+$0x430] =	vst v0  }
0x28: {  	[tilespmem:s3+$0x440] =	vst v0  }
0x29: {  	[tilespmem:s3+$0x450] =	vst v0  }
0x2a: {  	[tilespmem:s3+$0x460] =	vst v0;
	s3 =	sshra.s32 s7, $0x2;
	s7 =	sadd.s32 $0x200, s7  }
0x2b: {  	[tilespmem:s3+$0x470] =	vst v0  }
0x2c: {  	[tilespmem:s3+$0x400] =	vst v0  }
0x2d: {  	[tilespmem:s3+$0x410] =	vst v0  }
0x2e: {  	[tilespmem:s3+$0x420] =	vst v0  }
0x2f: {  	[tilespmem:s3+$0x430] =	vst v0  }
0x30: {  	[tilespmem:s3+$0x440] =	vst v0  }
0x31: {  	[tilespmem:s3+$0x450] =	vst v0  }
0x32: {  	[tilespmem:s3+$0x460] =	vst v0  }
0x33: {  	[spmem:s17] =	stream.linear.scatter [tilespmem:s26], [sflag:$0x7], $0x4000, $0x38;
	[tilespmem:$0x1C400] =	vst v63  }
0x34: {  	_ =	swait.ge [sflag:s28], $0x4000  }
0x35: {  	[sflag:s28] =	ssyncset.done $0x0  }
0x36: {  	[sflag:s28] =	ssyncadd.s32 $0xFFFFC000  }
0x37: {  	[spmem:s18] =	stream.linear.scatter [tilespmem:s26], [sflag:$0x7], $0x4000, $0x38;
	[tilespmem:$0x1C400] =	vst v63  }
0x38: {  	_ =	swait.ge [sflag:s28], $0x4000  }
0x39: {  	[sflag:s28] =	ssyncset.done $0x0  }
0x3a: {  	[sflag:s28] =	ssyncadd.s32 $0xFFFFC000  }
0x3b: {  	[spmem:s19] =	stream.linear.scatter [tilespmem:s26], [sflag:$0x7], $0x4000, $0x38;
	[tilespmem:$0x1C400] =	vst v63  }
0x3c: {  	_ =	swait.ge [sflag:s28], $0x4000  }
0x3d: {  	[sflag:s28] =	ssyncset.done $0x0  }
0x3e: {  	[sflag:s28] =	ssyncadd.s32 $0xFFFFC000  }
0x3f: {  	[spmem:s20] =	stream.linear.scatter [tilespmem:s26], [sflag:$0x7], $0x4000, $0x38;
	[tilespmem:$0x1C400] =	vst v63  }
0x40: {  	_ =	swait.ge [sflag:s28], $0x4000  }
0x41: {  	[sflag:s28] =	ssyncset.done $0x0  }
0x42: {  	[sflag:s28] =	ssyncadd.s32 $0xFFFFC000  }
0x43: {  	[spmem:s21] =	stream.linear.scatter [tilespmem:s26], [sflag:$0x7], $0x4000, $0x38;
	[tilespmem:$0x1C400] =	vst v63  }
0x44: {  	_ =	swait.ge [sflag:s28], $0x4000  }
0x45: {  	[sflag:s28] =	ssyncset.done $0x0  }
0x46: {  	[sflag:s28] =	ssyncadd.s32 $0xFFFFC000  }
0x47: {  	[bflag:$0x0] =	sbarrier.arrive $0xFFFF  }
0x48: {  	s0 =	rddreg [dreg:$0xa]  }
0x49: {  	[tilespmem:s16], [sflag:$0x7] =	stream.linear.gather [hbm4b:s0+s16], $0x80, $0x38;
	[tilespmem:$0x1C400] =	vst v63  }
0x4a: {  	_ =	swait.ge [sflag:s28], $0x80  }
0x4b: {  	[sflag:s28] =	ssyncset.done $0x0  }
0x4c: {  	s10 =	rddreg [dreg:$0xb];
	[sflag:s28] =	ssyncadd.s32 $0xFFFFFF80  }
0x4d: {  	[tilespmem:s4], [sflag:$0x7] =	stream.linear.gather [hbm4b:s10+s16], $0x80, $0x38;
	[tilespmem:$0x1C400] =	vst v63  }
0x4e: {  	_ =	swait.ge [sflag:s28], $0x80  }
0x4f: {  	[sflag:s28] =	ssyncset.done $0x0  }
0x50: {  	s11 =	rddreg [dreg:$0xc];
	[sflag:s28] =	ssyncadd.s32 $0xFFFFFF80  }
0x51: {  	[tilespmem:s30], [sflag:$0x7] =	stream.linear.gather [hbm4b:s11+s16], $0x80, $0x38;
	[tilespmem:$0x1C400] =	vst v63  }
0x52: {  	_ =	swait.ge [sflag:s28], $0x80  }
0x53: {  	[sflag:s28] =	ssyncset.done $0x0  }
0x54: {  	s18 =	simm.s32 $0x280;
	s17 =	rddreg [dreg:$0xd];
	[sflag:s28] =	ssyncadd.s32 $0xFFFFFF80  }
0x55: {  	[tilespmem:s18], [sflag:$0x7] =	stream.linear.gather [hbm4b:s17+s16], $0x80, $0x38;
	[tilespmem:$0x1C400] =	vst v63  }
0x56: {  	_ =	swait.ge [sflag:s28], $0x80  }
0x57: {  	[sflag:s28] =	ssyncset.done $0x0  }
0x58: {  	[sflag:s28] =	ssyncadd.s32 $0xFFFFFF80  }
0x59: {  	[tilespmem:s26], [sflag:$0x1] =	stream.indirect.gather [hbm4b:s1+s30], $0x80, s16, s30, $0xb8;
	[tilespmem:$0x1C400] =	vst v63  }
0x5a: {  	s19 =	rddreg [dreg:$0x13]  }
0x5b: {  	[tilespmem:s24], [sflag:$0x5] =	stream.linear.gather [hbm4b:s19+s16], $0x80, $0x38;
	[tilespmem:$0x1C400] =	vst v63  }
0x5c: {  	s20 =	rddreg [dreg:$0x14]  }
0x5d: {  	[tilespmem:s25], [sflag:$0x5] =	stream.linear.gather [hbm4b:s20+s16], $0x80, $0x38;
	[tilespmem:$0x1C400] =	vst v63  }
0x5e: {  	s21 =	rddreg [dreg:$0x15]  }
0x5f: {  	[tilespmem:s12], [sflag:$0x6] =	stream.linear.gather [hbm4b:s21+s16], $0x80, $0x38;
	[tilespmem:$0x1C400] =	vst v63  }
0x60: {  	s23 =	simm.s32 $0x380;
	s22 =	rddreg [dreg:$0x16]  }
0x61: {  	[tilespmem:s23], [sflag:$0x6] =	stream.linear.gather [hbm4b:s22+s16], $0x80, $0x38;
	[tilespmem:$0x1C400] =	vst v63  }
0x62: {  	_ = 	snop  }
0x63: {  	[tilespmem:s29], [sflag:$0x2] =	stream.indirect.gather [hbm4b:s1+s30], $0x80, s30, s30, $0xb8;
	[tilespmem:$0x1C400] =	vst v63  }
0x64: {  	_ =	swait.ge [sflag:s13], $0x4000  }
0x65: {  	[sflag:s13] =	ssyncset.done $0x0  }
0x66: {  	[sflag:s13] =	ssyncadd.s32 $0xFFFFC000  }
0x67: {  	[spmem:s2] =	stream.indirect.scatter.add.f32 [tilespmem:s26], [sflag:$0x7], $0x80, s4, s30, $0xb8;
	[tilespmem:$0x1C400] =	vst v63  }
0x68: {  	_ =	swait.ge [sflag:s28], $0x4000  }
0x69: {  	[sflag:s28] =	ssyncset.done $0x0  }
0x6a: {  	[sflag:s28] =	ssyncadd.s32 $0xFFFFC000  }
0x6b: {  	_ =	swait.ge [sflag:s14], $0x80  }
0x6c: {  	[sflag:s14] =	ssyncset.done $0x0  }
0x6d: {  	[sflag:s14] =	ssyncadd.s32 $0xFFFFFF80  }
0x6e: {  	_ =	swait.ge [sflag:s14], $0x80  }
0x6f: {  	p0 =	por $0x0, $0x0;
	[sflag:s14] =	ssyncset.done $0x0  }
0x70: {  	s9 =	simm.s32 @p0 $0x2;
	[sflag:s14] =	ssyncadd.s32 $0xFFFFFF80  }
0x71: {  	[tilespmem:s26], [sflag:$0x1] =	stream.indirect.gather [hbm4b:s1+s30], $0x80, s24, s30, $0xb8;
	[tilespmem:$0x1C400] =	vst v63  }
0x72: {  	_ =	swait.ge @p0 [sflag:s9], $0x4000  }
0x73: {  	s7 =	simm.s32 @p0 $0x280;
	s3 =	simm.s32 @p0 $0x7;
	[sflag:s9] =	ssyncset.done @p0 $0x0  }
0x74: {  	s10 =	simm.s32 @p0 $0x4400;
	s11 =	simm.s32 @p0 $0x80;
	[sflag:s9] =	ssyncadd.s32 @p0 $0xFFFFC000  }
0x75: {  	[spmem:s2] =	stream.indirect.scatter.add.f32 @p0 [tilespmem:s10], [sflag:$0x7], $0x80, s7, s11, $0xb8;
	[tilespmem:$0x1C400] =	vst v63  }
0x76: {  	_ =	swait.ge @p0 [sflag:s3], $0x4000  }
0x77: {  	s7 =	rddreg [dreg:$0x4]  }
0x78: {  	s8 =	sadd.s32 @!p0 $0x70, s7  }
0x79: {  	s7 =	simm.s32 @!p0 $0x40;
	s17 =	sadd.s32 @!p0 $0xFFFFFFD0, s8  }
0x7a: {  	s7 =	sand.u32 @!p0 $0x40, s7;
	s17 =	sand.u32 @!p0 $0xFFFFF80, s17  }
0x7b: {  	[sflag:s3] =	ssyncset.done @p0 $0x0;
	s17 =	sor.u32 @!p0 s7, s17  }
0x7c: {  	[sflag:s3] =	ssyncadd.s32 @p0 $0xFFFFC000;
	s7 =	simm.s32 @!p0 $0x0;
	s18 =	sadd.s32 @!p0 s5, s17  }
0x7d: {  	[tilespmem:s7], [sflag:$0x3] =	stream.linear.gather @!p0 [hbm4b:s18+s7], $0x80, $0x38;
	[tilespmem:$0x1C400] =	vst v63  }
0x7e: {  	s19 =	sadd.s32 @!p0 s6, s17;
	s17 =	simm.s32 @!p0 $0x2;
	s18 =	simm.s32 @!p0 $0x200  }
0x7f: {  	[tilespmem:s18], [sflag:$0x3] =	stream.linear.gather @!p0 [hbm4b:s19+s7], $0x80, $0x38;
	[tilespmem:$0x1C400] =	vst v63  }
0x80: {  	s20 =	simm.s32 @!p0 $0x80;
	s21 =	simm.s32 @!p0 $0x50;
	_ =	swait.ge @!p0 [sflag:s17], $0x4000  }
0x81: {  	s23 =	simm.s32 @!p0 $0x280;
	s22 =	sadd.s32 @!p0 $0xFFFFFFE0, s8;
	[sflag:s17] =	ssyncset.done @!p0 $0x0  }
0x82: {  	s19 =	simm.s32 @!p0 $0x4400;
	s18 =	simm.s32 @!p0 $0x7;
	[sflag:s17] =	ssyncadd.s32 @!p0 $0xFFFFC000  }
0x83: {  	[spmem:s2] =	stream.indirect.scatter.add.f32 @!p0 [tilespmem:s19], [sflag:$0x7], $0x80, s23, s20, $0xb8;
	[tilespmem:$0x1C400] =	vst v63  }
0x84: {  	s21 =	sand.u32 @!p0 $0x50, s21;
	s22 =	sand.u32 @!p0 $0xFFFFF80, s22;
	_ =	swait.ge @!p0 [sflag:s18], $0x4000  }
0x85: {  	s21 =	sor.u32 @!p0 s21, s22;
	[sflag:s18] =	ssyncset.done @!p0 $0x0  }
0x86: {  	s22 =	sadd.s32 @!p0 s5, s21;
	[sflag:s18] =	ssyncadd.s32 @!p0 $0xFFFFC000  }
0x87: {  	[tilespmem:s20], [sflag:$0x4] =	stream.linear.gather @!p0 [hbm4b:s22+s7], $0x80, $0x38;
	[tilespmem:$0x1C400] =	vst v63  }
0x88: {  	s21 =	sadd.s32 @!p0 s6, s21  }
0x89: {  	[tilespmem:s23], [sflag:$0x4] =	stream.linear.gather @!p0 [hbm4b:s21+s7], $0x80, $0x38;
	[tilespmem:$0x1C400] =	vst v63  }
0x8a: {  	_ =	swait.ge [sflag:s15], $0x80  }
0x8b: {  	[sflag:s15] =	ssyncset.done $0x0  }
0x8c: {  	[sflag:s15] =	ssyncadd.s32 $0xFFFFFF80  }
0x8d: {  	_ =	swait.ge [sflag:s15], $0x80  }
0x8e: {  	[sflag:s15] =	ssyncset.done $0x0  }
0x8f: {  	[sflag:s15] =	ssyncadd.s32 $0xFFFFFF80  }
0x90: {  	[tilespmem:s29], [sflag:$0x2] =	stream.indirect.gather [hbm4b:s1+s30], $0x80, s12, s30, $0xb8;
	[tilespmem:$0x1C400] =	vst v63  }
0x91: {  	_ =	swait.ge [sflag:s13], $0x4000  }
0x92: {  	[sflag:s13] =	ssyncset.done $0x0  }
0x93: {  	[sflag:s13] =	ssyncadd.s32 $0xFFFFC000  }
0x94: {  	[spmem:s2] =	stream.indirect.scatter.add.f32 [tilespmem:s26], [sflag:$0x7], $0x80, s25, s30, $0xb8;
	[tilespmem:$0x1C400] =	vst v63  }
0x95: {  	_ =	swait.ge [sflag:s28], $0x4000  }
0x96: {  	p2 =	por $0x0, $0x0;
	[sflag:s28] =	ssyncset.done $0x0  }
0x97: {  	s21 =	simm.s32 @!p2 $0x3;
	[sflag:s28] =	ssyncadd.s32 $0xFFFFC000  }
0x98: {  	_ =	swait.ge @!p2 [sflag:s21], $0x80  }
0x99: {  	[sflag:s21] =	ssyncset.done @!p2 $0x0  }
0x9a: {  	[sflag:s21] =	ssyncadd.s32 @!p2 $0xFFFFFF80  }
0x9b: {  	_ =	swait.ge @!p2 [sflag:s21], $0x80  }
0x9c: {  	s22 =	simm.s32 @!p2 $0x400;
	[sflag:s21] =	ssyncset.done @!p2 $0x0  }
0x9d: {  	s23 =	simm.s32 @!p2 $0x80;
	[sflag:s21] =	ssyncadd.s32 @!p2 $0xFFFFFF80;
	s21 =	simm.s32 @!p2 $0x0  }
0x9e: {  	[tilespmem:s22], [sflag:$0x1] =	stream.indirect.gather @!p2 [hbm4b:s1+s23], $0x80, s21, s23, $0xb8;
	[tilespmem:$0x1C400] =	vst v63  }
0x9f: {  	_ =	swait.ge @p0 [sflag:s9], $0x4000  }
0xa0: {  	[sflag:s9] =	ssyncset.done @p0 $0x0  }
0xa1: {  	[sflag:s9] =	ssyncadd.s32 @p0 $0xFFFFC000;
	s9 =	simm.s32 @p0 $0x380  }
0xa2: {  	[spmem:s2] =	stream.indirect.scatter.add.f32 @p0 [tilespmem:s10], [sflag:$0x7], $0x80, s9, s11, $0xb8;
	[tilespmem:$0x1C400] =	vst v63  }
0xa3: {  	s9 =	simm.s32 @!p0 $0x60;
	s10 =	sadd.s32 @!p0 $0xFFFFFFF0, s8  }
0xa4: {  	s9 =	sand.u32 @!p0 $0x60, s9;
	s10 =	sand.u32 @!p0 $0xFFFFF80, s10;
	_ =	swait.ge @p0 [sflag:s3], $0x4000  }
0xa5: {  	s9 =	sor.u32 @!p0 s9, s10;
	[sflag:s3] =	ssyncset.done @p0 $0x0  }
0xa6: {  	s10 =	sadd.s32 @!p0 s5, s9;
	[sflag:s3] =	ssyncadd.s32 @p0 $0xFFFFC000;
	s3 =	simm.s32 @!p0 $0x100  }
0xa7: {  	[tilespmem:s3], [sflag:$0x5] =	stream.linear.gather @!p0 [hbm4b:s10+s7], $0x80, $0x38;
	[tilespmem:$0x1C400] =	vst v63  }
0xa8: {  	s3 =	sadd.s32 @!p0 s6, s9;
	s9 =	simm.s32 @!p0 $0x300  }
0xa9: {  	[tilespmem:s9], [sflag:$0x5] =	stream.linear.gather @!p0 [hbm4b:s3+s7], $0x80, $0x38;
	[tilespmem:$0x1C400] =	vst v63  }
0xaa: {  	_ =	swait.ge @!p0 [sflag:s17], $0x4000  }
0xab: {  	[sflag:s17] =	ssyncset.done @!p0 $0x0  }
0xac: {  	s3 =	simm.s32 @!p0 $0x380;
	s9 =	simm.s32 $0x70;
	[sflag:s17] =	ssyncadd.s32 @!p0 $0xFFFFC000  }
0xad: {  	[spmem:s2] =	stream.indirect.scatter.add.f32 @!p0 [tilespmem:s19], [sflag:$0x7], $0x80, s3, s20, $0xb8;
	[tilespmem:$0x1C400] =	vst v63  }
0xae: {  	s8 =	sand.u32 @!p0 $0xFFFFF80, s8;
	s9 =	sand.u32 @!p0 $0x70, s9;
	_ =	swait.ge @!p0 [sflag:s18], $0x4000  }
0xaf: {  	s8 =	sor.u32 @!p0 s9, s8;
	[sflag:s18] =	ssyncset.done @!p0 $0x0  }
0xb0: {  	s10 =	simm.s32 @!p0 $0x180;
	s9 =	sadd.s32 @!p0 s5, s8;
	[sflag:s18] =	ssyncadd.s32 @!p0 $0xFFFFC000  }
0xb1: {  	[tilespmem:s10], [sflag:$0x6] =	stream.linear.gather @!p0 [hbm4b:s9+s7], $0x80, $0x38;
	[tilespmem:$0x1C400] =	vst v63  }
0xb2: {  	s8 =	sadd.s32 @!p0 s6, s8  }
0xb3: {  	[tilespmem:s3], [sflag:$0x6] =	stream.linear.gather @!p0 [hbm4b:s8+s7], $0x80, $0x38;
	[tilespmem:$0x1C400] =	vst v63  }
0xb4: {  	s7 =	simm.s32 @!p2 $0x4  }
0xb5: {  	_ =	swait.ge @!p2 [sflag:s7], $0x80  }
0xb6: {  	[sflag:s7] =	ssyncset.done @!p2 $0x0  }
0xb7: {  	s12 =	simm.s32 $0x180;
	[sflag:s7] =	ssyncadd.s32 @!p2 $0xFFFFFF80  }
0xb8: {  	s17 =	simm.s32 $0x1;
	s18 =	simm.s32 $0xB0;
	_ =	swait.ge @!p2 [sflag:s7], $0x80  }
.LBB2_4:
0xb9: {  	[sflag:s7] =	ssyncset.done @!p2 $0x0  }
0xba: {  	[sflag:s7] =	ssyncadd.s32 @!p2 $0xFFFFFF80  }
0xbb: {  	[tilespmem:s31], [sflag:$0x2] =	stream.indirect.gather [hbm4b:s1+s30], $0x80, s30, s30, $0xb8;
	[tilespmem:$0x1C400] =	vst v63  }
0xbc: {  	_ =	swait.ge [sflag:s13], $0x4000  }
0xbd: {  	[sflag:s13] =	ssyncset.done $0x0  }
0xbe: {  	[sflag:s13] =	ssyncadd.s32 $0xFFFFC000  }
0xbf: {  	[spmem:s2] =	stream.indirect.scatter.add.f32 [tilespmem:s26], [sflag:$0x7], $0x80, s4, s30, $0xb8;
	[tilespmem:$0x1C400] =	vst v63  }
0xc0: {  	_ =	swait.ge [sflag:s28], $0x4000  }
0xc1: {  	[sflag:s28] =	ssyncset.done $0x0  }
0xc2: {  	[sflag:s28] =	ssyncadd.s32 $0xFFFFC000  }
0xc3: {  	_ =	swait.ge [sflag:s14], $0x80  }
0xc4: {  	[sflag:s14] =	ssyncset.done $0x0  }
0xc5: {  	[sflag:s14] =	ssyncadd.s32 $0xFFFFFF80  }
0xc6: {  	s3 =	smov.u32 s18;
	_ =	swait.ge [sflag:s14], $0x80  }
0xc7: {  	p1 =	seq.s32 s3, $0x530;
	[sflag:s14] =	ssyncset.done $0x0  }
0xc8: {  	s19 =	simm.s32 @p1 $0x2;
	[sflag:s14] =	ssyncadd.s32 $0xFFFFFF80  }
0xc9: {  	[tilespmem:s26], [sflag:$0x1] =	stream.indirect.gather [hbm4b:s1+s30], $0x80, s24, s30, $0xb8;
	[tilespmem:$0x1C400] =	vst v63  }
0xca: {  	s7 =	sadd.s32 @!p1 $0xFFFFFFD0, s3;
	s8 =	sadd.s32 @!p1 $0xFFFFFFE0, s3;
	_ =	swait.ge @p1 [sflag:s19], $0x4000  }
0xcb: {  	s21 =	simm.s32 @p1 $0x4400;
	s23 =	simm.s32 @p1 $0x80;
	[sflag:s19] =	ssyncset.done @p1 $0x0  }
0xcc: {  	s9 =	simm.s32 @p1 $0x280;
	s22 =	simm.s32 @p1 $0x7;
	[sflag:s19] =	ssyncadd.s32 @p1 $0xFFFFC000  }
0xcd: {  	[spmem:s2] =	stream.indirect.scatter.add.f32 @p1 [tilespmem:s21], [sflag:$0x7], $0x80, s9, s23, $0xb8;
	[tilespmem:$0x1C400] =	vst v63  }
0xce: {  	s16 =	sand.u32 @!p1 $0x70, s3;
	s29 =	simm.s32 @!p1 $0x200;
	_ =	swait.ge @p1 [sflag:s22], $0x4000  }
0xcf: {  	s20 =	simm.s32 @!p1 $0x0;
	s7 =	sand.u32 @!p1 $0x40, s7;
	s10 =	rddreg [dreg:$0x4]  }
0xd0: {  	s8 =	sand.u32 @!p1 $0x50, s8;
	s9 =	sadd.s32 @!p1 $0xFFFFFFF0, s3;
	s10 =	sadd.s32 @!p1 s3, s10  }
0xd1: {  	s24 =	simm.s32 @!p1 $0x2;
	s9 =	sand.u32 @!p1 $0x60, s9;
	s3 =	sadd.s32 @!p1 $0xFFFFFFD0, s10  }
0xd2: {  	[sflag:s22] =	ssyncset.done @p1 $0x0;
	s11 =	sadd.s32 @!p1 $0xFFFFFFE0, s10;
	s3 =	sand.u32 @!p1 $0xFFFFF80, s3  }
0xd3: {  	[sflag:s22] =	ssyncadd.s32 @p1 $0xFFFFC000;
	s11 =	sand.u32 @!p1 $0xFFFFF80, s11;
	s3 =	sor.u32 @!p1 s7, s3  }
0xd4: {  	s25 =	sadd.s32 @!p1 $0xFFFFFFF0, s10;
	s7 =	sor.u32 @!p1 s8, s11;
	s8 =	sadd.s32 @!p1 s5, s3  }
0xd5: {  	[tilespmem:s20], [sflag:$0x3] =	stream.linear.gather @!p1 [hbm4b:s8+s20], $0x80, $0x38;
	[tilespmem:$0x1C400] =	vst v63  }
0xd6: {  	s3 =	sadd.s32 @!p1 s6, s3;
	s0 =	sadd.s32 @!p1 s5, s7;
	s4 =	sadd.s32 @!p1 s6, s7  }
0xd7: {  	[tilespmem:s29], [sflag:$0x3] =	stream.linear.gather @!p1 [hbm4b:s3+s20], $0x80, $0x38;
	[tilespmem:$0x1C400] =	vst v63  }
0xd8: {  	s7 =	sand.u32 @!p1 $0xFFFFF80, s25;
	s25 =	simm.s32 @!p1 $0x4400;
	_ =	swait.ge @!p1 [sflag:s24], $0x4000  }
0xd9: {  	s8 =	simm.s32 @!p1 $0x80;
	s3 =	sor.u32 @!p1 s9, s7;
	[sflag:s24] =	ssyncset.done @!p1 $0x0  }
0xda: {  	s29 =	simm.s32 @!p1 $0x280;
	s7 =	simm.s32 @!p1 $0x7;
	[sflag:s24] =	ssyncadd.s32 @!p1 $0xFFFFC000  }
0xdb: {  	[spmem:s2] =	stream.indirect.scatter.add.f32 @!p1 [tilespmem:s25], [sflag:$0x7], $0x80, s29, s8, $0xb8;
	[tilespmem:$0x1C400] =	vst v63  }
0xdc: {  	_ =	swait.ge @!p1 [sflag:s7], $0x4000  }
0xdd: {  	[sflag:s7] =	ssyncset.done @!p1 $0x0  }
0xde: {  	[sflag:s7] =	ssyncadd.s32 @!p1 $0xFFFFC000  }
0xdf: {  	[tilespmem:s8], [sflag:$0x4] =	stream.linear.gather @!p1 [hbm4b:s0+s20], $0x80, $0x38;
	[tilespmem:$0x1C400] =	vst v63  }
0xe0: {  	_ = 	snop  }
0xe1: {  	[tilespmem:s29], [sflag:$0x4] =	stream.linear.gather @!p1 [hbm4b:s4+s20], $0x80, $0x38;
	[tilespmem:$0x1C400] =	vst v63  }
0xe2: {  	_ =	swait.ge [sflag:s15], $0x80  }
0xe3: {  	[sflag:s15] =	ssyncset.done $0x0  }
0xe4: {  	[sflag:s15] =	ssyncadd.s32 $0xFFFFFF80  }
0xe5: {  	_ =	swait.ge [sflag:s15], $0x80  }
0xe6: {  	[sflag:s15] =	ssyncset.done $0x0  }
0xe7: {  	[sflag:s15] =	ssyncadd.s32 $0xFFFFFF80  }
0xe8: {  	[tilespmem:s31], [sflag:$0x2] =	stream.indirect.gather [hbm4b:s1+s30], $0x80, s12, s30, $0xb8;
	[tilespmem:$0x1C400] =	vst v63  }
0xe9: {  	_ =	swait.ge [sflag:s13], $0x4000  }
0xea: {  	[sflag:s13] =	ssyncset.done $0x0  }
0xeb: {  	s29 =	simm.s32 $0x300;
	[sflag:s13] =	ssyncadd.s32 $0xFFFFC000  }
0xec: {  	[spmem:s2] =	stream.indirect.scatter.add.f32 [tilespmem:s26], [sflag:$0x7], $0x80, s29, s30, $0xb8;
	[tilespmem:$0x1C400] =	vst v63  }
0xed: {  	s17 =	sadd.s32 $0x2, s17;
	_ =	swait.ge [sflag:s28], $0x4000  }
0xee: {  	p2 =	sgt.u32 s17, $0x26;
	[sflag:s28] =	ssyncset.done $0x0  }
0xef: {  	s0 =	simm.s32 @!p2 $0x3;
	[sflag:s28] =	ssyncadd.s32 $0xFFFFC000  }
0xf0: {  	_ =	swait.ge @!p2 [sflag:s0], $0x80  }
0xf1: {  	[sflag:s0] =	ssyncset.done @!p2 $0x0  }
0xf2: {  	[sflag:s0] =	ssyncadd.s32 @!p2 $0xFFFFFF80  }
0xf3: {  	s9 =	sand.u32 @!p1 $0xFFFFF80, s10;
	_ =	swait.ge @!p2 [sflag:s0], $0x80  }
0xf4: {  	s9 =	sor.u32 @!p1 s16, s9;
	s16 =	simm.s32 @!p2 $0x80;
	[sflag:s0] =	ssyncset.done @!p2 $0x0  }
0xf5: {  	s4 =	simm.s32 @!p2 $0x400;
	s29 =	simm.s32 @!p2 $0x0;
	[sflag:s0] =	ssyncadd.s32 @!p2 $0xFFFFFF80  }
0xf6: {  	[tilespmem:s4], [sflag:$0x1] =	stream.indirect.gather @!p2 [hbm4b:s1+s16], $0x80, s29, s16, $0xb8;
	[tilespmem:$0x1C400] =	vst v63  }
0xf7: {  	_ =	swait.ge @p1 [sflag:s19], $0x4000  }
0xf8: {  	[sflag:s19] =	ssyncset.done @p1 $0x0  }
0xf9: {  	s0 =	simm.s32 @p1 $0x380;
	[sflag:s19] =	ssyncadd.s32 @p1 $0xFFFFC000  }
0xfa: {  	[spmem:s2] =	stream.indirect.scatter.add.f32 @p1 [tilespmem:s21], [sflag:$0x7], $0x80, s0, s23, $0xb8;
	[tilespmem:$0x1C400] =	vst v63  }
0xfb: {  	_ =	swait.ge @p1 [sflag:s22], $0x4000  }
0xfc: {  	[sflag:s22] =	ssyncset.done @p1 $0x0  }
0xfd: {  	s11 =	sadd.s32 @!p1 s5, s3;
	s0 =	simm.s32 @!p1 $0x100;
	[sflag:s22] =	ssyncadd.s32 @p1 $0xFFFFC000  }
0xfe: {  	[tilespmem:s0], [sflag:$0x5] =	stream.linear.gather @!p1 [hbm4b:s11+s20], $0x80, $0x38;
	[tilespmem:$0x1C400] =	vst v63  }
0xff: {  	s3 =	sadd.s32 @!p1 s6, s3;
	s4 =	simm.s32 @!p1 $0x300  }
0x100: {  	[tilespmem:s4], [sflag:$0x5] =	stream.linear.gather @!p1 [hbm4b:s3+s20], $0x80, $0x38;
	[tilespmem:$0x1C400] =	vst v63  }
0x101: {  	_ =	swait.ge @!p1 [sflag:s24], $0x4000  }
0x102: {  	[sflag:s24] =	ssyncset.done @!p1 $0x0  }
0x103: {  	s0 =	simm.s32 @!p1 $0x380;
	[sflag:s24] =	ssyncadd.s32 @!p1 $0xFFFFC000  }
0x104: {  	[spmem:s2] =	stream.indirect.scatter.add.f32 @!p1 [tilespmem:s25], [sflag:$0x7], $0x80, s0, s8, $0xb8;
	[tilespmem:$0x1C400] =	vst v63  }
0x105: {  	_ =	swait.ge @!p1 [sflag:s7], $0x4000  }
0x106: {  	s18 =	sadd.s32 $0x40, s18;
	[sflag:s7] =	ssyncset.done @!p1 $0x0  }
0x107: {  	s10 =	sadd.s32 @!p1 s5, s9;
	s3 =	simm.s32 @!p1 $0x180;
	[sflag:s7] =	ssyncadd.s32 @!p1 $0xFFFFC000  }
0x108: {  	[tilespmem:s3], [sflag:$0x6] =	stream.linear.gather @!p1 [hbm4b:s10+s20], $0x80, $0x38;
	[tilespmem:$0x1C400] =	vst v63  }
0x109: {  	p0 =	sne.s32 s18, $0x570;
	s9 =	sadd.s32 @!p1 s6, s9  }
0x10a: {  	[tilespmem:s0], [sflag:$0x6] =	stream.linear.gather @!p1 [hbm4b:s9+s20], $0x80, $0x38;
	[tilespmem:$0x1C400] =	vst v63  }
.Ltmp1:
0x10b: {  	s7 =	simm.s32 @!p2 $0x4;
	(pc) =	sbr.rel @p0 .LBB2_4-.Ltmp1, $4  }
0x10c: {  	_ =	swait.ge @!p2 [sflag:s7], $0x80  }
0x10d: {  	[sflag:s7] =	ssyncset.done @!p2 $0x0  }
0x10e: {  	[sflag:s7] =	ssyncadd.s32 @!p2 $0xFFFFFF80  }
0x10f: {  	s4 =	simm.s32 $0x200;
	s24 =	simm.s32 $0x100;
	_ =	swait.ge @!p2 [sflag:s7], $0x80  }
0x110: {  	[sflag:s7] =	ssyncset.done @!p2 $0x0  }
0x111: {  	[sflag:s7] =	ssyncadd.s32 @!p2 $0xFFFFFF80  }
0x112: {  	[bflag:$0x0] =	sbarrier.arrive $0xFFFF  }
0x113: {  	s17 =	rddreg [dreg:$0x5]  }
0x114: {  	[tilespmem:s26], [sflag:$0x7] =	stream.linear.gather [spmem:s17], $0x4000, $0x38;
	[tilespmem:$0x1C400] =	vst v63  }
0x115: {  	_ =	swait.ge [sflag:s28], $0x4000  }
0x116: {  	[sflag:s28] =	ssyncset.done $0x0  }
0x117: {  	s16 =	simm.s32 $0x0;
	s0 =	rddreg [dreg:$0xe];
	[sflag:s28] =	ssyncadd.s32 $0xFFFFC000  }
0x118: {  	[hbm4b:s0+s16] =	stream.linear.scatter [tilespmem:s26], [sflag:$0x7], $0x4000, $0x38;
	[tilespmem:$0x1C400] =	vst v63  }
0x119: {  	_ =	swait.ge [sflag:s28], $0x4000  }
0x11a: {  	[sflag:s28] =	ssyncset.done $0x0  }
0x11b: {  	s18 =	rddreg [dreg:$0x6];
	[sflag:s28] =	ssyncadd.s32 $0xFFFFC000  }
0x11c: {  	[tilespmem:s26], [sflag:$0x7] =	stream.linear.gather [spmem:s18], $0x4000, $0x38;
	[tilespmem:$0x1C400] =	vst v63  }
0x11d: {  	_ =	swait.ge [sflag:s28], $0x4000  }
0x11e: {  	[sflag:s28] =	ssyncset.done $0x0  }
0x11f: {  	s20 =	rddreg [dreg:$0xf];
	[sflag:s28] =	ssyncadd.s32 $0xFFFFC000  }
0x120: {  	[hbm4b:s20+s16] =	stream.linear.scatter [tilespmem:s26], [sflag:$0x7], $0x4000, $0x38;
	[tilespmem:$0x1C400] =	vst v63  }
0x121: {  	_ =	swait.ge [sflag:s28], $0x4000  }
0x122: {  	[sflag:s28] =	ssyncset.done $0x0  }
0x123: {  	s19 =	rddreg [dreg:$0x7];
	[sflag:s28] =	ssyncadd.s32 $0xFFFFC000  }
0x124: {  	[tilespmem:s26], [sflag:$0x7] =	stream.linear.gather [spmem:s19], $0x4000, $0x38;
	[tilespmem:$0x1C400] =	vst v63  }
0x125: {  	_ =	swait.ge [sflag:s28], $0x4000  }
0x126: {  	[sflag:s28] =	ssyncset.done $0x0  }
0x127: {  	s21 =	rddreg [dreg:$0x10];
	[sflag:s28] =	ssyncadd.s32 $0xFFFFC000  }
0x128: {  	[hbm4b:s21+s16] =	stream.linear.scatter [tilespmem:s26], [sflag:$0x7], $0x4000, $0x38;
	[tilespmem:$0x1C400] =	vst v63  }
0x129: {  	_ =	swait.ge [sflag:s28], $0x4000  }
0x12a: {  	[sflag:s28] =	ssyncset.done $0x0  }
0x12b: {  	s20 =	rddreg [dreg:$0x8];
	[sflag:s28] =	ssyncadd.s32 $0xFFFFC000  }
0x12c: {  	[tilespmem:s26], [sflag:$0x7] =	stream.linear.gather [spmem:s20], $0x4000, $0x38;
	[tilespmem:$0x1C400] =	vst v63  }
0x12d: {  	_ =	swait.ge [sflag:s28], $0x4000  }
0x12e: {  	[sflag:s28] =	ssyncset.done $0x0  }
0x12f: {  	s22 =	rddreg [dreg:$0x11];
	[sflag:s28] =	ssyncadd.s32 $0xFFFFC000  }
0x130: {  	[hbm4b:s22+s16] =	stream.linear.scatter [tilespmem:s26], [sflag:$0x7], $0x4000, $0x38;
	[tilespmem:$0x1C400] =	vst v63  }
0x131: {  	_ =	swait.ge [sflag:s28], $0x4000  }
0x132: {  	[sflag:s28] =	ssyncset.done $0x0  }
0x133: {  	s21 =	rddreg [dreg:$0x9];
	[sflag:s28] =	ssyncadd.s32 $0xFFFFC000  }
0x134: {  	[tilespmem:s26], [sflag:$0x7] =	stream.linear.gather [spmem:s21], $0x4000, $0x38;
	[tilespmem:$0x1C400] =	vst v63  }
0x135: {  	_ =	swait.ge [sflag:s28], $0x4000  }
0x136: {  	[sflag:s28] =	ssyncset.done $0x0  }
0x137: {  	s23 =	rddreg [dreg:$0x12];
	[sflag:s28] =	ssyncadd.s32 $0xFFFFC000  }
0x138: {  	[hbm4b:s23+s16] =	stream.linear.scatter [tilespmem:s26], [sflag:$0x7], $0x4000, $0x38;
	[tilespmem:$0x1C400] =	vst v63  }
0x139: {  	_ =	swait.ge [sflag:s28], $0x4000  }
0x13a: {  	s3 =	rddreg [dreg:$0x18]  }
0x13b: {  	s25 =	rddreg [dreg:$0x17];
	s3 =	sadd.s32 $0x1, s3  }
0x13c: {  	p0 =	sne.s32 s3, s25  }
.Ltmp2:
0x13d: {  	_ = 	snop;
	(pc) =	sbr.rel @p0 .LBB2_1-.Ltmp2, $3  }
0x13e: {  	_ =	sdelay $0x1  }
0x13f: {  	s12 =	simm.s32 $0x180;
	[sflag:s28] =	ssyncset.done $0x0  }
0x140: {  	s29 =	simm.s32 $0x4400;
	[sflag:s28] =	ssyncadd.s32 $0xFFFFC000;
	s25 =	simm.s32 $0x300  }
0x141: {  	_ =	sfence.sel $0x180000  }
0x142: {  	[bflag:$0x0] =	sbarrier.arrive $0xFFFF  }
0x143: {  	_ =	strace $0x9000004D  }
0x144: {  	s0 =	stileid.u32;
	[bflag:$0x2] =	sbarrier.arrive $0xFFFF  }
0x145: {  	p0 =	sne.s32 s0, $0x0;
	s0 =	rddreg [dreg:$0x3]  }
0x146: {  	s0 =	sadd.s32 @!p0 $0x100000, s0  }
0x147: {  	[sflag:s0] =	ssyncadd.tile.s32 @!p0 $0x1;
	_ =	shalt  }
.Lfunc_end2:
_tile_overlayer_lowered:
.L_overlay_start_2:
0x148: {  	(tag) =	ssettag $0x2  }
0x149: {  	s0 =	rddreg [dreg:$0x0];
	s2 =	stileid.u32  }
0x14a: {  	s1 =	rddreg [dreg:$0x1];
	p0 =	sne.s32 s2, $0x0  }
0x14b: {  	s3 =	rddreg [dreg:$0x2];
	[bflag:$0x3] =	sbarrier.arrive $0xFFFF;
	s2 =	simm.s32 @!p0 $0x1C07  }
0x14c: {  	[timem:s3], [sflag:s2] =	dma.local @!p0 [hbm:s0], s1  }
0x14d: {  	s0 =	simm.s32 @!p0 $0x7  }
0x14e: {  	_ =	swait.ge @!p0 [sflag:s0], s1  }
0x14f: {  	s1 =	ssub.s32 @!p0 $0x0, s1;
	[sflag:s0] =	ssyncset.done @!p0 $0x0  }
0x150: {  	[sflag:s0] =	ssyncadd.s32 @!p0 s1  }
0x151: {  	[bflag:$0x3] =	sbarrier.arrive $0xFFFF  }
0x152: {  	_ =	shalt  }

// kernel: kernel.7.cloned.1.call-start
scs
__scs_entry_jumppad:
0x0: {  	(pc) =	sbr.rel $0x88, $3  }
0x1: {  	(tag) =	ssettag $0x0;
	lr =	simm.s32 $0x1  }
0x2: {  	[smem:$0x3F97] =	sst lr;
	_ =	strace $0xD0000000  }
0x3: {  	_ = 	snop  }
0x4: {  	_ = 	snop  }
0x5: {  	_ = 	snop  }
0x6: {  	_ = 	snop  }
0x7: {  	_ = 	snop  }
__scs_overlays_trampoline_lowered:
0x8: {  	[smem:$0x3FA6] =	sst s0  }
0x9: {  	[smem:$0x3FA7] =	sst s1  }
0xa: {  	[smem:$0x3FA8] =	sst s2  }
0xb: {  	[smem:$0x3FA9] =	sst s3  }
0xc: {  	[smem:$0x3FAA] =	sst s4  }
0xd: {  	[smem:$0x3FAB] =	sst s5  }
0xe: {  	[smem:$0x3FAC] =	sst s6  }
0xf: {  	[smem:$0x3FAD] =	sst s7  }
0x10: {  	[smem:$0x3FAE] =	sst s8  }
0x11: {  	[smem:$0x3FAF] =	sst s9;
	s0 =	simm.s32 @!p0 $0x0  }
0x12: {  	s1 =	sld [smem:$0x3F95];
	s0 =	simm.s32 @p0 $0x1  }
0x13: {  	[smem:$0x3FB0] =	sst s0;
	s0 =	simm.s32 @!p1 $0x0  }
0x14: {  	s2 =	sld [smem:$0x3F94];
	s0 =	simm.s32 @p1 $0x1  }
0x15: {  	[smem:$0x3FB1] =	sst s0;
	s0 =	simm.s32 @!p2 $0x0  }
0x16: {  	s3 =	sld [smem:$0x3FDB];
	s0 =	simm.s32 @p2 $0x1  }
0x17: {  	s4 =	simm.s32 $0x1BF5;
	[smem:$0x3FB3] =	sst s0  }
0x18: {  	s0 =	sld [smem:$0x3F96];
	_ =	swait.ge [sflag:s4], $0x0  }
0x19: {  	s7 =	sld [smem:$0x3F97]  }
0x1a: {  	s8 =	sadd.s32 $0xFFFFE003, lr  }
0x1b: {  	s9 =	sadd.s32 $0xFFFFFEF7, lr;
	s5 =	simm.s32 $0xFFFFFFFF;
	p2 =	slt.u32 s8, $0xFFFFF086  }
0x1c: {  	p1 =	slt.u32 s9, $0xF7A;
	s5 =	simm.s32 @!p2 $0x0  }
0x1d: {  	s5 =	simm.s32 @p1 $0x1;
	p0 =	seq.s32 s7, s2  }
0x1e: {  	s7 =	smul.u32 @!p0 $0xF7A, s2;
	p2 =	seq.s32 @!p0 s5, $0x0  }
0x1f: {  	s9 =	smul.u32 $0xF7A, s1;
	s8 =	simm.s32 @!p0 $0x1BF5;
	p2 =	por !p2, p0  }
0x20: {  	[sflag:s8] =	ssyncset.s32 @!p0 $0xFFFFF086;
	s6 =	sadd.s32 @!p0 s3, s7;
	s7 =	simm.s32 @!p0 $0x108  }
0x21: {  	s3 =	sadd.s32 s3, s9;
	s6 =	sadd.s32 @!p0 $0x88, s6;
	s7 =	simm.s32 @p2 $0x1082  }
0x22: {  	[simem:s7], [sflag:s8] =	dma.local @!p0 [hbm:s6], $0xF7A  }
0x23: {  	s9 =	sor.u32 $0xD0000000, s2;
	s6 =	simm.s32 $0x108;
	_ =	swait.ge @!p0 [sflag:s8], $0x0  }
0x24: {  	s3 =	sadd.s32 $0x88, s3;
	s6 =	simm.s32 @!p1 $0x1082;
	[sflag:s4] =	ssyncset.s32 $0xFFFFF086  }
0x25: {  	[simem:s6], [sflag:s4] =	dma.local [hbm:s3], $0xF7A  }
0x26: {  	[smem:$0x3F97] =	sst s1;
	(tag) =	ssettag s2;
	_ =	strace s9  }
0x27: {  	s1 =	sld [smem:$0x3FA7]  }
0x28: {  	s2 =	sld [smem:$0x3FA8]  }
0x29: {  	s4 =	sld [smem:$0x3FAA]  }
0x2a: {  	p0 =	seq.s32 s5, $0x0;
	s5 =	sld [smem:$0x3FAB]  }
0x2b: {  	s6 =	sld [smem:$0x3FAC]  }
0x2c: {  	s7 =	sld [smem:$0x3FAD]  }
0x2d: {  	s3 =	simm.s32 $0x108;
	s8 =	sld [smem:$0x3FAE]  }
0x2e: {  	s3 =	simm.s32 @!p0 $0x1082;
	s9 =	sld [smem:$0x3FAF]  }
0x2f: {  	lr =	sadd.s32 s0, s3;
	s0 =	sld [smem:$0x3FA6]  }
0x30: {  	s3 =	sld [smem:$0x3FA9]  }
0x31: {  	[smem:$0x3FB2] =	sst s10  }
0x32: {  	s10 =	sld [smem:$0x3FB0];
	_ =	sdelay $0x3  }
0x33: {  	p0 =	seq.s32 s10, $0x1;
	s10 =	sld [smem:$0x3FB2];
	_ =	sdelay $0x3  }
0x34: {  	[smem:$0x3FB2] =	sst s10  }
0x35: {  	s10 =	sld [smem:$0x3FB1];
	_ =	sdelay $0x3  }
0x36: {  	p1 =	seq.s32 s10, $0x1;
	s10 =	sld [smem:$0x3FB2];
	_ =	sdelay $0x3  }
0x37: {  	[smem:$0x3FB2] =	sst s10  }
0x38: {  	s10 =	sld [smem:$0x3FB3]  }
0x39: {  	_ = 	snop;
	(pc) =	sbr.ind lr, $3  }
0x3a: {  	_ = 	snop  }
0x3b: {  	_ = 	snop  }
0x3c: {  	p2 =	seq.s32 s10, $0x1;
	s10 =	sld [smem:$0x3FB2]  }
0x3d: {  	_ =	shalt  }
0x3e: {  	_ =	shalt  }
0x3f: {  	_ =	shalt  }
0x40: {  	_ =	shalt  }
0x41: {  	_ =	shalt  }
0x42: {  	_ =	shalt  }
0x43: {  	_ =	shalt  }
0x44: {  	_ =	shalt  }
0x45: {  	_ =	shalt  }
0x46: {  	_ =	shalt  }
0x47: {  	_ =	shalt  }
0x48: {  	_ =	shalt  }
0x49: {  	_ =	shalt  }
0x4a: {  	_ =	shalt  }
0x4b: {  	_ =	shalt  }
0x4c: {  	_ =	shalt  }
0x4d: {  	_ =	shalt  }
0x4e: {  	_ =	shalt  }
0x4f: {  	_ =	shalt  }
0x50: {  	_ =	shalt  }
0x51: {  	_ =	shalt  }
0x52: {  	_ =	shalt  }
0x53: {  	_ =	shalt  }
0x54: {  	_ =	shalt  }
0x55: {  	_ =	shalt  }
0x56: {  	_ =	shalt  }
0x57: {  	_ =	shalt  }
0x58: {  	_ =	shalt  }
0x59: {  	_ =	shalt  }
0x5a: {  	_ =	shalt  }
0x5b: {  	_ =	shalt  }
0x5c: {  	_ =	shalt  }
0x5d: {  	_ =	shalt  }
0x5e: {  	_ =	shalt  }
0x5f: {  	_ =	shalt  }
0x60: {  	_ =	shalt  }
0x61: {  	_ =	shalt  }
0x62: {  	_ =	shalt  }
0x63: {  	_ =	shalt  }
0x64: {  	_ =	shalt  }
0x65: {  	_ =	shalt  }
0x66: {  	_ =	shalt  }
0x67: {  	_ =	shalt  }
0x68: {  	_ =	shalt  }
0x69: {  	_ =	shalt  }
0x6a: {  	_ =	shalt  }
0x6b: {  	_ =	shalt  }
0x6c: {  	_ =	shalt  }
0x6d: {  	_ =	shalt  }
0x6e: {  	_ =	shalt  }
0x6f: {  	_ =	shalt  }
0x70: {  	_ =	shalt  }
0x71: {  	_ =	shalt  }
0x72: {  	_ =	shalt  }
0x73: {  	_ =	shalt  }
0x74: {  	_ =	shalt  }
0x75: {  	_ =	shalt  }
0x76: {  	_ =	shalt  }
0x77: {  	_ =	shalt  }
0x78: {  	_ =	shalt  }
0x79: {  	_ =	shalt  }
0x7a: {  	_ =	shalt  }
0x7b: {  	_ =	shalt  }
0x7c: {  	_ =	shalt  }
0x7d: {  	_ =	shalt  }
0x7e: {  	_ =	shalt  }
0x7f: {  	_ =	shalt  }
0x80: {  	_ =	shalt  }
0x81: {  	_ =	shalt  }
0x82: {  	_ =	shalt  }
0x83: {  	_ =	shalt  }
0x84: {  	_ =	shalt  }
0x85: {  	_ =	shalt  }
0x86: {  	_ =	shalt  }
0x87: {  	_ =	shalt  }
.Lfunc_end0:
.L_simem_size_0:
called_computation_lowered:
.L_overlay_start_0:
0x88: {  	s2 =	sld [smem:$0x3FD9]  }
0x89: {  	s3 =	sld [smem:$0x3FFE];
	_ =	sdelay $0x1  }
0x8a: {  	s1 =	srdreg.scid  }
0x8b: {  	s0 =	sand.u32 $0x1, s1  }
0x8c: {  	s17 =	sshll.u32 s0, $0xA;
	s2 =	sadd.s32 s3, s2  }
0x8d: {  	s2 =	sadd.s32 s2, s17  }
0x8e: {  	[smem:$0x3FBE] =	sst s2  }
0x8f: {  	_ = 	snop  }
0x90: {  	(tm) =	ssettm $0x1  }
0x91: {  	s18 =	sld [smem:$0x3FFB];
	_ =	sdelay $0x3  }
0x92: {  	_ =	strace s18  }
0x93: {  	s2 =	sld [smem:$0x3FFC];
	_ =	sdelay $0x3  }
0x94: {  	_ =	strace s2  }
0x95: {  	s2 =	sld [smem:$0x3FFD];
	_ =	sdelay $0x3  }
0x96: {  	_ =	strace s2  }
0x97: {  	_ =	strace $0x8FFFFFFF  }
0x98: {  	s19 =	sld [smem:$0x3FDB];
	_ =	sdelay $0x1  }
0x99: {  	s20 =	simm.s32 $_scs_section_size  }
0x9a: {  	s4 =	simm.s32 $_size__tile_overlayer_lowered;
	s5 =	simm.s32 $_tile_overlayer_lowered  }
0x9b: {  	s6 =	simm.s32 $0x1BFF;
	s21 =	sshll.u32 s5, $0x1;
	s3 =	sadd.s32 s20, s19  }
0x9c: {  	s22 =	simm.s32 $0x0;
	s4 =	sshll.u32 s4, $0x1;
	s5 =	sadd.s32 s21, s3  }
0x9d: {  	[timem:s22], [sflag:s6] =	dma.local [hbm:s5], s4  }
0x9e: {  	_ =	swait.ge [sflag:s6], s4  }
0x9f: {  	s4 =	ssub.s32 $0x0, s4;
	[sflag:s6] =	ssyncset.done $0x0  }
0xa0: {  	[sflag:s6] =	ssyncadd.s32 s4;
	_ =	sdelay $0x1  }
0xa1: {  	s23 =	simm.s32 $0x1B8B  }
0xa2: {  	_ =	swait.ge [sflag:s23], $0x1  }
0xa3: {  	[sflag:s23] =	ssyncset.done $0x0  }
0xa4: {  	[sflag:s23] =	ssyncadd.s32 $0xFFFFFFFF  }
0xa5: {  	s4 =	sld [smem:$0x0]  }
0xa6: {  	s5 =	sand.u32 $0xFFFFFFFE, s1  }
0xa7: {  	p0 =	sne.s32 s1, s5  }
0xa8: {  	s5 =	sshll.u32 @p0 s5, $0xE  }
0xa9: {  	s5 =	sadd.s32 @p0 $0x11B8D, s5;
	s6 =	sshll.u32 @p0 s4, $0x11  }
0xaa: {  	s5 =	sor.u32 @p0 s6, s5  }
0xab: {  	[sflag:s5] =	ssyncadd.remote.s32 @p0 $0x1;
	_ =	sdelay $0x1  }
0xac: {  	s5 =	simm.s32 @p0 $0x1B8D  }
0xad: {  	_ =	swait.eq @p0 [sflag:s5], $0x1  }
0xae: {  	[sflag:s5] =	ssyncadd.s32 @p0 $0xFFFFFFFF  }
0xaf: {  	s6 =	sshll.u32 @!p0 s1, $0xE  }
0xb0: {  	s6 =	sor.u32 @!p0 $0x4000, s6;
	s5 =	simm.s32 @!p0 $0x1B8D  }
0xb1: {  	s4 =	sshll.u32 @!p0 s4, $0x11;
	s6 =	sadd.s32 @!p0 $0x11B8D, s6;
	_ =	swait.eq @!p0 [sflag:s5], $0x1  }
0xb2: {  	s4 =	sor.u32 @!p0 s4, s6;
	[sflag:s5] =	ssyncadd.s32 @!p0 $0xFFFFFFFF  }
0xb3: {  	s25 =	simm.s32 $0x1B8E;
	s24 =	sld [smem:$0x3FFE];
	[sflag:s4] =	ssyncadd.remote.s32 @!p0 $0x1  }
0xb4: {  	s26 =	simm.s32 $execute0_lowered;
	[smem:$0x3FD2] =	sst s25  }
0xb5: {  	s5 =	sshll.u32 s26, $0x1;
	_ =	strace $0x80000049;
	[dreg:$0x1] =	wrdreg $0xFFFFFFFF  }
0xb6: {  	s28 =	simm.s32 $_size_execute0_lowered;
	s3 =	sadd.s32 s3, s5;
	[dreg:$0x0] =	wrdreg $0x0  }
0xb7: {  	s5 =	sshll.u32 s28, $0x1;
	[dreg:$0x2] =	wrdreg s3  }
0xb8: {  	[dreg:$0x3] =	wrdreg s5  }
0xb9: {  	[dreg:$0x4] =	wrdreg $0xC0  }
0xba: {  	_ =	task [dreg:s22], $0x5FFFF  }
0xbb: {  	[dreg:$0x1] =	wrdreg $0xFFFFFFFF  }
0xbc: {  	[dreg:$0x0] =	wrdreg $0x60  }
0xbd: {  	[dreg:$0x2] =	wrdreg s24  }
0xbe: {  	[dreg:$0x3] =	wrdreg $0x81000  }
0xbf: {  	[dreg:$0x4] =	wrdreg $0x9  }
0xc0: {  	_ =	task.clear_ibuf [dreg:s22], $0x5FFFF;
	_ =	strace $0x90000049  }
0xc1: {  	s29 =	simm.s32 $0x9;
	_ =	strace $0x8000004B  }
0xc2: {  	_ =	swait.ge [sflag:s29], $0x1  }
0xc3: {  	[sflag:s29] =	ssyncadd.s32 $0xFFFFFFFF  }
0xc4: {  	_ =	strace $0x9000004B  }
0xc5: {  	_ =	sfence  }
0xc6: {  	s30 =	sld [smem:$0x0];
	_ =	sdelay $0x2  }
0xc7: {  	s31 =	sshll.u32 s1, $0xD;
	s1 =	sshrl.u32 s1, $0x2  }
0xc8: {  	s4 =	sand.u32 $0x4000, s31;
	s1 =	sadd.s32 s1, s30  }
0xc9: {  	s0 =	sor.u32 s4, s0;
	s1 =	sshll.u32 s1, $0x11  }
0xca: {  	s0 =	sor.u32 s1, s0  }
0xcb: {  	s0 =	sadd.s32 $0x8F2B, s0  }
0xcc: {  	[sflag:s0] =	ssyncadd.remote.s32 $0x1  }
0xcd: {  	_ =	sfence.sel $0xFFFF  }
0xce: {  	[dreg:$0x0] =	wrdreg $0xFFFFFFFF;
	(pc) =	sbr.abs _section_cstart, $3  }
0xcf: {  	[dreg:$0x1] =	wrdreg $0xFFFFFFFF  }
0xd0: {  	_ =	task.clear_ibuf [dreg:s22], $0x2FFFF;
	_ =	strace $0x9FFFFFFF  }
0xd1: {  	(tm) =	ssettm $0x7FFFFFFF  }
tec
execute0_lowered:
.L_overlay_start_1:
0x0: {  	(tag) =	ssettag $0x1  }
0x1: {  	s4 =	rddreg [dreg:$0x0]  }
0x2: {  	s1 =	rddreg [dreg:$0x1];
	s2 =	simm.s32 $0x0  }
0x3: {  	s5 =	srdreg.scid;
	s3 =	stileid.u32;
	s21 =	simm.s32 $0x3  }
0x4: {  	s22 =	simm.s32 $0x80;
	s23 =	simm.s32 $0x100;
	s24 =	simm.s32 $0x2  }
0x5: {  	s25 =	simm.s32 $0x1;
	[smem:$0x7FF] =	sst s2;
	s28 =	smul.u32 $0x50000, s3  }
0x6: {  	s18 =	sadd.s32 $0xC600, s4;
	s14 =	sand.u32 $0x1, s5;
	s11 =	smul.u32 $0x14000, s3  }
0x7: {  	s15 =	sadd.s32 $0x66600, s4;
	s31 =	smul.u32 $0x500, s3;
	_ =	strace $0x8000004A  }
0x8: {  	s26 =	ssub.s32 $0x2, s14;
	s7 =	sshll.u32 s14, $0x4;
	s20 =	smul.u32 $0x140000, s14  }
0x9: {  	s30 =	smul.u32 $0x5000, s14;
	s6 =	sshrl.u32 s26, $0x1;
	s7 =	sor.u32 s3, s7  }
0xa: {  	s29 =	sshrl.u32 s28, $0x2;
	s12 =	sadd.s32 $0x4000, s11;
	s13 =	sadd.s32 $0x8000, s11  }
0xb: {  	s17 =	sadd.s32 $0xC000, s11;
	s19 =	sadd.s32 $0x10000, s11;
	s16 =	ssub.s32 s26, s6  }
0xc: {  	s4 =	sadd.s32 s29, s1;
	s5 =	sadd.s32 s12, s1;
	s6 =	sadd.s32 s13, s1  }
0xd: {  	s9 =	smul.u32 $0x500, s7;
	s7 =	sadd.s32 s17, s1;
	s8 =	sadd.s32 s19, s1  }
0xe: {  	s11 =	sadd.s32 s11, s20;
	s12 =	sadd.s32 s20, s12;
	s13 =	sadd.s32 s20, s13  }
0xf: {  	s17 =	sadd.s32 s20, s17;
	s19 =	sadd.s32 s20, s19;
	s20 =	sadd.s32 s30, s18  }
0x10: {  	s26 =	simm.s32 $0x0;
	s11 =	sshrl.u32 s11, $0x3;
	s12 =	sshrl.u32 s12, $0x3  }
0x11: {  	s13 =	sshrl.u32 s13, $0x3;
	s17 =	sshrl.u32 s17, $0x3;
	s19 =	sshrl.u32 s19, $0x3  }
0x12: {  	s16 =	smax.u32 s16, $0x1;
	s9 =	sadd.s32 s18, s9;
	s11 =	sadd.s32 s15, s11  }
0x13: {  	s12 =	sadd.s32 s15, s12;
	s13 =	sadd.s32 s15, s13;
	s14 =	sadd.s32 s15, s17  }
0x14: {  	s15 =	sadd.s32 s15, s19;
	s19 =	sadd.s32 s31, s20;
	s20 =	simm.s32 $0x4100  }
0x15: {  	v0 =	vimm.f32 $0.0e+00;
	v1 =	vimm.f32 $1.000000000e+00;
	s10 =	sadd.s32 $0x10, s9;
	s17 =	sadd.s32 $0x20, s9;
	s18 =	sadd.s32 $0x30, s9  }
.LBB2_1:
0x16: {  	s28 =	simm.s32 $0x0;
	s29 =	simm.s32 $0x200  }
.LBB2_2:
0x17: {  	p0 =	sne.s32 s29, $0xFE00;
	[tilespmem:s28+$0x4170] =	vst v0  }
0x18: {  	[tilespmem:s28+$0x4100] =	vst v0  }
0x19: {  	[tilespmem:s28+$0x4110] =	vst v0  }
.Ltmp0:
0x1a: {  	[tilespmem:s28+$0x4120] =	vst v0;
	(pc) =	sbr.rel @p0 .LBB2_2-.Ltmp0, $4  }
0x1b: {  	[tilespmem:s28+$0x4130] =	vst v0  }
0x1c: {  	[tilespmem:s28+$0x4140] =	vst v0  }
0x1d: {  	[tilespmem:s28+$0x4150] =	vst v0  }
0x1e: {  	[tilespmem:s28+$0x4160] =	vst v0;
	s28 =	sshra.s32 s29, $0x2;
	s29 =	sadd.s32 $0x200, s29  }
0x1f: {  	[tilespmem:s28+$0x4170] =	vst v0  }
0x20: {  	[tilespmem:s28+$0x4100] =	vst v0  }
0x21: {  	[tilespmem:s28+$0x4110] =	vst v0  }
0x22: {  	[tilespmem:s28+$0x4120] =	vst v0  }
0x23: {  	[tilespmem:s28+$0x4130] =	vst v0  }
0x24: {  	[tilespmem:s28+$0x4140] =	vst v0  }
0x25: {  	[tilespmem:s28+$0x4150] =	vst v0  }
0x26: {  	[tilespmem:s28+$0x4160] =	vst v0;
	s28 =	simm.s32 $0x0;
	s29 =	simm.s32 $0x200  }
.LBB2_4:
0x27: {  	p0 =	sne.s32 s29, $0xFE00;
	[tilespmem:s28+$0x170] =	vst v1  }
0x28: {  	[tilespmem:s28+$0x100] =	vst v1  }
0x29: {  	[tilespmem:s28+$0x110] =	vst v1  }
.Ltmp1:
0x2a: {  	[tilespmem:s28+$0x120] =	vst v1;
	(pc) =	sbr.rel @p0 .LBB2_4-.Ltmp1, $4  }
0x2b: {  	[tilespmem:s28+$0x130] =	vst v1  }
0x2c: {  	[tilespmem:s28+$0x140] =	vst v1  }
0x2d: {  	[tilespmem:s28+$0x150] =	vst v1  }
0x2e: {  	[tilespmem:s28+$0x160] =	vst v1;
	s28 =	sshra.s32 s29, $0x2;
	s29 =	sadd.s32 $0x200, s29  }
0x2f: {  	[tilespmem:s28+$0x170] =	vst v1  }
0x30: {  	[tilespmem:s28+$0x100] =	vst v1  }
0x31: {  	[tilespmem:s28+$0x110] =	vst v1  }
0x32: {  	[tilespmem:s28+$0x120] =	vst v1  }
0x33: {  	[tilespmem:s28+$0x130] =	vst v1  }
0x34: {  	[tilespmem:s28+$0x140] =	vst v1  }
0x35: {  	[tilespmem:s28+$0x150] =	vst v1  }
0x36: {  	[tilespmem:s28+$0x160] =	vst v1  }
0x37: {  	[spmem:s4] =	stream.linear.scatter [tilespmem:s20], [sflag:$0x3], $0x4000, $0x38;
	[tilespmem:$0x1C100] =	vst v63  }
0x38: {  	_ =	swait.ge [sflag:s21], $0x4000  }
0x39: {  	[sflag:s21] =	ssyncset.done $0x0  }
0x3a: {  	[sflag:s21] =	ssyncadd.s32 $0xFFFFC000  }
0x3b: {  	[spmem:s5] =	stream.linear.scatter [tilespmem:s20], [sflag:$0x3], $0x4000, $0x38;
	[tilespmem:$0x1C100] =	vst v63  }
0x3c: {  	_ =	swait.ge [sflag:s21], $0x4000  }
0x3d: {  	[sflag:s21] =	ssyncset.done $0x0  }
0x3e: {  	[sflag:s21] =	ssyncadd.s32 $0xFFFFC000  }
0x3f: {  	[spmem:s6] =	stream.linear.scatter [tilespmem:s20], [sflag:$0x3], $0x4000, $0x38;
	[tilespmem:$0x1C100] =	vst v63  }
0x40: {  	_ =	swait.ge [sflag:s21], $0x4000  }
0x41: {  	[sflag:s21] =	ssyncset.done $0x0  }
0x42: {  	[sflag:s21] =	ssyncadd.s32 $0xFFFFC000  }
0x43: {  	[spmem:s7] =	stream.linear.scatter [tilespmem:s20], [sflag:$0x3], $0x4000, $0x38;
	[tilespmem:$0x1C100] =	vst v63  }
0x44: {  	_ =	swait.ge [sflag:s21], $0x4000  }
0x45: {  	[sflag:s21] =	ssyncset.done $0x0  }
0x46: {  	[sflag:s21] =	ssyncadd.s32 $0xFFFFC000  }
0x47: {  	[spmem:s8] =	stream.linear.scatter [tilespmem:s20], [sflag:$0x3], $0x4000, $0x38;
	[tilespmem:$0x1C100] =	vst v63  }
0x48: {  	_ =	swait.ge [sflag:s21], $0x4000  }
0x49: {  	[sflag:s21] =	ssyncset.done $0x0  }
0x4a: {  	[sflag:s21] =	ssyncadd.s32 $0xFFFFC000  }
0x4b: {  	[bflag:$0x0] =	sbarrier.arrive $0xFFFF  }
0x4c: {  	[tilespmem:s2], [sflag:$0x3] =	stream.linear.gather [hbm4b:s9+s2], $0x80, $0x38;
	[tilespmem:$0x1C100] =	vst v63  }
0x4d: {  	_ =	swait.ge [sflag:s21], $0x80  }
0x4e: {  	[sflag:s21] =	ssyncset.done $0x0  }
0x4f: {  	[sflag:s21] =	ssyncadd.s32 $0xFFFFFF80  }
0x50: {  	[tilespmem:s22], [sflag:$0x2] =	stream.linear.gather [hbm4b:s10+s2], $0x80, $0x38;
	[tilespmem:$0x1C100] =	vst v63  }
0x51: {  	_ = 	snop  }
0x52: {  	[spmem:s1] =	stream.indirect.scatter.add.f32 [tilespmem:s23], [sflag:$0x3], $0x80, s2, s22, $0xb8;
	[tilespmem:$0x1C100] =	vst v63  }
0x53: {  	_ =	swait.ge [sflag:s21], $0x4000  }
0x54: {  	[sflag:s21] =	ssyncset.done $0x0  }
0x55: {  	[sflag:s21] =	ssyncadd.s32 $0xFFFFC000  }
0x56: {  	[tilespmem:s2], [sflag:$0x1] =	stream.linear.gather [hbm4b:s17+s2], $0x80, $0x38;
	[tilespmem:$0x1C100] =	vst v63  }
0x57: {  	_ =	swait.ge [sflag:s24], $0x80  }
0x58: {  	[sflag:s24] =	ssyncset.done $0x0  }
0x59: {  	[sflag:s24] =	ssyncadd.s32 $0xFFFFFF80  }
0x5a: {  	[spmem:s1] =	stream.indirect.scatter.add.f32 [tilespmem:s23], [sflag:$0x3], $0x80, s22, s22, $0xb8;
	[tilespmem:$0x1C100] =	vst v63  }
0x5b: {  	_ =	swait.ge [sflag:s21], $0x4000  }
0x5c: {  	[sflag:s21] =	ssyncset.done $0x0  }
0x5d: {  	[sflag:s21] =	ssyncadd.s32 $0xFFFFC000  }
0x5e: {  	[tilespmem:s22], [sflag:$0x2] =	stream.linear.gather [hbm4b:s18+s2], $0x80, $0x38;
	[tilespmem:$0x1C100] =	vst v63  }
0x5f: {  	_ =	swait.ge [sflag:s25], $0x80  }
0x60: {  	[sflag:s25] =	ssyncset.done $0x0  }
0x61: {  	[sflag:s25] =	ssyncadd.s32 $0xFFFFFF80  }
0x62: {  	[spmem:s1] =	stream.indirect.scatter.add.f32 [tilespmem:s23], [sflag:$0x3], $0x80, s2, s22, $0xb8;
	[tilespmem:$0x1C100] =	vst v63  }
0x63: {  	_ =	swait.ge [sflag:s21], $0x4000  }
0x64: {  	s28 =	sadd.s32 $0xFFFFFB40, s19;
	[sflag:s21] =	ssyncset.done $0x0  }
0x65: {  	s29 =	sadd.s32 $0x500, s28;
	[sflag:s21] =	ssyncadd.s32 $0xFFFFC000  }
0x66: {  	[tilespmem:s2], [sflag:$0x1] =	stream.linear.gather [hbm4b:s29+s2], $0x80, $0x38;
	[tilespmem:$0x1C100] =	vst v63  }
0x67: {  	_ =	swait.ge [sflag:s24], $0x80  }
0x68: {  	[sflag:s24] =	ssyncset.done $0x0  }
0x69: {  	[sflag:s24] =	ssyncadd.s32 $0xFFFFFF80  }
0x6a: {  	[spmem:s1] =	stream.indirect.scatter.add.f32 [tilespmem:s23], [sflag:$0x3], $0x80, s22, s22, $0xb8;
	[tilespmem:$0x1C100] =	vst v63  }
0x6b: {  	_ =	swait.ge [sflag:s21], $0x4000  }
0x6c: {  	[sflag:s21] =	ssyncset.done $0x0  }
0x6d: {  	s28 =	sadd.s32 $0x510, s28;
	[sflag:s21] =	ssyncadd.s32 $0xFFFFC000  }
0x6e: {  	[tilespmem:s22], [sflag:$0x2] =	stream.linear.gather [hbm4b:s28+s2], $0x80, $0x38;
	[tilespmem:$0x1C100] =	vst v63  }
0x6f: {  	_ =	swait.ge [sflag:s25], $0x80  }
0x70: {  	[sflag:s25] =	ssyncset.done $0x0  }
0x71: {  	[sflag:s25] =	ssyncadd.s32 $0xFFFFFF80  }
0x72: {  	[spmem:s1] =	stream.indirect.scatter.add.f32 [tilespmem:s23], [sflag:$0x3], $0x80, s2, s22, $0xb8;
	[tilespmem:$0x1C100] =	vst v63  }
0x73: {  	_ =	swait.ge [sflag:s21], $0x4000  }
0x74: {  	s29 =	simm.s32 $0xFFFFFB80;
	s28 =	sadd.s32 $0xFFFFFB60, s19;
	[sflag:s21] =	ssyncset.done $0x0  }
.LBB2_6:
0x75: {  	s30 =	sadd.s32 $0x500, s28  }
0x76: {  	[sflag:s21] =	ssyncadd.s32 $0xFFFFC000;
	s31 =	smov.u32 s29;
	s0 =	sadd.s32 $0x20, s29  }
0x77: {  	[tilespmem:s2], [sflag:$0x1] =	stream.linear.gather [hbm4b:s30+s2], $0x80, $0x38;
	[tilespmem:$0x1C100] =	vst v63  }
0x78: {  	p0 =	sne.s32 s29, $0xFFFFFFE0;
	_ =	swait.ge [sflag:s24], $0x80  }
0x79: {  	[sflag:s24] =	ssyncset.done $0x0  }
0x7a: {  	[sflag:s24] =	ssyncadd.s32 $0xFFFFFF80  }
0x7b: {  	[spmem:s1] =	stream.indirect.scatter.add.f32 [tilespmem:s23], [sflag:$0x3], $0x80, s22, s22, $0xb8;
	[tilespmem:$0x1C100] =	vst v63  }
0x7c: {  	_ =	swait.ge [sflag:s21], $0x4000  }
0x7d: {  	[sflag:s21] =	ssyncset.done $0x0  }
0x7e: {  	s28 =	sadd.s32 $0x510, s28;
	[sflag:s21] =	ssyncadd.s32 $0xFFFFC000  }
0x7f: {  	[tilespmem:s22], [sflag:$0x2] =	stream.linear.gather [hbm4b:s28+s2], $0x80, $0x38;
	[tilespmem:$0x1C100] =	vst v63  }
0x80: {  	_ =	swait.ge [sflag:s25], $0x80  }
.Ltmp2:
0x81: {  	[sflag:s25] =	ssyncset.done $0x0;
	(pc) =	sbr.rel @p0 .LBB2_6-.Ltmp2, $4  }
0x82: {  	[sflag:s25] =	ssyncadd.s32 $0xFFFFFF80  }
0x83: {  	[spmem:s1] =	stream.indirect.scatter.add.f32 [tilespmem:s23], [sflag:$0x3], $0x80, s2, s22, $0xb8;
	[tilespmem:$0x1C100] =	vst v63  }
0x84: {  	_ =	swait.ge [sflag:s21], $0x4000  }
0x85: {  	s29 =	smov.u32 s0;
	s28 =	sadd.s32 s31, s19;
	[sflag:s21] =	ssyncset.done $0x0  }
0x86: {  	s0 =	sadd.s32 $0x500, s28;
	[sflag:s21] =	ssyncadd.s32 $0xFFFFC000  }
0x87: {  	[tilespmem:s2], [sflag:$0x1] =	stream.linear.gather [hbm4b:s0+s2], $0x80, $0x38;
	[tilespmem:$0x1C100] =	vst v63  }
0x88: {  	_ =	swait.ge [sflag:s24], $0x80  }
0x89: {  	[sflag:s24] =	ssyncset.done $0x0  }
0x8a: {  	[sflag:s24] =	ssyncadd.s32 $0xFFFFFF80  }
0x8b: {  	[spmem:s1] =	stream.indirect.scatter.add.f32 [tilespmem:s23], [sflag:$0x3], $0x80, s22, s22, $0xb8;
	[tilespmem:$0x1C100] =	vst v63  }
0x8c: {  	_ =	swait.ge [sflag:s21], $0x4000  }
0x8d: {  	[sflag:s21] =	ssyncset.done $0x0  }
0x8e: {  	s31 =	sadd.s32 $0x510, s28;
	[sflag:s21] =	ssyncadd.s32 $0xFFFFC000  }
0x8f: {  	[tilespmem:s22], [sflag:$0x2] =	stream.linear.gather [hbm4b:s31+s2], $0x80, $0x38;
	[tilespmem:$0x1C100] =	vst v63  }
0x90: {  	_ =	swait.ge [sflag:s25], $0x80  }
0x91: {  	[sflag:s25] =	ssyncset.done $0x0  }
0x92: {  	[sflag:s25] =	ssyncadd.s32 $0xFFFFFF80  }
0x93: {  	[spmem:s1] =	stream.indirect.scatter.add.f32 [tilespmem:s23], [sflag:$0x3], $0x80, s2, s22, $0xb8;
	[tilespmem:$0x1C100] =	vst v63  }
0x94: {  	_ =	swait.ge [sflag:s21], $0x4000  }
0x95: {  	[sflag:s21] =	ssyncset.done $0x0  }
0x96: {  	[sflag:s21] =	ssyncadd.s32 $0xFFFFC000  }
0x97: {  	_ =	swait.ge [sflag:s24], $0x80  }
0x98: {  	[sflag:s24] =	ssyncset.done $0x0  }
0x99: {  	[sflag:s24] =	ssyncadd.s32 $0xFFFFFF80  }
0x9a: {  	[spmem:s1] =	stream.indirect.scatter.add.f32 [tilespmem:s23], [sflag:$0x3], $0x80, s22, s22, $0xb8;
	[tilespmem:$0x1C100] =	vst v63  }
0x9b: {  	_ =	swait.ge [sflag:s21], $0x4000  }
0x9c: {  	[sflag:s21] =	ssyncset.done $0x0  }
0x9d: {  	[sflag:s21] =	ssyncadd.s32 $0xFFFFC000  }
0x9e: {  	[bflag:$0x0] =	sbarrier.arrive $0xFFFF  }
0x9f: {  	[tilespmem:s20], [sflag:$0x3] =	stream.linear.gather [spmem:s4], $0x4000, $0x38;
	[tilespmem:$0x1C100] =	vst v63  }
0xa0: {  	_ =	swait.ge [sflag:s21], $0x4000  }
0xa1: {  	[sflag:s21] =	ssyncset.done $0x0  }
0xa2: {  	[sflag:s21] =	ssyncadd.s32 $0xFFFFC000  }
0xa3: {  	[hbm4b:s11+s2] =	stream.linear.scatter [tilespmem:s20], [sflag:$0x3], $0x4000, $0x38;
	[tilespmem:$0x1C100] =	vst v63  }
0xa4: {  	_ =	swait.ge [sflag:s21], $0x4000  }
0xa5: {  	[sflag:s21] =	ssyncset.done $0x0  }
0xa6: {  	[sflag:s21] =	ssyncadd.s32 $0xFFFFC000  }
0xa7: {  	[tilespmem:s20], [sflag:$0x3] =	stream.linear.gather [spmem:s5], $0x4000, $0x38;
	[tilespmem:$0x1C100] =	vst v63  }
0xa8: {  	_ =	swait.ge [sflag:s21], $0x4000  }
0xa9: {  	[sflag:s21] =	ssyncset.done $0x0  }
0xaa: {  	[sflag:s21] =	ssyncadd.s32 $0xFFFFC000  }
0xab: {  	[hbm4b:s12+s2] =	stream.linear.scatter [tilespmem:s20], [sflag:$0x3], $0x4000, $0x38;
	[tilespmem:$0x1C100] =	vst v63  }
0xac: {  	_ =	swait.ge [sflag:s21], $0x4000  }
0xad: {  	[sflag:s21] =	ssyncset.done $0x0  }
0xae: {  	[sflag:s21] =	ssyncadd.s32 $0xFFFFC000  }
0xaf: {  	[tilespmem:s20], [sflag:$0x3] =	stream.linear.gather [spmem:s6], $0x4000, $0x38;
	[tilespmem:$0x1C100] =	vst v63  }
0xb0: {  	_ =	swait.ge [sflag:s21], $0x4000  }
0xb1: {  	[sflag:s21] =	ssyncset.done $0x0  }
0xb2: {  	[sflag:s21] =	ssyncadd.s32 $0xFFFFC000  }
0xb3: {  	[hbm4b:s13+s2] =	stream.linear.scatter [tilespmem:s20], [sflag:$0x3], $0x4000, $0x38;
	[tilespmem:$0x1C100] =	vst v63  }
0xb4: {  	_ =	swait.ge [sflag:s21], $0x4000  }
0xb5: {  	[sflag:s21] =	ssyncset.done $0x0  }
0xb6: {  	[sflag:s21] =	ssyncadd.s32 $0xFFFFC000  }
0xb7: {  	[tilespmem:s20], [sflag:$0x3] =	stream.linear.gather [spmem:s7], $0x4000, $0x38;
	[tilespmem:$0x1C100] =	vst v63  }
0xb8: {  	_ =	swait.ge [sflag:s21], $0x4000  }
0xb9: {  	[sflag:s21] =	ssyncset.done $0x0  }
0xba: {  	[sflag:s21] =	ssyncadd.s32 $0xFFFFC000  }
0xbb: {  	[hbm4b:s14+s2] =	stream.linear.scatter [tilespmem:s20], [sflag:$0x3], $0x4000, $0x38;
	[tilespmem:$0x1C100] =	vst v63  }
0xbc: {  	_ =	swait.ge [sflag:s21], $0x4000  }
0xbd: {  	[sflag:s21] =	ssyncset.done $0x0  }
0xbe: {  	[sflag:s21] =	ssyncadd.s32 $0xFFFFC000  }
0xbf: {  	[tilespmem:s20], [sflag:$0x3] =	stream.linear.gather [spmem:s8], $0x4000, $0x38;
	[tilespmem:$0x1C100] =	vst v63  }
0xc0: {  	s26 =	sadd.s32 $0x1, s26;
	_ =	swait.ge [sflag:s21], $0x4000  }
0xc1: {  	p0 =	sne.s32 s26, s16;
	[sflag:s21] =	ssyncset.done $0x0  }
.Ltmp3:
0xc2: {  	[sflag:s21] =	ssyncadd.s32 $0xFFFFC000;
	(pc) =	sbr.rel @p0 .LBB2_1-.Ltmp3, $4  }
0xc3: {  	[hbm4b:s15+s2] =	stream.linear.scatter [tilespmem:s20], [sflag:$0x3], $0x4000, $0x38;
	[tilespmem:$0x1C100] =	vst v63  }
0xc4: {  	_ =	swait.ge [sflag:s21], $0x4000  }
0xc5: {  	[sflag:s21] =	ssyncset.done $0x0  }
0xc6: {  	[sflag:s21] =	ssyncadd.s32 $0xFFFFC000  }
0xc7: {  	_ =	sfence.sel $0x180000  }
0xc8: {  	[bflag:$0x0] =	sbarrier.arrive $0xFFFF  }
0xc9: {  	_ =	strace $0x9000004A  }
0xca: {  	[bflag:$0x2] =	sbarrier.arrive $0xFFFF  }
0xcb: {  	p0 =	sne.s32 s3, $0x0;
	s0 =	rddreg [dreg:$0x2]  }
0xcc: {  	s0 =	sadd.s32 @!p0 $0x100000, s0  }
0xcd: {  	[sflag:s0] =	ssyncadd.tile.s32 @!p0 $0x1;
	_ =	shalt  }
.Lfunc_end2:
_tile_overlayer_lowered:
.L_overlay_start_2:
0xce: {  	(tag) =	ssettag $0x2  }
0xcf: {  	s0 =	rddreg [dreg:$0x0];
	s2 =	stileid.u32  }
0xd0: {  	s1 =	rddreg [dreg:$0x1];
	p0 =	sne.s32 s2, $0x0  }
0xd1: {  	s3 =	rddreg [dreg:$0x2];
	[bflag:$0x3] =	sbarrier.arrive $0xFFFF;
	s2 =	simm.s32 @!p0 $0x1C03  }
0xd2: {  	[timem:s3], [sflag:s2] =	dma.local @!p0 [hbm:s0], s1  }
0xd3: {  	s0 =	simm.s32 @!p0 $0x3  }
0xd4: {  	_ =	swait.ge @!p0 [sflag:s0], s1  }
0xd5: {  	s1 =	ssub.s32 @!p0 $0x0, s1;
	[sflag:s0] =	ssyncset.done @!p0 $0x0  }
0xd6: {  	[sflag:s0] =	ssyncadd.s32 @!p0 s1  }
0xd7: {  	[bflag:$0x3] =	sbarrier.arrive $0xFFFF  }
0xd8: {  	_ =	shalt  }

</sc_bundles>
